<compile_context>
chip_gen: v7x
topology: tpu7x:2x2x1
jax: 0.10.2.dev20260603
libtpu: 0.0.44.dev20260713+nightly
codegen_flags: <defaults>
</compile_context>

<pallas_src>
import functools

import jax
import jax.numpy as jnp
from jax import lax
from jax.experimental import pallas as pl
from jax.experimental.pallas import tpu as pltpu
from jax.experimental.pallas import tpu_sc as plsc

N = 10000
E = 320000
H = 128
OUT = 256
G = 64

NC = 2
NS = 16
NW = NC * NS
CH = 80
NCHUNK = 128
EPWP = CH * NCHUNK
PADE = NW * EPWP
NACC = 10112
NBUF = 4
IDXG = 8
NSTAGE = NCHUNK // IDXG
RPS = NACC // NS

@functools.cache
def _mesh():
  return plsc.VectorSubcoreMesh(
      core_axis_name="c", subcore_axis_name="s", num_cores=NC,
      num_subcores=NS)


@functools.cache
def _make_agg():
  scratch = [
      pltpu.VMEM_SHARED((NACC, H), jnp.float32),
      pltpu.VMEM((IDXG, CH), jnp.int32),
      pltpu.VMEM((IDXG, CH), jnp.int32),
      pltpu.VMEM((NBUF, CH, H), jnp.float32),
      pltpu.SemaphoreType.DMA,
      pltpu.SemaphoreType.DMA,
      pltpu.SemaphoreType.DMA,
  ]

  @functools.partial(
      pl.kernel,
      out_type=jax.ShapeDtypeStruct((NC, NACC, H), jnp.float32),
      mesh=_mesh(),
      scratch_types=scratch,
  )
  def agg(h_hbm, src_hbm, dst_hbm, zrows_hbm, out_hbm, acc, idx_s, idx_d,
          rows, sem_g, sem_a, sem_b):
    c = lax.axis_index("c")
    s = lax.axis_index("s")
    w = s * NC + c

    pltpu.sync_copy(zrows_hbm, acc.at[pl.ds(s * RPS, RPS)])
    plsc.subcore_barrier()

    def drain(sem, k):
      for _ in range(k):
        pltpu.make_async_copy(zrows_hbm.at[pl.ds(0, CH)], rows.at[0],
                              sem).wait()

    def stage(i, carry):
      pltpu.sync_copy(src_hbm.at[pl.ds(w * NCHUNK + i * IDXG, IDXG)], idx_s)
      pltpu.sync_copy(dst_hbm.at[pl.ds(w * NCHUNK + i * IDXG, IDXG)], idx_d)
      for half in range(2):
        cps = []
        for g, sem_s in ((0, sem_a), (1, sem_b)):

          @pl.when(i + half > 0)
          def _():
            drain(sem_s, 2)

          for b in range(2):
            chunk = half * 4 + g * 2 + b
            cps.append(pltpu.async_copy(h_hbm.at[idx_s.at[chunk]],
                                        rows.at[g * 2 + b], sem_g))
        for g, sem_s in ((0, sem_a), (1, sem_b)):
          for b in range(2):
            chunk = half * 4 + g * 2 + b
            cps[g * 2 + b].wait()
            pltpu.async_copy(rows.at[g * 2 + b], acc.at[idx_d.at[chunk]],
                             sem_s, add=True)
      return carry

    lax.fori_loop(0, NSTAGE, stage, 0)
    drain(sem_a, 2)
    drain(sem_b, 2)
    plsc.subcore_barrier()
    pltpu.sync_copy(acc.at[pl.ds(s * RPS, RPS)],
                    out_hbm.at[c, pl.ds(s * RPS, RPS)])

  return agg


@functools.cache
def _make_deg():
  scratch = [
      pltpu.VMEM_SHARED((NACC,), jnp.float32),
      pltpu.VMEM((IDXG, CH), jnp.int32),
      pltpu.VMEM((CH,), jnp.float32),
      pltpu.VMEM((RPS,), jnp.float32),
  ]

  @functools.partial(
      pl.kernel,
      out_type=jax.ShapeDtypeStruct((NC * NACC,), jnp.float32),
      mesh=_mesh(),
      scratch_types=scratch,
  )
  def degk(dst_hbm, zdeg_hbm, ones_hbm, deg_hbm, dacc, idx_d, ones_v, buf):
    c = lax.axis_index("c")
    s = lax.axis_index("s")
    w = s * NC + c

    pltpu.sync_copy(zdeg_hbm, buf)
    pltpu.sync_copy(buf, dacc.at[pl.ds(s * RPS, RPS)])
    pltpu.sync_copy(ones_hbm, ones_v)
    plsc.subcore_barrier()

    def stage(i, carry):
      pltpu.sync_copy(dst_hbm.at[pl.ds(w * NCHUNK + i * IDXG, IDXG)], idx_d)
      for j in range(IDXG):
        pltpu.sync_copy(ones_v, dacc.at[idx_d.at[j]], add=True)
      return carry

    lax.fori_loop(0, NSTAGE, stage, 0)
    plsc.subcore_barrier()
    pltpu.sync_copy(dacc.at[pl.ds(s * RPS, RPS)], buf)
    pltpu.sync_copy(buf, deg_hbm.at[pl.ds(c * NACC + s * RPS, RPS)])

  return degk


BLKR = 1000


def _layer_body(aggp_ref, h_ref, deg_ref, wl_ref, bl_ref, wr_ref, g_ref,
                b_ref, o_ref):
  deg = deg_ref[0] + deg_ref[1] if NC == 2 else deg_ref[0]
  inv = 1.0 / jnp.maximum(deg, 1.0)
  acc = ((aggp_ref[0] + aggp_ref[1]) if NC == 2 else aggp_ref[0]) * inv
  y = lax.dot_general(acc, wl_ref[...], (((1,), (1,)), ((), ())),
                      preferred_element_type=jnp.float32)
  y = y + lax.dot_general(h_ref[...], wr_ref[...], (((1,), (1,)), ((), ())),
                          preferred_element_type=jnp.float32)
  y = y + bl_ref[...]
  mu = jnp.mean(y, axis=-1, keepdims=True)
  yc = y - mu
  var = jnp.mean(yc * yc, axis=-1, keepdims=True)
  o_ref[...] = jnp.maximum(
      yc * lax.rsqrt(var + 1e-5) * g_ref[...] + b_ref[...], 0.0)


def _layer_tc(aggp, h, deg, wl, bl, wr, gg, bb):
  return pl.pallas_call(
      _layer_body,
      grid=(N // BLKR,),
      in_specs=[
          pl.BlockSpec((NC, BLKR, H), lambda i: (0, i, 0)),
          pl.BlockSpec((BLKR, H), lambda i: (i, 0)),
          pl.BlockSpec((NC, BLKR, 1), lambda i: (0, i, 0)),
          pl.BlockSpec((H, H), lambda i: (0, 0)),
          pl.BlockSpec((1, H), lambda i: (0, 0)),
          pl.BlockSpec((H, H), lambda i: (0, 0)),
          pl.BlockSpec((1, H), lambda i: (0, 0)),
          pl.BlockSpec((1, H), lambda i: (0, 0)),
      ],
      out_specs=pl.BlockSpec((BLKR, H), lambda i: (i, 0)),
      out_shape=jax.ShapeDtypeStruct((N, H), jnp.float32),
  )(aggp, h, deg, wl, bl, wr, gg, bb)


PADN = 10240
CHP = 32


def _final_body(h_ref, pb_ref, w1_ref, b1_ref, w2_ref, b2_ref, o_ref,
                pool_ref):
  bm = pb_ref[...]

  def per_g(g, carry):
    sg = jnp.sum(jnp.where(bm < g, 1, 0))
    eg = jnp.sum(jnp.where(bm <= g, 1, 0))
    k0 = sg // CHP
    k1 = (eg + CHP - 1) // CHP

    def inner(k, sm):
      s_acc, m_acc = sm
      rws = h_ref[pl.ds(k * CHP, CHP), :]
      ridx = k * CHP + lax.broadcasted_iota(jnp.int32, (CHP, 1), 0)
      msk = (ridx >= sg) & (ridx < eg)
      s_acc = s_acc + jnp.where(msk, rws, 0.0)
      m_acc = jnp.maximum(m_acc, jnp.where(msk, rws, -jnp.inf))
      return s_acc, m_acc

    s_acc, m_acc = lax.fori_loop(
        k0, k1, inner,
        (jnp.zeros((CHP, H), jnp.float32),
         jnp.full((CHP, H), -jnp.inf, jnp.float32)))
    cnt = (eg - sg).astype(jnp.float32)
    mean = jnp.sum(s_acc, axis=0, keepdims=True) / jnp.maximum(cnt, 1.0)
    mx = jnp.max(m_acc, axis=0, keepdims=True)
    pool_ref[pl.ds(g, 1), :] = jnp.concatenate([mean, mx], axis=1)
    return carry

  lax.fori_loop(0, G, per_g, 0)
  pooled = pool_ref[...]
  r = jnp.maximum(
      lax.dot_general(pooled, w1_ref[...], (((1,), (1,)), ((), ())),
                      preferred_element_type=jnp.float32) + b1_ref[...], 0.0)
  emb = lax.dot_general(r, w2_ref[...], (((1,), (1,)), ((), ())),
                        preferred_element_type=jnp.float32) + b2_ref[...]
  nrm = jnp.sqrt(jnp.sum(emb * emb, axis=-1, keepdims=True))
  o_ref[...] = emb / jnp.maximum(nrm, 1e-12)


def _final_tc(h_pad, pb, w1, b1, w2, b2):
  return pl.pallas_call(
      _final_body,
      out_shape=jax.ShapeDtypeStruct((G, OUT), jnp.float32),
      scratch_shapes=[pltpu.VMEM((G, 2 * H), jnp.float32)],
  )(h_pad, pb, w1, b1, w2, b2)


def kernel(x, edge_index, graph_batch, Wl0, bl0, Wr0, g0, be0, Wl1, bl1, Wr1,
           g1, be1, Wl2, bl2, Wr2, g2, be2, Wro1, bro1, Wro2, bro2):
  src = jnp.concatenate(
      [edge_index[0], jnp.zeros((PADE - E,), jnp.int32)]).reshape(
          NW * NCHUNK, CH)
  dst = jnp.concatenate(
      [edge_index[1], jnp.full((PADE - E,), N, jnp.int32)]).reshape(
          NW * NCHUNK, CH)
  zrows = jnp.zeros((RPS, H), jnp.float32)
  zdeg = jnp.zeros((RPS,), jnp.float32)
  ones = jnp.ones((CH,), jnp.float32)

  deg = _make_deg()(dst, zdeg, ones).reshape(NC, NACC, 1)
  aggp = _make_agg()(x, src, dst, zrows)
  h = _layer_tc(aggp, x, deg, Wl0, bl0.reshape(1, H), Wr0,
                g0.reshape(1, H), be0.reshape(1, H))
  aggp = _make_agg()(h, src, dst, zrows)
  h = _layer_tc(aggp, h, deg, Wl1, bl1.reshape(1, H), Wr1,
                g1.reshape(1, H), be1.reshape(1, H))
  aggp = _make_agg()(h, src, dst, zrows)
  h = _layer_tc(aggp, h, deg, Wl2, bl2.reshape(1, H), Wr2,
                g2.reshape(1, H), be2.reshape(1, H))

  h_pad = jnp.concatenate(
      [h, jnp.zeros((PADN - N, H), jnp.float32)], axis=0)
  pb = jnp.concatenate(
      [graph_batch, jnp.full((PADN - N,), G + 63, jnp.int32)]).reshape(
          PADN // 128, 128)
  return _final_tc(h_pad, pb, Wro1, bro1.reshape(1, H), Wro2,
                   bro2.reshape(1, OUT))

# --- scband reference (transcript-rebuilt; emitter-appended) ---
"""Pipeline reference for scband-graph-plan-encoder-66829691125762 (READ-ONLY COPY).

The authoritative reference and input builder live on the scoring server;
editing this copy changes nothing except your own understanding.
"""

import jax, jax.numpy as jnp
import numpy as np

N = 10000
E = 320000
D = 128
H = 128
OUT = 256
G = 64

def _sage(x, src, dst, Wl, bl, Wr):
    msgs = jnp.take(x, src, axis=0)
    agg = jax.ops.segment_sum(msgs, dst, num_segments=x.shape[0])
    deg = jax.ops.segment_sum(jnp.ones((src.shape[0],), dtype=x.dtype), dst, num_segments=x.shape[0])
    agg = agg / jnp.maximum(deg, 1.0)[:, None]
    return agg @ Wl.T + bl + x @ Wr.T

def _ln(x, g, b):
    mu = jnp.mean(x, axis=-1, keepdims=True)
    var = jnp.var(x, axis=-1, keepdims=True)
    return (x - mu) / jnp.sqrt(var + 1e-5) * g + b

def setup_inputs(seed: int = 0):
    key = jax.random.key(seed)
    ks = jax.random.split(key, 24)
    inp = {}
    inp["x"] = jax.random.normal(ks[0], (N, D), dtype=jnp.float32)
    inp["edge_index"] = jax.random.randint(ks[1], (2, E), 0, N, dtype=jnp.int32)
    inp["graph_batch"] = jnp.sort(jax.random.randint(ks[2], (N,), 0, G, dtype=jnp.int32))
    dins = [D, H, H]
    k = 3
    for i, din in enumerate(dins):
        s = 1.0 / np.sqrt(din)
        inp[f"Wl{i}"] = jax.random.normal(ks[k], (H, din), dtype=jnp.float32) * s; k += 1
        inp[f"bl{i}"] = jnp.zeros((H,), dtype=jnp.float32)
        inp[f"Wr{i}"] = jax.random.normal(ks[k], (H, din), dtype=jnp.float32) * s; k += 1
        inp[f"g{i}"] = jnp.ones((H,), dtype=jnp.float32)
        inp[f"be{i}"] = jnp.zeros((H,), dtype=jnp.float32)
    inp["Wro1"] = jax.random.normal(ks[k], (H, 2 * H), dtype=jnp.float32) * (1.0 / np.sqrt(2 * H)); k += 1
    inp["bro1"] = jnp.zeros((H,), dtype=jnp.float32)
    inp["Wro2"] = jax.random.normal(ks[k], (OUT, H), dtype=jnp.float32) * (1.0 / np.sqrt(H)); k += 1
    inp["bro2"] = jnp.zeros((OUT,), dtype=jnp.float32)
    return inp

def reference(x, edge_index, graph_batch, Wl0, bl0, Wr0, g0, be0, Wl1, bl1, Wr1, g1, be1, Wl2, bl2, Wr2, g2, be2, Wro1, bro1, Wro2, bro2):
    src, dst = edge_index[0], edge_index[1]
    params = [(Wl0, bl0, Wr0, g0, be0), (Wl1, bl1, Wr1, g1, be1), (Wl2, bl2, Wr2, g2, be2)]
    h = x
    for (Wl, bl, Wr, g, b) in params:
        h = _sage(h, src, dst, Wl, bl, Wr)
        h = _ln(h, g, b)
        h = jax.nn.relu(h)
    cnt = jax.ops.segment_sum(jnp.ones((h.shape[0],), dtype=h.dtype), graph_batch, num_segments=G)
    mean_pool = jax.ops.segment_sum(h, graph_batch, num_segments=G) / jnp.maximum(cnt, 1.0)[:, None]
    max_pool = jax.ops.segment_max(h, graph_batch, num_segments=G)
    pooled = jnp.concatenate([mean_pool, max_pool], axis=-1)
    r = jax.nn.relu(pooled @ Wro1.T + bro1)
    emb = r @ Wro2.T + bro2
    nrm = jnp.maximum(jnp.linalg.norm(emb, axis=-1, keepdims=True), 1e-12)
    return emb / nrm

if __name__ == "__main__":
    import jax
    _d = setup_inputs()
    print(jax.jit(kernel)(*tuple(_d.values())))

</pallas_src>

<mosaic_0001>
#map = affine_map<(d0, d1) -> (0, 0)>
#map1 = affine_map<(d0, d1) -> (0, 0, 0)>
module attributes {stable_mosaic.version = 14 : i64} {
  func.func @agg(%arg0: i32, %arg1: i32, %arg2: memref<10000x128xf32, #tpu.memory_space<hbm>>, %arg3: memref<4096x80xi32, #tpu.memory_space<hbm>>, %arg4: memref<4096x80xi32, #tpu.memory_space<hbm>>, %arg5: memref<632x128xf32, #tpu.memory_space<hbm>>, %arg6: memref<2x10112x128xf32, #tpu.memory_space<hbm>>, %arg7: memref<10112x128xf32, #tpu.memory_space<vmem_shared>>, %arg8: memref<8x80xi32, #tpu.memory_space<vmem>>, %arg9: memref<8x80xi32, #tpu.memory_space<vmem>>, %arg10: memref<4x80x128xf32, #tpu.memory_space<vmem>>, %arg11: memref<!tpu.dma_semaphore, #tpu.memory_space<semaphore_mem>>, %arg12: memref<!tpu.dma_semaphore, #tpu.memory_space<semaphore_mem>>, %arg13: memref<!tpu.dma_semaphore, #tpu.memory_space<semaphore_mem>>) attributes {dimension_semantics = [#tpu.dimension_semantics<core_parallel>, #tpu.dimension_semantics<subcore_parallel>], iteration_bounds = array<i64: 2, 16>, scalar_prefetch = 0 : i64, scratch_operands = 7 : i64, tpu.core_type = #tpu.core_type<sc_vector_subcore>, window_params = [{transform_indices = #map}, {transform_indices = #map}, {transform_indices = #map}, {transform_indices = #map}, {transform_indices = #map1}]} {
    %mul3A = arith.constant 2 : i32
    %mul3A_0 = arith.muli %arg1, %mul3A : i32
    %add3A = arith.addi %mul3A_0, %arg0 : i32
    %mul3A_1 = arith.constant 632 : i32
    %mul3A_2 = arith.muli %arg1, %mul3A_1 : i32
    "tpu.region"() ({
      %run_scoped3A = tpu.sem_alloc : memref<!tpu.dma_semaphore, #tpu.memory_space<semaphore_mem>>
      %dma_start3A = arith.constant 0 : i32
      %dma_start3A_72 = tpu.memref_slice %arg7[%mul3A_2, %dma_start3A] : memref<10112x128xf32, #tpu.memory_space<vmem_shared>> -> memref<632x128xf32, #tpu.memory_space<vmem_shared>>
      tpu.enqueue_dma source(%arg5 : memref<632x128xf32, #tpu.memory_space<hbm>>) target(%dma_start3A_72 : memref<632x128xf32, #tpu.memory_space<vmem_shared>>) target_semaphore(%run_scoped3A : memref<!tpu.dma_semaphore, #tpu.memory_space<semaphore_mem>>)
      %dma_wait3A_73 = arith.constant 0 : i32
      %dma_wait3A_74 = tpu.memref_slice %arg7[%mul3A_2, %dma_wait3A_73] : memref<10112x128xf32, #tpu.memory_space<vmem_shared>> -> memref<632x128xf32, #tpu.memory_space<vmem_shared>>
      tpu.wait_dma2 semaphore(%run_scoped3A : memref<!tpu.dma_semaphore, #tpu.memory_space<semaphore_mem>>) src(%arg5 : memref<632x128xf32, #tpu.memory_space<hbm>>) dst(%dma_wait3A_74 : memref<632x128xf32, #tpu.memory_space<vmem_shared>>)
      tpu.yield
    }) : () -> ()
    %barrier3A = arith.constant 0 : index
    tpu.barrier barrier_id(%barrier3A)
    %scan3A = arith.constant 0 : i32
    %scan3A_3 = arith.constant 0 : i32
    %scan3A_4 = arith.constant 16 : i32
    %scan3A_5 = arith.addi %scan3A_3, %scan3A_4 : i32
    %scan3A_6 = arith.constant 1 : i32
    scf.for %scan3A_72 = %scan3A_3 to %scan3A_5 step %scan3A_6  : i32 {
      %mul3A_73 = arith.constant 128 : i32
      %mul3A_74 = arith.muli %add3A, %mul3A_73 : i32
      %mul3A_75 = arith.constant 8 : i32
      %mul3A_76 = arith.muli %scan3A_72, %mul3A_75 : i32
      %add3A_77 = arith.addi %mul3A_74, %mul3A_76 : i32
      "tpu.region"() ({
        %run_scoped3A = tpu.sem_alloc : memref<!tpu.dma_semaphore, #tpu.memory_space<semaphore_mem>>
        %dma_start3A_395 = arith.constant 0 : i32
        %dma_start3A_396 = tpu.memref_slice %arg3[%add3A_77, %dma_start3A_395] : memref<4096x80xi32, #tpu.memory_space<hbm>> -> memref<8x80xi32, #tpu.memory_space<hbm>>
        %dma_start3A_397 = arith.constant 0 : i32
        %dma_start3A_398 = tpu.memref_slice %arg3[%add3A_77, %dma_start3A_397] : memref<4096x80xi32, #tpu.memory_space<hbm>> -> memref<8x80xi32, #tpu.memory_space<hbm>>
        tpu.enqueue_dma source(%dma_start3A_398 : memref<8x80xi32, #tpu.memory_space<hbm>>) target(%arg8 : memref<8x80xi32, #tpu.memory_space<vmem>>) target_semaphore(%run_scoped3A : memref<!tpu.dma_semaphore, #tpu.memory_space<semaphore_mem>>)
        %dma_wait3A_399 = arith.constant 0 : i32
        %dma_wait3A_400 = tpu.memref_slice %arg3[%add3A_77, %dma_wait3A_399] : memref<4096x80xi32, #tpu.memory_space<hbm>> -> memref<8x80xi32, #tpu.memory_space<hbm>>
        %dma_wait3A_401 = arith.constant 0 : i32
        %dma_wait3A_402 = tpu.memref_slice %arg3[%add3A_77, %dma_wait3A_401] : memref<4096x80xi32, #tpu.memory_space<hbm>> -> memref<8x80xi32, #tpu.memory_space<hbm>>
        tpu.wait_dma2 semaphore(%run_scoped3A : memref<!tpu.dma_semaphore, #tpu.memory_space<semaphore_mem>>) src(%dma_wait3A_402 : memref<8x80xi32, #tpu.memory_space<hbm>>) dst(%arg8 : memref<8x80xi32, #tpu.memory_space<vmem>>)
        tpu.yield
      }) : () -> ()
      %mul3A_78 = arith.constant 128 : i32
      %mul3A_79 = arith.muli %add3A, %mul3A_78 : i32
      %mul3A_80 = arith.constant 8 : i32
      %mul3A_81 = arith.muli %scan3A_72, %mul3A_80 : i32
      %add3A_82 = arith.addi %mul3A_79, %mul3A_81 : i32
      "tpu.region"() ({
        %run_scoped3A = tpu.sem_alloc : memref<!tpu.dma_semaphore, #tpu.memory_space<semaphore_mem>>
        %dma_start3A_395 = arith.constant 0 : i32
        %dma_start3A_396 = tpu.memref_slice %arg4[%add3A_82, %dma_start3A_395] : memref<4096x80xi32, #tpu.memory_space<hbm>> -> memref<8x80xi32, #tpu.memory_space<hbm>>
        %dma_start3A_397 = arith.constant 0 : i32
        %dma_start3A_398 = tpu.memref_slice %arg4[%add3A_82, %dma_start3A_397] : memref<4096x80xi32, #tpu.memory_space<hbm>> -> memref<8x80xi32, #tpu.memory_space<hbm>>
        tpu.enqueue_dma source(%dma_start3A_398 : memref<8x80xi32, #tpu.memory_space<hbm>>) target(%arg9 : memref<8x80xi32, #tpu.memory_space<vmem>>) target_semaphore(%run_scoped3A : memref<!tpu.dma_semaphore, #tpu.memory_space<semaphore_mem>>)
        %dma_wait3A_399 = arith.constant 0 : i32
        %dma_wait3A_400 = tpu.memref_slice %arg4[%add3A_82, %dma_wait3A_399] : memref<4096x80xi32, #tpu.memory_space<hbm>> -> memref<8x80xi32, #tpu.memory_space<hbm>>
        %dma_wait3A_401 = arith.constant 0 : i32
        %dma_wait3A_402 = tpu.memref_slice %arg4[%add3A_82, %dma_wait3A_401] : memref<4096x80xi32, #tpu.memory_space<hbm>> -> memref<8x80xi32, #tpu.memory_space<hbm>>
        tpu.wait_dma2 semaphore(%run_scoped3A : memref<!tpu.dma_semaphore, #tpu.memory_space<semaphore_mem>>) src(%dma_wait3A_402 : memref<8x80xi32, #tpu.memory_space<hbm>>) dst(%arg9 : memref<8x80xi32, #tpu.memory_space<vmem>>)
        tpu.yield
      }) : () -> ()
      %add3A_83 = arith.constant 0 : i32
      %add3A_84 = arith.addi %scan3A_72, %add3A_83 : i32
      %gt3A = arith.constant 0 : i32
      %gt3A_85 = arith.cmpi sgt, %add3A_84, %gt3A : i32
      %convert_element_type3A = arith.extui %gt3A_85 : i1 to i32
      %cond3A = arith.constant 0 : i32
      %cond3A_86 = arith.cmpi ne, %convert_element_type3A, %cond3A : i32
      scf.if %cond3A_86 {
        %dma_wait3A_395 = arith.constant 0 : i32
        %dma_wait3A_396 = arith.constant 0 : i32
        %dma_wait3A_397 = arith.constant 0 : i32
        %dma_wait3A_398 = tpu.memref_slice %arg10[%dma_wait3A_395, %dma_wait3A_396, %dma_wait3A_397] : memref<4x80x128xf32, #tpu.memory_space<vmem>> -> memref<1x80x128xf32, #tpu.memory_space<vmem>>
        %dma_wait3A_399 = tpu.memref_squeeze %dma_wait3A_398 : memref<1x80x128xf32, #tpu.memory_space<vmem>> -> memref<80x128xf32, #tpu.memory_space<vmem>>
        %dma_wait3A_400 = arith.constant 0 : i32
        %dma_wait3A_401 = arith.constant 0 : i32
        %dma_wait3A_402 = tpu.memref_slice %arg5[%dma_wait3A_400, %dma_wait3A_401] : memref<632x128xf32, #tpu.memory_space<hbm>> -> memref<80x128xf32, #tpu.memory_space<hbm>>
        %dma_wait3A_403 = arith.constant 0 : i32
        %dma_wait3A_404 = arith.constant 0 : i32
        %dma_wait3A_405 = tpu.memref_slice %arg10[%dma_wait3A_395, %dma_wait3A_403, %dma_wait3A_404] : memref<4x80x128xf32, #tpu.memory_space<vmem>> -> memref<1x80x128xf32, #tpu.memory_space<vmem>>
        %dma_wait3A_406 = tpu.memref_squeeze %dma_wait3A_405 : memref<1x80x128xf32, #tpu.memory_space<vmem>> -> memref<80x128xf32, #tpu.memory_space<vmem>>
        %dma_wait3A_407 = arith.constant 0 : i32
        %dma_wait3A_408 = arith.constant 0 : i32
        %dma_wait3A_409 = tpu.memref_slice %arg5[%dma_wait3A_407, %dma_wait3A_408] : memref<632x128xf32, #tpu.memory_space<hbm>> -> memref<80x128xf32, #tpu.memory_space<hbm>>
        tpu.wait_dma2 semaphore(%arg12 : memref<!tpu.dma_semaphore, #tpu.memory_space<semaphore_mem>>) src(%dma_wait3A_409 : memref<80x128xf32, #tpu.memory_space<hbm>>) dst(%dma_wait3A_406 : memref<80x128xf32, #tpu.memory_space<vmem>>)
        %dma_wait3A_410 = arith.constant 0 : i32
        %dma_wait3A_411 = arith.constant 0 : i32
        %dma_wait3A_412 = arith.constant 0 : i32
        %dma_wait3A_413 = tpu.memref_slice %arg10[%dma_wait3A_410, %dma_wait3A_411, %dma_wait3A_412] : memref<4x80x128xf32, #tpu.memory_space<vmem>> -> memref<1x80x128xf32, #tpu.memory_space<vmem>>
        %dma_wait3A_414 = tpu.memref_squeeze %dma_wait3A_413 : memref<1x80x128xf32, #tpu.memory_space<vmem>> -> memref<80x128xf32, #tpu.memory_space<vmem>>
        %dma_wait3A_415 = arith.constant 0 : i32
        %dma_wait3A_416 = arith.constant 0 : i32
        %dma_wait3A_417 = tpu.memref_slice %arg5[%dma_wait3A_415, %dma_wait3A_416] : memref<632x128xf32, #tpu.memory_space<hbm>> -> memref<80x128xf32, #tpu.memory_space<hbm>>
        %dma_wait3A_418 = arith.constant 0 : i32
        %dma_wait3A_419 = arith.constant 0 : i32
        %dma_wait3A_420 = tpu.memref_slice %arg10[%dma_wait3A_410, %dma_wait3A_418, %dma_wait3A_419] : memref<4x80x128xf32, #tpu.memory_space<vmem>> -> memref<1x80x128xf32, #tpu.memory_space<vmem>>
        %dma_wait3A_421 = tpu.memref_squeeze %dma_wait3A_420 : memref<1x80x128xf32, #tpu.memory_space<vmem>> -> memref<80x128xf32, #tpu.memory_space<vmem>>
        %dma_wait3A_422 = arith.constant 0 : i32
        %dma_wait3A_423 = arith.constant 0 : i32
        %dma_wait3A_424 = tpu.memref_slice %arg5[%dma_wait3A_422, %dma_wait3A_423] : memref<632x128xf32, #tpu.memory_space<hbm>> -> memref<80x128xf32, #tpu.memory_space<hbm>>
        tpu.wait_dma2 semaphore(%arg12 : memref<!tpu.dma_semaphore, #tpu.memory_space<semaphore_mem>>) src(%dma_wait3A_424 : memref<80x128xf32, #tpu.memory_space<hbm>>) dst(%dma_wait3A_421 : memref<80x128xf32, #tpu.memory_space<vmem>>)
      } else {
      }
      %dma_start3A = arith.constant 0 : i32
      %dma_start3A_87 = arith.constant 0 : i32
      %dma_start3A_88 = arith.constant 0 : i32
      %dma_start3A_89 = arith.constant 0 : i32
      %dma_start3A_90 = tpu.memref_slice %arg10[%dma_start3A_87, %dma_start3A_88, %dma_start3A_89] : memref<4x80x128xf32, #tpu.memory_space<vmem>> -> memref<1x80x128xf32, #tpu.memory_space<vmem>>
      %dma_start3A_91 = tpu.memref_squeeze %dma_start3A_90 : memref<1x80x128xf32, #tpu.memory_space<vmem>> -> memref<80x128xf32, #tpu.memory_space<vmem>>
      %dma_start3A_92 = arith.constant 0 : i32
      %dma_start3A_93 = tpu.memref_slice %arg8[%dma_start3A, %dma_start3A_92] : memref<8x80xi32, #tpu.memory_space<vmem>> -> memref<1x80xi32, #tpu.memory_space<vmem>>
      %dma_start3A_94 = tpu.memref_squeeze %dma_start3A_93 : memref<1x80xi32, #tpu.memory_space<vmem>> -> memref<80xi32, #tpu.memory_space<vmem>>
      %dma_start3A_95 = arith.constant 0 : i32
      %dma_start3A_96 = arith.constant 0 : i32
      %dma_start3A_97 = tpu.memref_slice %arg2[%dma_start3A_95, %dma_start3A_96] : memref<10000x128xf32, #tpu.memory_space<hbm>> -> memref<10000x128xf32, #tpu.memory_space<hbm>>
      tpu.enqueue_indirect_dma source(%dma_start3A_97 : memref<10000x128xf32, #tpu.memory_space<hbm>>) target(%dma_start3A_91 : memref<80x128xf32, #tpu.memory_space<vmem>>) offsets(%dma_start3A_94 : memref<80xi32, #tpu.memory_space<vmem>>) semaphore(%arg11 : memref<!tpu.dma_semaphore, #tpu.memory_space<semaphore_mem>>)
      %dma_start3A_98 = arith.constant 1 : i32
      %dma_start3A_99 = arith.constant 1 : i32
      %dma_start3A_100 = arith.constant 0 : i32
      %dma_start3A_101 = arith.constant 0 : i32
      %dma_start3A_102 = tpu.memref_slice %arg10[%dma_start3A_99, %dma_start3A_100, %dma_start3A_101] : memref<4x80x128xf32, #tpu.memory_space<vmem>> -> memref<1x80x128xf32, #tpu.memory_space<vmem>>
      %dma_start3A_103 = tpu.memref_squeeze %dma_start3A_102 : memref<1x80x128xf32, #tpu.memory_space<vmem>> -> memref<80x128xf32, #tpu.memory_space<vmem>>
      %dma_start3A_104 = arith.constant 0 : i32
      %dma_start3A_105 = tpu.memref_slice %arg8[%dma_start3A_98, %dma_start3A_104] : memref<8x80xi32, #tpu.memory_space<vmem>> -> memref<1x80xi32, #tpu.memory_space<vmem>>
      %dma_start3A_106 = tpu.memref_squeeze %dma_start3A_105 : memref<1x80xi32, #tpu.memory_space<vmem>> -> memref<80xi32, #tpu.memory_space<vmem>>
      %dma_start3A_107 = arith.constant 0 : i32
      %dma_start3A_108 = arith.constant 0 : i32
      %dma_start3A_109 = tpu.memref_slice %arg2[%dma_start3A_107, %dma_start3A_108] : memref<10000x128xf32, #tpu.memory_space<hbm>> -> memref<10000x128xf32, #tpu.memory_space<hbm>>
      tpu.enqueue_indirect_dma source(%dma_start3A_109 : memref<10000x128xf32, #tpu.memory_space<hbm>>) target(%dma_start3A_103 : memref<80x128xf32, #tpu.memory_space<vmem>>) offsets(%dma_start3A_106 : memref<80xi32, #tpu.memory_space<vmem>>) semaphore(%arg11 : memref<!tpu.dma_semaphore, #tpu.memory_space<semaphore_mem>>)
      %add3A_110 = arith.constant 0 : i32
      %add3A_111 = arith.addi %scan3A_72, %add3A_110 : i32
      %gt3A_112 = arith.constant 0 : i32
      %gt3A_113 = arith.cmpi sgt, %add3A_111, %gt3A_112 : i32
      %convert_element_type3A_114 = arith.extui %gt3A_113 : i1 to i32
      %cond3A_115 = arith.constant 0 : i32
      %cond3A_116 = arith.cmpi ne, %convert_element_type3A_114, %cond3A_115 : i32
      scf.if %cond3A_116 {
        %dma_wait3A_395 = arith.constant 0 : i32
        %dma_wait3A_396 = arith.constant 0 : i32
        %dma_wait3A_397 = arith.constant 0 : i32
        %dma_wait3A_398 = tpu.memref_slice %arg10[%dma_wait3A_395, %dma_wait3A_396, %dma_wait3A_397] : memref<4x80x128xf32, #tpu.memory_space<vmem>> -> memref<1x80x128xf32, #tpu.memory_space<vmem>>
        %dma_wait3A_399 = tpu.memref_squeeze %dma_wait3A_398 : memref<1x80x128xf32, #tpu.memory_space<vmem>> -> memref<80x128xf32, #tpu.memory_space<vmem>>
        %dma_wait3A_400 = arith.constant 0 : i32
        %dma_wait3A_401 = arith.constant 0 : i32
        %dma_wait3A_402 = tpu.memref_slice %arg5[%dma_wait3A_400, %dma_wait3A_401] : memref<632x128xf32, #tpu.memory_space<hbm>> -> memref<80x128xf32, #tpu.memory_space<hbm>>
        %dma_wait3A_403 = arith.constant 0 : i32
        %dma_wait3A_404 = arith.constant 0 : i32
        %dma_wait3A_405 = tpu.memref_slice %arg10[%dma_wait3A_395, %dma_wait3A_403, %dma_wait3A_404] : memref<4x80x128xf32, #tpu.memory_space<vmem>> -> memref<1x80x128xf32, #tpu.memory_space<vmem>>
        %dma_wait3A_406 = tpu.memref_squeeze %dma_wait3A_405 : memref<1x80x128xf32, #tpu.memory_space<vmem>> -> memref<80x128xf32, #tpu.memory_space<vmem>>
        %dma_wait3A_407 = arith.constant 0 : i32
        %dma_wait3A_408 = arith.constant 0 : i32
        %dma_wait3A_409 = tpu.memref_slice %arg5[%dma_wait3A_407, %dma_wait3A_408] : memref<632x128xf32, #tpu.memory_space<hbm>> -> memref<80x128xf32, #tpu.memory_space<hbm>>
        tpu.wait_dma2 semaphore(%arg13 : memref<!tpu.dma_semaphore, #tpu.memory_space<semaphore_mem>>) src(%dma_wait3A_409 : memref<80x128xf32, #tpu.memory_space<hbm>>) dst(%dma_wait3A_406 : memref<80x128xf32, #tpu.memory_space<vmem>>)
        %dma_wait3A_410 = arith.constant 0 : i32
        %dma_wait3A_411 = arith.constant 0 : i32
        %dma_wait3A_412 = arith.constant 0 : i32
        %dma_wait3A_413 = tpu.memref_slice %arg10[%dma_wait3A_410, %dma_wait3A_411, %dma_wait3A_412] : memref<4x80x128xf32, #tpu.memory_space<vmem>> -> memref<1x80x128xf32, #tpu.memory_space<vmem>>
        %dma_wait3A_414 = tpu.memref_squeeze %dma_wait3A_413 : memref<1x80x128xf32, #tpu.memory_space<vmem>> -> memref<80x128xf32, #tpu.memory_space<vmem>>
        %dma_wait3A_415 = arith.constant 0 : i32
        %dma_wait3A_416 = arith.constant 0 : i32
        %dma_wait3A_417 = tpu.memref_slice %arg5[%dma_wait3A_415, %dma_wait3A_416] : memref<632x128xf32, #tpu.memory_space<hbm>> -> memref<80x128xf32, #tpu.memory_space<hbm>>
        %dma_wait3A_418 = arith.constant 0 : i32
        %dma_wait3A_419 = arith.constant 0 : i32
        %dma_wait3A_420 = tpu.memref_slice %arg10[%dma_wait3A_410, %dma_wait3A_418, %dma_wait3A_419] : memref<4x80x128xf32, #tpu.memory_space<vmem>> -> memref<1x80x128xf32, #tpu.memory_space<vmem>>
        %dma_wait3A_421 = tpu.memref_squeeze %dma_wait3A_420 : memref<1x80x128xf32, #tpu.memory_space<vmem>> -> memref<80x128xf32, #tpu.memory_space<vmem>>
        %dma_wait3A_422 = arith.constant 0 : i32
        %dma_wait3A_423 = arith.constant 0 : i32
        %dma_wait3A_424 = tpu.memref_slice %arg5[%dma_wait3A_422, %dma_wait3A_423] : memref<632x128xf32, #tpu.memory_space<hbm>> -> memref<80x128xf32, #tpu.memory_space<hbm>>
        tpu.wait_dma2 semaphore(%arg13 : memref<!tpu.dma_semaphore, #tpu.memory_space<semaphore_mem>>) src(%dma_wait3A_424 : memref<80x128xf32, #tpu.memory_space<hbm>>) dst(%dma_wait3A_421 : memref<80x128xf32, #tpu.memory_space<vmem>>)
      } else {
      }
      %dma_start3A_117 = arith.constant 2 : i32
      %dma_start3A_118 = arith.constant 2 : i32
      %dma_start3A_119 = arith.constant 0 : i32
      %dma_start3A_120 = arith.constant 0 : i32
      %dma_start3A_121 = tpu.memref_slice %arg10[%dma_start3A_118, %dma_start3A_119, %dma_start3A_120] : memref<4x80x128xf32, #tpu.memory_space<vmem>> -> memref<1x80x128xf32, #tpu.memory_space<vmem>>
      %dma_start3A_122 = tpu.memref_squeeze %dma_start3A_121 : memref<1x80x128xf32, #tpu.memory_space<vmem>> -> memref<80x128xf32, #tpu.memory_space<vmem>>
      %dma_start3A_123 = arith.constant 0 : i32
      %dma_start3A_124 = tpu.memref_slice %arg8[%dma_start3A_117, %dma_start3A_123] : memref<8x80xi32, #tpu.memory_space<vmem>> -> memref<1x80xi32, #tpu.memory_space<vmem>>
      %dma_start3A_125 = tpu.memref_squeeze %dma_start3A_124 : memref<1x80xi32, #tpu.memory_space<vmem>> -> memref<80xi32, #tpu.memory_space<vmem>>
      %dma_start3A_126 = arith.constant 0 : i32
      %dma_start3A_127 = arith.constant 0 : i32
      %dma_start3A_128 = tpu.memref_slice %arg2[%dma_start3A_126, %dma_start3A_127] : memref<10000x128xf32, #tpu.memory_space<hbm>> -> memref<10000x128xf32, #tpu.memory_space<hbm>>
      tpu.enqueue_indirect_dma source(%dma_start3A_128 : memref<10000x128xf32, #tpu.memory_space<hbm>>) target(%dma_start3A_122 : memref<80x128xf32, #tpu.memory_space<vmem>>) offsets(%dma_start3A_125 : memref<80xi32, #tpu.memory_space<vmem>>) semaphore(%arg11 : memref<!tpu.dma_semaphore, #tpu.memory_space<semaphore_mem>>)
      %dma_start3A_129 = arith.constant 3 : i32
      %dma_start3A_130 = arith.constant 3 : i32
      %dma_start3A_131 = arith.constant 0 : i32
      %dma_start3A_132 = arith.constant 0 : i32
      %dma_start3A_133 = tpu.memref_slice %arg10[%dma_start3A_130, %dma_start3A_131, %dma_start3A_132] : memref<4x80x128xf32, #tpu.memory_space<vmem>> -> memref<1x80x128xf32, #tpu.memory_space<vmem>>
      %dma_start3A_134 = tpu.memref_squeeze %dma_start3A_133 : memref<1x80x128xf32, #tpu.memory_space<vmem>> -> memref<80x128xf32, #tpu.memory_space<vmem>>
      %dma_start3A_135 = arith.constant 0 : i32
      %dma_start3A_136 = tpu.memref_slice %arg8[%dma_start3A_129, %dma_start3A_135] : memref<8x80xi32, #tpu.memory_space<vmem>> -> memref<1x80xi32, #tpu.memory_space<vmem>>
      %dma_start3A_137 = tpu.memref_squeeze %dma_start3A_136 : memref<1x80xi32, #tpu.memory_space<vmem>> -> memref<80xi32, #tpu.memory_space<vmem>>
      %dma_start3A_138 = arith.constant 0 : i32
      %dma_start3A_139 = arith.constant 0 : i32
      %dma_start3A_140 = tpu.memref_slice %arg2[%dma_start3A_138, %dma_start3A_139] : memref<10000x128xf32, #tpu.memory_space<hbm>> -> memref<10000x128xf32, #tpu.memory_space<hbm>>
      tpu.enqueue_indirect_dma source(%dma_start3A_140 : memref<10000x128xf32, #tpu.memory_space<hbm>>) target(%dma_start3A_134 : memref<80x128xf32, #tpu.memory_space<vmem>>) offsets(%dma_start3A_137 : memref<80xi32, #tpu.memory_space<vmem>>) semaphore(%arg11 : memref<!tpu.dma_semaphore, #tpu.memory_space<semaphore_mem>>)
      %dma_wait3A_141 = arith.constant 0 : i32
      %dma_wait3A_142 = arith.constant 0 : i32
      %dma_wait3A_143 = arith.constant 0 : i32
      %dma_wait3A_144 = arith.constant 0 : i32
      %dma_wait3A_145 = tpu.memref_slice %arg10[%dma_wait3A_142, %dma_wait3A_143, %dma_wait3A_144] : memref<4x80x128xf32, #tpu.memory_space<vmem>> -> memref<1x80x128xf32, #tpu.memory_space<vmem>>
      %dma_wait3A_146 = tpu.memref_squeeze %dma_wait3A_145 : memref<1x80x128xf32, #tpu.memory_space<vmem>> -> memref<80x128xf32, #tpu.memory_space<vmem>>
      %dma_wait3A_147 = arith.constant 0 : i32
      %dma_wait3A_148 = tpu.memref_slice %arg8[%dma_wait3A_141, %dma_wait3A_147] : memref<8x80xi32, #tpu.memory_space<vmem>> -> memref<1x80xi32, #tpu.memory_space<vmem>>
      %dma_wait3A_149 = tpu.memref_squeeze %dma_wait3A_148 : memref<1x80xi32, #tpu.memory_space<vmem>> -> memref<80xi32, #tpu.memory_space<vmem>>
      %dma_wait3A_150 = arith.constant 0 : i32
      %dma_wait3A_151 = arith.constant 0 : i32
      %dma_wait3A_152 = tpu.memref_slice %arg2[%dma_wait3A_150, %dma_wait3A_151] : memref<10000x128xf32, #tpu.memory_space<hbm>> -> memref<10000x128xf32, #tpu.memory_space<hbm>>
      tpu.wait_indirect_dma semaphore(%arg11 : memref<!tpu.dma_semaphore, #tpu.memory_space<semaphore_mem>>) src(%dma_wait3A_152 : memref<10000x128xf32, #tpu.memory_space<hbm>>) dst(%dma_wait3A_146 : memref<80x128xf32, #tpu.memory_space<vmem>>)
      %dma_start3A_153 = arith.constant 0 : i32
      %dma_start3A_154 = arith.constant 0 : i32
      %dma_start3A_155 = arith.constant 0 : i32
      %dma_start3A_156 = arith.constant 0 : i32
      %dma_start3A_157 = tpu.memref_slice %arg10[%dma_start3A_153, %dma_start3A_155, %dma_start3A_156] : memref<4x80x128xf32, #tpu.memory_space<vmem>> -> memref<1x80x128xf32, #tpu.memory_space<vmem>>
      %dma_start3A_158 = tpu.memref_squeeze %dma_start3A_157 : memref<1x80x128xf32, #tpu.memory_space<vmem>> -> memref<80x128xf32, #tpu.memory_space<vmem>>
      %dma_start3A_159 = arith.constant 0 : i32
      %dma_start3A_160 = tpu.memref_slice %arg9[%dma_start3A_154, %dma_start3A_159] : memref<8x80xi32, #tpu.memory_space<vmem>> -> memref<1x80xi32, #tpu.memory_space<vmem>>
      %dma_start3A_161 = tpu.memref_squeeze %dma_start3A_160 : memref<1x80xi32, #tpu.memory_space<vmem>> -> memref<80xi32, #tpu.memory_space<vmem>>
      %dma_start3A_162 = arith.constant 0 : i32
      %dma_start3A_163 = arith.constant 0 : i32
      %dma_start3A_164 = tpu.memref_slice %arg7[%dma_start3A_162, %dma_start3A_163] : memref<10112x128xf32, #tpu.memory_space<vmem_shared>> -> memref<10112x128xf32, #tpu.memory_space<vmem_shared>>
      tpu.enqueue_indirect_dma source(%dma_start3A_158 : memref<80x128xf32, #tpu.memory_space<vmem>>) target(%dma_start3A_164 : memref<10112x128xf32, #tpu.memory_space<vmem_shared>>) offsets(%dma_start3A_161 : memref<80xi32, #tpu.memory_space<vmem>>) semaphore(%arg12 : memref<!tpu.dma_semaphore, #tpu.memory_space<semaphore_mem>>) {add = true}
      %dma_wait3A_165 = arith.constant 1 : i32
      %dma_wait3A_166 = arith.constant 1 : i32
      %dma_wait3A_167 = arith.constant 0 : i32
      %dma_wait3A_168 = arith.constant 0 : i32
      %dma_wait3A_169 = tpu.memref_slice %arg10[%dma_wait3A_166, %dma_wait3A_167, %dma_wait3A_168] : memref<4x80x128xf32, #tpu.memory_space<vmem>> -> memref<1x80x128xf32, #tpu.memory_space<vmem>>
      %dma_wait3A_170 = tpu.memref_squeeze %dma_wait3A_169 : memref<1x80x128xf32, #tpu.memory_space<vmem>> -> memref<80x128xf32, #tpu.memory_space<vmem>>
      %dma_wait3A_171 = arith.constant 0 : i32
      %dma_wait3A_172 = tpu.memref_slice %arg8[%dma_wait3A_165, %dma_wait3A_171] : memref<8x80xi32, #tpu.memory_space<vmem>> -> memref<1x80xi32, #tpu.memory_space<vmem>>
      %dma_wait3A_173 = tpu.memref_squeeze %dma_wait3A_172 : memref<1x80xi32, #tpu.memory_space<vmem>> -> memref<80xi32, #tpu.memory_space<vmem>>
      %dma_wait3A_174 = arith.constant 0 : i32
      %dma_wait3A_175 = arith.constant 0 : i32
      %dma_wait3A_176 = tpu.memref_slice %arg2[%dma_wait3A_174, %dma_wait3A_175] : memref<10000x128xf32, #tpu.memory_space<hbm>> -> memref<10000x128xf32, #tpu.memory_space<hbm>>
      tpu.wait_indirect_dma semaphore(%arg11 : memref<!tpu.dma_semaphore, #tpu.memory_space<semaphore_mem>>) src(%dma_wait3A_176 : memref<10000x128xf32, #tpu.memory_space<hbm>>) dst(%dma_wait3A_170 : memref<80x128xf32, #tpu.memory_space<vmem>>)
      %dma_start3A_177 = arith.constant 1 : i32
      %dma_start3A_178 = arith.constant 1 : i32
      %dma_start3A_179 = arith.constant 0 : i32
      %dma_start3A_180 = arith.constant 0 : i32
      %dma_start3A_181 = tpu.memref_slice %arg10[%dma_start3A_177, %dma_start3A_179, %dma_start3A_180] : memref<4x80x128xf32, #tpu.memory_space<vmem>> -> memref<1x80x128xf32, #tpu.memory_space<vmem>>
      %dma_start3A_182 = tpu.memref_squeeze %dma_start3A_181 : memref<1x80x128xf32, #tpu.memory_space<vmem>> -> memref<80x128xf32, #tpu.memory_space<vmem>>
      %dma_start3A_183 = arith.constant 0 : i32
      %dma_start3A_184 = tpu.memref_slice %arg9[%dma_start3A_178, %dma_start3A_183] : memref<8x80xi32, #tpu.memory_space<vmem>> -> memref<1x80xi32, #tpu.memory_space<vmem>>
      %dma_start3A_185 = tpu.memref_squeeze %dma_start3A_184 : memref<1x80xi32, #tpu.memory_space<vmem>> -> memref<80xi32, #tpu.memory_space<vmem>>
      %dma_start3A_186 = arith.constant 0 : i32
      %dma_start3A_187 = arith.constant 0 : i32
      %dma_start3A_188 = tpu.memref_slice %arg7[%dma_start3A_186, %dma_start3A_187] : memref<10112x128xf32, #tpu.memory_space<vmem_shared>> -> memref<10112x128xf32, #tpu.memory_space<vmem_shared>>
      tpu.enqueue_indirect_dma source(%dma_start3A_182 : memref<80x128xf32, #tpu.memory_space<vmem>>) target(%dma_start3A_188 : memref<10112x128xf32, #tpu.memory_space<vmem_shared>>) offsets(%dma_start3A_185 : memref<80xi32, #tpu.memory_space<vmem>>) semaphore(%arg12 : memref<!tpu.dma_semaphore, #tpu.memory_space<semaphore_mem>>) {add = true}
      %dma_wait3A_189 = arith.constant 2 : i32
      %dma_wait3A_190 = arith.constant 2 : i32
      %dma_wait3A_191 = arith.constant 0 : i32
      %dma_wait3A_192 = arith.constant 0 : i32
      %dma_wait3A_193 = tpu.memref_slice %arg10[%dma_wait3A_190, %dma_wait3A_191, %dma_wait3A_192] : memref<4x80x128xf32, #tpu.memory_space<vmem>> -> memref<1x80x128xf32, #tpu.memory_space<vmem>>
      %dma_wait3A_194 = tpu.memref_squeeze %dma_wait3A_193 : memref<1x80x128xf32, #tpu.memory_space<vmem>> -> memref<80x128xf32, #tpu.memory_space<vmem>>
      %dma_wait3A_195 = arith.constant 0 : i32
      %dma_wait3A_196 = tpu.memref_slice %arg8[%dma_wait3A_189, %dma_wait3A_195] : memref<8x80xi32, #tpu.memory_space<vmem>> -> memref<1x80xi32, #tpu.memory_space<vmem>>
      %dma_wait3A_197 = tpu.memref_squeeze %dma_wait3A_196 : memref<1x80xi32, #tpu.memory_space<vmem>> -> memref<80xi32, #tpu.memory_space<vmem>>
      %dma_wait3A_198 = arith.constant 0 : i32
      %dma_wait3A_199 = arith.constant 0 : i32
      %dma_wait3A_200 = tpu.memref_slice %arg2[%dma_wait3A_198, %dma_wait3A_199] : memref<10000x128xf32, #tpu.memory_space<hbm>> -> memref<10000x128xf32, #tpu.memory_space<hbm>>
      tpu.wait_indirect_dma semaphore(%arg11 : memref<!tpu.dma_semaphore, #tpu.memory_space<semaphore_mem>>) src(%dma_wait3A_200 : memref<10000x128xf32, #tpu.memory_space<hbm>>) dst(%dma_wait3A_194 : memref<80x128xf32, #tpu.memory_space<vmem>>)
      %dma_start3A_201 = arith.constant 2 : i32
      %dma_start3A_202 = arith.constant 2 : i32
      %dma_start3A_203 = arith.constant 0 : i32
      %dma_start3A_204 = arith.constant 0 : i32
      %dma_start3A_205 = tpu.memref_slice %arg10[%dma_start3A_201, %dma_start3A_203, %dma_start3A_204] : memref<4x80x128xf32, #tpu.memory_space<vmem>> -> memref<1x80x128xf32, #tpu.memory_space<vmem>>
      %dma_start3A_206 = tpu.memref_squeeze %dma_start3A_205 : memref<1x80x128xf32, #tpu.memory_space<vmem>> -> memref<80x128xf32, #tpu.memory_space<vmem>>
      %dma_start3A_207 = arith.constant 0 : i32
      %dma_start3A_208 = tpu.memref_slice %arg9[%dma_start3A_202, %dma_start3A_207] : memref<8x80xi32, #tpu.memory_space<vmem>> -> memref<1x80xi32, #tpu.memory_space<vmem>>
      %dma_start3A_209 = tpu.memref_squeeze %dma_start3A_208 : memref<1x80xi32, #tpu.memory_space<vmem>> -> memref<80xi32, #tpu.memory_space<vmem>>
      %dma_start3A_210 = arith.constant 0 : i32
      %dma_start3A_211 = arith.constant 0 : i32
      %dma_start3A_212 = tpu.memref_slice %arg7[%dma_start3A_210, %dma_start3A_211] : memref<10112x128xf32, #tpu.memory_space<vmem_shared>> -> memref<10112x128xf32, #tpu.memory_space<vmem_shared>>
      tpu.enqueue_indirect_dma source(%dma_start3A_206 : memref<80x128xf32, #tpu.memory_space<vmem>>) target(%dma_start3A_212 : memref<10112x128xf32, #tpu.memory_space<vmem_shared>>) offsets(%dma_start3A_209 : memref<80xi32, #tpu.memory_space<vmem>>) semaphore(%arg13 : memref<!tpu.dma_semaphore, #tpu.memory_space<semaphore_mem>>) {add = true}
      %dma_wait3A_213 = arith.constant 3 : i32
      %dma_wait3A_214 = arith.constant 3 : i32
      %dma_wait3A_215 = arith.constant 0 : i32
      %dma_wait3A_216 = arith.constant 0 : i32
      %dma_wait3A_217 = tpu.memref_slice %arg10[%dma_wait3A_214, %dma_wait3A_215, %dma_wait3A_216] : memref<4x80x128xf32, #tpu.memory_space<vmem>> -> memref<1x80x128xf32, #tpu.memory_space<vmem>>
      %dma_wait3A_218 = tpu.memref_squeeze %dma_wait3A_217 : memref<1x80x128xf32, #tpu.memory_space<vmem>> -> memref<80x128xf32, #tpu.memory_space<vmem>>
      %dma_wait3A_219 = arith.constant 0 : i32
      %dma_wait3A_220 = tpu.memref_slice %arg8[%dma_wait3A_213, %dma_wait3A_219] : memref<8x80xi32, #tpu.memory_space<vmem>> -> memref<1x80xi32, #tpu.memory_space<vmem>>
      %dma_wait3A_221 = tpu.memref_squeeze %dma_wait3A_220 : memref<1x80xi32, #tpu.memory_space<vmem>> -> memref<80xi32, #tpu.memory_space<vmem>>
      %dma_wait3A_222 = arith.constant 0 : i32
      %dma_wait3A_223 = arith.constant 0 : i32
      %dma_wait3A_224 = tpu.memref_slice %arg2[%dma_wait3A_222, %dma_wait3A_223] : memref<10000x128xf32, #tpu.memory_space<hbm>> -> memref<10000x128xf32, #tpu.memory_space<hbm>>
      tpu.wait_indirect_dma semaphore(%arg11 : memref<!tpu.dma_semaphore, #tpu.memory_space<semaphore_mem>>) src(%dma_wait3A_224 : memref<10000x128xf32, #tpu.memory_space<hbm>>) dst(%dma_wait3A_218 : memref<80x128xf32, #tpu.memory_space<vmem>>)
      %dma_start3A_225 = arith.constant 3 : i32
      %dma_start3A_226 = arith.constant 3 : i32
      %dma_start3A_227 = arith.constant 0 : i32
      %dma_start3A_228 = arith.constant 0 : i32
      %dma_start3A_229 = tpu.memref_slice %arg10[%dma_start3A_225, %dma_start3A_227, %dma_start3A_228] : memref<4x80x128xf32, #tpu.memory_space<vmem>> -> memref<1x80x128xf32, #tpu.memory_space<vmem>>
      %dma_start3A_230 = tpu.memref_squeeze %dma_start3A_229 : memref<1x80x128xf32, #tpu.memory_space<vmem>> -> memref<80x128xf32, #tpu.memory_space<vmem>>
      %dma_start3A_231 = arith.constant 0 : i32
      %dma_start3A_232 = tpu.memref_slice %arg9[%dma_start3A_226, %dma_start3A_231] : memref<8x80xi32, #tpu.memory_space<vmem>> -> memref<1x80xi32, #tpu.memory_space<vmem>>
      %dma_start3A_233 = tpu.memref_squeeze %dma_start3A_232 : memref<1x80xi32, #tpu.memory_space<vmem>> -> memref<80xi32, #tpu.memory_space<vmem>>
      %dma_start3A_234 = arith.constant 0 : i32
      %dma_start3A_235 = arith.constant 0 : i32
      %dma_start3A_236 = tpu.memref_slice %arg7[%dma_start3A_234, %dma_start3A_235] : memref<10112x128xf32, #tpu.memory_space<vmem_shared>> -> memref<10112x128xf32, #tpu.memory_space<vmem_shared>>
      tpu.enqueue_indirect_dma source(%dma_start3A_230 : memref<80x128xf32, #tpu.memory_space<vmem>>) target(%dma_start3A_236 : memref<10112x128xf32, #tpu.memory_space<vmem_shared>>) offsets(%dma_start3A_233 : memref<80xi32, #tpu.memory_space<vmem>>) semaphore(%arg13 : memref<!tpu.dma_semaphore, #tpu.memory_space<semaphore_mem>>) {add = true}
      %add3A_237 = arith.constant 1 : i32
      %add3A_238 = arith.addi %scan3A_72, %add3A_237 : i32
      %gt3A_239 = arith.constant 0 : i32
      %gt3A_240 = arith.cmpi sgt, %add3A_238, %gt3A_239 : i32
      %convert_element_type3A_241 = arith.extui %gt3A_240 : i1 to i32
      %cond3A_242 = arith.constant 0 : i32
      %cond3A_243 = arith.cmpi ne, %convert_element_type3A_241, %cond3A_242 : i32
      scf.if %cond3A_243 {
        %dma_wait3A_395 = arith.constant 0 : i32
        %dma_wait3A_396 = arith.constant 0 : i32
        %dma_wait3A_397 = arith.constant 0 : i32
        %dma_wait3A_398 = tpu.memref_slice %arg10[%dma_wait3A_395, %dma_wait3A_396, %dma_wait3A_397] : memref<4x80x128xf32, #tpu.memory_space<vmem>> -> memref<1x80x128xf32, #tpu.memory_space<vmem>>
        %dma_wait3A_399 = tpu.memref_squeeze %dma_wait3A_398 : memref<1x80x128xf32, #tpu.memory_space<vmem>> -> memref<80x128xf32, #tpu.memory_space<vmem>>
        %dma_wait3A_400 = arith.constant 0 : i32
        %dma_wait3A_401 = arith.constant 0 : i32
        %dma_wait3A_402 = tpu.memref_slice %arg5[%dma_wait3A_400, %dma_wait3A_401] : memref<632x128xf32, #tpu.memory_space<hbm>> -> memref<80x128xf32, #tpu.memory_space<hbm>>
        %dma_wait3A_403 = arith.constant 0 : i32
        %dma_wait3A_404 = arith.constant 0 : i32
        %dma_wait3A_405 = tpu.memref_slice %arg10[%dma_wait3A_395, %dma_wait3A_403, %dma_wait3A_404] : memref<4x80x128xf32, #tpu.memory_space<vmem>> -> memref<1x80x128xf32, #tpu.memory_space<vmem>>
        %dma_wait3A_406 = tpu.memref_squeeze %dma_wait3A_405 : memref<1x80x128xf32, #tpu.memory_space<vmem>> -> memref<80x128xf32, #tpu.memory_space<vmem>>
        %dma_wait3A_407 = arith.constant 0 : i32
        %dma_wait3A_408 = arith.constant 0 : i32
        %dma_wait3A_409 = tpu.memref_slice %arg5[%dma_wait3A_407, %dma_wait3A_408] : memref<632x128xf32, #tpu.memory_space<hbm>> -> memref<80x128xf32, #tpu.memory_space<hbm>>
        tpu.wait_dma2 semaphore(%arg12 : memref<!tpu.dma_semaphore, #tpu.memory_space<semaphore_mem>>) src(%dma_wait3A_409 : memref<80x128xf32, #tpu.memory_space<hbm>>) dst(%dma_wait3A_406 : memref<80x128xf32, #tpu.memory_space<vmem>>)
        %dma_wait3A_410 = arith.constant 0 : i32
        %dma_wait3A_411 = arith.constant 0 : i32
        %dma_wait3A_412 = arith.constant 0 : i32
        %dma_wait3A_413 = tpu.memref_slice %arg10[%dma_wait3A_410, %dma_wait3A_411, %dma_wait3A_412] : memref<4x80x128xf32, #tpu.memory_space<vmem>> -> memref<1x80x128xf32, #tpu.memory_space<vmem>>
        %dma_wait3A_414 = tpu.memref_squeeze %dma_wait3A_413 : memref<1x80x128xf32, #tpu.memory_space<vmem>> -> memref<80x128xf32, #tpu.memory_space<vmem>>
        %dma_wait3A_415 = arith.constant 0 : i32
        %dma_wait3A_416 = arith.constant 0 : i32
        %dma_wait3A_417 = tpu.memref_slice %arg5[%dma_wait3A_415, %dma_wait3A_416] : memref<632x128xf32, #tpu.memory_space<hbm>> -> memref<80x128xf32, #tpu.memory_space<hbm>>
        %dma_wait3A_418 = arith.constant 0 : i32
        %dma_wait3A_419 = arith.constant 0 : i32
        %dma_wait3A_420 = tpu.memref_slice %arg10[%dma_wait3A_410, %dma_wait3A_418, %dma_wait3A_419] : memref<4x80x128xf32, #tpu.memory_space<vmem>> -> memref<1x80x128xf32, #tpu.memory_space<vmem>>
        %dma_wait3A_421 = tpu.memref_squeeze %dma_wait3A_420 : memref<1x80x128xf32, #tpu.memory_space<vmem>> -> memref<80x128xf32, #tpu.memory_space<vmem>>
        %dma_wait3A_422 = arith.constant 0 : i32
        %dma_wait3A_423 = arith.constant 0 : i32
        %dma_wait3A_424 = tpu.memref_slice %arg5[%dma_wait3A_422, %dma_wait3A_423] : memref<632x128xf32, #tpu.memory_space<hbm>> -> memref<80x128xf32, #tpu.memory_space<hbm>>
        tpu.wait_dma2 semaphore(%arg12 : memref<!tpu.dma_semaphore, #tpu.memory_space<semaphore_mem>>) src(%dma_wait3A_424 : memref<80x128xf32, #tpu.memory_space<hbm>>) dst(%dma_wait3A_421 : memref<80x128xf32, #tpu.memory_space<vmem>>)
      } else {
      }
      %dma_start3A_244 = arith.constant 4 : i32
      %dma_start3A_245 = arith.constant 0 : i32
      %dma_start3A_246 = arith.constant 0 : i32
      %dma_start3A_247 = arith.constant 0 : i32
      %dma_start3A_248 = tpu.memref_slice %arg10[%dma_start3A_245, %dma_start3A_246, %dma_start3A_247] : memref<4x80x128xf32, #tpu.memory_space<vmem>> -> memref<1x80x128xf32, #tpu.memory_space<vmem>>
      %dma_start3A_249 = tpu.memref_squeeze %dma_start3A_248 : memref<1x80x128xf32, #tpu.memory_space<vmem>> -> memref<80x128xf32, #tpu.memory_space<vmem>>
      %dma_start3A_250 = arith.constant 0 : i32
      %dma_start3A_251 = tpu.memref_slice %arg8[%dma_start3A_244, %dma_start3A_250] : memref<8x80xi32, #tpu.memory_space<vmem>> -> memref<1x80xi32, #tpu.memory_space<vmem>>
      %dma_start3A_252 = tpu.memref_squeeze %dma_start3A_251 : memref<1x80xi32, #tpu.memory_space<vmem>> -> memref<80xi32, #tpu.memory_space<vmem>>
      %dma_start3A_253 = arith.constant 0 : i32
      %dma_start3A_254 = arith.constant 0 : i32
      %dma_start3A_255 = tpu.memref_slice %arg2[%dma_start3A_253, %dma_start3A_254] : memref<10000x128xf32, #tpu.memory_space<hbm>> -> memref<10000x128xf32, #tpu.memory_space<hbm>>
      tpu.enqueue_indirect_dma source(%dma_start3A_255 : memref<10000x128xf32, #tpu.memory_space<hbm>>) target(%dma_start3A_249 : memref<80x128xf32, #tpu.memory_space<vmem>>) offsets(%dma_start3A_252 : memref<80xi32, #tpu.memory_space<vmem>>) semaphore(%arg11 : memref<!tpu.dma_semaphore, #tpu.memory_space<semaphore_mem>>)
      %dma_start3A_256 = arith.constant 5 : i32
      %dma_start3A_257 = arith.constant 1 : i32
      %dma_start3A_258 = arith.constant 0 : i32
      %dma_start3A_259 = arith.constant 0 : i32
      %dma_start3A_260 = tpu.memref_slice %arg10[%dma_start3A_257, %dma_start3A_258, %dma_start3A_259] : memref<4x80x128xf32, #tpu.memory_space<vmem>> -> memref<1x80x128xf32, #tpu.memory_space<vmem>>
      %dma_start3A_261 = tpu.memref_squeeze %dma_start3A_260 : memref<1x80x128xf32, #tpu.memory_space<vmem>> -> memref<80x128xf32, #tpu.memory_space<vmem>>
      %dma_start3A_262 = arith.constant 0 : i32
      %dma_start3A_263 = tpu.memref_slice %arg8[%dma_start3A_256, %dma_start3A_262] : memref<8x80xi32, #tpu.memory_space<vmem>> -> memref<1x80xi32, #tpu.memory_space<vmem>>
      %dma_start3A_264 = tpu.memref_squeeze %dma_start3A_263 : memref<1x80xi32, #tpu.memory_space<vmem>> -> memref<80xi32, #tpu.memory_space<vmem>>
      %dma_start3A_265 = arith.constant 0 : i32
      %dma_start3A_266 = arith.constant 0 : i32
      %dma_start3A_267 = tpu.memref_slice %arg2[%dma_start3A_265, %dma_start3A_266] : memref<10000x128xf32, #tpu.memory_space<hbm>> -> memref<10000x128xf32, #tpu.memory_space<hbm>>
      tpu.enqueue_indirect_dma source(%dma_start3A_267 : memref<10000x128xf32, #tpu.memory_space<hbm>>) target(%dma_start3A_261 : memref<80x128xf32, #tpu.memory_space<vmem>>) offsets(%dma_start3A_264 : memref<80xi32, #tpu.memory_space<vmem>>) semaphore(%arg11 : memref<!tpu.dma_semaphore, #tpu.memory_space<semaphore_mem>>)
      %add3A_268 = arith.constant 1 : i32
      %add3A_269 = arith.addi %scan3A_72, %add3A_268 : i32
      %gt3A_270 = arith.constant 0 : i32
      %gt3A_271 = arith.cmpi sgt, %add3A_269, %gt3A_270 : i32
      %convert_element_type3A_272 = arith.extui %gt3A_271 : i1 to i32
      %cond3A_273 = arith.constant 0 : i32
      %cond3A_274 = arith.cmpi ne, %convert_element_type3A_272, %cond3A_273 : i32
      scf.if %cond3A_274 {
        %dma_wait3A_395 = arith.constant 0 : i32
        %dma_wait3A_396 = arith.constant 0 : i32
        %dma_wait3A_397 = arith.constant 0 : i32
        %dma_wait3A_398 = tpu.memref_slice %arg10[%dma_wait3A_395, %dma_wait3A_396, %dma_wait3A_397] : memref<4x80x128xf32, #tpu.memory_space<vmem>> -> memref<1x80x128xf32, #tpu.memory_space<vmem>>
        %dma_wait3A_399 = tpu.memref_squeeze %dma_wait3A_398 : memref<1x80x128xf32, #tpu.memory_space<vmem>> -> memref<80x128xf32, #tpu.memory_space<vmem>>
        %dma_wait3A_400 = arith.constant 0 : i32
        %dma_wait3A_401 = arith.constant 0 : i32
        %dma_wait3A_402 = tpu.memref_slice %arg5[%dma_wait3A_400, %dma_wait3A_401] : memref<632x128xf32, #tpu.memory_space<hbm>> -> memref<80x128xf32, #tpu.memory_space<hbm>>
        %dma_wait3A_403 = arith.constant 0 : i32
        %dma_wait3A_404 = arith.constant 0 : i32
        %dma_wait3A_405 = tpu.memref_slice %arg10[%dma_wait3A_395, %dma_wait3A_403, %dma_wait3A_404] : memref<4x80x128xf32, #tpu.memory_space<vmem>> -> memref<1x80x128xf32, #tpu.memory_space<vmem>>
        %dma_wait3A_406 = tpu.memref_squeeze %dma_wait3A_405 : memref<1x80x128xf32, #tpu.memory_space<vmem>> -> memref<80x128xf32, #tpu.memory_space<vmem>>
        %dma_wait3A_407 = arith.constant 0 : i32
        %dma_wait3A_408 = arith.constant 0 : i32
        %dma_wait3A_409 = tpu.memref_slice %arg5[%dma_wait3A_407, %dma_wait3A_408] : memref<632x128xf32, #tpu.memory_space<hbm>> -> memref<80x128xf32, #tpu.memory_space<hbm>>
        tpu.wait_dma2 semaphore(%arg13 : memref<!tpu.dma_semaphore, #tpu.memory_space<semaphore_mem>>) src(%dma_wait3A_409 : memref<80x128xf32, #tpu.memory_space<hbm>>) dst(%dma_wait3A_406 : memref<80x128xf32, #tpu.memory_space<vmem>>)
        %dma_wait3A_410 = arith.constant 0 : i32
        %dma_wait3A_411 = arith.constant 0 : i32
        %dma_wait3A_412 = arith.constant 0 : i32
        %dma_wait3A_413 = tpu.memref_slice %arg10[%dma_wait3A_410, %dma_wait3A_411, %dma_wait3A_412] : memref<4x80x128xf32, #tpu.memory_space<vmem>> -> memref<1x80x128xf32, #tpu.memory_space<vmem>>
        %dma_wait3A_414 = tpu.memref_squeeze %dma_wait3A_413 : memref<1x80x128xf32, #tpu.memory_space<vmem>> -> memref<80x128xf32, #tpu.memory_space<vmem>>
        %dma_wait3A_415 = arith.constant 0 : i32
        %dma_wait3A_416 = arith.constant 0 : i32
        %dma_wait3A_417 = tpu.memref_slice %arg5[%dma_wait3A_415, %dma_wait3A_416] : memref<632x128xf32, #tpu.memory_space<hbm>> -> memref<80x128xf32, #tpu.memory_space<hbm>>
        %dma_wait3A_418 = arith.constant 0 : i32
        %dma_wait3A_419 = arith.constant 0 : i32
        %dma_wait3A_420 = tpu.memref_slice %arg10[%dma_wait3A_410, %dma_wait3A_418, %dma_wait3A_419] : memref<4x80x128xf32, #tpu.memory_space<vmem>> -> memref<1x80x128xf32, #tpu.memory_space<vmem>>
        %dma_wait3A_421 = tpu.memref_squeeze %dma_wait3A_420 : memref<1x80x128xf32, #tpu.memory_space<vmem>> -> memref<80x128xf32, #tpu.memory_space<vmem>>
        %dma_wait3A_422 = arith.constant 0 : i32
        %dma_wait3A_423 = arith.constant 0 : i32
        %dma_wait3A_424 = tpu.memref_slice %arg5[%dma_wait3A_422, %dma_wait3A_423] : memref<632x128xf32, #tpu.memory_space<hbm>> -> memref<80x128xf32, #tpu.memory_space<hbm>>
        tpu.wait_dma2 semaphore(%arg13 : memref<!tpu.dma_semaphore, #tpu.memory_space<semaphore_mem>>) src(%dma_wait3A_424 : memref<80x128xf32, #tpu.memory_space<hbm>>) dst(%dma_wait3A_421 : memref<80x128xf32, #tpu.memory_space<vmem>>)
      } else {
      }
      %dma_start3A_275 = arith.constant 6 : i32
      %dma_start3A_276 = arith.constant 2 : i32
      %dma_start3A_277 = arith.constant 0 : i32
      %dma_start3A_278 = arith.constant 0 : i32
      %dma_start3A_279 = tpu.memref_slice %arg10[%dma_start3A_276, %dma_start3A_277, %dma_start3A_278] : memref<4x80x128xf32, #tpu.memory_space<vmem>> -> memref<1x80x128xf32, #tpu.memory_space<vmem>>
      %dma_start3A_280 = tpu.memref_squeeze %dma_start3A_279 : memref<1x80x128xf32, #tpu.memory_space<vmem>> -> memref<80x128xf32, #tpu.memory_space<vmem>>
      %dma_start3A_281 = arith.constant 0 : i32
      %dma_start3A_282 = tpu.memref_slice %arg8[%dma_start3A_275, %dma_start3A_281] : memref<8x80xi32, #tpu.memory_space<vmem>> -> memref<1x80xi32, #tpu.memory_space<vmem>>
      %dma_start3A_283 = tpu.memref_squeeze %dma_start3A_282 : memref<1x80xi32, #tpu.memory_space<vmem>> -> memref<80xi32, #tpu.memory_space<vmem>>
      %dma_start3A_284 = arith.constant 0 : i32
      %dma_start3A_285 = arith.constant 0 : i32
      %dma_start3A_286 = tpu.memref_slice %arg2[%dma_start3A_284, %dma_start3A_285] : memref<10000x128xf32, #tpu.memory_space<hbm>> -> memref<10000x128xf32, #tpu.memory_space<hbm>>
      tpu.enqueue_indirect_dma source(%dma_start3A_286 : memref<10000x128xf32, #tpu.memory_space<hbm>>) target(%dma_start3A_280 : memref<80x128xf32, #tpu.memory_space<vmem>>) offsets(%dma_start3A_283 : memref<80xi32, #tpu.memory_space<vmem>>) semaphore(%arg11 : memref<!tpu.dma_semaphore, #tpu.memory_space<semaphore_mem>>)
      %dma_start3A_287 = arith.constant 7 : i32
      %dma_start3A_288 = arith.constant 3 : i32
      %dma_start3A_289 = arith.constant 0 : i32
      %dma_start3A_290 = arith.constant 0 : i32
      %dma_start3A_291 = tpu.memref_slice %arg10[%dma_start3A_288, %dma_start3A_289, %dma_start3A_290] : memref<4x80x128xf32, #tpu.memory_space<vmem>> -> memref<1x80x128xf32, #tpu.memory_space<vmem>>
      %dma_start3A_292 = tpu.memref_squeeze %dma_start3A_291 : memref<1x80x128xf32, #tpu.memory_space<vmem>> -> memref<80x128xf32, #tpu.memory_space<vmem>>
      %dma_start3A_293 = arith.constant 0 : i32
      %dma_start3A_294 = tpu.memref_slice %arg8[%dma_start3A_287, %dma_start3A_293] : memref<8x80xi32, #tpu.memory_space<vmem>> -> memref<1x80xi32, #tpu.memory_space<vmem>>
      %dma_start3A_295 = tpu.memref_squeeze %dma_start3A_294 : memref<1x80xi32, #tpu.memory_space<vmem>> -> memref<80xi32, #tpu.memory_space<vmem>>
      %dma_start3A_296 = arith.constant 0 : i32
      %dma_start3A_297 = arith.constant 0 : i32
      %dma_start3A_298 = tpu.memref_slice %arg2[%dma_start3A_296, %dma_start3A_297] : memref<10000x128xf32, #tpu.memory_space<hbm>> -> memref<10000x128xf32, #tpu.memory_space<hbm>>
      tpu.enqueue_indirect_dma source(%dma_start3A_298 : memref<10000x128xf32, #tpu.memory_space<hbm>>) target(%dma_start3A_292 : memref<80x128xf32, #tpu.memory_space<vmem>>) offsets(%dma_start3A_295 : memref<80xi32, #tpu.memory_space<vmem>>) semaphore(%arg11 : memref<!tpu.dma_semaphore, #tpu.memory_space<semaphore_mem>>)
      %dma_wait3A_299 = arith.constant 4 : i32
      %dma_wait3A_300 = arith.constant 0 : i32
      %dma_wait3A_301 = arith.constant 0 : i32
      %dma_wait3A_302 = arith.constant 0 : i32
      %dma_wait3A_303 = tpu.memref_slice %arg10[%dma_wait3A_300, %dma_wait3A_301, %dma_wait3A_302] : memref<4x80x128xf32, #tpu.memory_space<vmem>> -> memref<1x80x128xf32, #tpu.memory_space<vmem>>
      %dma_wait3A_304 = tpu.memref_squeeze %dma_wait3A_303 : memref<1x80x128xf32, #tpu.memory_space<vmem>> -> memref<80x128xf32, #tpu.memory_space<vmem>>
      %dma_wait3A_305 = arith.constant 0 : i32
      %dma_wait3A_306 = tpu.memref_slice %arg8[%dma_wait3A_299, %dma_wait3A_305] : memref<8x80xi32, #tpu.memory_space<vmem>> -> memref<1x80xi32, #tpu.memory_space<vmem>>
      %dma_wait3A_307 = tpu.memref_squeeze %dma_wait3A_306 : memref<1x80xi32, #tpu.memory_space<vmem>> -> memref<80xi32, #tpu.memory_space<vmem>>
      %dma_wait3A_308 = arith.constant 0 : i32
      %dma_wait3A_309 = arith.constant 0 : i32
      %dma_wait3A_310 = tpu.memref_slice %arg2[%dma_wait3A_308, %dma_wait3A_309] : memref<10000x128xf32, #tpu.memory_space<hbm>> -> memref<10000x128xf32, #tpu.memory_space<hbm>>
      tpu.wait_indirect_dma semaphore(%arg11 : memref<!tpu.dma_semaphore, #tpu.memory_space<semaphore_mem>>) src(%dma_wait3A_310 : memref<10000x128xf32, #tpu.memory_space<hbm>>) dst(%dma_wait3A_304 : memref<80x128xf32, #tpu.memory_space<vmem>>)
      %dma_start3A_311 = arith.constant 0 : i32
      %dma_start3A_312 = arith.constant 4 : i32
      %dma_start3A_313 = arith.constant 0 : i32
      %dma_start3A_314 = arith.constant 0 : i32
      %dma_start3A_315 = tpu.memref_slice %arg10[%dma_start3A_311, %dma_start3A_313, %dma_start3A_314] : memref<4x80x128xf32, #tpu.memory_space<vmem>> -> memref<1x80x128xf32, #tpu.memory_space<vmem>>
      %dma_start3A_316 = tpu.memref_squeeze %dma_start3A_315 : memref<1x80x128xf32, #tpu.memory_space<vmem>> -> memref<80x128xf32, #tpu.memory_space<vmem>>
      %dma_start3A_317 = arith.constant 0 : i32
      %dma_start3A_318 = tpu.memref_slice %arg9[%dma_start3A_312, %dma_start3A_317] : memref<8x80xi32, #tpu.memory_space<vmem>> -> memref<1x80xi32, #tpu.memory_space<vmem>>
      %dma_start3A_319 = tpu.memref_squeeze %dma_start3A_318 : memref<1x80xi32, #tpu.memory_space<vmem>> -> memref<80xi32, #tpu.memory_space<vmem>>
      %dma_start3A_320 = arith.constant 0 : i32
      %dma_start3A_321 = arith.constant 0 : i32
      %dma_start3A_322 = tpu.memref_slice %arg7[%dma_start3A_320, %dma_start3A_321] : memref<10112x128xf32, #tpu.memory_space<vmem_shared>> -> memref<10112x128xf32, #tpu.memory_space<vmem_shared>>
      tpu.enqueue_indirect_dma source(%dma_start3A_316 : memref<80x128xf32, #tpu.memory_space<vmem>>) target(%dma_start3A_322 : memref<10112x128xf32, #tpu.memory_space<vmem_shared>>) offsets(%dma_start3A_319 : memref<80xi32, #tpu.memory_space<vmem>>) semaphore(%arg12 : memref<!tpu.dma_semaphore, #tpu.memory_space<semaphore_mem>>) {add = true}
      %dma_wait3A_323 = arith.constant 5 : i32
      %dma_wait3A_324 = arith.constant 1 : i32
      %dma_wait3A_325 = arith.constant 0 : i32
      %dma_wait3A_326 = arith.constant 0 : i32
      %dma_wait3A_327 = tpu.memref_slice %arg10[%dma_wait3A_324, %dma_wait3A_325, %dma_wait3A_326] : memref<4x80x128xf32, #tpu.memory_space<vmem>> -> memref<1x80x128xf32, #tpu.memory_space<vmem>>
      %dma_wait3A_328 = tpu.memref_squeeze %dma_wait3A_327 : memref<1x80x128xf32, #tpu.memory_space<vmem>> -> memref<80x128xf32, #tpu.memory_space<vmem>>
      %dma_wait3A_329 = arith.constant 0 : i32
      %dma_wait3A_330 = tpu.memref_slice %arg8[%dma_wait3A_323, %dma_wait3A_329] : memref<8x80xi32, #tpu.memory_space<vmem>> -> memref<1x80xi32, #tpu.memory_space<vmem>>
      %dma_wait3A_331 = tpu.memref_squeeze %dma_wait3A_330 : memref<1x80xi32, #tpu.memory_space<vmem>> -> memref<80xi32, #tpu.memory_space<vmem>>
      %dma_wait3A_332 = arith.constant 0 : i32
      %dma_wait3A_333 = arith.constant 0 : i32
      %dma_wait3A_334 = tpu.memref_slice %arg2[%dma_wait3A_332, %dma_wait3A_333] : memref<10000x128xf32, #tpu.memory_space<hbm>> -> memref<10000x128xf32, #tpu.memory_space<hbm>>
      tpu.wait_indirect_dma semaphore(%arg11 : memref<!tpu.dma_semaphore, #tpu.memory_space<semaphore_mem>>) src(%dma_wait3A_334 : memref<10000x128xf32, #tpu.memory_space<hbm>>) dst(%dma_wait3A_328 : memref<80x128xf32, #tpu.memory_space<vmem>>)
      %dma_start3A_335 = arith.constant 1 : i32
      %dma_start3A_336 = arith.constant 5 : i32
      %dma_start3A_337 = arith.constant 0 : i32
      %dma_start3A_338 = arith.constant 0 : i32
      %dma_start3A_339 = tpu.memref_slice %arg10[%dma_start3A_335, %dma_start3A_337, %dma_start3A_338] : memref<4x80x128xf32, #tpu.memory_space<vmem>> -> memref<1x80x128xf32, #tpu.memory_space<vmem>>
      %dma_start3A_340 = tpu.memref_squeeze %dma_start3A_339 : memref<1x80x128xf32, #tpu.memory_space<vmem>> -> memref<80x128xf32, #tpu.memory_space<vmem>>
      %dma_start3A_341 = arith.constant 0 : i32
      %dma_start3A_342 = tpu.memref_slice %arg9[%dma_start3A_336, %dma_start3A_341] : memref<8x80xi32, #tpu.memory_space<vmem>> -> memref<1x80xi32, #tpu.memory_space<vmem>>
      %dma_start3A_343 = tpu.memref_squeeze %dma_start3A_342 : memref<1x80xi32, #tpu.memory_space<vmem>> -> memref<80xi32, #tpu.memory_space<vmem>>
      %dma_start3A_344 = arith.constant 0 : i32
      %dma_start3A_345 = arith.constant 0 : i32
      %dma_start3A_346 = tpu.memref_slice %arg7[%dma_start3A_344, %dma_start3A_345] : memref<10112x128xf32, #tpu.memory_space<vmem_shared>> -> memref<10112x128xf32, #tpu.memory_space<vmem_shared>>
      tpu.enqueue_indirect_dma source(%dma_start3A_340 : memref<80x128xf32, #tpu.memory_space<vmem>>) target(%dma_start3A_346 : memref<10112x128xf32, #tpu.memory_space<vmem_shared>>) offsets(%dma_start3A_343 : memref<80xi32, #tpu.memory_space<vmem>>) semaphore(%arg12 : memref<!tpu.dma_semaphore, #tpu.memory_space<semaphore_mem>>) {add = true}
      %dma_wait3A_347 = arith.constant 6 : i32
      %dma_wait3A_348 = arith.constant 2 : i32
      %dma_wait3A_349 = arith.constant 0 : i32
      %dma_wait3A_350 = arith.constant 0 : i32
      %dma_wait3A_351 = tpu.memref_slice %arg10[%dma_wait3A_348, %dma_wait3A_349, %dma_wait3A_350] : memref<4x80x128xf32, #tpu.memory_space<vmem>> -> memref<1x80x128xf32, #tpu.memory_space<vmem>>
      %dma_wait3A_352 = tpu.memref_squeeze %dma_wait3A_351 : memref<1x80x128xf32, #tpu.memory_space<vmem>> -> memref<80x128xf32, #tpu.memory_space<vmem>>
      %dma_wait3A_353 = arith.constant 0 : i32
      %dma_wait3A_354 = tpu.memref_slice %arg8[%dma_wait3A_347, %dma_wait3A_353] : memref<8x80xi32, #tpu.memory_space<vmem>> -> memref<1x80xi32, #tpu.memory_space<vmem>>
      %dma_wait3A_355 = tpu.memref_squeeze %dma_wait3A_354 : memref<1x80xi32, #tpu.memory_space<vmem>> -> memref<80xi32, #tpu.memory_space<vmem>>
      %dma_wait3A_356 = arith.constant 0 : i32
      %dma_wait3A_357 = arith.constant 0 : i32
      %dma_wait3A_358 = tpu.memref_slice %arg2[%dma_wait3A_356, %dma_wait3A_357] : memref<10000x128xf32, #tpu.memory_space<hbm>> -> memref<10000x128xf32, #tpu.memory_space<hbm>>
      tpu.wait_indirect_dma semaphore(%arg11 : memref<!tpu.dma_semaphore, #tpu.memory_space<semaphore_mem>>) src(%dma_wait3A_358 : memref<10000x128xf32, #tpu.memory_space<hbm>>) dst(%dma_wait3A_352 : memref<80x128xf32, #tpu.memory_space<vmem>>)
      %dma_start3A_359 = arith.constant 2 : i32
      %dma_start3A_360 = arith.constant 6 : i32
      %dma_start3A_361 = arith.constant 0 : i32
      %dma_start3A_362 = arith.constant 0 : i32
      %dma_start3A_363 = tpu.memref_slice %arg10[%dma_start3A_359, %dma_start3A_361, %dma_start3A_362] : memref<4x80x128xf32, #tpu.memory_space<vmem>> -> memref<1x80x128xf32, #tpu.memory_space<vmem>>
      %dma_start3A_364 = tpu.memref_squeeze %dma_start3A_363 : memref<1x80x128xf32, #tpu.memory_space<vmem>> -> memref<80x128xf32, #tpu.memory_space<vmem>>
      %dma_start3A_365 = arith.constant 0 : i32
      %dma_start3A_366 = tpu.memref_slice %arg9[%dma_start3A_360, %dma_start3A_365] : memref<8x80xi32, #tpu.memory_space<vmem>> -> memref<1x80xi32, #tpu.memory_space<vmem>>
      %dma_start3A_367 = tpu.memref_squeeze %dma_start3A_366 : memref<1x80xi32, #tpu.memory_space<vmem>> -> memref<80xi32, #tpu.memory_space<vmem>>
      %dma_start3A_368 = arith.constant 0 : i32
      %dma_start3A_369 = arith.constant 0 : i32
      %dma_start3A_370 = tpu.memref_slice %arg7[%dma_start3A_368, %dma_start3A_369] : memref<10112x128xf32, #tpu.memory_space<vmem_shared>> -> memref<10112x128xf32, #tpu.memory_space<vmem_shared>>
      tpu.enqueue_indirect_dma source(%dma_start3A_364 : memref<80x128xf32, #tpu.memory_space<vmem>>) target(%dma_start3A_370 : memref<10112x128xf32, #tpu.memory_space<vmem_shared>>) offsets(%dma_start3A_367 : memref<80xi32, #tpu.memory_space<vmem>>) semaphore(%arg13 : memref<!tpu.dma_semaphore, #tpu.memory_space<semaphore_mem>>) {add = true}
      %dma_wait3A_371 = arith.constant 7 : i32
      %dma_wait3A_372 = arith.constant 3 : i32
      %dma_wait3A_373 = arith.constant 0 : i32
      %dma_wait3A_374 = arith.constant 0 : i32
      %dma_wait3A_375 = tpu.memref_slice %arg10[%dma_wait3A_372, %dma_wait3A_373, %dma_wait3A_374] : memref<4x80x128xf32, #tpu.memory_space<vmem>> -> memref<1x80x128xf32, #tpu.memory_space<vmem>>
      %dma_wait3A_376 = tpu.memref_squeeze %dma_wait3A_375 : memref<1x80x128xf32, #tpu.memory_space<vmem>> -> memref<80x128xf32, #tpu.memory_space<vmem>>
      %dma_wait3A_377 = arith.constant 0 : i32
      %dma_wait3A_378 = tpu.memref_slice %arg8[%dma_wait3A_371, %dma_wait3A_377] : memref<8x80xi32, #tpu.memory_space<vmem>> -> memref<1x80xi32, #tpu.memory_space<vmem>>
      %dma_wait3A_379 = tpu.memref_squeeze %dma_wait3A_378 : memref<1x80xi32, #tpu.memory_space<vmem>> -> memref<80xi32, #tpu.memory_space<vmem>>
      %dma_wait3A_380 = arith.constant 0 : i32
      %dma_wait3A_381 = arith.constant 0 : i32
      %dma_wait3A_382 = tpu.memref_slice %arg2[%dma_wait3A_380, %dma_wait3A_381] : memref<10000x128xf32, #tpu.memory_space<hbm>> -> memref<10000x128xf32, #tpu.memory_space<hbm>>
      tpu.wait_indirect_dma semaphore(%arg11 : memref<!tpu.dma_semaphore, #tpu.memory_space<semaphore_mem>>) src(%dma_wait3A_382 : memref<10000x128xf32, #tpu.memory_space<hbm>>) dst(%dma_wait3A_376 : memref<80x128xf32, #tpu.memory_space<vmem>>)
      %dma_start3A_383 = arith.constant 3 : i32
      %dma_start3A_384 = arith.constant 7 : i32
      %dma_start3A_385 = arith.constant 0 : i32
      %dma_start3A_386 = arith.constant 0 : i32
      %dma_start3A_387 = tpu.memref_slice %arg10[%dma_start3A_383, %dma_start3A_385, %dma_start3A_386] : memref<4x80x128xf32, #tpu.memory_space<vmem>> -> memref<1x80x128xf32, #tpu.memory_space<vmem>>
      %dma_start3A_388 = tpu.memref_squeeze %dma_start3A_387 : memref<1x80x128xf32, #tpu.memory_space<vmem>> -> memref<80x128xf32, #tpu.memory_space<vmem>>
      %dma_start3A_389 = arith.constant 0 : i32
      %dma_start3A_390 = tpu.memref_slice %arg9[%dma_start3A_384, %dma_start3A_389] : memref<8x80xi32, #tpu.memory_space<vmem>> -> memref<1x80xi32, #tpu.memory_space<vmem>>
      %dma_start3A_391 = tpu.memref_squeeze %dma_start3A_390 : memref<1x80xi32, #tpu.memory_space<vmem>> -> memref<80xi32, #tpu.memory_space<vmem>>
      %dma_start3A_392 = arith.constant 0 : i32
      %dma_start3A_393 = arith.constant 0 : i32
      %dma_start3A_394 = tpu.memref_slice %arg7[%dma_start3A_392, %dma_start3A_393] : memref<10112x128xf32, #tpu.memory_space<vmem_shared>> -> memref<10112x128xf32, #tpu.memory_space<vmem_shared>>
      tpu.enqueue_indirect_dma source(%dma_start3A_388 : memref<80x128xf32, #tpu.memory_space<vmem>>) target(%dma_start3A_394 : memref<10112x128xf32, #tpu.memory_space<vmem_shared>>) offsets(%dma_start3A_391 : memref<80xi32, #tpu.memory_space<vmem>>) semaphore(%arg13 : memref<!tpu.dma_semaphore, #tpu.memory_space<semaphore_mem>>) {add = true}
    }
    %scan3A_7 = arith.constant 16 : i32
    %dma_wait3A = arith.constant 0 : i32
    %dma_wait3A_8 = arith.constant 0 : i32
    %dma_wait3A_9 = arith.constant 0 : i32
    %dma_wait3A_10 = tpu.memref_slice %arg10[%dma_wait3A, %dma_wait3A_8, %dma_wait3A_9] : memref<4x80x128xf32, #tpu.memory_space<vmem>> -> memref<1x80x128xf32, #tpu.memory_space<vmem>>
    %dma_wait3A_11 = tpu.memref_squeeze %dma_wait3A_10 : memref<1x80x128xf32, #tpu.memory_space<vmem>> -> memref<80x128xf32, #tpu.memory_space<vmem>>
    %dma_wait3A_12 = arith.constant 0 : i32
    %dma_wait3A_13 = arith.constant 0 : i32
    %dma_wait3A_14 = tpu.memref_slice %arg5[%dma_wait3A_12, %dma_wait3A_13] : memref<632x128xf32, #tpu.memory_space<hbm>> -> memref<80x128xf32, #tpu.memory_space<hbm>>
    %dma_wait3A_15 = arith.constant 0 : i32
    %dma_wait3A_16 = arith.constant 0 : i32
    %dma_wait3A_17 = tpu.memref_slice %arg10[%dma_wait3A, %dma_wait3A_15, %dma_wait3A_16] : memref<4x80x128xf32, #tpu.memory_space<vmem>> -> memref<1x80x128xf32, #tpu.memory_space<vmem>>
    %dma_wait3A_18 = tpu.memref_squeeze %dma_wait3A_17 : memref<1x80x128xf32, #tpu.memory_space<vmem>> -> memref<80x128xf32, #tpu.memory_space<vmem>>
    %dma_wait3A_19 = arith.constant 0 : i32
    %dma_wait3A_20 = arith.constant 0 : i32
    %dma_wait3A_21 = tpu.memref_slice %arg5[%dma_wait3A_19, %dma_wait3A_20] : memref<632x128xf32, #tpu.memory_space<hbm>> -> memref<80x128xf32, #tpu.memory_space<hbm>>
    tpu.wait_dma2 semaphore(%arg12 : memref<!tpu.dma_semaphore, #tpu.memory_space<semaphore_mem>>) src(%dma_wait3A_21 : memref<80x128xf32, #tpu.memory_space<hbm>>) dst(%dma_wait3A_18 : memref<80x128xf32, #tpu.memory_space<vmem>>)
    %dma_wait3A_22 = arith.constant 0 : i32
    %dma_wait3A_23 = arith.constant 0 : i32
    %dma_wait3A_24 = arith.constant 0 : i32
    %dma_wait3A_25 = tpu.memref_slice %arg10[%dma_wait3A_22, %dma_wait3A_23, %dma_wait3A_24] : memref<4x80x128xf32, #tpu.memory_space<vmem>> -> memref<1x80x128xf32, #tpu.memory_space<vmem>>
    %dma_wait3A_26 = tpu.memref_squeeze %dma_wait3A_25 : memref<1x80x128xf32, #tpu.memory_space<vmem>> -> memref<80x128xf32, #tpu.memory_space<vmem>>
    %dma_wait3A_27 = arith.constant 0 : i32
    %dma_wait3A_28 = arith.constant 0 : i32
    %dma_wait3A_29 = tpu.memref_slice %arg5[%dma_wait3A_27, %dma_wait3A_28] : memref<632x128xf32, #tpu.memory_space<hbm>> -> memref<80x128xf32, #tpu.memory_space<hbm>>
    %dma_wait3A_30 = arith.constant 0 : i32
    %dma_wait3A_31 = arith.constant 0 : i32
    %dma_wait3A_32 = tpu.memref_slice %arg10[%dma_wait3A_22, %dma_wait3A_30, %dma_wait3A_31] : memref<4x80x128xf32, #tpu.memory_space<vmem>> -> memref<1x80x128xf32, #tpu.memory_space<vmem>>
    %dma_wait3A_33 = tpu.memref_squeeze %dma_wait3A_32 : memref<1x80x128xf32, #tpu.memory_space<vmem>> -> memref<80x128xf32, #tpu.memory_space<vmem>>
    %dma_wait3A_34 = arith.constant 0 : i32
    %dma_wait3A_35 = arith.constant 0 : i32
    %dma_wait3A_36 = tpu.memref_slice %arg5[%dma_wait3A_34, %dma_wait3A_35] : memref<632x128xf32, #tpu.memory_space<hbm>> -> memref<80x128xf32, #tpu.memory_space<hbm>>
    tpu.wait_dma2 semaphore(%arg12 : memref<!tpu.dma_semaphore, #tpu.memory_space<semaphore_mem>>) src(%dma_wait3A_36 : memref<80x128xf32, #tpu.memory_space<hbm>>) dst(%dma_wait3A_33 : memref<80x128xf32, #tpu.memory_space<vmem>>)
    %dma_wait3A_37 = arith.constant 0 : i32
    %dma_wait3A_38 = arith.constant 0 : i32
    %dma_wait3A_39 = arith.constant 0 : i32
    %dma_wait3A_40 = tpu.memref_slice %arg10[%dma_wait3A_37, %dma_wait3A_38, %dma_wait3A_39] : memref<4x80x128xf32, #tpu.memory_space<vmem>> -> memref<1x80x128xf32, #tpu.memory_space<vmem>>
    %dma_wait3A_41 = tpu.memref_squeeze %dma_wait3A_40 : memref<1x80x128xf32, #tpu.memory_space<vmem>> -> memref<80x128xf32, #tpu.memory_space<vmem>>
    %dma_wait3A_42 = arith.constant 0 : i32
    %dma_wait3A_43 = arith.constant 0 : i32
    %dma_wait3A_44 = tpu.memref_slice %arg5[%dma_wait3A_42, %dma_wait3A_43] : memref<632x128xf32, #tpu.memory_space<hbm>> -> memref<80x128xf32, #tpu.memory_space<hbm>>
    %dma_wait3A_45 = arith.constant 0 : i32
    %dma_wait3A_46 = arith.constant 0 : i32
    %dma_wait3A_47 = tpu.memref_slice %arg10[%dma_wait3A_37, %dma_wait3A_45, %dma_wait3A_46] : memref<4x80x128xf32, #tpu.memory_space<vmem>> -> memref<1x80x128xf32, #tpu.memory_space<vmem>>
    %dma_wait3A_48 = tpu.memref_squeeze %dma_wait3A_47 : memref<1x80x128xf32, #tpu.memory_space<vmem>> -> memref<80x128xf32, #tpu.memory_space<vmem>>
    %dma_wait3A_49 = arith.constant 0 : i32
    %dma_wait3A_50 = arith.constant 0 : i32
    %dma_wait3A_51 = tpu.memref_slice %arg5[%dma_wait3A_49, %dma_wait3A_50] : memref<632x128xf32, #tpu.memory_space<hbm>> -> memref<80x128xf32, #tpu.memory_space<hbm>>
    tpu.wait_dma2 semaphore(%arg13 : memref<!tpu.dma_semaphore, #tpu.memory_space<semaphore_mem>>) src(%dma_wait3A_51 : memref<80x128xf32, #tpu.memory_space<hbm>>) dst(%dma_wait3A_48 : memref<80x128xf32, #tpu.memory_space<vmem>>)
    %dma_wait3A_52 = arith.constant 0 : i32
    %dma_wait3A_53 = arith.constant 0 : i32
    %dma_wait3A_54 = arith.constant 0 : i32
    %dma_wait3A_55 = tpu.memref_slice %arg10[%dma_wait3A_52, %dma_wait3A_53, %dma_wait3A_54] : memref<4x80x128xf32, #tpu.memory_space<vmem>> -> memref<1x80x128xf32, #tpu.memory_space<vmem>>
    %dma_wait3A_56 = tpu.memref_squeeze %dma_wait3A_55 : memref<1x80x128xf32, #tpu.memory_space<vmem>> -> memref<80x128xf32, #tpu.memory_space<vmem>>
    %dma_wait3A_57 = arith.constant 0 : i32
    %dma_wait3A_58 = arith.constant 0 : i32
    %dma_wait3A_59 = tpu.memref_slice %arg5[%dma_wait3A_57, %dma_wait3A_58] : memref<632x128xf32, #tpu.memory_space<hbm>> -> memref<80x128xf32, #tpu.memory_space<hbm>>
    %dma_wait3A_60 = arith.constant 0 : i32
    %dma_wait3A_61 = arith.constant 0 : i32
    %dma_wait3A_62 = tpu.memref_slice %arg10[%dma_wait3A_52, %dma_wait3A_60, %dma_wait3A_61] : memref<4x80x128xf32, #tpu.memory_space<vmem>> -> memref<1x80x128xf32, #tpu.memory_space<vmem>>
    %dma_wait3A_63 = tpu.memref_squeeze %dma_wait3A_62 : memref<1x80x128xf32, #tpu.memory_space<vmem>> -> memref<80x128xf32, #tpu.memory_space<vmem>>
    %dma_wait3A_64 = arith.constant 0 : i32
    %dma_wait3A_65 = arith.constant 0 : i32
    %dma_wait3A_66 = tpu.memref_slice %arg5[%dma_wait3A_64, %dma_wait3A_65] : memref<632x128xf32, #tpu.memory_space<hbm>> -> memref<80x128xf32, #tpu.memory_space<hbm>>
    tpu.wait_dma2 semaphore(%arg13 : memref<!tpu.dma_semaphore, #tpu.memory_space<semaphore_mem>>) src(%dma_wait3A_66 : memref<80x128xf32, #tpu.memory_space<hbm>>) dst(%dma_wait3A_63 : memref<80x128xf32, #tpu.memory_space<vmem>>)
    %barrier3A_67 = arith.constant 0 : index
    tpu.barrier barrier_id(%barrier3A_67)
    %mul3A_68 = arith.constant 632 : i32
    %mul3A_69 = arith.muli %arg1, %mul3A_68 : i32
    %mul3A_70 = arith.constant 632 : i32
    %mul3A_71 = arith.muli %arg1, %mul3A_70 : i32
    "tpu.region"() ({
      %run_scoped3A = tpu.sem_alloc : memref<!tpu.dma_semaphore, #tpu.memory_space<semaphore_mem>>
      %dma_start3A = arith.constant 0 : i32
      %dma_start3A_72 = tpu.memref_slice %arg6[%arg0, %mul3A_71, %dma_start3A] : memref<2x10112x128xf32, #tpu.memory_space<hbm>> -> memref<1x632x128xf32, #tpu.memory_space<hbm>>
      %dma_start3A_73 = tpu.memref_squeeze %dma_start3A_72 : memref<1x632x128xf32, #tpu.memory_space<hbm>> -> memref<632x128xf32, #tpu.memory_space<hbm>>
      %dma_start3A_74 = arith.constant 0 : i32
      %dma_start3A_75 = tpu.memref_slice %arg7[%mul3A_69, %dma_start3A_74] : memref<10112x128xf32, #tpu.memory_space<vmem_shared>> -> memref<632x128xf32, #tpu.memory_space<vmem_shared>>
      tpu.enqueue_dma source(%dma_start3A_75 : memref<632x128xf32, #tpu.memory_space<vmem_shared>>) target(%dma_start3A_73 : memref<632x128xf32, #tpu.memory_space<hbm>>) target_semaphore(%run_scoped3A : memref<!tpu.dma_semaphore, #tpu.memory_space<semaphore_mem>>)
      %dma_wait3A_76 = arith.constant 0 : i32
      %dma_wait3A_77 = tpu.memref_slice %arg6[%arg0, %mul3A_71, %dma_wait3A_76] : memref<2x10112x128xf32, #tpu.memory_space<hbm>> -> memref<1x632x128xf32, #tpu.memory_space<hbm>>
      %dma_wait3A_78 = tpu.memref_squeeze %dma_wait3A_77 : memref<1x632x128xf32, #tpu.memory_space<hbm>> -> memref<632x128xf32, #tpu.memory_space<hbm>>
      %dma_wait3A_79 = arith.constant 0 : i32
      %dma_wait3A_80 = tpu.memref_slice %arg7[%mul3A_69, %dma_wait3A_79] : memref<10112x128xf32, #tpu.memory_space<vmem_shared>> -> memref<632x128xf32, #tpu.memory_space<vmem_shared>>
      tpu.wait_dma2 semaphore(%run_scoped3A : memref<!tpu.dma_semaphore, #tpu.memory_space<semaphore_mem>>) src(%dma_wait3A_80 : memref<632x128xf32, #tpu.memory_space<vmem_shared>>) dst(%dma_wait3A_78 : memref<632x128xf32, #tpu.memory_space<hbm>>)
      tpu.yield
    }) : () -> ()
    return
  }
}

#map = affine_map<(d0, d1) -> (0, 0)>
#map1 = affine_map<(d0, d1) -> (0)>
module attributes {stable_mosaic.version = 14 : i64} {
  func.func @degk(%arg0: i32, %arg1: i32, %arg2: memref<4096x80xi32, #tpu.memory_space<hbm>>, %arg3: memref<632xf32, #tpu.memory_space<hbm>>, %arg4: memref<80xf32, #tpu.memory_space<hbm>>, %arg5: memref<20224xf32, #tpu.memory_space<hbm>>, %arg6: memref<10112xf32, #tpu.memory_space<vmem_shared>>, %arg7: memref<8x80xi32, #tpu.memory_space<vmem>>, %arg8: memref<80xf32, #tpu.memory_space<vmem>>, %arg9: memref<632xf32, #tpu.memory_space<vmem>>) attributes {dimension_semantics = [#tpu.dimension_semantics<core_parallel>, #tpu.dimension_semantics<subcore_parallel>], iteration_bounds = array<i64: 2, 16>, scalar_prefetch = 0 : i64, scratch_operands = 4 : i64, tpu.core_type = #tpu.core_type<sc_vector_subcore>, window_params = [{transform_indices = #map}, {transform_indices = #map1}, {transform_indices = #map1}, {transform_indices = #map1}]} {
    %mul3A = arith.constant 2 : i32
    %mul3A_0 = arith.muli %arg1, %mul3A : i32
    %add3A = arith.addi %mul3A_0, %arg0 : i32
    "tpu.region"() ({
      %run_scoped3A = tpu.sem_alloc : memref<!tpu.dma_semaphore, #tpu.memory_space<semaphore_mem>>
      tpu.enqueue_dma source(%arg3 : memref<632xf32, #tpu.memory_space<hbm>>) target(%arg9 : memref<632xf32, #tpu.memory_space<vmem>>) target_semaphore(%run_scoped3A : memref<!tpu.dma_semaphore, #tpu.memory_space<semaphore_mem>>)
      tpu.wait_dma2 semaphore(%run_scoped3A : memref<!tpu.dma_semaphore, #tpu.memory_space<semaphore_mem>>) src(%arg3 : memref<632xf32, #tpu.memory_space<hbm>>) dst(%arg9 : memref<632xf32, #tpu.memory_space<vmem>>)
      tpu.yield
    }) : () -> ()
    %mul3A_1 = arith.constant 632 : i32
    %mul3A_2 = arith.muli %arg1, %mul3A_1 : i32
    "tpu.region"() ({
      %run_scoped3A = tpu.sem_alloc : memref<!tpu.dma_semaphore, #tpu.memory_space<semaphore_mem>>
      %dma_start3A = tpu.memref_slice %arg6[%mul3A_2] : memref<10112xf32, #tpu.memory_space<vmem_shared>> -> memref<632xf32, #tpu.memory_space<vmem_shared>>
      %dma_start3A_16 = tpu.memref_slice %arg6[%mul3A_2] : memref<10112xf32, #tpu.memory_space<vmem_shared>> -> memref<632xf32, #tpu.memory_space<vmem_shared>>
      tpu.enqueue_dma source(%arg9 : memref<632xf32, #tpu.memory_space<vmem>>) target(%dma_start3A_16 : memref<632xf32, #tpu.memory_space<vmem_shared>>) target_semaphore(%run_scoped3A : memref<!tpu.dma_semaphore, #tpu.memory_space<semaphore_mem>>)
      %dma_wait3A = tpu.memref_slice %arg6[%mul3A_2] : memref<10112xf32, #tpu.memory_space<vmem_shared>> -> memref<632xf32, #tpu.memory_space<vmem_shared>>
      %dma_wait3A_17 = tpu.memref_slice %arg6[%mul3A_2] : memref<10112xf32, #tpu.memory_space<vmem_shared>> -> memref<632xf32, #tpu.memory_space<vmem_shared>>
      tpu.wait_dma2 semaphore(%run_scoped3A : memref<!tpu.dma_semaphore, #tpu.memory_space<semaphore_mem>>) src(%arg9 : memref<632xf32, #tpu.memory_space<vmem>>) dst(%dma_wait3A_17 : memref<632xf32, #tpu.memory_space<vmem_shared>>)
      tpu.yield
    }) : () -> ()
    "tpu.region"() ({
      %run_scoped3A = tpu.sem_alloc : memref<!tpu.dma_semaphore, #tpu.memory_space<semaphore_mem>>
      tpu.enqueue_dma source(%arg4 : memref<80xf32, #tpu.memory_space<hbm>>) target(%arg8 : memref<80xf32, #tpu.memory_space<vmem>>) target_semaphore(%run_scoped3A : memref<!tpu.dma_semaphore, #tpu.memory_space<semaphore_mem>>)
      tpu.wait_dma2 semaphore(%run_scoped3A : memref<!tpu.dma_semaphore, #tpu.memory_space<semaphore_mem>>) src(%arg4 : memref<80xf32, #tpu.memory_space<hbm>>) dst(%arg8 : memref<80xf32, #tpu.memory_space<vmem>>)
      tpu.yield
    }) : () -> ()
    %barrier3A = arith.constant 0 : index
    tpu.barrier barrier_id(%barrier3A)
    %scan3A = arith.constant 0 : i32
    %scan3A_3 = arith.constant 0 : i32
    %scan3A_4 = arith.constant 16 : i32
    %scan3A_5 = arith.addi %scan3A_3, %scan3A_4 : i32
    %scan3A_6 = arith.constant 1 : i32
    scf.for %scan3A_16 = %scan3A_3 to %scan3A_5 step %scan3A_6  : i32 {
      %mul3A_17 = arith.constant 128 : i32
      %mul3A_18 = arith.muli %add3A, %mul3A_17 : i32
      %mul3A_19 = arith.constant 8 : i32
      %mul3A_20 = arith.muli %scan3A_16, %mul3A_19 : i32
      %add3A_21 = arith.addi %mul3A_18, %mul3A_20 : i32
      "tpu.region"() ({
        %run_scoped3A_29 = tpu.sem_alloc : memref<!tpu.dma_semaphore, #tpu.memory_space<semaphore_mem>>
        %dma_start3A = arith.constant 0 : i32
        %dma_start3A_30 = tpu.memref_slice %arg2[%add3A_21, %dma_start3A] : memref<4096x80xi32, #tpu.memory_space<hbm>> -> memref<8x80xi32, #tpu.memory_space<hbm>>
        %dma_start3A_31 = arith.constant 0 : i32
        %dma_start3A_32 = tpu.memref_slice %arg2[%add3A_21, %dma_start3A_31] : memref<4096x80xi32, #tpu.memory_space<hbm>> -> memref<8x80xi32, #tpu.memory_space<hbm>>
        tpu.enqueue_dma source(%dma_start3A_32 : memref<8x80xi32, #tpu.memory_space<hbm>>) target(%arg7 : memref<8x80xi32, #tpu.memory_space<vmem>>) target_semaphore(%run_scoped3A_29 : memref<!tpu.dma_semaphore, #tpu.memory_space<semaphore_mem>>)
        %dma_wait3A = arith.constant 0 : i32
        %dma_wait3A_33 = tpu.memref_slice %arg2[%add3A_21, %dma_wait3A] : memref<4096x80xi32, #tpu.memory_space<hbm>> -> memref<8x80xi32, #tpu.memory_space<hbm>>
        %dma_wait3A_34 = arith.constant 0 : i32
        %dma_wait3A_35 = tpu.memref_slice %arg2[%add3A_21, %dma_wait3A_34] : memref<4096x80xi32, #tpu.memory_space<hbm>> -> memref<8x80xi32, #tpu.memory_space<hbm>>
        tpu.wait_dma2 semaphore(%run_scoped3A_29 : memref<!tpu.dma_semaphore, #tpu.memory_space<semaphore_mem>>) src(%dma_wait3A_35 : memref<8x80xi32, #tpu.memory_space<hbm>>) dst(%arg7 : memref<8x80xi32, #tpu.memory_space<vmem>>)
        tpu.yield
      }) : () -> ()
      %run_scoped3A = arith.constant 0 : i32
      "tpu.region"() ({
        %run_scoped3A_29 = tpu.sem_alloc : memref<!tpu.dma_semaphore, #tpu.memory_space<semaphore_mem>>
        %dma_start3A = arith.constant 0 : i32
        %dma_start3A_30 = tpu.memref_slice %arg7[%run_scoped3A, %dma_start3A] : memref<8x80xi32, #tpu.memory_space<vmem>> -> memref<1x80xi32, #tpu.memory_space<vmem>>
        %dma_start3A_31 = tpu.memref_squeeze %dma_start3A_30 : memref<1x80xi32, #tpu.memory_space<vmem>> -> memref<80xi32, #tpu.memory_space<vmem>>
        %dma_start3A_32 = arith.constant 0 : i32
        %dma_start3A_33 = tpu.memref_slice %arg6[%dma_start3A_32] : memref<10112xf32, #tpu.memory_space<vmem_shared>> -> memref<10112xf32, #tpu.memory_space<vmem_shared>>
        tpu.enqueue_indirect_dma source(%arg8 : memref<80xf32, #tpu.memory_space<vmem>>) target(%dma_start3A_33 : memref<10112xf32, #tpu.memory_space<vmem_shared>>) offsets(%dma_start3A_31 : memref<80xi32, #tpu.memory_space<vmem>>) semaphore(%run_scoped3A_29 : memref<!tpu.dma_semaphore, #tpu.memory_space<semaphore_mem>>) {add = true}
        %dma_wait3A = arith.constant 0 : i32
        %dma_wait3A_34 = tpu.memref_slice %arg7[%run_scoped3A, %dma_wait3A] : memref<8x80xi32, #tpu.memory_space<vmem>> -> memref<1x80xi32, #tpu.memory_space<vmem>>
        %dma_wait3A_35 = tpu.memref_squeeze %dma_wait3A_34 : memref<1x80xi32, #tpu.memory_space<vmem>> -> memref<80xi32, #tpu.memory_space<vmem>>
        %dma_wait3A_36 = arith.constant 0 : i32
        %dma_wait3A_37 = tpu.memref_slice %arg6[%dma_wait3A_36] : memref<10112xf32, #tpu.memory_space<vmem_shared>> -> memref<10112xf32, #tpu.memory_space<vmem_shared>>
        tpu.wait_indirect_dma semaphore(%run_scoped3A_29 : memref<!tpu.dma_semaphore, #tpu.memory_space<semaphore_mem>>) src(%arg8 : memref<80xf32, #tpu.memory_space<vmem>>) dst(%dma_wait3A_37 : memref<10112xf32, #tpu.memory_space<vmem_shared>>)
        tpu.yield
      }) : () -> ()
      %run_scoped3A_22 = arith.constant 1 : i32
      "tpu.region"() ({
        %run_scoped3A_29 = tpu.sem_alloc : memref<!tpu.dma_semaphore, #tpu.memory_space<semaphore_mem>>
        %dma_start3A = arith.constant 0 : i32
        %dma_start3A_30 = tpu.memref_slice %arg7[%run_scoped3A_22, %dma_start3A] : memref<8x80xi32, #tpu.memory_space<vmem>> -> memref<1x80xi32, #tpu.memory_space<vmem>>
        %dma_start3A_31 = tpu.memref_squeeze %dma_start3A_30 : memref<1x80xi32, #tpu.memory_space<vmem>> -> memref<80xi32, #tpu.memory_space<vmem>>
        %dma_start3A_32 = arith.constant 0 : i32
        %dma_start3A_33 = tpu.memref_slice %arg6[%dma_start3A_32] : memref<10112xf32, #tpu.memory_space<vmem_shared>> -> memref<10112xf32, #tpu.memory_space<vmem_shared>>
        tpu.enqueue_indirect_dma source(%arg8 : memref<80xf32, #tpu.memory_space<vmem>>) target(%dma_start3A_33 : memref<10112xf32, #tpu.memory_space<vmem_shared>>) offsets(%dma_start3A_31 : memref<80xi32, #tpu.memory_space<vmem>>) semaphore(%run_scoped3A_29 : memref<!tpu.dma_semaphore, #tpu.memory_space<semaphore_mem>>) {add = true}
        %dma_wait3A = arith.constant 0 : i32
        %dma_wait3A_34 = tpu.memref_slice %arg7[%run_scoped3A_22, %dma_wait3A] : memref<8x80xi32, #tpu.memory_space<vmem>> -> memref<1x80xi32, #tpu.memory_space<vmem>>
        %dma_wait3A_35 = tpu.memref_squeeze %dma_wait3A_34 : memref<1x80xi32, #tpu.memory_space<vmem>> -> memref<80xi32, #tpu.memory_space<vmem>>
        %dma_wait3A_36 = arith.constant 0 : i32
        %dma_wait3A_37 = tpu.memref_slice %arg6[%dma_wait3A_36] : memref<10112xf32, #tpu.memory_space<vmem_shared>> -> memref<10112xf32, #tpu.memory_space<vmem_shared>>
        tpu.wait_indirect_dma semaphore(%run_scoped3A_29 : memref<!tpu.dma_semaphore, #tpu.memory_space<semaphore_mem>>) src(%arg8 : memref<80xf32, #tpu.memory_space<vmem>>) dst(%dma_wait3A_37 : memref<10112xf32, #tpu.memory_space<vmem_shared>>)
        tpu.yield
      }) : () -> ()
      %run_scoped3A_23 = arith.constant 2 : i32
      "tpu.region"() ({
        %run_scoped3A_29 = tpu.sem_alloc : memref<!tpu.dma_semaphore, #tpu.memory_space<semaphore_mem>>
        %dma_start3A = arith.constant 0 : i32
        %dma_start3A_30 = tpu.memref_slice %arg7[%run_scoped3A_23, %dma_start3A] : memref<8x80xi32, #tpu.memory_space<vmem>> -> memref<1x80xi32, #tpu.memory_space<vmem>>
        %dma_start3A_31 = tpu.memref_squeeze %dma_start3A_30 : memref<1x80xi32, #tpu.memory_space<vmem>> -> memref<80xi32, #tpu.memory_space<vmem>>
        %dma_start3A_32 = arith.constant 0 : i32
        %dma_start3A_33 = tpu.memref_slice %arg6[%dma_start3A_32] : memref<10112xf32, #tpu.memory_space<vmem_shared>> -> memref<10112xf32, #tpu.memory_space<vmem_shared>>
        tpu.enqueue_indirect_dma source(%arg8 : memref<80xf32, #tpu.memory_space<vmem>>) target(%dma_start3A_33 : memref<10112xf32, #tpu.memory_space<vmem_shared>>) offsets(%dma_start3A_31 : memref<80xi32, #tpu.memory_space<vmem>>) semaphore(%run_scoped3A_29 : memref<!tpu.dma_semaphore, #tpu.memory_space<semaphore_mem>>) {add = true}
        %dma_wait3A = arith.constant 0 : i32
        %dma_wait3A_34 = tpu.memref_slice %arg7[%run_scoped3A_23, %dma_wait3A] : memref<8x80xi32, #tpu.memory_space<vmem>> -> memref<1x80xi32, #tpu.memory_space<vmem>>
        %dma_wait3A_35 = tpu.memref_squeeze %dma_wait3A_34 : memref<1x80xi32, #tpu.memory_space<vmem>> -> memref<80xi32, #tpu.memory_space<vmem>>
        %dma_wait3A_36 = arith.constant 0 : i32
        %dma_wait3A_37 = tpu.memref_slice %arg6[%dma_wait3A_36] : memref<10112xf32, #tpu.memory_space<vmem_shared>> -> memref<10112xf32, #tpu.memory_space<vmem_shared>>
        tpu.wait_indirect_dma semaphore(%run_scoped3A_29 : memref<!tpu.dma_semaphore, #tpu.memory_space<semaphore_mem>>) src(%arg8 : memref<80xf32, #tpu.memory_space<vmem>>) dst(%dma_wait3A_37 : memref<10112xf32, #tpu.memory_space<vmem_shared>>)
        tpu.yield
      }) : () -> ()
      %run_scoped3A_24 = arith.constant 3 : i32
      "tpu.region"() ({
        %run_scoped3A_29 = tpu.sem_alloc : memref<!tpu.dma_semaphore, #tpu.memory_space<semaphore_mem>>
        %dma_start3A = arith.constant 0 : i32
        %dma_start3A_30 = tpu.memref_slice %arg7[%run_scoped3A_24, %dma_start3A] : memref<8x80xi32, #tpu.memory_space<vmem>> -> memref<1x80xi32, #tpu.memory_space<vmem>>
        %dma_start3A_31 = tpu.memref_squeeze %dma_start3A_30 : memref<1x80xi32, #tpu.memory_space<vmem>> -> memref<80xi32, #tpu.memory_space<vmem>>
        %dma_start3A_32 = arith.constant 0 : i32
        %dma_start3A_33 = tpu.memref_slice %arg6[%dma_start3A_32] : memref<10112xf32, #tpu.memory_space<vmem_shared>> -> memref<10112xf32, #tpu.memory_space<vmem_shared>>
        tpu.enqueue_indirect_dma source(%arg8 : memref<80xf32, #tpu.memory_space<vmem>>) target(%dma_start3A_33 : memref<10112xf32, #tpu.memory_space<vmem_shared>>) offsets(%dma_start3A_31 : memref<80xi32, #tpu.memory_space<vmem>>) semaphore(%run_scoped3A_29 : memref<!tpu.dma_semaphore, #tpu.memory_space<semaphore_mem>>) {add = true}
        %dma_wait3A = arith.constant 0 : i32
        %dma_wait3A_34 = tpu.memref_slice %arg7[%run_scoped3A_24, %dma_wait3A] : memref<8x80xi32, #tpu.memory_space<vmem>> -> memref<1x80xi32, #tpu.memory_space<vmem>>
        %dma_wait3A_35 = tpu.memref_squeeze %dma_wait3A_34 : memref<1x80xi32, #tpu.memory_space<vmem>> -> memref<80xi32, #tpu.memory_space<vmem>>
        %dma_wait3A_36 = arith.constant 0 : i32
        %dma_wait3A_37 = tpu.memref_slice %arg6[%dma_wait3A_36] : memref<10112xf32, #tpu.memory_space<vmem_shared>> -> memref<10112xf32, #tpu.memory_space<vmem_shared>>
        tpu.wait_indirect_dma semaphore(%run_scoped3A_29 : memref<!tpu.dma_semaphore, #tpu.memory_space<semaphore_mem>>) src(%arg8 : memref<80xf32, #tpu.memory_space<vmem>>) dst(%dma_wait3A_37 : memref<10112xf32, #tpu.memory_space<vmem_shared>>)
        tpu.yield
      }) : () -> ()
      %run_scoped3A_25 = arith.constant 4 : i32
      "tpu.region"() ({
        %run_scoped3A_29 = tpu.sem_alloc : memref<!tpu.dma_semaphore, #tpu.memory_space<semaphore_mem>>
        %dma_start3A = arith.constant 0 : i32
        %dma_start3A_30 = tpu.memref_slice %arg7[%run_scoped3A_25, %dma_start3A] : memref<8x80xi32, #tpu.memory_space<vmem>> -> memref<1x80xi32, #tpu.memory_space<vmem>>
        %dma_start3A_31 = tpu.memref_squeeze %dma_start3A_30 : memref<1x80xi32, #tpu.memory_space<vmem>> -> memref<80xi32, #tpu.memory_space<vmem>>
        %dma_start3A_32 = arith.constant 0 : i32
        %dma_start3A_33 = tpu.memref_slice %arg6[%dma_start3A_32] : memref<10112xf32, #tpu.memory_space<vmem_shared>> -> memref<10112xf32, #tpu.memory_space<vmem_shared>>
        tpu.enqueue_indirect_dma source(%arg8 : memref<80xf32, #tpu.memory_space<vmem>>) target(%dma_start3A_33 : memref<10112xf32, #tpu.memory_space<vmem_shared>>) offsets(%dma_start3A_31 : memref<80xi32, #tpu.memory_space<vmem>>) semaphore(%run_scoped3A_29 : memref<!tpu.dma_semaphore, #tpu.memory_space<semaphore_mem>>) {add = true}
        %dma_wait3A = arith.constant 0 : i32
        %dma_wait3A_34 = tpu.memref_slice %arg7[%run_scoped3A_25, %dma_wait3A] : memref<8x80xi32, #tpu.memory_space<vmem>> -> memref<1x80xi32, #tpu.memory_space<vmem>>
        %dma_wait3A_35 = tpu.memref_squeeze %dma_wait3A_34 : memref<1x80xi32, #tpu.memory_space<vmem>> -> memref<80xi32, #tpu.memory_space<vmem>>
        %dma_wait3A_36 = arith.constant 0 : i32
        %dma_wait3A_37 = tpu.memref_slice %arg6[%dma_wait3A_36] : memref<10112xf32, #tpu.memory_space<vmem_shared>> -> memref<10112xf32, #tpu.memory_space<vmem_shared>>
        tpu.wait_indirect_dma semaphore(%run_scoped3A_29 : memref<!tpu.dma_semaphore, #tpu.memory_space<semaphore_mem>>) src(%arg8 : memref<80xf32, #tpu.memory_space<vmem>>) dst(%dma_wait3A_37 : memref<10112xf32, #tpu.memory_space<vmem_shared>>)
        tpu.yield
      }) : () -> ()
      %run_scoped3A_26 = arith.constant 5 : i32
      "tpu.region"() ({
        %run_scoped3A_29 = tpu.sem_alloc : memref<!tpu.dma_semaphore, #tpu.memory_space<semaphore_mem>>
        %dma_start3A = arith.constant 0 : i32
        %dma_start3A_30 = tpu.memref_slice %arg7[%run_scoped3A_26, %dma_start3A] : memref<8x80xi32, #tpu.memory_space<vmem>> -> memref<1x80xi32, #tpu.memory_space<vmem>>
        %dma_start3A_31 = tpu.memref_squeeze %dma_start3A_30 : memref<1x80xi32, #tpu.memory_space<vmem>> -> memref<80xi32, #tpu.memory_space<vmem>>
        %dma_start3A_32 = arith.constant 0 : i32
        %dma_start3A_33 = tpu.memref_slice %arg6[%dma_start3A_32] : memref<10112xf32, #tpu.memory_space<vmem_shared>> -> memref<10112xf32, #tpu.memory_space<vmem_shared>>
        tpu.enqueue_indirect_dma source(%arg8 : memref<80xf32, #tpu.memory_space<vmem>>) target(%dma_start3A_33 : memref<10112xf32, #tpu.memory_space<vmem_shared>>) offsets(%dma_start3A_31 : memref<80xi32, #tpu.memory_space<vmem>>) semaphore(%run_scoped3A_29 : memref<!tpu.dma_semaphore, #tpu.memory_space<semaphore_mem>>) {add = true}
        %dma_wait3A = arith.constant 0 : i32
        %dma_wait3A_34 = tpu.memref_slice %arg7[%run_scoped3A_26, %dma_wait3A] : memref<8x80xi32, #tpu.memory_space<vmem>> -> memref<1x80xi32, #tpu.memory_space<vmem>>
        %dma_wait3A_35 = tpu.memref_squeeze %dma_wait3A_34 : memref<1x80xi32, #tpu.memory_space<vmem>> -> memref<80xi32, #tpu.memory_space<vmem>>
        %dma_wait3A_36 = arith.constant 0 : i32
        %dma_wait3A_37 = tpu.memref_slice %arg6[%dma_wait3A_36] : memref<10112xf32, #tpu.memory_space<vmem_shared>> -> memref<10112xf32, #tpu.memory_space<vmem_shared>>
        tpu.wait_indirect_dma semaphore(%run_scoped3A_29 : memref<!tpu.dma_semaphore, #tpu.memory_space<semaphore_mem>>) src(%arg8 : memref<80xf32, #tpu.memory_space<vmem>>) dst(%dma_wait3A_37 : memref<10112xf32, #tpu.memory_space<vmem_shared>>)
        tpu.yield
      }) : () -> ()
      %run_scoped3A_27 = arith.constant 6 : i32
      "tpu.region"() ({
        %run_scoped3A_29 = tpu.sem_alloc : memref<!tpu.dma_semaphore, #tpu.memory_space<semaphore_mem>>
        %dma_start3A = arith.constant 0 : i32
        %dma_start3A_30 = tpu.memref_slice %arg7[%run_scoped3A_27, %dma_start3A] : memref<8x80xi32, #tpu.memory_space<vmem>> -> memref<1x80xi32, #tpu.memory_space<vmem>>
        %dma_start3A_31 = tpu.memref_squeeze %dma_start3A_30 : memref<1x80xi32, #tpu.memory_space<vmem>> -> memref<80xi32, #tpu.memory_space<vmem>>
        %dma_start3A_32 = arith.constant 0 : i32
        %dma_start3A_33 = tpu.memref_slice %arg6[%dma_start3A_32] : memref<10112xf32, #tpu.memory_space<vmem_shared>> -> memref<10112xf32, #tpu.memory_space<vmem_shared>>
        tpu.enqueue_indirect_dma source(%arg8 : memref<80xf32, #tpu.memory_space<vmem>>) target(%dma_start3A_33 : memref<10112xf32, #tpu.memory_space<vmem_shared>>) offsets(%dma_start3A_31 : memref<80xi32, #tpu.memory_space<vmem>>) semaphore(%run_scoped3A_29 : memref<!tpu.dma_semaphore, #tpu.memory_space<semaphore_mem>>) {add = true}
        %dma_wait3A = arith.constant 0 : i32
        %dma_wait3A_34 = tpu.memref_slice %arg7[%run_scoped3A_27, %dma_wait3A] : memref<8x80xi32, #tpu.memory_space<vmem>> -> memref<1x80xi32, #tpu.memory_space<vmem>>
        %dma_wait3A_35 = tpu.memref_squeeze %dma_wait3A_34 : memref<1x80xi32, #tpu.memory_space<vmem>> -> memref<80xi32, #tpu.memory_space<vmem>>
        %dma_wait3A_36 = arith.constant 0 : i32
        %dma_wait3A_37 = tpu.memref_slice %arg6[%dma_wait3A_36] : memref<10112xf32, #tpu.memory_space<vmem_shared>> -> memref<10112xf32, #tpu.memory_space<vmem_shared>>
        tpu.wait_indirect_dma semaphore(%run_scoped3A_29 : memref<!tpu.dma_semaphore, #tpu.memory_space<semaphore_mem>>) src(%arg8 : memref<80xf32, #tpu.memory_space<vmem>>) dst(%dma_wait3A_37 : memref<10112xf32, #tpu.memory_space<vmem_shared>>)
        tpu.yield
      }) : () -> ()
      %run_scoped3A_28 = arith.constant 7 : i32
      "tpu.region"() ({
        %run_scoped3A_29 = tpu.sem_alloc : memref<!tpu.dma_semaphore, #tpu.memory_space<semaphore_mem>>
        %dma_start3A = arith.constant 0 : i32
        %dma_start3A_30 = tpu.memref_slice %arg7[%run_scoped3A_28, %dma_start3A] : memref<8x80xi32, #tpu.memory_space<vmem>> -> memref<1x80xi32, #tpu.memory_space<vmem>>
        %dma_start3A_31 = tpu.memref_squeeze %dma_start3A_30 : memref<1x80xi32, #tpu.memory_space<vmem>> -> memref<80xi32, #tpu.memory_space<vmem>>
        %dma_start3A_32 = arith.constant 0 : i32
        %dma_start3A_33 = tpu.memref_slice %arg6[%dma_start3A_32] : memref<10112xf32, #tpu.memory_space<vmem_shared>> -> memref<10112xf32, #tpu.memory_space<vmem_shared>>
        tpu.enqueue_indirect_dma source(%arg8 : memref<80xf32, #tpu.memory_space<vmem>>) target(%dma_start3A_33 : memref<10112xf32, #tpu.memory_space<vmem_shared>>) offsets(%dma_start3A_31 : memref<80xi32, #tpu.memory_space<vmem>>) semaphore(%run_scoped3A_29 : memref<!tpu.dma_semaphore, #tpu.memory_space<semaphore_mem>>) {add = true}
        %dma_wait3A = arith.constant 0 : i32
        %dma_wait3A_34 = tpu.memref_slice %arg7[%run_scoped3A_28, %dma_wait3A] : memref<8x80xi32, #tpu.memory_space<vmem>> -> memref<1x80xi32, #tpu.memory_space<vmem>>
        %dma_wait3A_35 = tpu.memref_squeeze %dma_wait3A_34 : memref<1x80xi32, #tpu.memory_space<vmem>> -> memref<80xi32, #tpu.memory_space<vmem>>
        %dma_wait3A_36 = arith.constant 0 : i32
        %dma_wait3A_37 = tpu.memref_slice %arg6[%dma_wait3A_36] : memref<10112xf32, #tpu.memory_space<vmem_shared>> -> memref<10112xf32, #tpu.memory_space<vmem_shared>>
        tpu.wait_indirect_dma semaphore(%run_scoped3A_29 : memref<!tpu.dma_semaphore, #tpu.memory_space<semaphore_mem>>) src(%arg8 : memref<80xf32, #tpu.memory_space<vmem>>) dst(%dma_wait3A_37 : memref<10112xf32, #tpu.memory_space<vmem_shared>>)
        tpu.yield
      }) : () -> ()
    }
    %scan3A_7 = arith.constant 16 : i32
    %barrier3A_8 = arith.constant 0 : index
    tpu.barrier barrier_id(%barrier3A_8)
    %mul3A_9 = arith.constant 632 : i32
    %mul3A_10 = arith.muli %arg1, %mul3A_9 : i32
    "tpu.region"() ({
      %run_scoped3A = tpu.sem_alloc : memref<!tpu.dma_semaphore, #tpu.memory_space<semaphore_mem>>
      %dma_start3A = tpu.memref_slice %arg6[%mul3A_10] : memref<10112xf32, #tpu.memory_space<vmem_shared>> -> memref<632xf32, #tpu.memory_space<vmem_shared>>
      %dma_start3A_16 = tpu.memref_slice %arg6[%mul3A_10] : memref<10112xf32, #tpu.memory_space<vmem_shared>> -> memref<632xf32, #tpu.memory_space<vmem_shared>>
      tpu.enqueue_dma source(%dma_start3A_16 : memref<632xf32, #tpu.memory_space<vmem_shared>>) target(%arg9 : memref<632xf32, #tpu.memory_space<vmem>>) target_semaphore(%run_scoped3A : memref<!tpu.dma_semaphore, #tpu.memory_space<semaphore_mem>>)
      %dma_wait3A = tpu.memref_slice %arg6[%mul3A_10] : memref<10112xf32, #tpu.memory_space<vmem_shared>> -> memref<632xf32, #tpu.memory_space<vmem_shared>>
      %dma_wait3A_17 = tpu.memref_slice %arg6[%mul3A_10] : memref<10112xf32, #tpu.memory_space<vmem_shared>> -> memref<632xf32, #tpu.memory_space<vmem_shared>>
      tpu.wait_dma2 semaphore(%run_scoped3A : memref<!tpu.dma_semaphore, #tpu.memory_space<semaphore_mem>>) src(%dma_wait3A_17 : memref<632xf32, #tpu.memory_space<vmem_shared>>) dst(%arg9 : memref<632xf32, #tpu.memory_space<vmem>>)
      tpu.yield
    }) : () -> ()
    %mul3A_11 = arith.constant 10112 : i32
    %mul3A_12 = arith.muli %arg0, %mul3A_11 : i32
    %mul3A_13 = arith.constant 632 : i32
    %mul3A_14 = arith.muli %arg1, %mul3A_13 : i32
    %add3A_15 = arith.addi %mul3A_12, %mul3A_14 : i32
    "tpu.region"() ({
      %run_scoped3A = tpu.sem_alloc : memref<!tpu.dma_semaphore, #tpu.memory_space<semaphore_mem>>
      %dma_start3A = tpu.memref_slice %arg5[%add3A_15] : memref<20224xf32, #tpu.memory_space<hbm>> -> memref<632xf32, #tpu.memory_space<hbm>>
      %dma_start3A_16 = tpu.memref_slice %arg5[%add3A_15] : memref<20224xf32, #tpu.memory_space<hbm>> -> memref<632xf32, #tpu.memory_space<hbm>>
      tpu.enqueue_dma source(%arg9 : memref<632xf32, #tpu.memory_space<vmem>>) target(%dma_start3A_16 : memref<632xf32, #tpu.memory_space<hbm>>) target_semaphore(%run_scoped3A : memref<!tpu.dma_semaphore, #tpu.memory_space<semaphore_mem>>)
      %dma_wait3A = tpu.memref_slice %arg5[%add3A_15] : memref<20224xf32, #tpu.memory_space<hbm>> -> memref<632xf32, #tpu.memory_space<hbm>>
      %dma_wait3A_17 = tpu.memref_slice %arg5[%add3A_15] : memref<20224xf32, #tpu.memory_space<hbm>> -> memref<632xf32, #tpu.memory_space<hbm>>
      tpu.wait_dma2 semaphore(%run_scoped3A : memref<!tpu.dma_semaphore, #tpu.memory_space<semaphore_mem>>) src(%arg9 : memref<632xf32, #tpu.memory_space<vmem>>) dst(%dma_wait3A_17 : memref<632xf32, #tpu.memory_space<hbm>>)
      tpu.yield
    }) : () -> ()
    return
  }
}

#map = affine_map<(d0, d1) -> (0, 0)>
#map1 = affine_map<(d0, d1) -> (0, 0, 0)>
module attributes {stable_mosaic.version = 14 : i64} {
  func.func @agg(%arg0: i32, %arg1: i32, %arg2: memref<10000x128xf32, #tpu.memory_space<hbm>>, %arg3: memref<4096x80xi32, #tpu.memory_space<hbm>>, %arg4: memref<4096x80xi32, #tpu.memory_space<hbm>>, %arg5: memref<632x128xf32, #tpu.memory_space<hbm>>, %arg6: memref<2x10112x128xf32, #tpu.memory_space<hbm>>, %arg7: memref<10112x128xf32, #tpu.memory_space<vmem_shared>>, %arg8: memref<8x80xi32, #tpu.memory_space<vmem>>, %arg9: memref<8x80xi32, #tpu.memory_space<vmem>>, %arg10: memref<4x80x128xf32, #tpu.memory_space<vmem>>, %arg11: memref<!tpu.dma_semaphore, #tpu.memory_space<semaphore_mem>>, %arg12: memref<!tpu.dma_semaphore, #tpu.memory_space<semaphore_mem>>, %arg13: memref<!tpu.dma_semaphore, #tpu.memory_space<semaphore_mem>>) attributes {dimension_semantics = [#tpu.dimension_semantics<core_parallel>, #tpu.dimension_semantics<subcore_parallel>], iteration_bounds = array<i64: 2, 16>, scalar_prefetch = 0 : i64, scratch_operands = 7 : i64, tpu.core_type = #tpu.core_type<sc_vector_subcore>, window_params = [{transform_indices = #map}, {transform_indices = #map}, {transform_indices = #map}, {transform_indices = #map}, {transform_indices = #map1}]} {
    %mul3A = arith.constant 2 : i32
    %mul3A_0 = arith.muli %arg1, %mul3A : i32
    %add3A = arith.addi %mul3A_0, %arg0 : i32
    %mul3A_1 = arith.constant 632 : i32
    %mul3A_2 = arith.muli %arg1, %mul3A_1 : i32
    "tpu.region"() ({
      %run_scoped3A = tpu.sem_alloc : memref<!tpu.dma_semaphore, #tpu.memory_space<semaphore_mem>>
      %dma_start3A = arith.constant 0 : i32
      %dma_start3A_72 = tpu.memref_slice %arg7[%mul3A_2, %dma_start3A] : memref<10112x128xf32, #tpu.memory_space<vmem_shared>> -> memref<632x128xf32, #tpu.memory_space<vmem_shared>>
      tpu.enqueue_dma source(%arg5 : memref<632x128xf32, #tpu.memory_space<hbm>>) target(%dma_start3A_72 : memref<632x128xf32, #tpu.memory_space<vmem_shared>>) target_semaphore(%run_scoped3A : memref<!tpu.dma_semaphore, #tpu.memory_space<semaphore_mem>>)
      %dma_wait3A_73 = arith.constant 0 : i32
      %dma_wait3A_74 = tpu.memref_slice %arg7[%mul3A_2, %dma_wait3A_73] : memref<10112x128xf32, #tpu.memory_space<vmem_shared>> -> memref<632x128xf32, #tpu.memory_space<vmem_shared>>
      tpu.wait_dma2 semaphore(%run_scoped3A : memref<!tpu.dma_semaphore, #tpu.memory_space<semaphore_mem>>) src(%arg5 : memref<632x128xf32, #tpu.memory_space<hbm>>) dst(%dma_wait3A_74 : memref<632x128xf32, #tpu.memory_space<vmem_shared>>)
      tpu.yield
    }) : () -> ()
    %barrier3A = arith.constant 0 : index
    tpu.barrier barrier_id(%barrier3A)
    %scan3A = arith.constant 0 : i32
    %scan3A_3 = arith.constant 0 : i32
    %scan3A_4 = arith.constant 16 : i32
    %scan3A_5 = arith.addi %scan3A_3, %scan3A_4 : i32
    %scan3A_6 = arith.constant 1 : i32
    scf.for %scan3A_72 = %scan3A_3 to %scan3A_5 step %scan3A_6  : i32 {
      %mul3A_73 = arith.constant 128 : i32
      %mul3A_74 = arith.muli %add3A, %mul3A_73 : i32
      %mul3A_75 = arith.constant 8 : i32
      %mul3A_76 = arith.muli %scan3A_72, %mul3A_75 : i32
      %add3A_77 = arith.addi %mul3A_74, %mul3A_76 : i32
      "tpu.region"() ({
        %run_scoped3A = tpu.sem_alloc : memref<!tpu.dma_semaphore, #tpu.memory_space<semaphore_mem>>
        %dma_start3A_395 = arith.constant 0 : i32
        %dma_start3A_396 = tpu.memref_slice %arg3[%add3A_77, %dma_start3A_395] : memref<4096x80xi32, #tpu.memory_space<hbm>> -> memref<8x80xi32, #tpu.memory_space<hbm>>
        %dma_start3A_397 = arith.constant 0 : i32
        %dma_start3A_398 = tpu.memref_slice %arg3[%add3A_77, %dma_start3A_397] : memref<4096x80xi32, #tpu.memory_space<hbm>> -> memref<8x80xi32, #tpu.memory_space<hbm>>
        tpu.enqueue_dma source(%dma_start3A_398 : memref<8x80xi32, #tpu.memory_space<hbm>>) target(%arg8 : memref<8x80xi32, #tpu.memory_space<vmem>>) target_semaphore(%run_scoped3A : memref<!tpu.dma_semaphore, #tpu.memory_space<semaphore_mem>>)
        %dma_wait3A_399 = arith.constant 0 : i32
        %dma_wait3A_400 = tpu.memref_slice %arg3[%add3A_77, %dma_wait3A_399] : memref<4096x80xi32, #tpu.memory_space<hbm>> -> memref<8x80xi32, #tpu.memory_space<hbm>>
        %dma_wait3A_401 = arith.constant 0 : i32
        %dma_wait3A_402 = tpu.memref_slice %arg3[%add3A_77, %dma_wait3A_401] : memref<4096x80xi32, #tpu.memory_space<hbm>> -> memref<8x80xi32, #tpu.memory_space<hbm>>
        tpu.wait_dma2 semaphore(%run_scoped3A : memref<!tpu.dma_semaphore, #tpu.memory_space<semaphore_mem>>) src(%dma_wait3A_402 : memref<8x80xi32, #tpu.memory_space<hbm>>) dst(%arg8 : memref<8x80xi32, #tpu.memory_space<vmem>>)
        tpu.yield
      }) : () -> ()
      %mul3A_78 = arith.constant 128 : i32
      %mul3A_79 = arith.muli %add3A, %mul3A_78 : i32
      %mul3A_80 = arith.constant 8 : i32
      %mul3A_81 = arith.muli %scan3A_72, %mul3A_80 : i32
      %add3A_82 = arith.addi %mul3A_79, %mul3A_81 : i32
      "tpu.region"() ({
        %run_scoped3A = tpu.sem_alloc : memref<!tpu.dma_semaphore, #tpu.memory_space<semaphore_mem>>
        %dma_start3A_395 = arith.constant 0 : i32
        %dma_start3A_396 = tpu.memref_slice %arg4[%add3A_82, %dma_start3A_395] : memref<4096x80xi32, #tpu.memory_space<hbm>> -> memref<8x80xi32, #tpu.memory_space<hbm>>
        %dma_start3A_397 = arith.constant 0 : i32
        %dma_start3A_398 = tpu.memref_slice %arg4[%add3A_82, %dma_start3A_397] : memref<4096x80xi32, #tpu.memory_space<hbm>> -> memref<8x80xi32, #tpu.memory_space<hbm>>
        tpu.enqueue_dma source(%dma_start3A_398 : memref<8x80xi32, #tpu.memory_space<hbm>>) target(%arg9 : memref<8x80xi32, #tpu.memory_space<vmem>>) target_semaphore(%run_scoped3A : memref<!tpu.dma_semaphore, #tpu.memory_space<semaphore_mem>>)
        %dma_wait3A_399 = arith.constant 0 : i32
        %dma_wait3A_400 = tpu.memref_slice %arg4[%add3A_82, %dma_wait3A_399] : memref<4096x80xi32, #tpu.memory_space<hbm>> -> memref<8x80xi32, #tpu.memory_space<hbm>>
        %dma_wait3A_401 = arith.constant 0 : i32
        %dma_wait3A_402 = tpu.memref_slice %arg4[%add3A_82, %dma_wait3A_401] : memref<4096x80xi32, #tpu.memory_space<hbm>> -> memref<8x80xi32, #tpu.memory_space<hbm>>
        tpu.wait_dma2 semaphore(%run_scoped3A : memref<!tpu.dma_semaphore, #tpu.memory_space<semaphore_mem>>) src(%dma_wait3A_402 : memref<8x80xi32, #tpu.memory_space<hbm>>) dst(%arg9 : memref<8x80xi32, #tpu.memory_space<vmem>>)
        tpu.yield
      }) : () -> ()
      %add3A_83 = arith.constant 0 : i32
      %add3A_84 = arith.addi %scan3A_72, %add3A_83 : i32
      %gt3A = arith.constant 0 : i32
      %gt3A_85 = arith.cmpi sgt, %add3A_84, %gt3A : i32
      %convert_element_type3A = arith.extui %gt3A_85 : i1 to i32
      %cond3A = arith.constant 0 : i32
      %cond3A_86 = arith.cmpi ne, %convert_element_type3A, %cond3A : i32
      scf.if %cond3A_86 {
        %dma_wait3A_395 = arith.constant 0 : i32
        %dma_wait3A_396 = arith.constant 0 : i32
        %dma_wait3A_397 = arith.constant 0 : i32
        %dma_wait3A_398 = tpu.memref_slice %arg10[%dma_wait3A_395, %dma_wait3A_396, %dma_wait3A_397] : memref<4x80x128xf32, #tpu.memory_space<vmem>> -> memref<1x80x128xf32, #tpu.memory_space<vmem>>
        %dma_wait3A_399 = tpu.memref_squeeze %dma_wait3A_398 : memref<1x80x128xf32, #tpu.memory_space<vmem>> -> memref<80x128xf32, #tpu.memory_space<vmem>>
        %dma_wait3A_400 = arith.constant 0 : i32
        %dma_wait3A_401 = arith.constant 0 : i32
        %dma_wait3A_402 = tpu.memref_slice %arg5[%dma_wait3A_400, %dma_wait3A_401] : memref<632x128xf32, #tpu.memory_space<hbm>> -> memref<80x128xf32, #tpu.memory_space<hbm>>
        %dma_wait3A_403 = arith.constant 0 : i32
        %dma_wait3A_404 = arith.constant 0 : i32
        %dma_wait3A_405 = tpu.memref_slice %arg10[%dma_wait3A_395, %dma_wait3A_403, %dma_wait3A_404] : memref<4x80x128xf32, #tpu.memory_space<vmem>> -> memref<1x80x128xf32, #tpu.memory_space<vmem>>
        %dma_wait3A_406 = tpu.memref_squeeze %dma_wait3A_405 : memref<1x80x128xf32, #tpu.memory_space<vmem>> -> memref<80x128xf32, #tpu.memory_space<vmem>>
        %dma_wait3A_407 = arith.constant 0 : i32
        %dma_wait3A_408 = arith.constant 0 : i32
        %dma_wait3A_409 = tpu.memref_slice %arg5[%dma_wait3A_407, %dma_wait3A_408] : memref<632x128xf32, #tpu.memory_space<hbm>> -> memref<80x128xf32, #tpu.memory_space<hbm>>
        tpu.wait_dma2 semaphore(%arg12 : memref<!tpu.dma_semaphore, #tpu.memory_space<semaphore_mem>>) src(%dma_wait3A_409 : memref<80x128xf32, #tpu.memory_space<hbm>>) dst(%dma_wait3A_406 : memref<80x128xf32, #tpu.memory_space<vmem>>)
        %dma_wait3A_410 = arith.constant 0 : i32
        %dma_wait3A_411 = arith.constant 0 : i32
        %dma_wait3A_412 = arith.constant 0 : i32
        %dma_wait3A_413 = tpu.memref_slice %arg10[%dma_wait3A_410, %dma_wait3A_411, %dma_wait3A_412] : memref<4x80x128xf32, #tpu.memory_space<vmem>> -> memref<1x80x128xf32, #tpu.memory_space<vmem>>
        %dma_wait3A_414 = tpu.memref_squeeze %dma_wait3A_413 : memref<1x80x128xf32, #tpu.memory_space<vmem>> -> memref<80x128xf32, #tpu.memory_space<vmem>>
        %dma_wait3A_415 = arith.constant 0 : i32
        %dma_wait3A_416 = arith.constant 0 : i32
        %dma_wait3A_417 = tpu.memref_slice %arg5[%dma_wait3A_415, %dma_wait3A_416] : memref<632x128xf32, #tpu.memory_space<hbm>> -> memref<80x128xf32, #tpu.memory_space<hbm>>
        %dma_wait3A_418 = arith.constant 0 : i32
        %dma_wait3A_419 = arith.constant 0 : i32
        %dma_wait3A_420 = tpu.memref_slice %arg10[%dma_wait3A_410, %dma_wait3A_418, %dma_wait3A_419] : memref<4x80x128xf32, #tpu.memory_space<vmem>> -> memref<1x80x128xf32, #tpu.memory_space<vmem>>
        %dma_wait3A_421 = tpu.memref_squeeze %dma_wait3A_420 : memref<1x80x128xf32, #tpu.memory_space<vmem>> -> memref<80x128xf32, #tpu.memory_space<vmem>>
        %dma_wait3A_422 = arith.constant 0 : i32
        %dma_wait3A_423 = arith.constant 0 : i32
        %dma_wait3A_424 = tpu.memref_slice %arg5[%dma_wait3A_422, %dma_wait3A_423] : memref<632x128xf32, #tpu.memory_space<hbm>> -> memref<80x128xf32, #tpu.memory_space<hbm>>
        tpu.wait_dma2 semaphore(%arg12 : memref<!tpu.dma_semaphore, #tpu.memory_space<semaphore_mem>>) src(%dma_wait3A_424 : memref<80x128xf32, #tpu.memory_space<hbm>>) dst(%dma_wait3A_421 : memref<80x128xf32, #tpu.memory_space<vmem>>)
      } else {
      }
      %dma_start3A = arith.constant 0 : i32
      %dma_start3A_87 = arith.constant 0 : i32
      %dma_start3A_88 = arith.constant 0 : i32
      %dma_start3A_89 = arith.constant 0 : i32
      %dma_start3A_90 = tpu.memref_slice %arg10[%dma_start3A_87, %dma_start3A_88, %dma_start3A_89] : memref<4x80x128xf32, #tpu.memory_space<vmem>> -> memref<1x80x128xf32, #tpu.memory_space<vmem>>
      %dma_start3A_91 = tpu.memref_squeeze %dma_start3A_90 : memref<1x80x128xf32, #tpu.memory_space<vmem>> -> memref<80x128xf32, #tpu.memory_space<vmem>>
      %dma_start3A_92 = arith.constant 0 : i32
      %dma_start3A_93 = tpu.memref_slice %arg8[%dma_start3A, %dma_start3A_92] : memref<8x80xi32, #tpu.memory_space<vmem>> -> memref<1x80xi32, #tpu.memory_space<vmem>>
      %dma_start3A_94 = tpu.memref_squeeze %dma_start3A_93 : memref<1x80xi32, #tpu.memory_space<vmem>> -> memref<80xi32, #tpu.memory_space<vmem>>
      %dma_start3A_95 = arith.constant 0 : i32
      %dma_start3A_96 = arith.constant 0 : i32
      %dma_start3A_97 = tpu.memref_slice %arg2[%dma_start3A_95, %dma_start3A_96] : memref<10000x128xf32, #tpu.memory_space<hbm>> -> memref<10000x128xf32, #tpu.memory_space<hbm>>
      tpu.enqueue_indirect_dma source(%dma_start3A_97 : memref<10000x128xf32, #tpu.memory_space<hbm>>) target(%dma_start3A_91 : memref<80x128xf32, #tpu.memory_space<vmem>>) offsets(%dma_start3A_94 : memref<80xi32, #tpu.memory_space<vmem>>) semaphore(%arg11 : memref<!tpu.dma_semaphore, #tpu.memory_space<semaphore_mem>>)
      %dma_start3A_98 = arith.constant 1 : i32
      %dma_start3A_99 = arith.constant 1 : i32
      %dma_start3A_100 = arith.constant 0 : i32
      %dma_start3A_101 = arith.constant 0 : i32
      %dma_start3A_102 = tpu.memref_slice %arg10[%dma_start3A_99, %dma_start3A_100, %dma_start3A_101] : memref<4x80x128xf32, #tpu.memory_space<vmem>> -> memref<1x80x128xf32, #tpu.memory_space<vmem>>
      %dma_start3A_103 = tpu.memref_squeeze %dma_start3A_102 : memref<1x80x128xf32, #tpu.memory_space<vmem>> -> memref<80x128xf32, #tpu.memory_space<vmem>>
      %dma_start3A_104 = arith.constant 0 : i32
      %dma_start3A_105 = tpu.memref_slice %arg8[%dma_start3A_98, %dma_start3A_104] : memref<8x80xi32, #tpu.memory_space<vmem>> -> memref<1x80xi32, #tpu.memory_space<vmem>>
      %dma_start3A_106 = tpu.memref_squeeze %dma_start3A_105 : memref<1x80xi32, #tpu.memory_space<vmem>> -> memref<80xi32, #tpu.memory_space<vmem>>
      %dma_start3A_107 = arith.constant 0 : i32
      %dma_start3A_108 = arith.constant 0 : i32
      %dma_start3A_109 = tpu.memref_slice %arg2[%dma_start3A_107, %dma_start3A_108] : memref<10000x128xf32, #tpu.memory_space<hbm>> -> memref<10000x128xf32, #tpu.memory_space<hbm>>
      tpu.enqueue_indirect_dma source(%dma_start3A_109 : memref<10000x128xf32, #tpu.memory_space<hbm>>) target(%dma_start3A_103 : memref<80x128xf32, #tpu.memory_space<vmem>>) offsets(%dma_start3A_106 : memref<80xi32, #tpu.memory_space<vmem>>) semaphore(%arg11 : memref<!tpu.dma_semaphore, #tpu.memory_space<semaphore_mem>>)
      %add3A_110 = arith.constant 0 : i32
      %add3A_111 = arith.addi %scan3A_72, %add3A_110 : i32
      %gt3A_112 = arith.constant 0 : i32
      %gt3A_113 = arith.cmpi sgt, %add3A_111, %gt3A_112 : i32
      %convert_element_type3A_114 = arith.extui %gt3A_113 : i1 to i32
      %cond3A_115 = arith.constant 0 : i32
      %cond3A_116 = arith.cmpi ne, %convert_element_type3A_114, %cond3A_115 : i32
      scf.if %cond3A_116 {
        %dma_wait3A_395 = arith.constant 0 : i32
        %dma_wait3A_396 = arith.constant 0 : i32
        %dma_wait3A_397 = arith.constant 0 : i32
        %dma_wait3A_398 = tpu.memref_slice %arg10[%dma_wait3A_395, %dma_wait3A_396, %dma_wait3A_397] : memref<4x80x128xf32, #tpu.memory_space<vmem>> -> memref<1x80x128xf32, #tpu.memory_space<vmem>>
        %dma_wait3A_399 = tpu.memref_squeeze %dma_wait3A_398 : memref<1x80x128xf32, #tpu.memory_space<vmem>> -> memref<80x128xf32, #tpu.memory_space<vmem>>
        %dma_wait3A_400 = arith.constant 0 : i32
        %dma_wait3A_401 = arith.constant 0 : i32
        %dma_wait3A_402 = tpu.memref_slice %arg5[%dma_wait3A_400, %dma_wait3A_401] : memref<632x128xf32, #tpu.memory_space<hbm>> -> memref<80x128xf32, #tpu.memory_space<hbm>>
        %dma_wait3A_403 = arith.constant 0 : i32
        %dma_wait3A_404 = arith.constant 0 : i32
        %dma_wait3A_405 = tpu.memref_slice %arg10[%dma_wait3A_395, %dma_wait3A_403, %dma_wait3A_404] : memref<4x80x128xf32, #tpu.memory_space<vmem>> -> memref<1x80x128xf32, #tpu.memory_space<vmem>>
        %dma_wait3A_406 = tpu.memref_squeeze %dma_wait3A_405 : memref<1x80x128xf32, #tpu.memory_space<vmem>> -> memref<80x128xf32, #tpu.memory_space<vmem>>
        %dma_wait3A_407 = arith.constant 0 : i32
        %dma_wait3A_408 = arith.constant 0 : i32
        %dma_wait3A_409 = tpu.memref_slice %arg5[%dma_wait3A_407, %dma_wait3A_408] : memref<632x128xf32, #tpu.memory_space<hbm>> -> memref<80x128xf32, #tpu.memory_space<hbm>>
        tpu.wait_dma2 semaphore(%arg13 : memref<!tpu.dma_semaphore, #tpu.memory_space<semaphore_mem>>) src(%dma_wait3A_409 : memref<80x128xf32, #tpu.memory_space<hbm>>) dst(%dma_wait3A_406 : memref<80x128xf32, #tpu.memory_space<vmem>>)
        %dma_wait3A_410 = arith.constant 0 : i32
        %dma_wait3A_411 = arith.constant 0 : i32
        %dma_wait3A_412 = arith.constant 0 : i32
        %dma_wait3A_413 = tpu.memref_slice %arg10[%dma_wait3A_410, %dma_wait3A_411, %dma_wait3A_412] : memref<4x80x128xf32, #tpu.memory_space<vmem>> -> memref<1x80x128xf32, #tpu.memory_space<vmem>>
        %dma_wait3A_414 = tpu.memref_squeeze %dma_wait3A_413 : memref<1x80x128xf32, #tpu.memory_space<vmem>> -> memref<80x128xf32, #tpu.memory_space<vmem>>
        %dma_wait3A_415 = arith.constant 0 : i32
        %dma_wait3A_416 = arith.constant 0 : i32
        %dma_wait3A_417 = tpu.memref_slice %arg5[%dma_wait3A_415, %dma_wait3A_416] : memref<632x128xf32, #tpu.memory_space<hbm>> -> memref<80x128xf32, #tpu.memory_space<hbm>>
        %dma_wait3A_418 = arith.constant 0 : i32
        %dma_wait3A_419 = arith.constant 0 : i32
        %dma_wait3A_420 = tpu.memref_slice %arg10[%dma_wait3A_410, %dma_wait3A_418, %dma_wait3A_419] : memref<4x80x128xf32, #tpu.memory_space<vmem>> -> memref<1x80x128xf32, #tpu.memory_space<vmem>>
        %dma_wait3A_421 = tpu.memref_squeeze %dma_wait3A_420 : memref<1x80x128xf32, #tpu.memory_space<vmem>> -> memref<80x128xf32, #tpu.memory_space<vmem>>
        %dma_wait3A_422 = arith.constant 0 : i32
        %dma_wait3A_423 = arith.constant 0 : i32
        %dma_wait3A_424 = tpu.memref_slice %arg5[%dma_wait3A_422, %dma_wait3A_423] : memref<632x128xf32, #tpu.memory_space<hbm>> -> memref<80x128xf32, #tpu.memory_space<hbm>>
        tpu.wait_dma2 semaphore(%arg13 : memref<!tpu.dma_semaphore, #tpu.memory_space<semaphore_mem>>) src(%dma_wait3A_424 : memref<80x128xf32, #tpu.memory_space<hbm>>) dst(%dma_wait3A_421 : memref<80x128xf32, #tpu.memory_space<vmem>>)
      } else {
      }
      %dma_start3A_117 = arith.constant 2 : i32
      %dma_start3A_118 = arith.constant 2 : i32
      %dma_start3A_119 = arith.constant 0 : i32
      %dma_start3A_120 = arith.constant 0 : i32
      %dma_start3A_121 = tpu.memref_slice %arg10[%dma_start3A_118, %dma_start3A_119, %dma_start3A_120] : memref<4x80x128xf32, #tpu.memory_space<vmem>> -> memref<1x80x128xf32, #tpu.memory_space<vmem>>
      %dma_start3A_122 = tpu.memref_squeeze %dma_start3A_121 : memref<1x80x128xf32, #tpu.memory_space<vmem>> -> memref<80x128xf32, #tpu.memory_space<vmem>>
      %dma_start3A_123 = arith.constant 0 : i32
      %dma_start3A_124 = tpu.memref_slice %arg8[%dma_start3A_117, %dma_start3A_123] : memref<8x80xi32, #tpu.memory_space<vmem>> -> memref<1x80xi32, #tpu.memory_space<vmem>>
      %dma_start3A_125 = tpu.memref_squeeze %dma_start3A_124 : memref<1x80xi32, #tpu.memory_space<vmem>> -> memref<80xi32, #tpu.memory_space<vmem>>
      %dma_start3A_126 = arith.constant 0 : i32
      %dma_start3A_127 = arith.constant 0 : i32
      %dma_start3A_128 = tpu.memref_slice %arg2[%dma_start3A_126, %dma_start3A_127] : memref<10000x128xf32, #tpu.memory_space<hbm>> -> memref<10000x128xf32, #tpu.memory_space<hbm>>
      tpu.enqueue_indirect_dma source(%dma_start3A_128 : memref<10000x128xf32, #tpu.memory_space<hbm>>) target(%dma_start3A_122 : memref<80x128xf32, #tpu.memory_space<vmem>>) offsets(%dma_start3A_125 : memref<80xi32, #tpu.memory_space<vmem>>) semaphore(%arg11 : memref<!tpu.dma_semaphore, #tpu.memory_space<semaphore_mem>>)
      %dma_start3A_129 = arith.constant 3 : i32
      %dma_start3A_130 = arith.constant 3 : i32
      %dma_start3A_131 = arith.constant 0 : i32
      %dma_start3A_132 = arith.constant 0 : i32
      %dma_start3A_133 = tpu.memref_slice %arg10[%dma_start3A_130, %dma_start3A_131, %dma_start3A_132] : memref<4x80x128xf32, #tpu.memory_space<vmem>> -> memref<1x80x128xf32, #tpu.memory_space<vmem>>
      %dma_start3A_134 = tpu.memref_squeeze %dma_start3A_133 : memref<1x80x128xf32, #tpu.memory_space<vmem>> -> memref<80x128xf32, #tpu.memory_space<vmem>>
      %dma_start3A_135 = arith.constant 0 : i32
      %dma_start3A_136 = tpu.memref_slice %arg8[%dma_start3A_129, %dma_start3A_135] : memref<8x80xi32, #tpu.memory_space<vmem>> -> memref<1x80xi32, #tpu.memory_space<vmem>>
      %dma_start3A_137 = tpu.memref_squeeze %dma_start3A_136 : memref<1x80xi32, #tpu.memory_space<vmem>> -> memref<80xi32, #tpu.memory_space<vmem>>
      %dma_start3A_138 = arith.constant 0 : i32
      %dma_start3A_139 = arith.constant 0 : i32
      %dma_start3A_140 = tpu.memref_slice %arg2[%dma_start3A_138, %dma_start3A_139] : memref<10000x128xf32, #tpu.memory_space<hbm>> -> memref<10000x128xf32, #tpu.memory_space<hbm>>
      tpu.enqueue_indirect_dma source(%dma_start3A_140 : memref<10000x128xf32, #tpu.memory_space<hbm>>) target(%dma_start3A_134 : memref<80x128xf32, #tpu.memory_space<vmem>>) offsets(%dma_start3A_137 : memref<80xi32, #tpu.memory_space<vmem>>) semaphore(%arg11 : memref<!tpu.dma_semaphore, #tpu.memory_space<semaphore_mem>>)
      %dma_wait3A_141 = arith.constant 0 : i32
      %dma_wait3A_142 = arith.constant 0 : i32
      %dma_wait3A_143 = arith.constant 0 : i32
      %dma_wait3A_144 = arith.constant 0 : i32
      %dma_wait3A_145 = tpu.memref_slice %arg10[%dma_wait3A_142, %dma_wait3A_143, %dma_wait3A_144] : memref<4x80x128xf32, #tpu.memory_space<vmem>> -> memref<1x80x128xf32, #tpu.memory_space<vmem>>
      %dma_wait3A_146 = tpu.memref_squeeze %dma_wait3A_145 : memref<1x80x128xf32, #tpu.memory_space<vmem>> -> memref<80x128xf32, #tpu.memory_space<vmem>>
      %dma_wait3A_147 = arith.constant 0 : i32
      %dma_wait3A_148 = tpu.memref_slice %arg8[%dma_wait3A_141, %dma_wait3A_147] : memref<8x80xi32, #tpu.memory_space<vmem>> -> memref<1x80xi32, #tpu.memory_space<vmem>>
      %dma_wait3A_149 = tpu.memref_squeeze %dma_wait3A_148 : memref<1x80xi32, #tpu.memory_space<vmem>> -> memref<80xi32, #tpu.memory_space<vmem>>
      %dma_wait3A_150 = arith.constant 0 : i32
      %dma_wait3A_151 = arith.constant 0 : i32
      %dma_wait3A_152 = tpu.memref_slice %arg2[%dma_wait3A_150, %dma_wait3A_151] : memref<10000x128xf32, #tpu.memory_space<hbm>> -> memref<10000x128xf32, #tpu.memory_space<hbm>>
      tpu.wait_indirect_dma semaphore(%arg11 : memref<!tpu.dma_semaphore, #tpu.memory_space<semaphore_mem>>) src(%dma_wait3A_152 : memref<10000x128xf32, #tpu.memory_space<hbm>>) dst(%dma_wait3A_146 : memref<80x128xf32, #tpu.memory_space<vmem>>)
      %dma_start3A_153 = arith.constant 0 : i32
      %dma_start3A_154 = arith.constant 0 : i32
      %dma_start3A_155 = arith.constant 0 : i32
      %dma_start3A_156 = arith.constant 0 : i32
      %dma_start3A_157 = tpu.memref_slice %arg10[%dma_start3A_153, %dma_start3A_155, %dma_start3A_156] : memref<4x80x128xf32, #tpu.memory_space<vmem>> -> memref<1x80x128xf32, #tpu.memory_space<vmem>>
      %dma_start3A_158 = tpu.memref_squeeze %dma_start3A_157 : memref<1x80x128xf32, #tpu.memory_space<vmem>> -> memref<80x128xf32, #tpu.memory_space<vmem>>
      %dma_start3A_159 = arith.constant 0 : i32
      %dma_start3A_160 = tpu.memref_slice %arg9[%dma_start3A_154, %dma_start3A_159] : memref<8x80xi32, #tpu.memory_space<vmem>> -> memref<1x80xi32, #tpu.memory_space<vmem>>
      %dma_start3A_161 = tpu.memref_squeeze %dma_start3A_160 : memref<1x80xi32, #tpu.memory_space<vmem>> -> memref<80xi32, #tpu.memory_space<vmem>>
      %dma_start3A_162 = arith.constant 0 : i32
      %dma_start3A_163 = arith.constant 0 : i32
      %dma_start3A_164 = tpu.memref_slice %arg7[%dma_start3A_162, %dma_start3A_163] : memref<10112x128xf32, #tpu.memory_space<vmem_shared>> -> memref<10112x128xf32, #tpu.memory_space<vmem_shared>>
      tpu.enqueue_indirect_dma source(%dma_start3A_158 : memref<80x128xf32, #tpu.memory_space<vmem>>) target(%dma_start3A_164 : memref<10112x128xf32, #tpu.memory_space<vmem_shared>>) offsets(%dma_start3A_161 : memref<80xi32, #tpu.memory_space<vmem>>) semaphore(%arg12 : memref<!tpu.dma_semaphore, #tpu.memory_space<semaphore_mem>>) {add = true}
      %dma_wait3A_165 = arith.constant 1 : i32
      %dma_wait3A_166 = arith.constant 1 : i32
      %dma_wait3A_167 = arith.constant 0 : i32
      %dma_wait3A_168 = arith.constant 0 : i32
      %dma_wait3A_169 = tpu.memref_slice %arg10[%dma_wait3A_166, %dma_wait3A_167, %dma_wait3A_168] : memref<4x80x128xf32, #tpu.memory_space<vmem>> -> memref<1x80x128xf32, #tpu.memory_space<vmem>>
      %dma_wait3A_170 = tpu.memref_squeeze %dma_wait3A_169 : memref<1x80x128xf32, #tpu.memory_space<vmem>> -> memref<80x128xf32, #tpu.memory_space<vmem>>
      %dma_wait3A_171 = arith.constant 0 : i32
      %dma_wait3A_172 = tpu.memref_slice %arg8[%dma_wait3A_165, %dma_wait3A_171] : memref<8x80xi32, #tpu.memory_space<vmem>> -> memref<1x80xi32, #tpu.memory_space<vmem>>
      %dma_wait3A_173 = tpu.memref_squeeze %dma_wait3A_172 : memref<1x80xi32, #tpu.memory_space<vmem>> -> memref<80xi32, #tpu.memory_space<vmem>>
      %dma_wait3A_174 = arith.constant 0 : i32
      %dma_wait3A_175 = arith.constant 0 : i32
      %dma_wait3A_176 = tpu.memref_slice %arg2[%dma_wait3A_174, %dma_wait3A_175] : memref<10000x128xf32, #tpu.memory_space<hbm>> -> memref<10000x128xf32, #tpu.memory_space<hbm>>
      tpu.wait_indirect_dma semaphore(%arg11 : memref<!tpu.dma_semaphore, #tpu.memory_space<semaphore_mem>>) src(%dma_wait3A_176 : memref<10000x128xf32, #tpu.memory_space<hbm>>) dst(%dma_wait3A_170 : memref<80x128xf32, #tpu.memory_space<vmem>>)
      %dma_start3A_177 = arith.constant 1 : i32
      %dma_start3A_178 = arith.constant 1 : i32
      %dma_start3A_179 = arith.constant 0 : i32
      %dma_start3A_180 = arith.constant 0 : i32
      %dma_start3A_181 = tpu.memref_slice %arg10[%dma_start3A_177, %dma_start3A_179, %dma_start3A_180] : memref<4x80x128xf32, #tpu.memory_space<vmem>> -> memref<1x80x128xf32, #tpu.memory_space<vmem>>
      %dma_start3A_182 = tpu.memref_squeeze %dma_start3A_181 : memref<1x80x128xf32, #tpu.memory_space<vmem>> -> memref<80x128xf32, #tpu.memory_space<vmem>>
      %dma_start3A_183 = arith.constant 0 : i32
      %dma_start3A_184 = tpu.memref_slice %arg9[%dma_start3A_178, %dma_start3A_183] : memref<8x80xi32, #tpu.memory_space<vmem>> -> memref<1x80xi32, #tpu.memory_space<vmem>>
      %dma_start3A_185 = tpu.memref_squeeze %dma_start3A_184 : memref<1x80xi32, #tpu.memory_space<vmem>> -> memref<80xi32, #tpu.memory_space<vmem>>
      %dma_start3A_186 = arith.constant 0 : i32
      %dma_start3A_187 = arith.constant 0 : i32
      %dma_start3A_188 = tpu.memref_slice %arg7[%dma_start3A_186, %dma_start3A_187] : memref<10112x128xf32, #tpu.memory_space<vmem_shared>> -> memref<10112x128xf32, #tpu.memory_space<vmem_shared>>
      tpu.enqueue_indirect_dma source(%dma_start3A_182 : memref<80x128xf32, #tpu.memory_space<vmem>>) target(%dma_start3A_188 : memref<10112x128xf32, #tpu.memory_space<vmem_shared>>) offsets(%dma_start3A_185 : memref<80xi32, #tpu.memory_space<vmem>>) semaphore(%arg12 : memref<!tpu.dma_semaphore, #tpu.memory_space<semaphore_mem>>) {add = true}
      %dma_wait3A_189 = arith.constant 2 : i32
      %dma_wait3A_190 = arith.constant 2 : i32
      %dma_wait3A_191 = arith.constant 0 : i32
      %dma_wait3A_192 = arith.constant 0 : i32
      %dma_wait3A_193 = tpu.memref_slice %arg10[%dma_wait3A_190, %dma_wait3A_191, %dma_wait3A_192] : memref<4x80x128xf32, #tpu.memory_space<vmem>> -> memref<1x80x128xf32, #tpu.memory_space<vmem>>
      %dma_wait3A_194 = tpu.memref_squeeze %dma_wait3A_193 : memref<1x80x128xf32, #tpu.memory_space<vmem>> -> memref<80x128xf32, #tpu.memory_space<vmem>>
      %dma_wait3A_195 = arith.constant 0 : i32
      %dma_wait3A_196 = tpu.memref_slice %arg8[%dma_wait3A_189, %dma_wait3A_195] : memref<8x80xi32, #tpu.memory_space<vmem>> -> memref<1x80xi32, #tpu.memory_space<vmem>>
      %dma_wait3A_197 = tpu.memref_squeeze %dma_wait3A_196 : memref<1x80xi32, #tpu.memory_space<vmem>> -> memref<80xi32, #tpu.memory_space<vmem>>
      %dma_wait3A_198 = arith.constant 0 : i32
      %dma_wait3A_199 = arith.constant 0 : i32
      %dma_wait3A_200 = tpu.memref_slice %arg2[%dma_wait3A_198, %dma_wait3A_199] : memref<10000x128xf32, #tpu.memory_space<hbm>> -> memref<10000x128xf32, #tpu.memory_space<hbm>>
      tpu.wait_indirect_dma semaphore(%arg11 : memref<!tpu.dma_semaphore, #tpu.memory_space<semaphore_mem>>) src(%dma_wait3A_200 : memref<10000x128xf32, #tpu.memory_space<hbm>>) dst(%dma_wait3A_194 : memref<80x128xf32, #tpu.memory_space<vmem>>)
      %dma_start3A_201 = arith.constant 2 : i32
      %dma_start3A_202 = arith.constant 2 : i32
      %dma_start3A_203 = arith.constant 0 : i32
      %dma_start3A_204 = arith.constant 0 : i32
      %dma_start3A_205 = tpu.memref_slice %arg10[%dma_start3A_201, %dma_start3A_203, %dma_start3A_204] : memref<4x80x128xf32, #tpu.memory_space<vmem>> -> memref<1x80x128xf32, #tpu.memory_space<vmem>>
      %dma_start3A_206 = tpu.memref_squeeze %dma_start3A_205 : memref<1x80x128xf32, #tpu.memory_space<vmem>> -> memref<80x128xf32, #tpu.memory_space<vmem>>
      %dma_start3A_207 = arith.constant 0 : i32
      %dma_start3A_208 = tpu.memref_slice %arg9[%dma_start3A_202, %dma_start3A_207] : memref<8x80xi32, #tpu.memory_space<vmem>> -> memref<1x80xi32, #tpu.memory_space<vmem>>
      %dma_start3A_209 = tpu.memref_squeeze %dma_start3A_208 : memref<1x80xi32, #tpu.memory_space<vmem>> -> memref<80xi32, #tpu.memory_space<vmem>>
      %dma_start3A_210 = arith.constant 0 : i32
      %dma_start3A_211 = arith.constant 0 : i32
      %dma_start3A_212 = tpu.memref_slice %arg7[%dma_start3A_210, %dma_start3A_211] : memref<10112x128xf32, #tpu.memory_space<vmem_shared>> -> memref<10112x128xf32, #tpu.memory_space<vmem_shared>>
      tpu.enqueue_indirect_dma source(%dma_start3A_206 : memref<80x128xf32, #tpu.memory_space<vmem>>) target(%dma_start3A_212 : memref<10112x128xf32, #tpu.memory_space<vmem_shared>>) offsets(%dma_start3A_209 : memref<80xi32, #tpu.memory_space<vmem>>) semaphore(%arg13 : memref<!tpu.dma_semaphore, #tpu.memory_space<semaphore_mem>>) {add = true}
      %dma_wait3A_213 = arith.constant 3 : i32
      %dma_wait3A_214 = arith.constant 3 : i32
      %dma_wait3A_215 = arith.constant 0 : i32
      %dma_wait3A_216 = arith.constant 0 : i32
      %dma_wait3A_217 = tpu.memref_slice %arg10[%dma_wait3A_214, %dma_wait3A_215, %dma_wait3A_216] : memref<4x80x128xf32, #tpu.memory_space<vmem>> -> memref<1x80x128xf32, #tpu.memory_space<vmem>>
      %dma_wait3A_218 = tpu.memref_squeeze %dma_wait3A_217 : memref<1x80x128xf32, #tpu.memory_space<vmem>> -> memref<80x128xf32, #tpu.memory_space<vmem>>
      %dma_wait3A_219 = arith.constant 0 : i32
      %dma_wait3A_220 = tpu.memref_slice %arg8[%dma_wait3A_213, %dma_wait3A_219] : memref<8x80xi32, #tpu.memory_space<vmem>> -> memref<1x80xi32, #tpu.memory_space<vmem>>
      %dma_wait3A_221 = tpu.memref_squeeze %dma_wait3A_220 : memref<1x80xi32, #tpu.memory_space<vmem>> -> memref<80xi32, #tpu.memory_space<vmem>>
      %dma_wait3A_222 = arith.constant 0 : i32
      %dma_wait3A_223 = arith.constant 0 : i32
      %dma_wait3A_224 = tpu.memref_slice %arg2[%dma_wait3A_222, %dma_wait3A_223] : memref<10000x128xf32, #tpu.memory_space<hbm>> -> memref<10000x128xf32, #tpu.memory_space<hbm>>
      tpu.wait_indirect_dma semaphore(%arg11 : memref<!tpu.dma_semaphore, #tpu.memory_space<semaphore_mem>>) src(%dma_wait3A_224 : memref<10000x128xf32, #tpu.memory_space<hbm>>) dst(%dma_wait3A_218 : memref<80x128xf32, #tpu.memory_space<vmem>>)
      %dma_start3A_225 = arith.constant 3 : i32
      %dma_start3A_226 = arith.constant 3 : i32
      %dma_start3A_227 = arith.constant 0 : i32
      %dma_start3A_228 = arith.constant 0 : i32
      %dma_start3A_229 = tpu.memref_slice %arg10[%dma_start3A_225, %dma_start3A_227, %dma_start3A_228] : memref<4x80x128xf32, #tpu.memory_space<vmem>> -> memref<1x80x128xf32, #tpu.memory_space<vmem>>
      %dma_start3A_230 = tpu.memref_squeeze %dma_start3A_229 : memref<1x80x128xf32, #tpu.memory_space<vmem>> -> memref<80x128xf32, #tpu.memory_space<vmem>>
      %dma_start3A_231 = arith.constant 0 : i32
      %dma_start3A_232 = tpu.memref_slice %arg9[%dma_start3A_226, %dma_start3A_231] : memref<8x80xi32, #tpu.memory_space<vmem>> -> memref<1x80xi32, #tpu.memory_space<vmem>>
      %dma_start3A_233 = tpu.memref_squeeze %dma_start3A_232 : memref<1x80xi32, #tpu.memory_space<vmem>> -> memref<80xi32, #tpu.memory_space<vmem>>
      %dma_start3A_234 = arith.constant 0 : i32
      %dma_start3A_235 = arith.constant 0 : i32
      %dma_start3A_236 = tpu.memref_slice %arg7[%dma_start3A_234, %dma_start3A_235] : memref<10112x128xf32, #tpu.memory_space<vmem_shared>> -> memref<10112x128xf32, #tpu.memory_space<vmem_shared>>
      tpu.enqueue_indirect_dma source(%dma_start3A_230 : memref<80x128xf32, #tpu.memory_space<vmem>>) target(%dma_start3A_236 : memref<10112x128xf32, #tpu.memory_space<vmem_shared>>) offsets(%dma_start3A_233 : memref<80xi32, #tpu.memory_space<vmem>>) semaphore(%arg13 : memref<!tpu.dma_semaphore, #tpu.memory_space<semaphore_mem>>) {add = true}
      %add3A_237 = arith.constant 1 : i32
      %add3A_238 = arith.addi %scan3A_72, %add3A_237 : i32
      %gt3A_239 = arith.constant 0 : i32
      %gt3A_240 = arith.cmpi sgt, %add3A_238, %gt3A_239 : i32
      %convert_element_type3A_241 = arith.extui %gt3A_240 : i1 to i32
      %cond3A_242 = arith.constant 0 : i32
      %cond3A_243 = arith.cmpi ne, %convert_element_type3A_241, %cond3A_242 : i32
      scf.if %cond3A_243 {
        %dma_wait3A_395 = arith.constant 0 : i32
        %dma_wait3A_396 = arith.constant 0 : i32
        %dma_wait3A_397 = arith.constant 0 : i32
        %dma_wait3A_398 = tpu.memref_slice %arg10[%dma_wait3A_395, %dma_wait3A_396, %dma_wait3A_397] : memref<4x80x128xf32, #tpu.memory_space<vmem>> -> memref<1x80x128xf32, #tpu.memory_space<vmem>>
        %dma_wait3A_399 = tpu.memref_squeeze %dma_wait3A_398 : memref<1x80x128xf32, #tpu.memory_space<vmem>> -> memref<80x128xf32, #tpu.memory_space<vmem>>
        %dma_wait3A_400 = arith.constant 0 : i32
        %dma_wait3A_401 = arith.constant 0 : i32
        %dma_wait3A_402 = tpu.memref_slice %arg5[%dma_wait3A_400, %dma_wait3A_401] : memref<632x128xf32, #tpu.memory_space<hbm>> -> memref<80x128xf32, #tpu.memory_space<hbm>>
        %dma_wait3A_403 = arith.constant 0 : i32
        %dma_wait3A_404 = arith.constant 0 : i32
        %dma_wait3A_405 = tpu.memref_slice %arg10[%dma_wait3A_395, %dma_wait3A_403, %dma_wait3A_404] : memref<4x80x128xf32, #tpu.memory_space<vmem>> -> memref<1x80x128xf32, #tpu.memory_space<vmem>>
        %dma_wait3A_406 = tpu.memref_squeeze %dma_wait3A_405 : memref<1x80x128xf32, #tpu.memory_space<vmem>> -> memref<80x128xf32, #tpu.memory_space<vmem>>
        %dma_wait3A_407 = arith.constant 0 : i32
        %dma_wait3A_408 = arith.constant 0 : i32
        %dma_wait3A_409 = tpu.memref_slice %arg5[%dma_wait3A_407, %dma_wait3A_408] : memref<632x128xf32, #tpu.memory_space<hbm>> -> memref<80x128xf32, #tpu.memory_space<hbm>>
        tpu.wait_dma2 semaphore(%arg12 : memref<!tpu.dma_semaphore, #tpu.memory_space<semaphore_mem>>) src(%dma_wait3A_409 : memref<80x128xf32, #tpu.memory_space<hbm>>) dst(%dma_wait3A_406 : memref<80x128xf32, #tpu.memory_space<vmem>>)
        %dma_wait3A_410 = arith.constant 0 : i32
        %dma_wait3A_411 = arith.constant 0 : i32
        %dma_wait3A_412 = arith.constant 0 : i32
        %dma_wait3A_413 = tpu.memref_slice %arg10[%dma_wait3A_410, %dma_wait3A_411, %dma_wait3A_412] : memref<4x80x128xf32, #tpu.memory_space<vmem>> -> memref<1x80x128xf32, #tpu.memory_space<vmem>>
        %dma_wait3A_414 = tpu.memref_squeeze %dma_wait3A_413 : memref<1x80x128xf32, #tpu.memory_space<vmem>> -> memref<80x128xf32, #tpu.memory_space<vmem>>
        %dma_wait3A_415 = arith.constant 0 : i32
        %dma_wait3A_416 = arith.constant 0 : i32
        %dma_wait3A_417 = tpu.memref_slice %arg5[%dma_wait3A_415, %dma_wait3A_416] : memref<632x128xf32, #tpu.memory_space<hbm>> -> memref<80x128xf32, #tpu.memory_space<hbm>>
        %dma_wait3A_418 = arith.constant 0 : i32
        %dma_wait3A_419 = arith.constant 0 : i32
        %dma_wait3A_420 = tpu.memref_slice %arg10[%dma_wait3A_410, %dma_wait3A_418, %dma_wait3A_419] : memref<4x80x128xf32, #tpu.memory_space<vmem>> -> memref<1x80x128xf32, #tpu.memory_space<vmem>>
        %dma_wait3A_421 = tpu.memref_squeeze %dma_wait3A_420 : memref<1x80x128xf32, #tpu.memory_space<vmem>> -> memref<80x128xf32, #tpu.memory_space<vmem>>
        %dma_wait3A_422 = arith.constant 0 : i32
        %dma_wait3A_423 = arith.constant 0 : i32
        %dma_wait3A_424 = tpu.memref_slice %arg5[%dma_wait3A_422, %dma_wait3A_423] : memref<632x128xf32, #tpu.memory_space<hbm>> -> memref<80x128xf32, #tpu.memory_space<hbm>>
        tpu.wait_dma2 semaphore(%arg12 : memref<!tpu.dma_semaphore, #tpu.memory_space<semaphore_mem>>) src(%dma_wait3A_424 : memref<80x128xf32, #tpu.memory_space<hbm>>) dst(%dma_wait3A_421 : memref<80x128xf32, #tpu.memory_space<vmem>>)
      } else {
      }
      %dma_start3A_244 = arith.constant 4 : i32
      %dma_start3A_245 = arith.constant 0 : i32
      %dma_start3A_246 = arith.constant 0 : i32
      %dma_start3A_247 = arith.constant 0 : i32
      %dma_start3A_248 = tpu.memref_slice %arg10[%dma_start3A_245, %dma_start3A_246, %dma_start3A_247] : memref<4x80x128xf32, #tpu.memory_space<vmem>> -> memref<1x80x128xf32, #tpu.memory_space<vmem>>
      %dma_start3A_249 = tpu.memref_squeeze %dma_start3A_248 : memref<1x80x128xf32, #tpu.memory_space<vmem>> -> memref<80x128xf32, #tpu.memory_space<vmem>>
      %dma_start3A_250 = arith.constant 0 : i32
      %dma_start3A_251 = tpu.memref_slice %arg8[%dma_start3A_244, %dma_start3A_250] : memref<8x80xi32, #tpu.memory_space<vmem>> -> memref<1x80xi32, #tpu.memory_space<vmem>>
      %dma_start3A_252 = tpu.memref_squeeze %dma_start3A_251 : memref<1x80xi32, #tpu.memory_space<vmem>> -> memref<80xi32, #tpu.memory_space<vmem>>
      %dma_start3A_253 = arith.constant 0 : i32
      %dma_start3A_254 = arith.constant 0 : i32
      %dma_start3A_255 = tpu.memref_slice %arg2[%dma_start3A_253, %dma_start3A_254] : memref<10000x128xf32, #tpu.memory_space<hbm>> -> memref<10000x128xf32, #tpu.memory_space<hbm>>
      tpu.enqueue_indirect_dma source(%dma_start3A_255 : memref<10000x128xf32, #tpu.memory_space<hbm>>) target(%dma_start3A_249 : memref<80x128xf32, #tpu.memory_space<vmem>>) offsets(%dma_start3A_252 : memref<80xi32, #tpu.memory_space<vmem>>) semaphore(%arg11 : memref<!tpu.dma_semaphore, #tpu.memory_space<semaphore_mem>>)
      %dma_start3A_256 = arith.constant 5 : i32
      %dma_start3A_257 = arith.constant 1 : i32
      %dma_start3A_258 = arith.constant 0 : i32
      %dma_start3A_259 = arith.constant 0 : i32
      %dma_start3A_260 = tpu.memref_slice %arg10[%dma_start3A_257, %dma_start3A_258, %dma_start3A_259] : memref<4x80x128xf32, #tpu.memory_space<vmem>> -> memref<1x80x128xf32, #tpu.memory_space<vmem>>
      %dma_start3A_261 = tpu.memref_squeeze %dma_start3A_260 : memref<1x80x128xf32, #tpu.memory_space<vmem>> -> memref<80x128xf32, #tpu.memory_space<vmem>>
      %dma_start3A_262 = arith.constant 0 : i32
      %dma_start3A_263 = tpu.memref_slice %arg8[%dma_start3A_256, %dma_start3A_262] : memref<8x80xi32, #tpu.memory_space<vmem>> -> memref<1x80xi32, #tpu.memory_space<vmem>>
      %dma_start3A_264 = tpu.memref_squeeze %dma_start3A_263 : memref<1x80xi32, #tpu.memory_space<vmem>> -> memref<80xi32, #tpu.memory_space<vmem>>
      %dma_start3A_265 = arith.constant 0 : i32
      %dma_start3A_266 = arith.constant 0 : i32
      %dma_start3A_267 = tpu.memref_slice %arg2[%dma_start3A_265, %dma_start3A_266] : memref<10000x128xf32, #tpu.memory_space<hbm>> -> memref<10000x128xf32, #tpu.memory_space<hbm>>
      tpu.enqueue_indirect_dma source(%dma_start3A_267 : memref<10000x128xf32, #tpu.memory_space<hbm>>) target(%dma_start3A_261 : memref<80x128xf32, #tpu.memory_space<vmem>>) offsets(%dma_start3A_264 : memref<80xi32, #tpu.memory_space<vmem>>) semaphore(%arg11 : memref<!tpu.dma_semaphore, #tpu.memory_space<semaphore_mem>>)
      %add3A_268 = arith.constant 1 : i32
      %add3A_269 = arith.addi %scan3A_72, %add3A_268 : i32
      %gt3A_270 = arith.constant 0 : i32
      %gt3A_271 = arith.cmpi sgt, %add3A_269, %gt3A_270 : i32
      %convert_element_type3A_272 = arith.extui %gt3A_271 : i1 to i32
      %cond3A_273 = arith.constant 0 : i32
      %cond3A_274 = arith.cmpi ne, %convert_element_type3A_272, %cond3A_273 : i32
      scf.if %cond3A_274 {
        %dma_wait3A_395 = arith.constant 0 : i32
        %dma_wait3A_396 = arith.constant 0 : i32
        %dma_wait3A_397 = arith.constant 0 : i32
        %dma_wait3A_398 = tpu.memref_slice %arg10[%dma_wait3A_395, %dma_wait3A_396, %dma_wait3A_397] : memref<4x80x128xf32, #tpu.memory_space<vmem>> -> memref<1x80x128xf32, #tpu.memory_space<vmem>>
        %dma_wait3A_399 = tpu.memref_squeeze %dma_wait3A_398 : memref<1x80x128xf32, #tpu.memory_space<vmem>> -> memref<80x128xf32, #tpu.memory_space<vmem>>
        %dma_wait3A_400 = arith.constant 0 : i32
        %dma_wait3A_401 = arith.constant 0 : i32
        %dma_wait3A_402 = tpu.memref_slice %arg5[%dma_wait3A_400, %dma_wait3A_401] : memref<632x128xf32, #tpu.memory_space<hbm>> -> memref<80x128xf32, #tpu.memory_space<hbm>>
        %dma_wait3A_403 = arith.constant 0 : i32
        %dma_wait3A_404 = arith.constant 0 : i32
        %dma_wait3A_405 = tpu.memref_slice %arg10[%dma_wait3A_395, %dma_wait3A_403, %dma_wait3A_404] : memref<4x80x128xf32, #tpu.memory_space<vmem>> -> memref<1x80x128xf32, #tpu.memory_space<vmem>>
        %dma_wait3A_406 = tpu.memref_squeeze %dma_wait3A_405 : memref<1x80x128xf32, #tpu.memory_space<vmem>> -> memref<80x128xf32, #tpu.memory_space<vmem>>
        %dma_wait3A_407 = arith.constant 0 : i32
        %dma_wait3A_408 = arith.constant 0 : i32
        %dma_wait3A_409 = tpu.memref_slice %arg5[%dma_wait3A_407, %dma_wait3A_408] : memref<632x128xf32, #tpu.memory_space<hbm>> -> memref<80x128xf32, #tpu.memory_space<hbm>>
        tpu.wait_dma2 semaphore(%arg13 : memref<!tpu.dma_semaphore, #tpu.memory_space<semaphore_mem>>) src(%dma_wait3A_409 : memref<80x128xf32, #tpu.memory_space<hbm>>) dst(%dma_wait3A_406 : memref<80x128xf32, #tpu.memory_space<vmem>>)
        %dma_wait3A_410 = arith.constant 0 : i32
        %dma_wait3A_411 = arith.constant 0 : i32
        %dma_wait3A_412 = arith.constant 0 : i32
        %dma_wait3A_413 = tpu.memref_slice %arg10[%dma_wait3A_410, %dma_wait3A_411, %dma_wait3A_412] : memref<4x80x128xf32, #tpu.memory_space<vmem>> -> memref<1x80x128xf32, #tpu.memory_space<vmem>>
        %dma_wait3A_414 = tpu.memref_squeeze %dma_wait3A_413 : memref<1x80x128xf32, #tpu.memory_space<vmem>> -> memref<80x128xf32, #tpu.memory_space<vmem>>
        %dma_wait3A_415 = arith.constant 0 : i32
        %dma_wait3A_416 = arith.constant 0 : i32
        %dma_wait3A_417 = tpu.memref_slice %arg5[%dma_wait3A_415, %dma_wait3A_416] : memref<632x128xf32, #tpu.memory_space<hbm>> -> memref<80x128xf32, #tpu.memory_space<hbm>>
        %dma_wait3A_418 = arith.constant 0 : i32
        %dma_wait3A_419 = arith.constant 0 : i32
        %dma_wait3A_420 = tpu.memref_slice %arg10[%dma_wait3A_410, %dma_wait3A_418, %dma_wait3A_419] : memref<4x80x128xf32, #tpu.memory_space<vmem>> -> memref<1x80x128xf32, #tpu.memory_space<vmem>>
        %dma_wait3A_421 = tpu.memref_squeeze %dma_wait3A_420 : memref<1x80x128xf32, #tpu.memory_space<vmem>> -> memref<80x128xf32, #tpu.memory_space<vmem>>
        %dma_wait3A_422 = arith.constant 0 : i32
        %dma_wait3A_423 = arith.constant 0 : i32
        %dma_wait3A_424 = tpu.memref_slice %arg5[%dma_wait3A_422, %dma_wait3A_423] : memref<632x128xf32, #tpu.memory_space<hbm>> -> memref<80x128xf32, #tpu.memory_space<hbm>>
        tpu.wait_dma2 semaphore(%arg13 : memref<!tpu.dma_semaphore, #tpu.memory_space<semaphore_mem>>) src(%dma_wait3A_424 : memref<80x128xf32, #tpu.memory_space<hbm>>) dst(%dma_wait3A_421 : memref<80x128xf32, #tpu.memory_space<vmem>>)
      } else {
      }
      %dma_start3A_275 = arith.constant 6 : i32
      %dma_start3A_276 = arith.constant 2 : i32
      %dma_start3A_277 = arith.constant 0 : i32
      %dma_start3A_278 = arith.constant 0 : i32
      %dma_start3A_279 = tpu.memref_slice %arg10[%dma_start3A_276, %dma_start3A_277, %dma_start3A_278] : memref<4x80x128xf32, #tpu.memory_space<vmem>> -> memref<1x80x128xf32, #tpu.memory_space<vmem>>
      %dma_start3A_280 = tpu.memref_squeeze %dma_start3A_279 : memref<1x80x128xf32, #tpu.memory_space<vmem>> -> memref<80x128xf32, #tpu.memory_space<vmem>>
      %dma_start3A_281 = arith.constant 0 : i32
      %dma_start3A_282 = tpu.memref_slice %arg8[%dma_start3A_275, %dma_start3A_281] : memref<8x80xi32, #tpu.memory_space<vmem>> -> memref<1x80xi32, #tpu.memory_space<vmem>>
      %dma_start3A_283 = tpu.memref_squeeze %dma_start3A_282 : memref<1x80xi32, #tpu.memory_space<vmem>> -> memref<80xi32, #tpu.memory_space<vmem>>
      %dma_start3A_284 = arith.constant 0 : i32
      %dma_start3A_285 = arith.constant 0 : i32
      %dma_start3A_286 = tpu.memref_slice %arg2[%dma_start3A_284, %dma_start3A_285] : memref<10000x128xf32, #tpu.memory_space<hbm>> -> memref<10000x128xf32, #tpu.memory_space<hbm>>
      tpu.enqueue_indirect_dma source(%dma_start3A_286 : memref<10000x128xf32, #tpu.memory_space<hbm>>) target(%dma_start3A_280 : memref<80x128xf32, #tpu.memory_space<vmem>>) offsets(%dma_start3A_283 : memref<80xi32, #tpu.memory_space<vmem>>) semaphore(%arg11 : memref<!tpu.dma_semaphore, #tpu.memory_space<semaphore_mem>>)
      %dma_start3A_287 = arith.constant 7 : i32
      %dma_start3A_288 = arith.constant 3 : i32
      %dma_start3A_289 = arith.constant 0 : i32
      %dma_start3A_290 = arith.constant 0 : i32
      %dma_start3A_291 = tpu.memref_slice %arg10[%dma_start3A_288, %dma_start3A_289, %dma_start3A_290] : memref<4x80x128xf32, #tpu.memory_space<vmem>> -> memref<1x80x128xf32, #tpu.memory_space<vmem>>
      %dma_start3A_292 = tpu.memref_squeeze %dma_start3A_291 : memref<1x80x128xf32, #tpu.memory_space<vmem>> -> memref<80x128xf32, #tpu.memory_space<vmem>>
      %dma_start3A_293 = arith.constant 0 : i32
      %dma_start3A_294 = tpu.memref_slice %arg8[%dma_start3A_287, %dma_start3A_293] : memref<8x80xi32, #tpu.memory_space<vmem>> -> memref<1x80xi32, #tpu.memory_space<vmem>>
      %dma_start3A_295 = tpu.memref_squeeze %dma_start3A_294 : memref<1x80xi32, #tpu.memory_space<vmem>> -> memref<80xi32, #tpu.memory_space<vmem>>
      %dma_start3A_296 = arith.constant 0 : i32
      %dma_start3A_297 = arith.constant 0 : i32
      %dma_start3A_298 = tpu.memref_slice %arg2[%dma_start3A_296, %dma_start3A_297] : memref<10000x128xf32, #tpu.memory_space<hbm>> -> memref<10000x128xf32, #tpu.memory_space<hbm>>
      tpu.enqueue_indirect_dma source(%dma_start3A_298 : memref<10000x128xf32, #tpu.memory_space<hbm>>) target(%dma_start3A_292 : memref<80x128xf32, #tpu.memory_space<vmem>>) offsets(%dma_start3A_295 : memref<80xi32, #tpu.memory_space<vmem>>) semaphore(%arg11 : memref<!tpu.dma_semaphore, #tpu.memory_space<semaphore_mem>>)
      %dma_wait3A_299 = arith.constant 4 : i32
      %dma_wait3A_300 = arith.constant 0 : i32
      %dma_wait3A_301 = arith.constant 0 : i32
      %dma_wait3A_302 = arith.constant 0 : i32
      %dma_wait3A_303 = tpu.memref_slice %arg10[%dma_wait3A_300, %dma_wait3A_301, %dma_wait3A_302] : memref<4x80x128xf32, #tpu.memory_space<vmem>> -> memref<1x80x128xf32, #tpu.memory_space<vmem>>
      %dma_wait3A_304 = tpu.memref_squeeze %dma_wait3A_303 : memref<1x80x128xf32, #tpu.memory_space<vmem>> -> memref<80x128xf32, #tpu.memory_space<vmem>>
      %dma_wait3A_305 = arith.constant 0 : i32
      %dma_wait3A_306 = tpu.memref_slice %arg8[%dma_wait3A_299, %dma_wait3A_305] : memref<8x80xi32, #tpu.memory_space<vmem>> -> memref<1x80xi32, #tpu.memory_space<vmem>>
      %dma_wait3A_307 = tpu.memref_squeeze %dma_wait3A_306 : memref<1x80xi32, #tpu.memory_space<vmem>> -> memref<80xi32, #tpu.memory_space<vmem>>
      %dma_wait3A_308 = arith.constant 0 : i32
      %dma_wait3A_309 = arith.constant 0 : i32
      %dma_wait3A_310 = tpu.memref_slice %arg2[%dma_wait3A_308, %dma_wait3A_309] : memref<10000x128xf32, #tpu.memory_space<hbm>> -> memref<10000x128xf32, #tpu.memory_space<hbm>>
      tpu.wait_indirect_dma semaphore(%arg11 : memref<!tpu.dma_semaphore, #tpu.memory_space<semaphore_mem>>) src(%dma_wait3A_310 : memref<10000x128xf32, #tpu.memory_space<hbm>>) dst(%dma_wait3A_304 : memref<80x128xf32, #tpu.memory_space<vmem>>)
      %dma_start3A_311 = arith.constant 0 : i32
      %dma_start3A_312 = arith.constant 4 : i32
      %dma_start3A_313 = arith.constant 0 : i32
      %dma_start3A_314 = arith.constant 0 : i32
      %dma_start3A_315 = tpu.memref_slice %arg10[%dma_start3A_311, %dma_start3A_313, %dma_start3A_314] : memref<4x80x128xf32, #tpu.memory_space<vmem>> -> memref<1x80x128xf32, #tpu.memory_space<vmem>>
      %dma_start3A_316 = tpu.memref_squeeze %dma_start3A_315 : memref<1x80x128xf32, #tpu.memory_space<vmem>> -> memref<80x128xf32, #tpu.memory_space<vmem>>
      %dma_start3A_317 = arith.constant 0 : i32
      %dma_start3A_318 = tpu.memref_slice %arg9[%dma_start3A_312, %dma_start3A_317] : memref<8x80xi32, #tpu.memory_space<vmem>> -> memref<1x80xi32, #tpu.memory_space<vmem>>
      %dma_start3A_319 = tpu.memref_squeeze %dma_start3A_318 : memref<1x80xi32, #tpu.memory_space<vmem>> -> memref<80xi32, #tpu.memory_space<vmem>>
      %dma_start3A_320 = arith.constant 0 : i32
      %dma_start3A_321 = arith.constant 0 : i32
      %dma_start3A_322 = tpu.memref_slice %arg7[%dma_start3A_320, %dma_start3A_321] : memref<10112x128xf32, #tpu.memory_space<vmem_shared>> -> memref<10112x128xf32, #tpu.memory_space<vmem_shared>>
      tpu.enqueue_indirect_dma source(%dma_start3A_316 : memref<80x128xf32, #tpu.memory_space<vmem>>) target(%dma_start3A_322 : memref<10112x128xf32, #tpu.memory_space<vmem_shared>>) offsets(%dma_start3A_319 : memref<80xi32, #tpu.memory_space<vmem>>) semaphore(%arg12 : memref<!tpu.dma_semaphore, #tpu.memory_space<semaphore_mem>>) {add = true}
      %dma_wait3A_323 = arith.constant 5 : i32
      %dma_wait3A_324 = arith.constant 1 : i32
      %dma_wait3A_325 = arith.constant 0 : i32
      %dma_wait3A_326 = arith.constant 0 : i32
      %dma_wait3A_327 = tpu.memref_slice %arg10[%dma_wait3A_324, %dma_wait3A_325, %dma_wait3A_326] : memref<4x80x128xf32, #tpu.memory_space<vmem>> -> memref<1x80x128xf32, #tpu.memory_space<vmem>>
      %dma_wait3A_328 = tpu.memref_squeeze %dma_wait3A_327 : memref<1x80x128xf32, #tpu.memory_space<vmem>> -> memref<80x128xf32, #tpu.memory_space<vmem>>
      %dma_wait3A_329 = arith.constant 0 : i32
      %dma_wait3A_330 = tpu.memref_slice %arg8[%dma_wait3A_323, %dma_wait3A_329] : memref<8x80xi32, #tpu.memory_space<vmem>> -> memref<1x80xi32, #tpu.memory_space<vmem>>
      %dma_wait3A_331 = tpu.memref_squeeze %dma_wait3A_330 : memref<1x80xi32, #tpu.memory_space<vmem>> -> memref<80xi32, #tpu.memory_space<vmem>>
      %dma_wait3A_332 = arith.constant 0 : i32
      %dma_wait3A_333 = arith.constant 0 : i32
      %dma_wait3A_334 = tpu.memref_slice %arg2[%dma_wait3A_332, %dma_wait3A_333] : memref<10000x128xf32, #tpu.memory_space<hbm>> -> memref<10000x128xf32, #tpu.memory_space<hbm>>
      tpu.wait_indirect_dma semaphore(%arg11 : memref<!tpu.dma_semaphore, #tpu.memory_space<semaphore_mem>>) src(%dma_wait3A_334 : memref<10000x128xf32, #tpu.memory_space<hbm>>) dst(%dma_wait3A_328 : memref<80x128xf32, #tpu.memory_space<vmem>>)
      %dma_start3A_335 = arith.constant 1 : i32
      %dma_start3A_336 = arith.constant 5 : i32
      %dma_start3A_337 = arith.constant 0 : i32
      %dma_start3A_338 = arith.constant 0 : i32
      %dma_start3A_339 = tpu.memref_slice %arg10[%dma_start3A_335, %dma_start3A_337, %dma_start3A_338] : memref<4x80x128xf32, #tpu.memory_space<vmem>> -> memref<1x80x128xf32, #tpu.memory_space<vmem>>
      %dma_start3A_340 = tpu.memref_squeeze %dma_start3A_339 : memref<1x80x128xf32, #tpu.memory_space<vmem>> -> memref<80x128xf32, #tpu.memory_space<vmem>>
      %dma_start3A_341 = arith.constant 0 : i32
      %dma_start3A_342 = tpu.memref_slice %arg9[%dma_start3A_336, %dma_start3A_341] : memref<8x80xi32, #tpu.memory_space<vmem>> -> memref<1x80xi32, #tpu.memory_space<vmem>>
      %dma_start3A_343 = tpu.memref_squeeze %dma_start3A_342 : memref<1x80xi32, #tpu.memory_space<vmem>> -> memref<80xi32, #tpu.memory_space<vmem>>
      %dma_start3A_344 = arith.constant 0 : i32
      %dma_start3A_345 = arith.constant 0 : i32
      %dma_start3A_346 = tpu.memref_slice %arg7[%dma_start3A_344, %dma_start3A_345] : memref<10112x128xf32, #tpu.memory_space<vmem_shared>> -> memref<10112x128xf32, #tpu.memory_space<vmem_shared>>
      tpu.enqueue_indirect_dma source(%dma_start3A_340 : memref<80x128xf32, #tpu.memory_space<vmem>>) target(%dma_start3A_346 : memref<10112x128xf32, #tpu.memory_space<vmem_shared>>) offsets(%dma_start3A_343 : memref<80xi32, #tpu.memory_space<vmem>>) semaphore(%arg12 : memref<!tpu.dma_semaphore, #tpu.memory_space<semaphore_mem>>) {add = true}
      %dma_wait3A_347 = arith.constant 6 : i32
      %dma_wait3A_348 = arith.constant 2 : i32
      %dma_wait3A_349 = arith.constant 0 : i32
      %dma_wait3A_350 = arith.constant 0 : i32
      %dma_wait3A_351 = tpu.memref_slice %arg10[%dma_wait3A_348, %dma_wait3A_349, %dma_wait3A_350] : memref<4x80x128xf32, #tpu.memory_space<vmem>> -> memref<1x80x128xf32, #tpu.memory_space<vmem>>
      %dma_wait3A_352 = tpu.memref_squeeze %dma_wait3A_351 : memref<1x80x128xf32, #tpu.memory_space<vmem>> -> memref<80x128xf32, #tpu.memory_space<vmem>>
      %dma_wait3A_353 = arith.constant 0 : i32
      %dma_wait3A_354 = tpu.memref_slice %arg8[%dma_wait3A_347, %dma_wait3A_353] : memref<8x80xi32, #tpu.memory_space<vmem>> -> memref<1x80xi32, #tpu.memory_space<vmem>>
      %dma_wait3A_355 = tpu.memref_squeeze %dma_wait3A_354 : memref<1x80xi32, #tpu.memory_space<vmem>> -> memref<80xi32, #tpu.memory_space<vmem>>
      %dma_wait3A_356 = arith.constant 0 : i32
      %dma_wait3A_357 = arith.constant 0 : i32
      %dma_wait3A_358 = tpu.memref_slice %arg2[%dma_wait3A_356, %dma_wait3A_357] : memref<10000x128xf32, #tpu.memory_space<hbm>> -> memref<10000x128xf32, #tpu.memory_space<hbm>>
      tpu.wait_indirect_dma semaphore(%arg11 : memref<!tpu.dma_semaphore, #tpu.memory_space<semaphore_mem>>) src(%dma_wait3A_358 : memref<10000x128xf32, #tpu.memory_space<hbm>>) dst(%dma_wait3A_352 : memref<80x128xf32, #tpu.memory_space<vmem>>)
      %dma_start3A_359 = arith.constant 2 : i32
      %dma_start3A_360 = arith.constant 6 : i32
      %dma_start3A_361 = arith.constant 0 : i32
      %dma_start3A_362 = arith.constant 0 : i32
      %dma_start3A_363 = tpu.memref_slice %arg10[%dma_start3A_359, %dma_start3A_361, %dma_start3A_362] : memref<4x80x128xf32, #tpu.memory_space<vmem>> -> memref<1x80x128xf32, #tpu.memory_space<vmem>>
      %dma_start3A_364 = tpu.memref_squeeze %dma_start3A_363 : memref<1x80x128xf32, #tpu.memory_space<vmem>> -> memref<80x128xf32, #tpu.memory_space<vmem>>
      %dma_start3A_365 = arith.constant 0 : i32
      %dma_start3A_366 = tpu.memref_slice %arg9[%dma_start3A_360, %dma_start3A_365] : memref<8x80xi32, #tpu.memory_space<vmem>> -> memref<1x80xi32, #tpu.memory_space<vmem>>
      %dma_start3A_367 = tpu.memref_squeeze %dma_start3A_366 : memref<1x80xi32, #tpu.memory_space<vmem>> -> memref<80xi32, #tpu.memory_space<vmem>>
      %dma_start3A_368 = arith.constant 0 : i32
      %dma_start3A_369 = arith.constant 0 : i32
      %dma_start3A_370 = tpu.memref_slice %arg7[%dma_start3A_368, %dma_start3A_369] : memref<10112x128xf32, #tpu.memory_space<vmem_shared>> -> memref<10112x128xf32, #tpu.memory_space<vmem_shared>>
      tpu.enqueue_indirect_dma source(%dma_start3A_364 : memref<80x128xf32, #tpu.memory_space<vmem>>) target(%dma_start3A_370 : memref<10112x128xf32, #tpu.memory_space<vmem_shared>>) offsets(%dma_start3A_367 : memref<80xi32, #tpu.memory_space<vmem>>) semaphore(%arg13 : memref<!tpu.dma_semaphore, #tpu.memory_space<semaphore_mem>>) {add = true}
      %dma_wait3A_371 = arith.constant 7 : i32
      %dma_wait3A_372 = arith.constant 3 : i32
      %dma_wait3A_373 = arith.constant 0 : i32
      %dma_wait3A_374 = arith.constant 0 : i32
      %dma_wait3A_375 = tpu.memref_slice %arg10[%dma_wait3A_372, %dma_wait3A_373, %dma_wait3A_374] : memref<4x80x128xf32, #tpu.memory_space<vmem>> -> memref<1x80x128xf32, #tpu.memory_space<vmem>>
      %dma_wait3A_376 = tpu.memref_squeeze %dma_wait3A_375 : memref<1x80x128xf32, #tpu.memory_space<vmem>> -> memref<80x128xf32, #tpu.memory_space<vmem>>
      %dma_wait3A_377 = arith.constant 0 : i32
      %dma_wait3A_378 = tpu.memref_slice %arg8[%dma_wait3A_371, %dma_wait3A_377] : memref<8x80xi32, #tpu.memory_space<vmem>> -> memref<1x80xi32, #tpu.memory_space<vmem>>
      %dma_wait3A_379 = tpu.memref_squeeze %dma_wait3A_378 : memref<1x80xi32, #tpu.memory_space<vmem>> -> memref<80xi32, #tpu.memory_space<vmem>>
      %dma_wait3A_380 = arith.constant 0 : i32
      %dma_wait3A_381 = arith.constant 0 : i32
      %dma_wait3A_382 = tpu.memref_slice %arg2[%dma_wait3A_380, %dma_wait3A_381] : memref<10000x128xf32, #tpu.memory_space<hbm>> -> memref<10000x128xf32, #tpu.memory_space<hbm>>
      tpu.wait_indirect_dma semaphore(%arg11 : memref<!tpu.dma_semaphore, #tpu.memory_space<semaphore_mem>>) src(%dma_wait3A_382 : memref<10000x128xf32, #tpu.memory_space<hbm>>) dst(%dma_wait3A_376 : memref<80x128xf32, #tpu.memory_space<vmem>>)
      %dma_start3A_383 = arith.constant 3 : i32
      %dma_start3A_384 = arith.constant 7 : i32
      %dma_start3A_385 = arith.constant 0 : i32
      %dma_start3A_386 = arith.constant 0 : i32
      %dma_start3A_387 = tpu.memref_slice %arg10[%dma_start3A_383, %dma_start3A_385, %dma_start3A_386] : memref<4x80x128xf32, #tpu.memory_space<vmem>> -> memref<1x80x128xf32, #tpu.memory_space<vmem>>
      %dma_start3A_388 = tpu.memref_squeeze %dma_start3A_387 : memref<1x80x128xf32, #tpu.memory_space<vmem>> -> memref<80x128xf32, #tpu.memory_space<vmem>>
      %dma_start3A_389 = arith.constant 0 : i32
      %dma_start3A_390 = tpu.memref_slice %arg9[%dma_start3A_384, %dma_start3A_389] : memref<8x80xi32, #tpu.memory_space<vmem>> -> memref<1x80xi32, #tpu.memory_space<vmem>>
      %dma_start3A_391 = tpu.memref_squeeze %dma_start3A_390 : memref<1x80xi32, #tpu.memory_space<vmem>> -> memref<80xi32, #tpu.memory_space<vmem>>
      %dma_start3A_392 = arith.constant 0 : i32
      %dma_start3A_393 = arith.constant 0 : i32
      %dma_start3A_394 = tpu.memref_slice %arg7[%dma_start3A_392, %dma_start3A_393] : memref<10112x128xf32, #tpu.memory_space<vmem_shared>> -> memref<10112x128xf32, #tpu.memory_space<vmem_shared>>
      tpu.enqueue_indirect_dma source(%dma_start3A_388 : memref<80x128xf32, #tpu.memory_space<vmem>>) target(%dma_start3A_394 : memref<10112x128xf32, #tpu.memory_space<vmem_shared>>) offsets(%dma_start3A_391 : memref<80xi32, #tpu.memory_space<vmem>>) semaphore(%arg13 : memref<!tpu.dma_semaphore, #tpu.memory_space<semaphore_mem>>) {add = true}
    }
    %scan3A_7 = arith.constant 16 : i32
    %dma_wait3A = arith.constant 0 : i32
    %dma_wait3A_8 = arith.constant 0 : i32
    %dma_wait3A_9 = arith.constant 0 : i32
    %dma_wait3A_10 = tpu.memref_slice %arg10[%dma_wait3A, %dma_wait3A_8, %dma_wait3A_9] : memref<4x80x128xf32, #tpu.memory_space<vmem>> -> memref<1x80x128xf32, #tpu.memory_space<vmem>>
    %dma_wait3A_11 = tpu.memref_squeeze %dma_wait3A_10 : memref<1x80x128xf32, #tpu.memory_space<vmem>> -> memref<80x128xf32, #tpu.memory_space<vmem>>
    %dma_wait3A_12 = arith.constant 0 : i32
    %dma_wait3A_13 = arith.constant 0 : i32
    %dma_wait3A_14 = tpu.memref_slice %arg5[%dma_wait3A_12, %dma_wait3A_13] : memref<632x128xf32, #tpu.memory_space<hbm>> -> memref<80x128xf32, #tpu.memory_space<hbm>>
    %dma_wait3A_15 = arith.constant 0 : i32
    %dma_wait3A_16 = arith.constant 0 : i32
    %dma_wait3A_17 = tpu.memref_slice %arg10[%dma_wait3A, %dma_wait3A_15, %dma_wait3A_16] : memref<4x80x128xf32, #tpu.memory_space<vmem>> -> memref<1x80x128xf32, #tpu.memory_space<vmem>>
    %dma_wait3A_18 = tpu.memref_squeeze %dma_wait3A_17 : memref<1x80x128xf32, #tpu.memory_space<vmem>> -> memref<80x128xf32, #tpu.memory_space<vmem>>
    %dma_wait3A_19 = arith.constant 0 : i32
    %dma_wait3A_20 = arith.constant 0 : i32
    %dma_wait3A_21 = tpu.memref_slice %arg5[%dma_wait3A_19, %dma_wait3A_20] : memref<632x128xf32, #tpu.memory_space<hbm>> -> memref<80x128xf32, #tpu.memory_space<hbm>>
    tpu.wait_dma2 semaphore(%arg12 : memref<!tpu.dma_semaphore, #tpu.memory_space<semaphore_mem>>) src(%dma_wait3A_21 : memref<80x128xf32, #tpu.memory_space<hbm>>) dst(%dma_wait3A_18 : memref<80x128xf32, #tpu.memory_space<vmem>>)
    %dma_wait3A_22 = arith.constant 0 : i32
    %dma_wait3A_23 = arith.constant 0 : i32
    %dma_wait3A_24 = arith.constant 0 : i32
    %dma_wait3A_25 = tpu.memref_slice %arg10[%dma_wait3A_22, %dma_wait3A_23, %dma_wait3A_24] : memref<4x80x128xf32, #tpu.memory_space<vmem>> -> memref<1x80x128xf32, #tpu.memory_space<vmem>>
    %dma_wait3A_26 = tpu.memref_squeeze %dma_wait3A_25 : memref<1x80x128xf32, #tpu.memory_space<vmem>> -> memref<80x128xf32, #tpu.memory_space<vmem>>
    %dma_wait3A_27 = arith.constant 0 : i32
    %dma_wait3A_28 = arith.constant 0 : i32
    %dma_wait3A_29 = tpu.memref_slice %arg5[%dma_wait3A_27, %dma_wait3A_28] : memref<632x128xf32, #tpu.memory_space<hbm>> -> memref<80x128xf32, #tpu.memory_space<hbm>>
    %dma_wait3A_30 = arith.constant 0 : i32
    %dma_wait3A_31 = arith.constant 0 : i32
    %dma_wait3A_32 = tpu.memref_slice %arg10[%dma_wait3A_22, %dma_wait3A_30, %dma_wait3A_31] : memref<4x80x128xf32, #tpu.memory_space<vmem>> -> memref<1x80x128xf32, #tpu.memory_space<vmem>>
    %dma_wait3A_33 = tpu.memref_squeeze %dma_wait3A_32 : memref<1x80x128xf32, #tpu.memory_space<vmem>> -> memref<80x128xf32, #tpu.memory_space<vmem>>
    %dma_wait3A_34 = arith.constant 0 : i32
    %dma_wait3A_35 = arith.constant 0 : i32
    %dma_wait3A_36 = tpu.memref_slice %arg5[%dma_wait3A_34, %dma_wait3A_35] : memref<632x128xf32, #tpu.memory_space<hbm>> -> memref<80x128xf32, #tpu.memory_space<hbm>>
    tpu.wait_dma2 semaphore(%arg12 : memref<!tpu.dma_semaphore, #tpu.memory_space<semaphore_mem>>) src(%dma_wait3A_36 : memref<80x128xf32, #tpu.memory_space<hbm>>) dst(%dma_wait3A_33 : memref<80x128xf32, #tpu.memory_space<vmem>>)
    %dma_wait3A_37 = arith.constant 0 : i32
    %dma_wait3A_38 = arith.constant 0 : i32
    %dma_wait3A_39 = arith.constant 0 : i32
    %dma_wait3A_40 = tpu.memref_slice %arg10[%dma_wait3A_37, %dma_wait3A_38, %dma_wait3A_39] : memref<4x80x128xf32, #tpu.memory_space<vmem>> -> memref<1x80x128xf32, #tpu.memory_space<vmem>>
    %dma_wait3A_41 = tpu.memref_squeeze %dma_wait3A_40 : memref<1x80x128xf32, #tpu.memory_space<vmem>> -> memref<80x128xf32, #tpu.memory_space<vmem>>
    %dma_wait3A_42 = arith.constant 0 : i32
    %dma_wait3A_43 = arith.constant 0 : i32
    %dma_wait3A_44 = tpu.memref_slice %arg5[%dma_wait3A_42, %dma_wait3A_43] : memref<632x128xf32, #tpu.memory_space<hbm>> -> memref<80x128xf32, #tpu.memory_space<hbm>>
    %dma_wait3A_45 = arith.constant 0 : i32
    %dma_wait3A_46 = arith.constant 0 : i32
    %dma_wait3A_47 = tpu.memref_slice %arg10[%dma_wait3A_37, %dma_wait3A_45, %dma_wait3A_46] : memref<4x80x128xf32, #tpu.memory_space<vmem>> -> memref<1x80x128xf32, #tpu.memory_space<vmem>>
    %dma_wait3A_48 = tpu.memref_squeeze %dma_wait3A_47 : memref<1x80x128xf32, #tpu.memory_space<vmem>> -> memref<80x128xf32, #tpu.memory_space<vmem>>
    %dma_wait3A_49 = arith.constant 0 : i32
    %dma_wait3A_50 = arith.constant 0 : i32
    %dma_wait3A_51 = tpu.memref_slice %arg5[%dma_wait3A_49, %dma_wait3A_50] : memref<632x128xf32, #tpu.memory_space<hbm>> -> memref<80x128xf32, #tpu.memory_space<hbm>>
    tpu.wait_dma2 semaphore(%arg13 : memref<!tpu.dma_semaphore, #tpu.memory_space<semaphore_mem>>) src(%dma_wait3A_51 : memref<80x128xf32, #tpu.memory_space<hbm>>) dst(%dma_wait3A_48 : memref<80x128xf32, #tpu.memory_space<vmem>>)
    %dma_wait3A_52 = arith.constant 0 : i32
    %dma_wait3A_53 = arith.constant 0 : i32
    %dma_wait3A_54 = arith.constant 0 : i32
    %dma_wait3A_55 = tpu.memref_slice %arg10[%dma_wait3A_52, %dma_wait3A_53, %dma_wait3A_54] : memref<4x80x128xf32, #tpu.memory_space<vmem>> -> memref<1x80x128xf32, #tpu.memory_space<vmem>>
    %dma_wait3A_56 = tpu.memref_squeeze %dma_wait3A_55 : memref<1x80x128xf32, #tpu.memory_space<vmem>> -> memref<80x128xf32, #tpu.memory_space<vmem>>
    %dma_wait3A_57 = arith.constant 0 : i32
    %dma_wait3A_58 = arith.constant 0 : i32
    %dma_wait3A_59 = tpu.memref_slice %arg5[%dma_wait3A_57, %dma_wait3A_58] : memref<632x128xf32, #tpu.memory_space<hbm>> -> memref<80x128xf32, #tpu.memory_space<hbm>>
    %dma_wait3A_60 = arith.constant 0 : i32
    %dma_wait3A_61 = arith.constant 0 : i32
    %dma_wait3A_62 = tpu.memref_slice %arg10[%dma_wait3A_52, %dma_wait3A_60, %dma_wait3A_61] : memref<4x80x128xf32, #tpu.memory_space<vmem>> -> memref<1x80x128xf32, #tpu.memory_space<vmem>>
    %dma_wait3A_63 = tpu.memref_squeeze %dma_wait3A_62 : memref<1x80x128xf32, #tpu.memory_space<vmem>> -> memref<80x128xf32, #tpu.memory_space<vmem>>
    %dma_wait3A_64 = arith.constant 0 : i32
    %dma_wait3A_65 = arith.constant 0 : i32
    %dma_wait3A_66 = tpu.memref_slice %arg5[%dma_wait3A_64, %dma_wait3A_65] : memref<632x128xf32, #tpu.memory_space<hbm>> -> memref<80x128xf32, #tpu.memory_space<hbm>>
    tpu.wait_dma2 semaphore(%arg13 : memref<!tpu.dma_semaphore, #tpu.memory_space<semaphore_mem>>) src(%dma_wait3A_66 : memref<80x128xf32, #tpu.memory_space<hbm>>) dst(%dma_wait3A_63 : memref<80x128xf32, #tpu.memory_space<vmem>>)
    %barrier3A_67 = arith.constant 0 : index
    tpu.barrier barrier_id(%barrier3A_67)
    %mul3A_68 = arith.constant 632 : i32
    %mul3A_69 = arith.muli %arg1, %mul3A_68 : i32
    %mul3A_70 = arith.constant 632 : i32
    %mul3A_71 = arith.muli %arg1, %mul3A_70 : i32
    "tpu.region"() ({
      %run_scoped3A = tpu.sem_alloc : memref<!tpu.dma_semaphore, #tpu.memory_space<semaphore_mem>>
      %dma_start3A = arith.constant 0 : i32
      %dma_start3A_72 = tpu.memref_slice %arg6[%arg0, %mul3A_71, %dma_start3A] : memref<2x10112x128xf32, #tpu.memory_space<hbm>> -> memref<1x632x128xf32, #tpu.memory_space<hbm>>
      %dma_start3A_73 = tpu.memref_squeeze %dma_start3A_72 : memref<1x632x128xf32, #tpu.memory_space<hbm>> -> memref<632x128xf32, #tpu.memory_space<hbm>>
      %dma_start3A_74 = arith.constant 0 : i32
      %dma_start3A_75 = tpu.memref_slice %arg7[%mul3A_69, %dma_start3A_74] : memref<10112x128xf32, #tpu.memory_space<vmem_shared>> -> memref<632x128xf32, #tpu.memory_space<vmem_shared>>
      tpu.enqueue_dma source(%dma_start3A_75 : memref<632x128xf32, #tpu.memory_space<vmem_shared>>) target(%dma_start3A_73 : memref<632x128xf32, #tpu.memory_space<hbm>>) target_semaphore(%run_scoped3A : memref<!tpu.dma_semaphore, #tpu.memory_space<semaphore_mem>>)
      %dma_wait3A_76 = arith.constant 0 : i32
      %dma_wait3A_77 = tpu.memref_slice %arg6[%arg0, %mul3A_71, %dma_wait3A_76] : memref<2x10112x128xf32, #tpu.memory_space<hbm>> -> memref<1x632x128xf32, #tpu.memory_space<hbm>>
      %dma_wait3A_78 = tpu.memref_squeeze %dma_wait3A_77 : memref<1x632x128xf32, #tpu.memory_space<hbm>> -> memref<632x128xf32, #tpu.memory_space<hbm>>
      %dma_wait3A_79 = arith.constant 0 : i32
      %dma_wait3A_80 = tpu.memref_slice %arg7[%mul3A_69, %dma_wait3A_79] : memref<10112x128xf32, #tpu.memory_space<vmem_shared>> -> memref<632x128xf32, #tpu.memory_space<vmem_shared>>
      tpu.wait_dma2 semaphore(%run_scoped3A : memref<!tpu.dma_semaphore, #tpu.memory_space<semaphore_mem>>) src(%dma_wait3A_80 : memref<632x128xf32, #tpu.memory_space<vmem_shared>>) dst(%dma_wait3A_78 : memref<632x128xf32, #tpu.memory_space<hbm>>)
      tpu.yield
    }) : () -> ()
    return
  }
}

#map = affine_map<(d0, d1) -> (0, 0)>
#map1 = affine_map<(d0, d1) -> (0, 0, 0)>
module attributes {stable_mosaic.version = 14 : i64} {
  func.func @agg(%arg0: i32, %arg1: i32, %arg2: memref<10000x128xf32, #tpu.memory_space<hbm>>, %arg3: memref<4096x80xi32, #tpu.memory_space<hbm>>, %arg4: memref<4096x80xi32, #tpu.memory_space<hbm>>, %arg5: memref<632x128xf32, #tpu.memory_space<hbm>>, %arg6: memref<2x10112x128xf32, #tpu.memory_space<hbm>>, %arg7: memref<10112x128xf32, #tpu.memory_space<vmem_shared>>, %arg8: memref<8x80xi32, #tpu.memory_space<vmem>>, %arg9: memref<8x80xi32, #tpu.memory_space<vmem>>, %arg10: memref<4x80x128xf32, #tpu.memory_space<vmem>>, %arg11: memref<!tpu.dma_semaphore, #tpu.memory_space<semaphore_mem>>, %arg12: memref<!tpu.dma_semaphore, #tpu.memory_space<semaphore_mem>>, %arg13: memref<!tpu.dma_semaphore, #tpu.memory_space<semaphore_mem>>) attributes {dimension_semantics = [#tpu.dimension_semantics<core_parallel>, #tpu.dimension_semantics<subcore_parallel>], iteration_bounds = array<i64: 2, 16>, scalar_prefetch = 0 : i64, scratch_operands = 7 : i64, tpu.core_type = #tpu.core_type<sc_vector_subcore>, window_params = [{transform_indices = #map}, {transform_indices = #map}, {transform_indices = #map}, {transform_indices = #map}, {transform_indices = #map1}]} {
    %mul3A = arith.constant 2 : i32
    %mul3A_0 = arith.muli %arg1, %mul3A : i32
    %add3A = arith.addi %mul3A_0, %arg0 : i32
    %mul3A_1 = arith.constant 632 : i32
    %mul3A_2 = arith.muli %arg1, %mul3A_1 : i32
    "tpu.region"() ({
      %run_scoped3A = tpu.sem_alloc : memref<!tpu.dma_semaphore, #tpu.memory_space<semaphore_mem>>
      %dma_start3A = arith.constant 0 : i32
      %dma_start3A_72 = tpu.memref_slice %arg7[%mul3A_2, %dma_start3A] : memref<10112x128xf32, #tpu.memory_space<vmem_shared>> -> memref<632x128xf32, #tpu.memory_space<vmem_shared>>
      tpu.enqueue_dma source(%arg5 : memref<632x128xf32, #tpu.memory_space<hbm>>) target(%dma_start3A_72 : memref<632x128xf32, #tpu.memory_space<vmem_shared>>) target_semaphore(%run_scoped3A : memref<!tpu.dma_semaphore, #tpu.memory_space<semaphore_mem>>)
      %dma_wait3A_73 = arith.constant 0 : i32
      %dma_wait3A_74 = tpu.memref_slice %arg7[%mul3A_2, %dma_wait3A_73] : memref<10112x128xf32, #tpu.memory_space<vmem_shared>> -> memref<632x128xf32, #tpu.memory_space<vmem_shared>>
      tpu.wait_dma2 semaphore(%run_scoped3A : memref<!tpu.dma_semaphore, #tpu.memory_space<semaphore_mem>>) src(%arg5 : memref<632x128xf32, #tpu.memory_space<hbm>>) dst(%dma_wait3A_74 : memref<632x128xf32, #tpu.memory_space<vmem_shared>>)
      tpu.yield
    }) : () -> ()
    %barrier3A = arith.constant 0 : index
    tpu.barrier barrier_id(%barrier3A)
    %scan3A = arith.constant 0 : i32
    %scan3A_3 = arith.constant 0 : i32
    %scan3A_4 = arith.constant 16 : i32
    %scan3A_5 = arith.addi %scan3A_3, %scan3A_4 : i32
    %scan3A_6 = arith.constant 1 : i32
    scf.for %scan3A_72 = %scan3A_3 to %scan3A_5 step %scan3A_6  : i32 {
      %mul3A_73 = arith.constant 128 : i32
      %mul3A_74 = arith.muli %add3A, %mul3A_73 : i32
      %mul3A_75 = arith.constant 8 : i32
      %mul3A_76 = arith.muli %scan3A_72, %mul3A_75 : i32
      %add3A_77 = arith.addi %mul3A_74, %mul3A_76 : i32
      "tpu.region"() ({
        %run_scoped3A = tpu.sem_alloc : memref<!tpu.dma_semaphore, #tpu.memory_space<semaphore_mem>>
        %dma_start3A_395 = arith.constant 0 : i32
        %dma_start3A_396 = tpu.memref_slice %arg3[%add3A_77, %dma_start3A_395] : memref<4096x80xi32, #tpu.memory_space<hbm>> -> memref<8x80xi32, #tpu.memory_space<hbm>>
        %dma_start3A_397 = arith.constant 0 : i32
        %dma_start3A_398 = tpu.memref_slice %arg3[%add3A_77, %dma_start3A_397] : memref<4096x80xi32, #tpu.memory_space<hbm>> -> memref<8x80xi32, #tpu.memory_space<hbm>>
        tpu.enqueue_dma source(%dma_start3A_398 : memref<8x80xi32, #tpu.memory_space<hbm>>) target(%arg8 : memref<8x80xi32, #tpu.memory_space<vmem>>) target_semaphore(%run_scoped3A : memref<!tpu.dma_semaphore, #tpu.memory_space<semaphore_mem>>)
        %dma_wait3A_399 = arith.constant 0 : i32
        %dma_wait3A_400 = tpu.memref_slice %arg3[%add3A_77, %dma_wait3A_399] : memref<4096x80xi32, #tpu.memory_space<hbm>> -> memref<8x80xi32, #tpu.memory_space<hbm>>
        %dma_wait3A_401 = arith.constant 0 : i32
        %dma_wait3A_402 = tpu.memref_slice %arg3[%add3A_77, %dma_wait3A_401] : memref<4096x80xi32, #tpu.memory_space<hbm>> -> memref<8x80xi32, #tpu.memory_space<hbm>>
        tpu.wait_dma2 semaphore(%run_scoped3A : memref<!tpu.dma_semaphore, #tpu.memory_space<semaphore_mem>>) src(%dma_wait3A_402 : memref<8x80xi32, #tpu.memory_space<hbm>>) dst(%arg8 : memref<8x80xi32, #tpu.memory_space<vmem>>)
        tpu.yield
      }) : () -> ()
      %mul3A_78 = arith.constant 128 : i32
      %mul3A_79 = arith.muli %add3A, %mul3A_78 : i32
      %mul3A_80 = arith.constant 8 : i32
      %mul3A_81 = arith.muli %scan3A_72, %mul3A_80 : i32
      %add3A_82 = arith.addi %mul3A_79, %mul3A_81 : i32
      "tpu.region"() ({
        %run_scoped3A = tpu.sem_alloc : memref<!tpu.dma_semaphore, #tpu.memory_space<semaphore_mem>>
        %dma_start3A_395 = arith.constant 0 : i32
        %dma_start3A_396 = tpu.memref_slice %arg4[%add3A_82, %dma_start3A_395] : memref<4096x80xi32, #tpu.memory_space<hbm>> -> memref<8x80xi32, #tpu.memory_space<hbm>>
        %dma_start3A_397 = arith.constant 0 : i32
        %dma_start3A_398 = tpu.memref_slice %arg4[%add3A_82, %dma_start3A_397] : memref<4096x80xi32, #tpu.memory_space<hbm>> -> memref<8x80xi32, #tpu.memory_space<hbm>>
        tpu.enqueue_dma source(%dma_start3A_398 : memref<8x80xi32, #tpu.memory_space<hbm>>) target(%arg9 : memref<8x80xi32, #tpu.memory_space<vmem>>) target_semaphore(%run_scoped3A : memref<!tpu.dma_semaphore, #tpu.memory_space<semaphore_mem>>)
        %dma_wait3A_399 = arith.constant 0 : i32
        %dma_wait3A_400 = tpu.memref_slice %arg4[%add3A_82, %dma_wait3A_399] : memref<4096x80xi32, #tpu.memory_space<hbm>> -> memref<8x80xi32, #tpu.memory_space<hbm>>
        %dma_wait3A_401 = arith.constant 0 : i32
        %dma_wait3A_402 = tpu.memref_slice %arg4[%add3A_82, %dma_wait3A_401] : memref<4096x80xi32, #tpu.memory_space<hbm>> -> memref<8x80xi32, #tpu.memory_space<hbm>>
        tpu.wait_dma2 semaphore(%run_scoped3A : memref<!tpu.dma_semaphore, #tpu.memory_space<semaphore_mem>>) src(%dma_wait3A_402 : memref<8x80xi32, #tpu.memory_space<hbm>>) dst(%arg9 : memref<8x80xi32, #tpu.memory_space<vmem>>)
        tpu.yield
      }) : () -> ()
      %add3A_83 = arith.constant 0 : i32
      %add3A_84 = arith.addi %scan3A_72, %add3A_83 : i32
      %gt3A = arith.constant 0 : i32
      %gt3A_85 = arith.cmpi sgt, %add3A_84, %gt3A : i32
      %convert_element_type3A = arith.extui %gt3A_85 : i1 to i32
      %cond3A = arith.constant 0 : i32
      %cond3A_86 = arith.cmpi ne, %convert_element_type3A, %cond3A : i32
      scf.if %cond3A_86 {
        %dma_wait3A_395 = arith.constant 0 : i32
        %dma_wait3A_396 = arith.constant 0 : i32
        %dma_wait3A_397 = arith.constant 0 : i32
        %dma_wait3A_398 = tpu.memref_slice %arg10[%dma_wait3A_395, %dma_wait3A_396, %dma_wait3A_397] : memref<4x80x128xf32, #tpu.memory_space<vmem>> -> memref<1x80x128xf32, #tpu.memory_space<vmem>>
        %dma_wait3A_399 = tpu.memref_squeeze %dma_wait3A_398 : memref<1x80x128xf32, #tpu.memory_space<vmem>> -> memref<80x128xf32, #tpu.memory_space<vmem>>
        %dma_wait3A_400 = arith.constant 0 : i32
        %dma_wait3A_401 = arith.constant 0 : i32
        %dma_wait3A_402 = tpu.memref_slice %arg5[%dma_wait3A_400, %dma_wait3A_401] : memref<632x128xf32, #tpu.memory_space<hbm>> -> memref<80x128xf32, #tpu.memory_space<hbm>>
        %dma_wait3A_403 = arith.constant 0 : i32
        %dma_wait3A_404 = arith.constant 0 : i32
        %dma_wait3A_405 = tpu.memref_slice %arg10[%dma_wait3A_395, %dma_wait3A_403, %dma_wait3A_404] : memref<4x80x128xf32, #tpu.memory_space<vmem>> -> memref<1x80x128xf32, #tpu.memory_space<vmem>>
        %dma_wait3A_406 = tpu.memref_squeeze %dma_wait3A_405 : memref<1x80x128xf32, #tpu.memory_space<vmem>> -> memref<80x128xf32, #tpu.memory_space<vmem>>
        %dma_wait3A_407 = arith.constant 0 : i32
        %dma_wait3A_408 = arith.constant 0 : i32
        %dma_wait3A_409 = tpu.memref_slice %arg5[%dma_wait3A_407, %dma_wait3A_408] : memref<632x128xf32, #tpu.memory_space<hbm>> -> memref<80x128xf32, #tpu.memory_space<hbm>>
        tpu.wait_dma2 semaphore(%arg12 : memref<!tpu.dma_semaphore, #tpu.memory_space<semaphore_mem>>) src(%dma_wait3A_409 : memref<80x128xf32, #tpu.memory_space<hbm>>) dst(%dma_wait3A_406 : memref<80x128xf32, #tpu.memory_space<vmem>>)
        %dma_wait3A_410 = arith.constant 0 : i32
        %dma_wait3A_411 = arith.constant 0 : i32
        %dma_wait3A_412 = arith.constant 0 : i32
        %dma_wait3A_413 = tpu.memref_slice %arg10[%dma_wait3A_410, %dma_wait3A_411, %dma_wait3A_412] : memref<4x80x128xf32, #tpu.memory_space<vmem>> -> memref<1x80x128xf32, #tpu.memory_space<vmem>>
        %dma_wait3A_414 = tpu.memref_squeeze %dma_wait3A_413 : memref<1x80x128xf32, #tpu.memory_space<vmem>> -> memref<80x128xf32, #tpu.memory_space<vmem>>
        %dma_wait3A_415 = arith.constant 0 : i32
        %dma_wait3A_416 = arith.constant 0 : i32
        %dma_wait3A_417 = tpu.memref_slice %arg5[%dma_wait3A_415, %dma_wait3A_416] : memref<632x128xf32, #tpu.memory_space<hbm>> -> memref<80x128xf32, #tpu.memory_space<hbm>>
        %dma_wait3A_418 = arith.constant 0 : i32
        %dma_wait3A_419 = arith.constant 0 : i32
        %dma_wait3A_420 = tpu.memref_slice %arg10[%dma_wait3A_410, %dma_wait3A_418, %dma_wait3A_419] : memref<4x80x128xf32, #tpu.memory_space<vmem>> -> memref<1x80x128xf32, #tpu.memory_space<vmem>>
        %dma_wait3A_421 = tpu.memref_squeeze %dma_wait3A_420 : memref<1x80x128xf32, #tpu.memory_space<vmem>> -> memref<80x128xf32, #tpu.memory_space<vmem>>
        %dma_wait3A_422 = arith.constant 0 : i32
        %dma_wait3A_423 = arith.constant 0 : i32
        %dma_wait3A_424 = tpu.memref_slice %arg5[%dma_wait3A_422, %dma_wait3A_423] : memref<632x128xf32, #tpu.memory_space<hbm>> -> memref<80x128xf32, #tpu.memory_space<hbm>>
        tpu.wait_dma2 semaphore(%arg12 : memref<!tpu.dma_semaphore, #tpu.memory_space<semaphore_mem>>) src(%dma_wait3A_424 : memref<80x128xf32, #tpu.memory_space<hbm>>) dst(%dma_wait3A_421 : memref<80x128xf32, #tpu.memory_space<vmem>>)
      } else {
      }
      %dma_start3A = arith.constant 0 : i32
      %dma_start3A_87 = arith.constant 0 : i32
      %dma_start3A_88 = arith.constant 0 : i32
      %dma_start3A_89 = arith.constant 0 : i32
      %dma_start3A_90 = tpu.memref_slice %arg10[%dma_start3A_87, %dma_start3A_88, %dma_start3A_89] : memref<4x80x128xf32, #tpu.memory_space<vmem>> -> memref<1x80x128xf32, #tpu.memory_space<vmem>>
      %dma_start3A_91 = tpu.memref_squeeze %dma_start3A_90 : memref<1x80x128xf32, #tpu.memory_space<vmem>> -> memref<80x128xf32, #tpu.memory_space<vmem>>
      %dma_start3A_92 = arith.constant 0 : i32
      %dma_start3A_93 = tpu.memref_slice %arg8[%dma_start3A, %dma_start3A_92] : memref<8x80xi32, #tpu.memory_space<vmem>> -> memref<1x80xi32, #tpu.memory_space<vmem>>
      %dma_start3A_94 = tpu.memref_squeeze %dma_start3A_93 : memref<1x80xi32, #tpu.memory_space<vmem>> -> memref<80xi32, #tpu.memory_space<vmem>>
      %dma_start3A_95 = arith.constant 0 : i32
      %dma_start3A_96 = arith.constant 0 : i32
      %dma_start3A_97 = tpu.memref_slice %arg2[%dma_start3A_95, %dma_start3A_96] : memref<10000x128xf32, #tpu.memory_space<hbm>> -> memref<10000x128xf32, #tpu.memory_space<hbm>>
      tpu.enqueue_indirect_dma source(%dma_start3A_97 : memref<10000x128xf32, #tpu.memory_space<hbm>>) target(%dma_start3A_91 : memref<80x128xf32, #tpu.memory_space<vmem>>) offsets(%dma_start3A_94 : memref<80xi32, #tpu.memory_space<vmem>>) semaphore(%arg11 : memref<!tpu.dma_semaphore, #tpu.memory_space<semaphore_mem>>)
      %dma_start3A_98 = arith.constant 1 : i32
      %dma_start3A_99 = arith.constant 1 : i32
      %dma_start3A_100 = arith.constant 0 : i32
      %dma_start3A_101 = arith.constant 0 : i32
      %dma_start3A_102 = tpu.memref_slice %arg10[%dma_start3A_99, %dma_start3A_100, %dma_start3A_101] : memref<4x80x128xf32, #tpu.memory_space<vmem>> -> memref<1x80x128xf32, #tpu.memory_space<vmem>>
      %dma_start3A_103 = tpu.memref_squeeze %dma_start3A_102 : memref<1x80x128xf32, #tpu.memory_space<vmem>> -> memref<80x128xf32, #tpu.memory_space<vmem>>
      %dma_start3A_104 = arith.constant 0 : i32
      %dma_start3A_105 = tpu.memref_slice %arg8[%dma_start3A_98, %dma_start3A_104] : memref<8x80xi32, #tpu.memory_space<vmem>> -> memref<1x80xi32, #tpu.memory_space<vmem>>
      %dma_start3A_106 = tpu.memref_squeeze %dma_start3A_105 : memref<1x80xi32, #tpu.memory_space<vmem>> -> memref<80xi32, #tpu.memory_space<vmem>>
      %dma_start3A_107 = arith.constant 0 : i32
      %dma_start3A_108 = arith.constant 0 : i32
      %dma_start3A_109 = tpu.memref_slice %arg2[%dma_start3A_107, %dma_start3A_108] : memref<10000x128xf32, #tpu.memory_space<hbm>> -> memref<10000x128xf32, #tpu.memory_space<hbm>>
      tpu.enqueue_indirect_dma source(%dma_start3A_109 : memref<10000x128xf32, #tpu.memory_space<hbm>>) target(%dma_start3A_103 : memref<80x128xf32, #tpu.memory_space<vmem>>) offsets(%dma_start3A_106 : memref<80xi32, #tpu.memory_space<vmem>>) semaphore(%arg11 : memref<!tpu.dma_semaphore, #tpu.memory_space<semaphore_mem>>)
      %add3A_110 = arith.constant 0 : i32
      %add3A_111 = arith.addi %scan3A_72, %add3A_110 : i32
      %gt3A_112 = arith.constant 0 : i32
      %gt3A_113 = arith.cmpi sgt, %add3A_111, %gt3A_112 : i32
      %convert_element_type3A_114 = arith.extui %gt3A_113 : i1 to i32
      %cond3A_115 = arith.constant 0 : i32
      %cond3A_116 = arith.cmpi ne, %convert_element_type3A_114, %cond3A_115 : i32
      scf.if %cond3A_116 {
        %dma_wait3A_395 = arith.constant 0 : i32
        %dma_wait3A_396 = arith.constant 0 : i32
        %dma_wait3A_397 = arith.constant 0 : i32
        %dma_wait3A_398 = tpu.memref_slice %arg10[%dma_wait3A_395, %dma_wait3A_396, %dma_wait3A_397] : memref<4x80x128xf32, #tpu.memory_space<vmem>> -> memref<1x80x128xf32, #tpu.memory_space<vmem>>
        %dma_wait3A_399 = tpu.memref_squeeze %dma_wait3A_398 : memref<1x80x128xf32, #tpu.memory_space<vmem>> -> memref<80x128xf32, #tpu.memory_space<vmem>>
        %dma_wait3A_400 = arith.constant 0 : i32
        %dma_wait3A_401 = arith.constant 0 : i32
        %dma_wait3A_402 = tpu.memref_slice %arg5[%dma_wait3A_400, %dma_wait3A_401] : memref<632x128xf32, #tpu.memory_space<hbm>> -> memref<80x128xf32, #tpu.memory_space<hbm>>
        %dma_wait3A_403 = arith.constant 0 : i32
        %dma_wait3A_404 = arith.constant 0 : i32
        %dma_wait3A_405 = tpu.memref_slice %arg10[%dma_wait3A_395, %dma_wait3A_403, %dma_wait3A_404] : memref<4x80x128xf32, #tpu.memory_space<vmem>> -> memref<1x80x128xf32, #tpu.memory_space<vmem>>
        %dma_wait3A_406 = tpu.memref_squeeze %dma_wait3A_405 : memref<1x80x128xf32, #tpu.memory_space<vmem>> -> memref<80x128xf32, #tpu.memory_space<vmem>>
        %dma_wait3A_407 = arith.constant 0 : i32
        %dma_wait3A_408 = arith.constant 0 : i32
        %dma_wait3A_409 = tpu.memref_slice %arg5[%dma_wait3A_407, %dma_wait3A_408] : memref<632x128xf32, #tpu.memory_space<hbm>> -> memref<80x128xf32, #tpu.memory_space<hbm>>
        tpu.wait_dma2 semaphore(%arg13 : memref<!tpu.dma_semaphore, #tpu.memory_space<semaphore_mem>>) src(%dma_wait3A_409 : memref<80x128xf32, #tpu.memory_space<hbm>>) dst(%dma_wait3A_406 : memref<80x128xf32, #tpu.memory_space<vmem>>)
        %dma_wait3A_410 = arith.constant 0 : i32
        %dma_wait3A_411 = arith.constant 0 : i32
        %dma_wait3A_412 = arith.constant 0 : i32
        %dma_wait3A_413 = tpu.memref_slice %arg10[%dma_wait3A_410, %dma_wait3A_411, %dma_wait3A_412] : memref<4x80x128xf32, #tpu.memory_space<vmem>> -> memref<1x80x128xf32, #tpu.memory_space<vmem>>
        %dma_wait3A_414 = tpu.memref_squeeze %dma_wait3A_413 : memref<1x80x128xf32, #tpu.memory_space<vmem>> -> memref<80x128xf32, #tpu.memory_space<vmem>>
        %dma_wait3A_415 = arith.constant 0 : i32
        %dma_wait3A_416 = arith.constant 0 : i32
        %dma_wait3A_417 = tpu.memref_slice %arg5[%dma_wait3A_415, %dma_wait3A_416] : memref<632x128xf32, #tpu.memory_space<hbm>> -> memref<80x128xf32, #tpu.memory_space<hbm>>
        %dma_wait3A_418 = arith.constant 0 : i32
        %dma_wait3A_419 = arith.constant 0 : i32
        %dma_wait3A_420 = tpu.memref_slice %arg10[%dma_wait3A_410, %dma_wait3A_418, %dma_wait3A_419] : memref<4x80x128xf32, #tpu.memory_space<vmem>> -> memref<1x80x128xf32, #tpu.memory_space<vmem>>
        %dma_wait3A_421 = tpu.memref_squeeze %dma_wait3A_420 : memref<1x80x128xf32, #tpu.memory_space<vmem>> -> memref<80x128xf32, #tpu.memory_space<vmem>>
        %dma_wait3A_422 = arith.constant 0 : i32
        %dma_wait3A_423 = arith.constant 0 : i32
        %dma_wait3A_424 = tpu.memref_slice %arg5[%dma_wait3A_422, %dma_wait3A_423] : memref<632x128xf32, #tpu.memory_space<hbm>> -> memref<80x128xf32, #tpu.memory_space<hbm>>
        tpu.wait_dma2 semaphore(%arg13 : memref<!tpu.dma_semaphore, #tpu.memory_space<semaphore_mem>>) src(%dma_wait3A_424 : memref<80x128xf32, #tpu.memory_space<hbm>>) dst(%dma_wait3A_421 : memref<80x128xf32, #tpu.memory_space<vmem>>)
      } else {
      }
      %dma_start3A_117 = arith.constant 2 : i32
      %dma_start3A_118 = arith.constant 2 : i32
      %dma_start3A_119 = arith.constant 0 : i32
      %dma_start3A_120 = arith.constant 0 : i32
      %dma_start3A_121 = tpu.memref_slice %arg10[%dma_start3A_118, %dma_start3A_119, %dma_start3A_120] : memref<4x80x128xf32, #tpu.memory_space<vmem>> -> memref<1x80x128xf32, #tpu.memory_space<vmem>>
      %dma_start3A_122 = tpu.memref_squeeze %dma_start3A_121 : memref<1x80x128xf32, #tpu.memory_space<vmem>> -> memref<80x128xf32, #tpu.memory_space<vmem>>
      %dma_start3A_123 = arith.constant 0 : i32
      %dma_start3A_124 = tpu.memref_slice %arg8[%dma_start3A_117, %dma_start3A_123] : memref<8x80xi32, #tpu.memory_space<vmem>> -> memref<1x80xi32, #tpu.memory_space<vmem>>
      %dma_start3A_125 = tpu.memref_squeeze %dma_start3A_124 : memref<1x80xi32, #tpu.memory_space<vmem>> -> memref<80xi32, #tpu.memory_space<vmem>>
      %dma_start3A_126 = arith.constant 0 : i32
      %dma_start3A_127 = arith.constant 0 : i32
      %dma_start3A_128 = tpu.memref_slice %arg2[%dma_start3A_126, %dma_start3A_127] : memref<10000x128xf32, #tpu.memory_space<hbm>> -> memref<10000x128xf32, #tpu.memory_space<hbm>>
      tpu.enqueue_indirect_dma source(%dma_start3A_128 : memref<10000x128xf32, #tpu.memory_space<hbm>>) target(%dma_start3A_122 : memref<80x128xf32, #tpu.memory_space<vmem>>) offsets(%dma_start3A_125 : memref<80xi32, #tpu.memory_space<vmem>>) semaphore(%arg11 : memref<!tpu.dma_semaphore, #tpu.memory_space<semaphore_mem>>)
      %dma_start3A_129 = arith.constant 3 : i32
      %dma_start3A_130 = arith.constant 3 : i32
      %dma_start3A_131 = arith.constant 0 : i32
      %dma_start3A_132 = arith.constant 0 : i32
      %dma_start3A_133 = tpu.memref_slice %arg10[%dma_start3A_130, %dma_start3A_131, %dma_start3A_132] : memref<4x80x128xf32, #tpu.memory_space<vmem>> -> memref<1x80x128xf32, #tpu.memory_space<vmem>>
      %dma_start3A_134 = tpu.memref_squeeze %dma_start3A_133 : memref<1x80x128xf32, #tpu.memory_space<vmem>> -> memref<80x128xf32, #tpu.memory_space<vmem>>
      %dma_start3A_135 = arith.constant 0 : i32
      %dma_start3A_136 = tpu.memref_slice %arg8[%dma_start3A_129, %dma_start3A_135] : memref<8x80xi32, #tpu.memory_space<vmem>> -> memref<1x80xi32, #tpu.memory_space<vmem>>
      %dma_start3A_137 = tpu.memref_squeeze %dma_start3A_136 : memref<1x80xi32, #tpu.memory_space<vmem>> -> memref<80xi32, #tpu.memory_space<vmem>>
      %dma_start3A_138 = arith.constant 0 : i32
      %dma_start3A_139 = arith.constant 0 : i32
      %dma_start3A_140 = tpu.memref_slice %arg2[%dma_start3A_138, %dma_start3A_139] : memref<10000x128xf32, #tpu.memory_space<hbm>> -> memref<10000x128xf32, #tpu.memory_space<hbm>>
      tpu.enqueue_indirect_dma source(%dma_start3A_140 : memref<10000x128xf32, #tpu.memory_space<hbm>>) target(%dma_start3A_134 : memref<80x128xf32, #tpu.memory_space<vmem>>) offsets(%dma_start3A_137 : memref<80xi32, #tpu.memory_space<vmem>>) semaphore(%arg11 : memref<!tpu.dma_semaphore, #tpu.memory_space<semaphore_mem>>)
      %dma_wait3A_141 = arith.constant 0 : i32
      %dma_wait3A_142 = arith.constant 0 : i32
      %dma_wait3A_143 = arith.constant 0 : i32
      %dma_wait3A_144 = arith.constant 0 : i32
      %dma_wait3A_145 = tpu.memref_slice %arg10[%dma_wait3A_142, %dma_wait3A_143, %dma_wait3A_144] : memref<4x80x128xf32, #tpu.memory_space<vmem>> -> memref<1x80x128xf32, #tpu.memory_space<vmem>>
      %dma_wait3A_146 = tpu.memref_squeeze %dma_wait3A_145 : memref<1x80x128xf32, #tpu.memory_space<vmem>> -> memref<80x128xf32, #tpu.memory_space<vmem>>
      %dma_wait3A_147 = arith.constant 0 : i32
      %dma_wait3A_148 = tpu.memref_slice %arg8[%dma_wait3A_141, %dma_wait3A_147] : memref<8x80xi32, #tpu.memory_space<vmem>> -> memref<1x80xi32, #tpu.memory_space<vmem>>
      %dma_wait3A_149 = tpu.memref_squeeze %dma_wait3A_148 : memref<1x80xi32, #tpu.memory_space<vmem>> -> memref<80xi32, #tpu.memory_space<vmem>>
      %dma_wait3A_150 = arith.constant 0 : i32
      %dma_wait3A_151 = arith.constant 0 : i32
      %dma_wait3A_152 = tpu.memref_slice %arg2[%dma_wait3A_150, %dma_wait3A_151] : memref<10000x128xf32, #tpu.memory_space<hbm>> -> memref<10000x128xf32, #tpu.memory_space<hbm>>
      tpu.wait_indirect_dma semaphore(%arg11 : memref<!tpu.dma_semaphore, #tpu.memory_space<semaphore_mem>>) src(%dma_wait3A_152 : memref<10000x128xf32, #tpu.memory_space<hbm>>) dst(%dma_wait3A_146 : memref<80x128xf32, #tpu.memory_space<vmem>>)
      %dma_start3A_153 = arith.constant 0 : i32
      %dma_start3A_154 = arith.constant 0 : i32
      %dma_start3A_155 = arith.constant 0 : i32
      %dma_start3A_156 = arith.constant 0 : i32
      %dma_start3A_157 = tpu.memref_slice %arg10[%dma_start3A_153, %dma_start3A_155, %dma_start3A_156] : memref<4x80x128xf32, #tpu.memory_space<vmem>> -> memref<1x80x128xf32, #tpu.memory_space<vmem>>
      %dma_start3A_158 = tpu.memref_squeeze %dma_start3A_157 : memref<1x80x128xf32, #tpu.memory_space<vmem>> -> memref<80x128xf32, #tpu.memory_space<vmem>>
      %dma_start3A_159 = arith.constant 0 : i32
      %dma_start3A_160 = tpu.memref_slice %arg9[%dma_start3A_154, %dma_start3A_159] : memref<8x80xi32, #tpu.memory_space<vmem>> -> memref<1x80xi32, #tpu.memory_space<vmem>>
      %dma_start3A_161 = tpu.memref_squeeze %dma_start3A_160 : memref<1x80xi32, #tpu.memory_space<vmem>> -> memref<80xi32, #tpu.memory_space<vmem>>
      %dma_start3A_162 = arith.constant 0 : i32
      %dma_start3A_163 = arith.constant 0 : i32
      %dma_start3A_164 = tpu.memref_slice %arg7[%dma_start3A_162, %dma_start3A_163] : memref<10112x128xf32, #tpu.memory_space<vmem_shared>> -> memref<10112x128xf32, #tpu.memory_space<vmem_shared>>
      tpu.enqueue_indirect_dma source(%dma_start3A_158 : memref<80x128xf32, #tpu.memory_space<vmem>>) target(%dma_start3A_164 : memref<10112x128xf32, #tpu.memory_space<vmem_shared>>) offsets(%dma_start3A_161 : memref<80xi32, #tpu.memory_space<vmem>>) semaphore(%arg12 : memref<!tpu.dma_semaphore, #tpu.memory_space<semaphore_mem>>) {add = true}
      %dma_wait3A_165 = arith.constant 1 : i32
      %dma_wait3A_166 = arith.constant 1 : i32
      %dma_wait3A_167 = arith.constant 0 : i32
      %dma_wait3A_168 = arith.constant 0 : i32
      %dma_wait3A_169 = tpu.memref_slice %arg10[%dma_wait3A_166, %dma_wait3A_167, %dma_wait3A_168] : memref<4x80x128xf32, #tpu.memory_space<vmem>> -> memref<1x80x128xf32, #tpu.memory_space<vmem>>
      %dma_wait3A_170 = tpu.memref_squeeze %dma_wait3A_169 : memref<1x80x128xf32, #tpu.memory_space<vmem>> -> memref<80x128xf32, #tpu.memory_space<vmem>>
      %dma_wait3A_171 = arith.constant 0 : i32
      %dma_wait3A_172 = tpu.memref_slice %arg8[%dma_wait3A_165, %dma_wait3A_171] : memref<8x80xi32, #tpu.memory_space<vmem>> -> memref<1x80xi32, #tpu.memory_space<vmem>>
      %dma_wait3A_173 = tpu.memref_squeeze %dma_wait3A_172 : memref<1x80xi32, #tpu.memory_space<vmem>> -> memref<80xi32, #tpu.memory_space<vmem>>
      %dma_wait3A_174 = arith.constant 0 : i32
      %dma_wait3A_175 = arith.constant 0 : i32
      %dma_wait3A_176 = tpu.memref_slice %arg2[%dma_wait3A_174, %dma_wait3A_175] : memref<10000x128xf32, #tpu.memory_space<hbm>> -> memref<10000x128xf32, #tpu.memory_space<hbm>>
      tpu.wait_indirect_dma semaphore(%arg11 : memref<!tpu.dma_semaphore, #tpu.memory_space<semaphore_mem>>) src(%dma_wait3A_176 : memref<10000x128xf32, #tpu.memory_space<hbm>>) dst(%dma_wait3A_170 : memref<80x128xf32, #tpu.memory_space<vmem>>)
      %dma_start3A_177 = arith.constant 1 : i32
      %dma_start3A_178 = arith.constant 1 : i32
      %dma_start3A_179 = arith.constant 0 : i32
      %dma_start3A_180 = arith.constant 0 : i32
      %dma_start3A_181 = tpu.memref_slice %arg10[%dma_start3A_177, %dma_start3A_179, %dma_start3A_180] : memref<4x80x128xf32, #tpu.memory_space<vmem>> -> memref<1x80x128xf32, #tpu.memory_space<vmem>>
      %dma_start3A_182 = tpu.memref_squeeze %dma_start3A_181 : memref<1x80x128xf32, #tpu.memory_space<vmem>> -> memref<80x128xf32, #tpu.memory_space<vmem>>
      %dma_start3A_183 = arith.constant 0 : i32
      %dma_start3A_184 = tpu.memref_slice %arg9[%dma_start3A_178, %dma_start3A_183] : memref<8x80xi32, #tpu.memory_space<vmem>> -> memref<1x80xi32, #tpu.memory_space<vmem>>
      %dma_start3A_185 = tpu.memref_squeeze %dma_start3A_184 : memref<1x80xi32, #tpu.memory_space<vmem>> -> memref<80xi32, #tpu.memory_space<vmem>>
      %dma_start3A_186 = arith.constant 0 : i32
      %dma_start3A_187 = arith.constant 0 : i32
      %dma_start3A_188 = tpu.memref_slice %arg7[%dma_start3A_186, %dma_start3A_187] : memref<10112x128xf32, #tpu.memory_space<vmem_shared>> -> memref<10112x128xf32, #tpu.memory_space<vmem_shared>>
      tpu.enqueue_indirect_dma source(%dma_start3A_182 : memref<80x128xf32, #tpu.memory_space<vmem>>) target(%dma_start3A_188 : memref<10112x128xf32, #tpu.memory_space<vmem_shared>>) offsets(%dma_start3A_185 : memref<80xi32, #tpu.memory_space<vmem>>) semaphore(%arg12 : memref<!tpu.dma_semaphore, #tpu.memory_space<semaphore_mem>>) {add = true}
      %dma_wait3A_189 = arith.constant 2 : i32
      %dma_wait3A_190 = arith.constant 2 : i32
      %dma_wait3A_191 = arith.constant 0 : i32
      %dma_wait3A_192 = arith.constant 0 : i32
      %dma_wait3A_193 = tpu.memref_slice %arg10[%dma_wait3A_190, %dma_wait3A_191, %dma_wait3A_192] : memref<4x80x128xf32, #tpu.memory_space<vmem>> -> memref<1x80x128xf32, #tpu.memory_space<vmem>>
      %dma_wait3A_194 = tpu.memref_squeeze %dma_wait3A_193 : memref<1x80x128xf32, #tpu.memory_space<vmem>> -> memref<80x128xf32, #tpu.memory_space<vmem>>
      %dma_wait3A_195 = arith.constant 0 : i32
      %dma_wait3A_196 = tpu.memref_slice %arg8[%dma_wait3A_189, %dma_wait3A_195] : memref<8x80xi32, #tpu.memory_space<vmem>> -> memref<1x80xi32, #tpu.memory_space<vmem>>
      %dma_wait3A_197 = tpu.memref_squeeze %dma_wait3A_196 : memref<1x80xi32, #tpu.memory_space<vmem>> -> memref<80xi32, #tpu.memory_space<vmem>>
      %dma_wait3A_198 = arith.constant 0 : i32
      %dma_wait3A_199 = arith.constant 0 : i32
      %dma_wait3A_200 = tpu.memref_slice %arg2[%dma_wait3A_198, %dma_wait3A_199] : memref<10000x128xf32, #tpu.memory_space<hbm>> -> memref<10000x128xf32, #tpu.memory_space<hbm>>
      tpu.wait_indirect_dma semaphore(%arg11 : memref<!tpu.dma_semaphore, #tpu.memory_space<semaphore_mem>>) src(%dma_wait3A_200 : memref<10000x128xf32, #tpu.memory_space<hbm>>) dst(%dma_wait3A_194 : memref<80x128xf32, #tpu.memory_space<vmem>>)
      %dma_start3A_201 = arith.constant 2 : i32
      %dma_start3A_202 = arith.constant 2 : i32
      %dma_start3A_203 = arith.constant 0 : i32
      %dma_start3A_204 = arith.constant 0 : i32
      %dma_start3A_205 = tpu.memref_slice %arg10[%dma_start3A_201, %dma_start3A_203, %dma_start3A_204] : memref<4x80x128xf32, #tpu.memory_space<vmem>> -> memref<1x80x128xf32, #tpu.memory_space<vmem>>
      %dma_start3A_206 = tpu.memref_squeeze %dma_start3A_205 : memref<1x80x128xf32, #tpu.memory_space<vmem>> -> memref<80x128xf32, #tpu.memory_space<vmem>>
      %dma_start3A_207 = arith.constant 0 : i32
      %dma_start3A_208 = tpu.memref_slice %arg9[%dma_start3A_202, %dma_start3A_207] : memref<8x80xi32, #tpu.memory_space<vmem>> -> memref<1x80xi32, #tpu.memory_space<vmem>>
      %dma_start3A_209 = tpu.memref_squeeze %dma_start3A_208 : memref<1x80xi32, #tpu.memory_space<vmem>> -> memref<80xi32, #tpu.memory_space<vmem>>
      %dma_start3A_210 = arith.constant 0 : i32
      %dma_start3A_211 = arith.constant 0 : i32
      %dma_start3A_212 = tpu.memref_slice %arg7[%dma_start3A_210, %dma_start3A_211] : memref<10112x128xf32, #tpu.memory_space<vmem_shared>> -> memref<10112x128xf32, #tpu.memory_space<vmem_shared>>
      tpu.enqueue_indirect_dma source(%dma_start3A_206 : memref<80x128xf32, #tpu.memory_space<vmem>>) target(%dma_start3A_212 : memref<10112x128xf32, #tpu.memory_space<vmem_shared>>) offsets(%dma_start3A_209 : memref<80xi32, #tpu.memory_space<vmem>>) semaphore(%arg13 : memref<!tpu.dma_semaphore, #tpu.memory_space<semaphore_mem>>) {add = true}
      %dma_wait3A_213 = arith.constant 3 : i32
      %dma_wait3A_214 = arith.constant 3 : i32
      %dma_wait3A_215 = arith.constant 0 : i32
      %dma_wait3A_216 = arith.constant 0 : i32
      %dma_wait3A_217 = tpu.memref_slice %arg10[%dma_wait3A_214, %dma_wait3A_215, %dma_wait3A_216] : memref<4x80x128xf32, #tpu.memory_space<vmem>> -> memref<1x80x128xf32, #tpu.memory_space<vmem>>
      %dma_wait3A_218 = tpu.memref_squeeze %dma_wait3A_217 : memref<1x80x128xf32, #tpu.memory_space<vmem>> -> memref<80x128xf32, #tpu.memory_space<vmem>>
      %dma_wait3A_219 = arith.constant 0 : i32
      %dma_wait3A_220 = tpu.memref_slice %arg8[%dma_wait3A_213, %dma_wait3A_219] : memref<8x80xi32, #tpu.memory_space<vmem>> -> memref<1x80xi32, #tpu.memory_space<vmem>>
      %dma_wait3A_221 = tpu.memref_squeeze %dma_wait3A_220 : memref<1x80xi32, #tpu.memory_space<vmem>> -> memref<80xi32, #tpu.memory_space<vmem>>
      %dma_wait3A_222 = arith.constant 0 : i32
      %dma_wait3A_223 = arith.constant 0 : i32
      %dma_wait3A_224 = tpu.memref_slice %arg2[%dma_wait3A_222, %dma_wait3A_223] : memref<10000x128xf32, #tpu.memory_space<hbm>> -> memref<10000x128xf32, #tpu.memory_space<hbm>>
      tpu.wait_indirect_dma semaphore(%arg11 : memref<!tpu.dma_semaphore, #tpu.memory_space<semaphore_mem>>) src(%dma_wait3A_224 : memref<10000x128xf32, #tpu.memory_space<hbm>>) dst(%dma_wait3A_218 : memref<80x128xf32, #tpu.memory_space<vmem>>)
      %dma_start3A_225 = arith.constant 3 : i32
      %dma_start3A_226 = arith.constant 3 : i32
      %dma_start3A_227 = arith.constant 0 : i32
      %dma_start3A_228 = arith.constant 0 : i32
      %dma_start3A_229 = tpu.memref_slice %arg10[%dma_start3A_225, %dma_start3A_227, %dma_start3A_228] : memref<4x80x128xf32, #tpu.memory_space<vmem>> -> memref<1x80x128xf32, #tpu.memory_space<vmem>>
      %dma_start3A_230 = tpu.memref_squeeze %dma_start3A_229 : memref<1x80x128xf32, #tpu.memory_space<vmem>> -> memref<80x128xf32, #tpu.memory_space<vmem>>
      %dma_start3A_231 = arith.constant 0 : i32
      %dma_start3A_232 = tpu.memref_slice %arg9[%dma_start3A_226, %dma_start3A_231] : memref<8x80xi32, #tpu.memory_space<vmem>> -> memref<1x80xi32, #tpu.memory_space<vmem>>
      %dma_start3A_233 = tpu.memref_squeeze %dma_start3A_232 : memref<1x80xi32, #tpu.memory_space<vmem>> -> memref<80xi32, #tpu.memory_space<vmem>>
      %dma_start3A_234 = arith.constant 0 : i32
      %dma_start3A_235 = arith.constant 0 : i32
      %dma_start3A_236 = tpu.memref_slice %arg7[%dma_start3A_234, %dma_start3A_235] : memref<10112x128xf32, #tpu.memory_space<vmem_shared>> -> memref<10112x128xf32, #tpu.memory_space<vmem_shared>>
      tpu.enqueue_indirect_dma source(%dma_start3A_230 : memref<80x128xf32, #tpu.memory_space<vmem>>) target(%dma_start3A_236 : memref<10112x128xf32, #tpu.memory_space<vmem_shared>>) offsets(%dma_start3A_233 : memref<80xi32, #tpu.memory_space<vmem>>) semaphore(%arg13 : memref<!tpu.dma_semaphore, #tpu.memory_space<semaphore_mem>>) {add = true}
      %add3A_237 = arith.constant 1 : i32
      %add3A_238 = arith.addi %scan3A_72, %add3A_237 : i32
      %gt3A_239 = arith.constant 0 : i32
      %gt3A_240 = arith.cmpi sgt, %add3A_238, %gt3A_239 : i32
      %convert_element_type3A_241 = arith.extui %gt3A_240 : i1 to i32
      %cond3A_242 = arith.constant 0 : i32
      %cond3A_243 = arith.cmpi ne, %convert_element_type3A_241, %cond3A_242 : i32
      scf.if %cond3A_243 {
        %dma_wait3A_395 = arith.constant 0 : i32
        %dma_wait3A_396 = arith.constant 0 : i32
        %dma_wait3A_397 = arith.constant 0 : i32
        %dma_wait3A_398 = tpu.memref_slice %arg10[%dma_wait3A_395, %dma_wait3A_396, %dma_wait3A_397] : memref<4x80x128xf32, #tpu.memory_space<vmem>> -> memref<1x80x128xf32, #tpu.memory_space<vmem>>
        %dma_wait3A_399 = tpu.memref_squeeze %dma_wait3A_398 : memref<1x80x128xf32, #tpu.memory_space<vmem>> -> memref<80x128xf32, #tpu.memory_space<vmem>>
        %dma_wait3A_400 = arith.constant 0 : i32
        %dma_wait3A_401 = arith.constant 0 : i32
        %dma_wait3A_402 = tpu.memref_slice %arg5[%dma_wait3A_400, %dma_wait3A_401] : memref<632x128xf32, #tpu.memory_space<hbm>> -> memref<80x128xf32, #tpu.memory_space<hbm>>
        %dma_wait3A_403 = arith.constant 0 : i32
        %dma_wait3A_404 = arith.constant 0 : i32
        %dma_wait3A_405 = tpu.memref_slice %arg10[%dma_wait3A_395, %dma_wait3A_403, %dma_wait3A_404] : memref<4x80x128xf32, #tpu.memory_space<vmem>> -> memref<1x80x128xf32, #tpu.memory_space<vmem>>
        %dma_wait3A_406 = tpu.memref_squeeze %dma_wait3A_405 : memref<1x80x128xf32, #tpu.memory_space<vmem>> -> memref<80x128xf32, #tpu.memory_space<vmem>>
        %dma_wait3A_407 = arith.constant 0 : i32
        %dma_wait3A_408 = arith.constant 0 : i32
        %dma_wait3A_409 = tpu.memref_slice %arg5[%dma_wait3A_407, %dma_wait3A_408] : memref<632x128xf32, #tpu.memory_space<hbm>> -> memref<80x128xf32, #tpu.memory_space<hbm>>
        tpu.wait_dma2 semaphore(%arg12 : memref<!tpu.dma_semaphore, #tpu.memory_space<semaphore_mem>>) src(%dma_wait3A_409 : memref<80x128xf32, #tpu.memory_space<hbm>>) dst(%dma_wait3A_406 : memref<80x128xf32, #tpu.memory_space<vmem>>)
        %dma_wait3A_410 = arith.constant 0 : i32
        %dma_wait3A_411 = arith.constant 0 : i32
        %dma_wait3A_412 = arith.constant 0 : i32
        %dma_wait3A_413 = tpu.memref_slice %arg10[%dma_wait3A_410, %dma_wait3A_411, %dma_wait3A_412] : memref<4x80x128xf32, #tpu.memory_space<vmem>> -> memref<1x80x128xf32, #tpu.memory_space<vmem>>
        %dma_wait3A_414 = tpu.memref_squeeze %dma_wait3A_413 : memref<1x80x128xf32, #tpu.memory_space<vmem>> -> memref<80x128xf32, #tpu.memory_space<vmem>>
        %dma_wait3A_415 = arith.constant 0 : i32
        %dma_wait3A_416 = arith.constant 0 : i32
        %dma_wait3A_417 = tpu.memref_slice %arg5[%dma_wait3A_415, %dma_wait3A_416] : memref<632x128xf32, #tpu.memory_space<hbm>> -> memref<80x128xf32, #tpu.memory_space<hbm>>
        %dma_wait3A_418 = arith.constant 0 : i32
        %dma_wait3A_419 = arith.constant 0 : i32
        %dma_wait3A_420 = tpu.memref_slice %arg10[%dma_wait3A_410, %dma_wait3A_418, %dma_wait3A_419] : memref<4x80x128xf32, #tpu.memory_space<vmem>> -> memref<1x80x128xf32, #tpu.memory_space<vmem>>
        %dma_wait3A_421 = tpu.memref_squeeze %dma_wait3A_420 : memref<1x80x128xf32, #tpu.memory_space<vmem>> -> memref<80x128xf32, #tpu.memory_space<vmem>>
        %dma_wait3A_422 = arith.constant 0 : i32
        %dma_wait3A_423 = arith.constant 0 : i32
        %dma_wait3A_424 = tpu.memref_slice %arg5[%dma_wait3A_422, %dma_wait3A_423] : memref<632x128xf32, #tpu.memory_space<hbm>> -> memref<80x128xf32, #tpu.memory_space<hbm>>
        tpu.wait_dma2 semaphore(%arg12 : memref<!tpu.dma_semaphore, #tpu.memory_space<semaphore_mem>>) src(%dma_wait3A_424 : memref<80x128xf32, #tpu.memory_space<hbm>>) dst(%dma_wait3A_421 : memref<80x128xf32, #tpu.memory_space<vmem>>)
      } else {
      }
      %dma_start3A_244 = arith.constant 4 : i32
      %dma_start3A_245 = arith.constant 0 : i32
      %dma_start3A_246 = arith.constant 0 : i32
      %dma_start3A_247 = arith.constant 0 : i32
      %dma_start3A_248 = tpu.memref_slice %arg10[%dma_start3A_245, %dma_start3A_246, %dma_start3A_247] : memref<4x80x128xf32, #tpu.memory_space<vmem>> -> memref<1x80x128xf32, #tpu.memory_space<vmem>>
      %dma_start3A_249 = tpu.memref_squeeze %dma_start3A_248 : memref<1x80x128xf32, #tpu.memory_space<vmem>> -> memref<80x128xf32, #tpu.memory_space<vmem>>
      %dma_start3A_250 = arith.constant 0 : i32
      %dma_start3A_251 = tpu.memref_slice %arg8[%dma_start3A_244, %dma_start3A_250] : memref<8x80xi32, #tpu.memory_space<vmem>> -> memref<1x80xi32, #tpu.memory_space<vmem>>
      %dma_start3A_252 = tpu.memref_squeeze %dma_start3A_251 : memref<1x80xi32, #tpu.memory_space<vmem>> -> memref<80xi32, #tpu.memory_space<vmem>>
      %dma_start3A_253 = arith.constant 0 : i32
      %dma_start3A_254 = arith.constant 0 : i32
      %dma_start3A_255 = tpu.memref_slice %arg2[%dma_start3A_253, %dma_start3A_254] : memref<10000x128xf32, #tpu.memory_space<hbm>> -> memref<10000x128xf32, #tpu.memory_space<hbm>>
      tpu.enqueue_indirect_dma source(%dma_start3A_255 : memref<10000x128xf32, #tpu.memory_space<hbm>>) target(%dma_start3A_249 : memref<80x128xf32, #tpu.memory_space<vmem>>) offsets(%dma_start3A_252 : memref<80xi32, #tpu.memory_space<vmem>>) semaphore(%arg11 : memref<!tpu.dma_semaphore, #tpu.memory_space<semaphore_mem>>)
      %dma_start3A_256 = arith.constant 5 : i32
      %dma_start3A_257 = arith.constant 1 : i32
      %dma_start3A_258 = arith.constant 0 : i32
      %dma_start3A_259 = arith.constant 0 : i32
      %dma_start3A_260 = tpu.memref_slice %arg10[%dma_start3A_257, %dma_start3A_258, %dma_start3A_259] : memref<4x80x128xf32, #tpu.memory_space<vmem>> -> memref<1x80x128xf32, #tpu.memory_space<vmem>>
      %dma_start3A_261 = tpu.memref_squeeze %dma_start3A_260 : memref<1x80x128xf32, #tpu.memory_space<vmem>> -> memref<80x128xf32, #tpu.memory_space<vmem>>
      %dma_start3A_262 = arith.constant 0 : i32
      %dma_start3A_263 = tpu.memref_slice %arg8[%dma_start3A_256, %dma_start3A_262] : memref<8x80xi32, #tpu.memory_space<vmem>> -> memref<1x80xi32, #tpu.memory_space<vmem>>
      %dma_start3A_264 = tpu.memref_squeeze %dma_start3A_263 : memref<1x80xi32, #tpu.memory_space<vmem>> -> memref<80xi32, #tpu.memory_space<vmem>>
      %dma_start3A_265 = arith.constant 0 : i32
      %dma_start3A_266 = arith.constant 0 : i32
      %dma_start3A_267 = tpu.memref_slice %arg2[%dma_start3A_265, %dma_start3A_266] : memref<10000x128xf32, #tpu.memory_space<hbm>> -> memref<10000x128xf32, #tpu.memory_space<hbm>>
      tpu.enqueue_indirect_dma source(%dma_start3A_267 : memref<10000x128xf32, #tpu.memory_space<hbm>>) target(%dma_start3A_261 : memref<80x128xf32, #tpu.memory_space<vmem>>) offsets(%dma_start3A_264 : memref<80xi32, #tpu.memory_space<vmem>>) semaphore(%arg11 : memref<!tpu.dma_semaphore, #tpu.memory_space<semaphore_mem>>)
      %add3A_268 = arith.constant 1 : i32
      %add3A_269 = arith.addi %scan3A_72, %add3A_268 : i32
      %gt3A_270 = arith.constant 0 : i32
      %gt3A_271 = arith.cmpi sgt, %add3A_269, %gt3A_270 : i32
      %convert_element_type3A_272 = arith.extui %gt3A_271 : i1 to i32
      %cond3A_273 = arith.constant 0 : i32
      %cond3A_274 = arith.cmpi ne, %convert_element_type3A_272, %cond3A_273 : i32
      scf.if %cond3A_274 {
        %dma_wait3A_395 = arith.constant 0 : i32
        %dma_wait3A_396 = arith.constant 0 : i32
        %dma_wait3A_397 = arith.constant 0 : i32
        %dma_wait3A_398 = tpu.memref_slice %arg10[%dma_wait3A_395, %dma_wait3A_396, %dma_wait3A_397] : memref<4x80x128xf32, #tpu.memory_space<vmem>> -> memref<1x80x128xf32, #tpu.memory_space<vmem>>
        %dma_wait3A_399 = tpu.memref_squeeze %dma_wait3A_398 : memref<1x80x128xf32, #tpu.memory_space<vmem>> -> memref<80x128xf32, #tpu.memory_space<vmem>>
        %dma_wait3A_400 = arith.constant 0 : i32
        %dma_wait3A_401 = arith.constant 0 : i32
        %dma_wait3A_402 = tpu.memref_slice %arg5[%dma_wait3A_400, %dma_wait3A_401] : memref<632x128xf32, #tpu.memory_space<hbm>> -> memref<80x128xf32, #tpu.memory_space<hbm>>
        %dma_wait3A_403 = arith.constant 0 : i32
        %dma_wait3A_404 = arith.constant 0 : i32
        %dma_wait3A_405 = tpu.memref_slice %arg10[%dma_wait3A_395, %dma_wait3A_403, %dma_wait3A_404] : memref<4x80x128xf32, #tpu.memory_space<vmem>> -> memref<1x80x128xf32, #tpu.memory_space<vmem>>
        %dma_wait3A_406 = tpu.memref_squeeze %dma_wait3A_405 : memref<1x80x128xf32, #tpu.memory_space<vmem>> -> memref<80x128xf32, #tpu.memory_space<vmem>>
        %dma_wait3A_407 = arith.constant 0 : i32
        %dma_wait3A_408 = arith.constant 0 : i32
        %dma_wait3A_409 = tpu.memref_slice %arg5[%dma_wait3A_407, %dma_wait3A_408] : memref<632x128xf32, #tpu.memory_space<hbm>> -> memref<80x128xf32, #tpu.memory_space<hbm>>
        tpu.wait_dma2 semaphore(%arg13 : memref<!tpu.dma_semaphore, #tpu.memory_space<semaphore_mem>>) src(%dma_wait3A_409 : memref<80x128xf32, #tpu.memory_space<hbm>>) dst(%dma_wait3A_406 : memref<80x128xf32, #tpu.memory_space<vmem>>)
        %dma_wait3A_410 = arith.constant 0 : i32
        %dma_wait3A_411 = arith.constant 0 : i32
        %dma_wait3A_412 = arith.constant 0 : i32
        %dma_wait3A_413 = tpu.memref_slice %arg10[%dma_wait3A_410, %dma_wait3A_411, %dma_wait3A_412] : memref<4x80x128xf32, #tpu.memory_space<vmem>> -> memref<1x80x128xf32, #tpu.memory_space<vmem>>
        %dma_wait3A_414 = tpu.memref_squeeze %dma_wait3A_413 : memref<1x80x128xf32, #tpu.memory_space<vmem>> -> memref<80x128xf32, #tpu.memory_space<vmem>>
        %dma_wait3A_415 = arith.constant 0 : i32
        %dma_wait3A_416 = arith.constant 0 : i32
        %dma_wait3A_417 = tpu.memref_slice %arg5[%dma_wait3A_415, %dma_wait3A_416] : memref<632x128xf32, #tpu.memory_space<hbm>> -> memref<80x128xf32, #tpu.memory_space<hbm>>
        %dma_wait3A_418 = arith.constant 0 : i32
        %dma_wait3A_419 = arith.constant 0 : i32
        %dma_wait3A_420 = tpu.memref_slice %arg10[%dma_wait3A_410, %dma_wait3A_418, %dma_wait3A_419] : memref<4x80x128xf32, #tpu.memory_space<vmem>> -> memref<1x80x128xf32, #tpu.memory_space<vmem>>
        %dma_wait3A_421 = tpu.memref_squeeze %dma_wait3A_420 : memref<1x80x128xf32, #tpu.memory_space<vmem>> -> memref<80x128xf32, #tpu.memory_space<vmem>>
        %dma_wait3A_422 = arith.constant 0 : i32
        %dma_wait3A_423 = arith.constant 0 : i32
        %dma_wait3A_424 = tpu.memref_slice %arg5[%dma_wait3A_422, %dma_wait3A_423] : memref<632x128xf32, #tpu.memory_space<hbm>> -> memref<80x128xf32, #tpu.memory_space<hbm>>
        tpu.wait_dma2 semaphore(%arg13 : memref<!tpu.dma_semaphore, #tpu.memory_space<semaphore_mem>>) src(%dma_wait3A_424 : memref<80x128xf32, #tpu.memory_space<hbm>>) dst(%dma_wait3A_421 : memref<80x128xf32, #tpu.memory_space<vmem>>)
      } else {
      }
      %dma_start3A_275 = arith.constant 6 : i32
      %dma_start3A_276 = arith.constant 2 : i32
      %dma_start3A_277 = arith.constant 0 : i32
      %dma_start3A_278 = arith.constant 0 : i32
      %dma_start3A_279 = tpu.memref_slice %arg10[%dma_start3A_276, %dma_start3A_277, %dma_start3A_278] : memref<4x80x128xf32, #tpu.memory_space<vmem>> -> memref<1x80x128xf32, #tpu.memory_space<vmem>>
      %dma_start3A_280 = tpu.memref_squeeze %dma_start3A_279 : memref<1x80x128xf32, #tpu.memory_space<vmem>> -> memref<80x128xf32, #tpu.memory_space<vmem>>
      %dma_start3A_281 = arith.constant 0 : i32
      %dma_start3A_282 = tpu.memref_slice %arg8[%dma_start3A_275, %dma_start3A_281] : memref<8x80xi32, #tpu.memory_space<vmem>> -> memref<1x80xi32, #tpu.memory_space<vmem>>
      %dma_start3A_283 = tpu.memref_squeeze %dma_start3A_282 : memref<1x80xi32, #tpu.memory_space<vmem>> -> memref<80xi32, #tpu.memory_space<vmem>>
      %dma_start3A_284 = arith.constant 0 : i32
      %dma_start3A_285 = arith.constant 0 : i32
      %dma_start3A_286 = tpu.memref_slice %arg2[%dma_start3A_284, %dma_start3A_285] : memref<10000x128xf32, #tpu.memory_space<hbm>> -> memref<10000x128xf32, #tpu.memory_space<hbm>>
      tpu.enqueue_indirect_dma source(%dma_start3A_286 : memref<10000x128xf32, #tpu.memory_space<hbm>>) target(%dma_start3A_280 : memref<80x128xf32, #tpu.memory_space<vmem>>) offsets(%dma_start3A_283 : memref<80xi32, #tpu.memory_space<vmem>>) semaphore(%arg11 : memref<!tpu.dma_semaphore, #tpu.memory_space<semaphore_mem>>)
      %dma_start3A_287 = arith.constant 7 : i32
      %dma_start3A_288 = arith.constant 3 : i32
      %dma_start3A_289 = arith.constant 0 : i32
      %dma_start3A_290 = arith.constant 0 : i32
      %dma_start3A_291 = tpu.memref_slice %arg10[%dma_start3A_288, %dma_start3A_289, %dma_start3A_290] : memref<4x80x128xf32, #tpu.memory_space<vmem>> -> memref<1x80x128xf32, #tpu.memory_space<vmem>>
      %dma_start3A_292 = tpu.memref_squeeze %dma_start3A_291 : memref<1x80x128xf32, #tpu.memory_space<vmem>> -> memref<80x128xf32, #tpu.memory_space<vmem>>
      %dma_start3A_293 = arith.constant 0 : i32
      %dma_start3A_294 = tpu.memref_slice %arg8[%dma_start3A_287, %dma_start3A_293] : memref<8x80xi32, #tpu.memory_space<vmem>> -> memref<1x80xi32, #tpu.memory_space<vmem>>
      %dma_start3A_295 = tpu.memref_squeeze %dma_start3A_294 : memref<1x80xi32, #tpu.memory_space<vmem>> -> memref<80xi32, #tpu.memory_space<vmem>>
      %dma_start3A_296 = arith.constant 0 : i32
      %dma_start3A_297 = arith.constant 0 : i32
      %dma_start3A_298 = tpu.memref_slice %arg2[%dma_start3A_296, %dma_start3A_297] : memref<10000x128xf32, #tpu.memory_space<hbm>> -> memref<10000x128xf32, #tpu.memory_space<hbm>>
      tpu.enqueue_indirect_dma source(%dma_start3A_298 : memref<10000x128xf32, #tpu.memory_space<hbm>>) target(%dma_start3A_292 : memref<80x128xf32, #tpu.memory_space<vmem>>) offsets(%dma_start3A_295 : memref<80xi32, #tpu.memory_space<vmem>>) semaphore(%arg11 : memref<!tpu.dma_semaphore, #tpu.memory_space<semaphore_mem>>)
      %dma_wait3A_299 = arith.constant 4 : i32
      %dma_wait3A_300 = arith.constant 0 : i32
      %dma_wait3A_301 = arith.constant 0 : i32
      %dma_wait3A_302 = arith.constant 0 : i32
      %dma_wait3A_303 = tpu.memref_slice %arg10[%dma_wait3A_300, %dma_wait3A_301, %dma_wait3A_302] : memref<4x80x128xf32, #tpu.memory_space<vmem>> -> memref<1x80x128xf32, #tpu.memory_space<vmem>>
      %dma_wait3A_304 = tpu.memref_squeeze %dma_wait3A_303 : memref<1x80x128xf32, #tpu.memory_space<vmem>> -> memref<80x128xf32, #tpu.memory_space<vmem>>
      %dma_wait3A_305 = arith.constant 0 : i32
      %dma_wait3A_306 = tpu.memref_slice %arg8[%dma_wait3A_299, %dma_wait3A_305] : memref<8x80xi32, #tpu.memory_space<vmem>> -> memref<1x80xi32, #tpu.memory_space<vmem>>
      %dma_wait3A_307 = tpu.memref_squeeze %dma_wait3A_306 : memref<1x80xi32, #tpu.memory_space<vmem>> -> memref<80xi32, #tpu.memory_space<vmem>>
      %dma_wait3A_308 = arith.constant 0 : i32
      %dma_wait3A_309 = arith.constant 0 : i32
      %dma_wait3A_310 = tpu.memref_slice %arg2[%dma_wait3A_308, %dma_wait3A_309] : memref<10000x128xf32, #tpu.memory_space<hbm>> -> memref<10000x128xf32, #tpu.memory_space<hbm>>
      tpu.wait_indirect_dma semaphore(%arg11 : memref<!tpu.dma_semaphore, #tpu.memory_space<semaphore_mem>>) src(%dma_wait3A_310 : memref<10000x128xf32, #tpu.memory_space<hbm>>) dst(%dma_wait3A_304 : memref<80x128xf32, #tpu.memory_space<vmem>>)
      %dma_start3A_311 = arith.constant 0 : i32
      %dma_start3A_312 = arith.constant 4 : i32
      %dma_start3A_313 = arith.constant 0 : i32
      %dma_start3A_314 = arith.constant 0 : i32
      %dma_start3A_315 = tpu.memref_slice %arg10[%dma_start3A_311, %dma_start3A_313, %dma_start3A_314] : memref<4x80x128xf32, #tpu.memory_space<vmem>> -> memref<1x80x128xf32, #tpu.memory_space<vmem>>
      %dma_start3A_316 = tpu.memref_squeeze %dma_start3A_315 : memref<1x80x128xf32, #tpu.memory_space<vmem>> -> memref<80x128xf32, #tpu.memory_space<vmem>>
      %dma_start3A_317 = arith.constant 0 : i32
      %dma_start3A_318 = tpu.memref_slice %arg9[%dma_start3A_312, %dma_start3A_317] : memref<8x80xi32, #tpu.memory_space<vmem>> -> memref<1x80xi32, #tpu.memory_space<vmem>>
      %dma_start3A_319 = tpu.memref_squeeze %dma_start3A_318 : memref<1x80xi32, #tpu.memory_space<vmem>> -> memref<80xi32, #tpu.memory_space<vmem>>
      %dma_start3A_320 = arith.constant 0 : i32
      %dma_start3A_321 = arith.constant 0 : i32
      %dma_start3A_322 = tpu.memref_slice %arg7[%dma_start3A_320, %dma_start3A_321] : memref<10112x128xf32, #tpu.memory_space<vmem_shared>> -> memref<10112x128xf32, #tpu.memory_space<vmem_shared>>
      tpu.enqueue_indirect_dma source(%dma_start3A_316 : memref<80x128xf32, #tpu.memory_space<vmem>>) target(%dma_start3A_322 : memref<10112x128xf32, #tpu.memory_space<vmem_shared>>) offsets(%dma_start3A_319 : memref<80xi32, #tpu.memory_space<vmem>>) semaphore(%arg12 : memref<!tpu.dma_semaphore, #tpu.memory_space<semaphore_mem>>) {add = true}
      %dma_wait3A_323 = arith.constant 5 : i32
      %dma_wait3A_324 = arith.constant 1 : i32
      %dma_wait3A_325 = arith.constant 0 : i32
      %dma_wait3A_326 = arith.constant 0 : i32
      %dma_wait3A_327 = tpu.memref_slice %arg10[%dma_wait3A_324, %dma_wait3A_325, %dma_wait3A_326] : memref<4x80x128xf32, #tpu.memory_space<vmem>> -> memref<1x80x128xf32, #tpu.memory_space<vmem>>
      %dma_wait3A_328 = tpu.memref_squeeze %dma_wait3A_327 : memref<1x80x128xf32, #tpu.memory_space<vmem>> -> memref<80x128xf32, #tpu.memory_space<vmem>>
      %dma_wait3A_329 = arith.constant 0 : i32
      %dma_wait3A_330 = tpu.memref_slice %arg8[%dma_wait3A_323, %dma_wait3A_329] : memref<8x80xi32, #tpu.memory_space<vmem>> -> memref<1x80xi32, #tpu.memory_space<vmem>>
      %dma_wait3A_331 = tpu.memref_squeeze %dma_wait3A_330 : memref<1x80xi32, #tpu.memory_space<vmem>> -> memref<80xi32, #tpu.memory_space<vmem>>
      %dma_wait3A_332 = arith.constant 0 : i32
      %dma_wait3A_333 = arith.constant 0 : i32
      %dma_wait3A_334 = tpu.memref_slice %arg2[%dma_wait3A_332, %dma_wait3A_333] : memref<10000x128xf32, #tpu.memory_space<hbm>> -> memref<10000x128xf32, #tpu.memory_space<hbm>>
      tpu.wait_indirect_dma semaphore(%arg11 : memref<!tpu.dma_semaphore, #tpu.memory_space<semaphore_mem>>) src(%dma_wait3A_334 : memref<10000x128xf32, #tpu.memory_space<hbm>>) dst(%dma_wait3A_328 : memref<80x128xf32, #tpu.memory_space<vmem>>)
      %dma_start3A_335 = arith.constant 1 : i32
      %dma_start3A_336 = arith.constant 5 : i32
      %dma_start3A_337 = arith.constant 0 : i32
      %dma_start3A_338 = arith.constant 0 : i32
      %dma_start3A_339 = tpu.memref_slice %arg10[%dma_start3A_335, %dma_start3A_337, %dma_start3A_338] : memref<4x80x128xf32, #tpu.memory_space<vmem>> -> memref<1x80x128xf32, #tpu.memory_space<vmem>>
      %dma_start3A_340 = tpu.memref_squeeze %dma_start3A_339 : memref<1x80x128xf32, #tpu.memory_space<vmem>> -> memref<80x128xf32, #tpu.memory_space<vmem>>
      %dma_start3A_341 = arith.constant 0 : i32
      %dma_start3A_342 = tpu.memref_slice %arg9[%dma_start3A_336, %dma_start3A_341] : memref<8x80xi32, #tpu.memory_space<vmem>> -> memref<1x80xi32, #tpu.memory_space<vmem>>
      %dma_start3A_343 = tpu.memref_squeeze %dma_start3A_342 : memref<1x80xi32, #tpu.memory_space<vmem>> -> memref<80xi32, #tpu.memory_space<vmem>>
      %dma_start3A_344 = arith.constant 0 : i32
      %dma_start3A_345 = arith.constant 0 : i32
      %dma_start3A_346 = tpu.memref_slice %arg7[%dma_start3A_344, %dma_start3A_345] : memref<10112x128xf32, #tpu.memory_space<vmem_shared>> -> memref<10112x128xf32, #tpu.memory_space<vmem_shared>>
      tpu.enqueue_indirect_dma source(%dma_start3A_340 : memref<80x128xf32, #tpu.memory_space<vmem>>) target(%dma_start3A_346 : memref<10112x128xf32, #tpu.memory_space<vmem_shared>>) offsets(%dma_start3A_343 : memref<80xi32, #tpu.memory_space<vmem>>) semaphore(%arg12 : memref<!tpu.dma_semaphore, #tpu.memory_space<semaphore_mem>>) {add = true}
      %dma_wait3A_347 = arith.constant 6 : i32
      %dma_wait3A_348 = arith.constant 2 : i32
      %dma_wait3A_349 = arith.constant 0 : i32
      %dma_wait3A_350 = arith.constant 0 : i32
      %dma_wait3A_351 = tpu.memref_slice %arg10[%dma_wait3A_348, %dma_wait3A_349, %dma_wait3A_350] : memref<4x80x128xf32, #tpu.memory_space<vmem>> -> memref<1x80x128xf32, #tpu.memory_space<vmem>>
      %dma_wait3A_352 = tpu.memref_squeeze %dma_wait3A_351 : memref<1x80x128xf32, #tpu.memory_space<vmem>> -> memref<80x128xf32, #tpu.memory_space<vmem>>
      %dma_wait3A_353 = arith.constant 0 : i32
      %dma_wait3A_354 = tpu.memref_slice %arg8[%dma_wait3A_347, %dma_wait3A_353] : memref<8x80xi32, #tpu.memory_space<vmem>> -> memref<1x80xi32, #tpu.memory_space<vmem>>
      %dma_wait3A_355 = tpu.memref_squeeze %dma_wait3A_354 : memref<1x80xi32, #tpu.memory_space<vmem>> -> memref<80xi32, #tpu.memory_space<vmem>>
      %dma_wait3A_356 = arith.constant 0 : i32
      %dma_wait3A_357 = arith.constant 0 : i32
      %dma_wait3A_358 = tpu.memref_slice %arg2[%dma_wait3A_356, %dma_wait3A_357] : memref<10000x128xf32, #tpu.memory_space<hbm>> -> memref<10000x128xf32, #tpu.memory_space<hbm>>
      tpu.wait_indirect_dma semaphore(%arg11 : memref<!tpu.dma_semaphore, #tpu.memory_space<semaphore_mem>>) src(%dma_wait3A_358 : memref<10000x128xf32, #tpu.memory_space<hbm>>) dst(%dma_wait3A_352 : memref<80x128xf32, #tpu.memory_space<vmem>>)
      %dma_start3A_359 = arith.constant 2 : i32
      %dma_start3A_360 = arith.constant 6 : i32
      %dma_start3A_361 = arith.constant 0 : i32
      %dma_start3A_362 = arith.constant 0 : i32
      %dma_start3A_363 = tpu.memref_slice %arg10[%dma_start3A_359, %dma_start3A_361, %dma_start3A_362] : memref<4x80x128xf32, #tpu.memory_space<vmem>> -> memref<1x80x128xf32, #tpu.memory_space<vmem>>
      %dma_start3A_364 = tpu.memref_squeeze %dma_start3A_363 : memref<1x80x128xf32, #tpu.memory_space<vmem>> -> memref<80x128xf32, #tpu.memory_space<vmem>>
      %dma_start3A_365 = arith.constant 0 : i32
      %dma_start3A_366 = tpu.memref_slice %arg9[%dma_start3A_360, %dma_start3A_365] : memref<8x80xi32, #tpu.memory_space<vmem>> -> memref<1x80xi32, #tpu.memory_space<vmem>>
      %dma_start3A_367 = tpu.memref_squeeze %dma_start3A_366 : memref<1x80xi32, #tpu.memory_space<vmem>> -> memref<80xi32, #tpu.memory_space<vmem>>
      %dma_start3A_368 = arith.constant 0 : i32
      %dma_start3A_369 = arith.constant 0 : i32
      %dma_start3A_370 = tpu.memref_slice %arg7[%dma_start3A_368, %dma_start3A_369] : memref<10112x128xf32, #tpu.memory_space<vmem_shared>> -> memref<10112x128xf32, #tpu.memory_space<vmem_shared>>
      tpu.enqueue_indirect_dma source(%dma_start3A_364 : memref<80x128xf32, #tpu.memory_space<vmem>>) target(%dma_start3A_370 : memref<10112x128xf32, #tpu.memory_space<vmem_shared>>) offsets(%dma_start3A_367 : memref<80xi32, #tpu.memory_space<vmem>>) semaphore(%arg13 : memref<!tpu.dma_semaphore, #tpu.memory_space<semaphore_mem>>) {add = true}
      %dma_wait3A_371 = arith.constant 7 : i32
      %dma_wait3A_372 = arith.constant 3 : i32
      %dma_wait3A_373 = arith.constant 0 : i32
      %dma_wait3A_374 = arith.constant 0 : i32
      %dma_wait3A_375 = tpu.memref_slice %arg10[%dma_wait3A_372, %dma_wait3A_373, %dma_wait3A_374] : memref<4x80x128xf32, #tpu.memory_space<vmem>> -> memref<1x80x128xf32, #tpu.memory_space<vmem>>
      %dma_wait3A_376 = tpu.memref_squeeze %dma_wait3A_375 : memref<1x80x128xf32, #tpu.memory_space<vmem>> -> memref<80x128xf32, #tpu.memory_space<vmem>>
      %dma_wait3A_377 = arith.constant 0 : i32
      %dma_wait3A_378 = tpu.memref_slice %arg8[%dma_wait3A_371, %dma_wait3A_377] : memref<8x80xi32, #tpu.memory_space<vmem>> -> memref<1x80xi32, #tpu.memory_space<vmem>>
      %dma_wait3A_379 = tpu.memref_squeeze %dma_wait3A_378 : memref<1x80xi32, #tpu.memory_space<vmem>> -> memref<80xi32, #tpu.memory_space<vmem>>
      %dma_wait3A_380 = arith.constant 0 : i32
      %dma_wait3A_381 = arith.constant 0 : i32
      %dma_wait3A_382 = tpu.memref_slice %arg2[%dma_wait3A_380, %dma_wait3A_381] : memref<10000x128xf32, #tpu.memory_space<hbm>> -> memref<10000x128xf32, #tpu.memory_space<hbm>>
      tpu.wait_indirect_dma semaphore(%arg11 : memref<!tpu.dma_semaphore, #tpu.memory_space<semaphore_mem>>) src(%dma_wait3A_382 : memref<10000x128xf32, #tpu.memory_space<hbm>>) dst(%dma_wait3A_376 : memref<80x128xf32, #tpu.memory_space<vmem>>)
      %dma_start3A_383 = arith.constant 3 : i32
      %dma_start3A_384 = arith.constant 7 : i32
      %dma_start3A_385 = arith.constant 0 : i32
      %dma_start3A_386 = arith.constant 0 : i32
      %dma_start3A_387 = tpu.memref_slice %arg10[%dma_start3A_383, %dma_start3A_385, %dma_start3A_386] : memref<4x80x128xf32, #tpu.memory_space<vmem>> -> memref<1x80x128xf32, #tpu.memory_space<vmem>>
      %dma_start3A_388 = tpu.memref_squeeze %dma_start3A_387 : memref<1x80x128xf32, #tpu.memory_space<vmem>> -> memref<80x128xf32, #tpu.memory_space<vmem>>
      %dma_start3A_389 = arith.constant 0 : i32
      %dma_start3A_390 = tpu.memref_slice %arg9[%dma_start3A_384, %dma_start3A_389] : memref<8x80xi32, #tpu.memory_space<vmem>> -> memref<1x80xi32, #tpu.memory_space<vmem>>
      %dma_start3A_391 = tpu.memref_squeeze %dma_start3A_390 : memref<1x80xi32, #tpu.memory_space<vmem>> -> memref<80xi32, #tpu.memory_space<vmem>>
      %dma_start3A_392 = arith.constant 0 : i32
      %dma_start3A_393 = arith.constant 0 : i32
      %dma_start3A_394 = tpu.memref_slice %arg7[%dma_start3A_392, %dma_start3A_393] : memref<10112x128xf32, #tpu.memory_space<vmem_shared>> -> memref<10112x128xf32, #tpu.memory_space<vmem_shared>>
      tpu.enqueue_indirect_dma source(%dma_start3A_388 : memref<80x128xf32, #tpu.memory_space<vmem>>) target(%dma_start3A_394 : memref<10112x128xf32, #tpu.memory_space<vmem_shared>>) offsets(%dma_start3A_391 : memref<80xi32, #tpu.memory_space<vmem>>) semaphore(%arg13 : memref<!tpu.dma_semaphore, #tpu.memory_space<semaphore_mem>>) {add = true}
    }
    %scan3A_7 = arith.constant 16 : i32
    %dma_wait3A = arith.constant 0 : i32
    %dma_wait3A_8 = arith.constant 0 : i32
    %dma_wait3A_9 = arith.constant 0 : i32
    %dma_wait3A_10 = tpu.memref_slice %arg10[%dma_wait3A, %dma_wait3A_8, %dma_wait3A_9] : memref<4x80x128xf32, #tpu.memory_space<vmem>> -> memref<1x80x128xf32, #tpu.memory_space<vmem>>
    %dma_wait3A_11 = tpu.memref_squeeze %dma_wait3A_10 : memref<1x80x128xf32, #tpu.memory_space<vmem>> -> memref<80x128xf32, #tpu.memory_space<vmem>>
    %dma_wait3A_12 = arith.constant 0 : i32
    %dma_wait3A_13 = arith.constant 0 : i32
    %dma_wait3A_14 = tpu.memref_slice %arg5[%dma_wait3A_12, %dma_wait3A_13] : memref<632x128xf32, #tpu.memory_space<hbm>> -> memref<80x128xf32, #tpu.memory_space<hbm>>
    %dma_wait3A_15 = arith.constant 0 : i32
    %dma_wait3A_16 = arith.constant 0 : i32
    %dma_wait3A_17 = tpu.memref_slice %arg10[%dma_wait3A, %dma_wait3A_15, %dma_wait3A_16] : memref<4x80x128xf32, #tpu.memory_space<vmem>> -> memref<1x80x128xf32, #tpu.memory_space<vmem>>
    %dma_wait3A_18 = tpu.memref_squeeze %dma_wait3A_17 : memref<1x80x128xf32, #tpu.memory_space<vmem>> -> memref<80x128xf32, #tpu.memory_space<vmem>>
    %dma_wait3A_19 = arith.constant 0 : i32
    %dma_wait3A_20 = arith.constant 0 : i32
    %dma_wait3A_21 = tpu.memref_slice %arg5[%dma_wait3A_19, %dma_wait3A_20] : memref<632x128xf32, #tpu.memory_space<hbm>> -> memref<80x128xf32, #tpu.memory_space<hbm>>
    tpu.wait_dma2 semaphore(%arg12 : memref<!tpu.dma_semaphore, #tpu.memory_space<semaphore_mem>>) src(%dma_wait3A_21 : memref<80x128xf32, #tpu.memory_space<hbm>>) dst(%dma_wait3A_18 : memref<80x128xf32, #tpu.memory_space<vmem>>)
    %dma_wait3A_22 = arith.constant 0 : i32
    %dma_wait3A_23 = arith.constant 0 : i32
    %dma_wait3A_24 = arith.constant 0 : i32
    %dma_wait3A_25 = tpu.memref_slice %arg10[%dma_wait3A_22, %dma_wait3A_23, %dma_wait3A_24] : memref<4x80x128xf32, #tpu.memory_space<vmem>> -> memref<1x80x128xf32, #tpu.memory_space<vmem>>
    %dma_wait3A_26 = tpu.memref_squeeze %dma_wait3A_25 : memref<1x80x128xf32, #tpu.memory_space<vmem>> -> memref<80x128xf32, #tpu.memory_space<vmem>>
    %dma_wait3A_27 = arith.constant 0 : i32
    %dma_wait3A_28 = arith.constant 0 : i32
    %dma_wait3A_29 = tpu.memref_slice %arg5[%dma_wait3A_27, %dma_wait3A_28] : memref<632x128xf32, #tpu.memory_space<hbm>> -> memref<80x128xf32, #tpu.memory_space<hbm>>
    %dma_wait3A_30 = arith.constant 0 : i32
    %dma_wait3A_31 = arith.constant 0 : i32
    %dma_wait3A_32 = tpu.memref_slice %arg10[%dma_wait3A_22, %dma_wait3A_30, %dma_wait3A_31] : memref<4x80x128xf32, #tpu.memory_space<vmem>> -> memref<1x80x128xf32, #tpu.memory_space<vmem>>
    %dma_wait3A_33 = tpu.memref_squeeze %dma_wait3A_32 : memref<1x80x128xf32, #tpu.memory_space<vmem>> -> memref<80x128xf32, #tpu.memory_space<vmem>>
    %dma_wait3A_34 = arith.constant 0 : i32
    %dma_wait3A_35 = arith.constant 0 : i32
    %dma_wait3A_36 = tpu.memref_slice %arg5[%dma_wait3A_34, %dma_wait3A_35] : memref<632x128xf32, #tpu.memory_space<hbm>> -> memref<80x128xf32, #tpu.memory_space<hbm>>
    tpu.wait_dma2 semaphore(%arg12 : memref<!tpu.dma_semaphore, #tpu.memory_space<semaphore_mem>>) src(%dma_wait3A_36 : memref<80x128xf32, #tpu.memory_space<hbm>>) dst(%dma_wait3A_33 : memref<80x128xf32, #tpu.memory_space<vmem>>)
    %dma_wait3A_37 = arith.constant 0 : i32
    %dma_wait3A_38 = arith.constant 0 : i32
    %dma_wait3A_39 = arith.constant 0 : i32
    %dma_wait3A_40 = tpu.memref_slice %arg10[%dma_wait3A_37, %dma_wait3A_38, %dma_wait3A_39] : memref<4x80x128xf32, #tpu.memory_space<vmem>> -> memref<1x80x128xf32, #tpu.memory_space<vmem>>
    %dma_wait3A_41 = tpu.memref_squeeze %dma_wait3A_40 : memref<1x80x128xf32, #tpu.memory_space<vmem>> -> memref<80x128xf32, #tpu.memory_space<vmem>>
    %dma_wait3A_42 = arith.constant 0 : i32
    %dma_wait3A_43 = arith.constant 0 : i32
    %dma_wait3A_44 = tpu.memref_slice %arg5[%dma_wait3A_42, %dma_wait3A_43] : memref<632x128xf32, #tpu.memory_space<hbm>> -> memref<80x128xf32, #tpu.memory_space<hbm>>
    %dma_wait3A_45 = arith.constant 0 : i32
    %dma_wait3A_46 = arith.constant 0 : i32
    %dma_wait3A_47 = tpu.memref_slice %arg10[%dma_wait3A_37, %dma_wait3A_45, %dma_wait3A_46] : memref<4x80x128xf32, #tpu.memory_space<vmem>> -> memref<1x80x128xf32, #tpu.memory_space<vmem>>
    %dma_wait3A_48 = tpu.memref_squeeze %dma_wait3A_47 : memref<1x80x128xf32, #tpu.memory_space<vmem>> -> memref<80x128xf32, #tpu.memory_space<vmem>>
    %dma_wait3A_49 = arith.constant 0 : i32
    %dma_wait3A_50 = arith.constant 0 : i32
    %dma_wait3A_51 = tpu.memref_slice %arg5[%dma_wait3A_49, %dma_wait3A_50] : memref<632x128xf32, #tpu.memory_space<hbm>> -> memref<80x128xf32, #tpu.memory_space<hbm>>
    tpu.wait_dma2 semaphore(%arg13 : memref<!tpu.dma_semaphore, #tpu.memory_space<semaphore_mem>>) src(%dma_wait3A_51 : memref<80x128xf32, #tpu.memory_space<hbm>>) dst(%dma_wait3A_48 : memref<80x128xf32, #tpu.memory_space<vmem>>)
    %dma_wait3A_52 = arith.constant 0 : i32
    %dma_wait3A_53 = arith.constant 0 : i32
    %dma_wait3A_54 = arith.constant 0 : i32
    %dma_wait3A_55 = tpu.memref_slice %arg10[%dma_wait3A_52, %dma_wait3A_53, %dma_wait3A_54] : memref<4x80x128xf32, #tpu.memory_space<vmem>> -> memref<1x80x128xf32, #tpu.memory_space<vmem>>
    %dma_wait3A_56 = tpu.memref_squeeze %dma_wait3A_55 : memref<1x80x128xf32, #tpu.memory_space<vmem>> -> memref<80x128xf32, #tpu.memory_space<vmem>>
    %dma_wait3A_57 = arith.constant 0 : i32
    %dma_wait3A_58 = arith.constant 0 : i32
    %dma_wait3A_59 = tpu.memref_slice %arg5[%dma_wait3A_57, %dma_wait3A_58] : memref<632x128xf32, #tpu.memory_space<hbm>> -> memref<80x128xf32, #tpu.memory_space<hbm>>
    %dma_wait3A_60 = arith.constant 0 : i32
    %dma_wait3A_61 = arith.constant 0 : i32
    %dma_wait3A_62 = tpu.memref_slice %arg10[%dma_wait3A_52, %dma_wait3A_60, %dma_wait3A_61] : memref<4x80x128xf32, #tpu.memory_space<vmem>> -> memref<1x80x128xf32, #tpu.memory_space<vmem>>
    %dma_wait3A_63 = tpu.memref_squeeze %dma_wait3A_62 : memref<1x80x128xf32, #tpu.memory_space<vmem>> -> memref<80x128xf32, #tpu.memory_space<vmem>>
    %dma_wait3A_64 = arith.constant 0 : i32
    %dma_wait3A_65 = arith.constant 0 : i32
    %dma_wait3A_66 = tpu.memref_slice %arg5[%dma_wait3A_64, %dma_wait3A_65] : memref<632x128xf32, #tpu.memory_space<hbm>> -> memref<80x128xf32, #tpu.memory_space<hbm>>
    tpu.wait_dma2 semaphore(%arg13 : memref<!tpu.dma_semaphore, #tpu.memory_space<semaphore_mem>>) src(%dma_wait3A_66 : memref<80x128xf32, #tpu.memory_space<hbm>>) dst(%dma_wait3A_63 : memref<80x128xf32, #tpu.memory_space<vmem>>)
    %barrier3A_67 = arith.constant 0 : index
    tpu.barrier barrier_id(%barrier3A_67)
    %mul3A_68 = arith.constant 632 : i32
    %mul3A_69 = arith.muli %arg1, %mul3A_68 : i32
    %mul3A_70 = arith.constant 632 : i32
    %mul3A_71 = arith.muli %arg1, %mul3A_70 : i32
    "tpu.region"() ({
      %run_scoped3A = tpu.sem_alloc : memref<!tpu.dma_semaphore, #tpu.memory_space<semaphore_mem>>
      %dma_start3A = arith.constant 0 : i32
      %dma_start3A_72 = tpu.memref_slice %arg6[%arg0, %mul3A_71, %dma_start3A] : memref<2x10112x128xf32, #tpu.memory_space<hbm>> -> memref<1x632x128xf32, #tpu.memory_space<hbm>>
      %dma_start3A_73 = tpu.memref_squeeze %dma_start3A_72 : memref<1x632x128xf32, #tpu.memory_space<hbm>> -> memref<632x128xf32, #tpu.memory_space<hbm>>
      %dma_start3A_74 = arith.constant 0 : i32
      %dma_start3A_75 = tpu.memref_slice %arg7[%mul3A_69, %dma_start3A_74] : memref<10112x128xf32, #tpu.memory_space<vmem_shared>> -> memref<632x128xf32, #tpu.memory_space<vmem_shared>>
      tpu.enqueue_dma source(%dma_start3A_75 : memref<632x128xf32, #tpu.memory_space<vmem_shared>>) target(%dma_start3A_73 : memref<632x128xf32, #tpu.memory_space<hbm>>) target_semaphore(%run_scoped3A : memref<!tpu.dma_semaphore, #tpu.memory_space<semaphore_mem>>)
      %dma_wait3A_76 = arith.constant 0 : i32
      %dma_wait3A_77 = tpu.memref_slice %arg6[%arg0, %mul3A_71, %dma_wait3A_76] : memref<2x10112x128xf32, #tpu.memory_space<hbm>> -> memref<1x632x128xf32, #tpu.memory_space<hbm>>
      %dma_wait3A_78 = tpu.memref_squeeze %dma_wait3A_77 : memref<1x632x128xf32, #tpu.memory_space<hbm>> -> memref<632x128xf32, #tpu.memory_space<hbm>>
      %dma_wait3A_79 = arith.constant 0 : i32
      %dma_wait3A_80 = tpu.memref_slice %arg7[%mul3A_69, %dma_wait3A_79] : memref<10112x128xf32, #tpu.memory_space<vmem_shared>> -> memref<632x128xf32, #tpu.memory_space<vmem_shared>>
      tpu.wait_dma2 semaphore(%run_scoped3A : memref<!tpu.dma_semaphore, #tpu.memory_space<semaphore_mem>>) src(%dma_wait3A_80 : memref<632x128xf32, #tpu.memory_space<vmem_shared>>) dst(%dma_wait3A_78 : memref<632x128xf32, #tpu.memory_space<hbm>>)
      tpu.yield
    }) : () -> ()
    return
  }
}

module attributes {stable_mosaic.version = 14 : i64} {
  func.func @_layer_body(%arg0: i32, %arg1: memref<2x1000x128xf32, #tpu.memory_space<vmem>>, %arg2: memref<1000x128xf32, #tpu.memory_space<vmem>>, %arg3: memref<2x1000x1xf32, #tpu.memory_space<vmem>>, %arg4: memref<128x128xf32, #tpu.memory_space<vmem>>, %arg5: memref<1x128xf32, #tpu.memory_space<vmem>>, %arg6: memref<128x128xf32, #tpu.memory_space<vmem>>, %arg7: memref<1x128xf32, #tpu.memory_space<vmem>>, %arg8: memref<1x128xf32, #tpu.memory_space<vmem>>, %arg9: memref<1000x128xf32, #tpu.memory_space<vmem>>) attributes {dimension_semantics = [#tpu.dimension_semantics<arbitrary>], iteration_bounds = array<i64: 10>, scalar_prefetch = 0 : i64, scratch_operands = 0 : i64, tpu.core_type = #tpu.core_type<tc>, window_params = [{transform_indices = @transform_0, window_bounds = array<i64: 2, 1000, 128>}, {transform_indices = @transform_1, window_bounds = array<i64: 1000, 128>}, {transform_indices = @transform_2, window_bounds = array<i64: 2, 1000, 1>}, {pipeline_mode = #tpu.pipeline_mode<synchronous>, transform_indices = @transform_3, window_bounds = array<i64: 128, 128>}, {pipeline_mode = #tpu.pipeline_mode<synchronous>, transform_indices = @transform_4, window_bounds = array<i64: 1, 128>}, {pipeline_mode = #tpu.pipeline_mode<synchronous>, transform_indices = @transform_5, window_bounds = array<i64: 128, 128>}, {pipeline_mode = #tpu.pipeline_mode<synchronous>, transform_indices = @transform_6, window_bounds = array<i64: 1, 128>}, {pipeline_mode = #tpu.pipeline_mode<synchronous>, transform_indices = @transform_7, window_bounds = array<i64: 1, 128>}, {transform_indices = @transform_8, window_bounds = array<i64: 1000, 128>}]} {
    %get3A = arith.constant 0 : index
    %get3A_0 = arith.constant 0 : index
    %get3A_1 = arith.constant 0 : index
    %get3A_2 = vector.load %arg3[%get3A, %get3A_0, %get3A_1] : memref<2x1000x1xf32, #tpu.memory_space<vmem>>, vector<1x1000x1xf32>
    %get3A_3 = vector.shape_cast %get3A_2 : vector<1x1000x1xf32> to vector<1000x1xf32>
    %get3A_4 = arith.constant 1 : index
    %get3A_5 = arith.constant 0 : index
    %get3A_6 = arith.constant 0 : index
    %get3A_7 = vector.load %arg3[%get3A_4, %get3A_5, %get3A_6] : memref<2x1000x1xf32, #tpu.memory_space<vmem>>, vector<1x1000x1xf32>
    %get3A_8 = vector.shape_cast %get3A_7 : vector<1x1000x1xf32> to vector<1000x1xf32>
    %add3A = arith.addf %get3A_3, %get3A_8 : vector<1000x1xf32>
    %max3A = arith.constant 1.000000e+00 : f32
    %max3A_9 = vector.broadcast %max3A : f32 to vector<1000x1xf32>
    %max3A_10 = arith.maximumf %add3A, %max3A_9 : vector<1000x1xf32>
    %div3A = arith.constant 1.000000e+00 : f32
    %div3A_11 = vector.broadcast %div3A : f32 to vector<1000x1xf32>
    %div3A_12 = arith.divf %div3A_11, %max3A_10 : vector<1000x1xf32>
    %get3A_13 = arith.constant 0 : index
    %get3A_14 = arith.constant 0 : index
    %get3A_15 = arith.constant 0 : index
    %get3A_16 = vector.load %arg1[%get3A_13, %get3A_14, %get3A_15] : memref<2x1000x128xf32, #tpu.memory_space<vmem>>, vector<1x1000x128xf32>
    %get3A_17 = vector.shape_cast %get3A_16 : vector<1x1000x128xf32> to vector<1000x128xf32>
    %get3A_18 = arith.constant 1 : index
    %get3A_19 = arith.constant 0 : index
    %get3A_20 = arith.constant 0 : index
    %get3A_21 = vector.load %arg1[%get3A_18, %get3A_19, %get3A_20] : memref<2x1000x128xf32, #tpu.memory_space<vmem>>, vector<1x1000x128xf32>
    %get3A_22 = vector.shape_cast %get3A_21 : vector<1x1000x128xf32> to vector<1000x128xf32>
    %add3A_23 = arith.addf %get3A_17, %get3A_22 : vector<1000x128xf32>
    %mul3A = vector.broadcast %div3A_12 : vector<1000x1xf32> to vector<1000x128xf32>
    %mul3A_24 = arith.mulf %add3A_23, %mul3A : vector<1000x128xf32>
    %get3A_25 = arith.constant 0 : index
    %get3A_26 = arith.constant 0 : index
    %get3A_27 = vector.load %arg4[%get3A_25, %get3A_26] : memref<128x128xf32, #tpu.memory_space<vmem>>, vector<128x128xf32>
    %dot_general3A = arith.constant dense<0.000000e+00> : vector<1000x128xf32>
    %dot_general3A_28 = tpu.matmul %mul3A_24, %get3A_27, %dot_general3A {dimension_numbers = #tpu.dot_dimension_numbers<[1], [1], [0], [0], [0, 0, 1, 0], [], []>, transpose_lhs_hint = false} : vector<1000x128xf32>, vector<128x128xf32>, vector<1000x128xf32> -> vector<1000x128xf32>
    %get3A_29 = arith.constant 0 : index
    %get3A_30 = arith.constant 0 : index
    %get3A_31 = vector.load %arg2[%get3A_29, %get3A_30] : memref<1000x128xf32, #tpu.memory_space<vmem>>, vector<1000x128xf32>
    %get3A_32 = arith.constant 0 : index
    %get3A_33 = arith.constant 0 : index
    %get3A_34 = vector.load %arg6[%get3A_32, %get3A_33] : memref<128x128xf32, #tpu.memory_space<vmem>>, vector<128x128xf32>
    %dot_general3A_35 = arith.constant dense<0.000000e+00> : vector<1000x128xf32>
    %dot_general3A_36 = tpu.matmul %get3A_31, %get3A_34, %dot_general3A_35 {dimension_numbers = #tpu.dot_dimension_numbers<[1], [1], [0], [0], [0, 0, 1, 0], [], []>, transpose_lhs_hint = false} : vector<1000x128xf32>, vector<128x128xf32>, vector<1000x128xf32> -> vector<1000x128xf32>
    %add3A_37 = arith.addf %dot_general3A_28, %dot_general3A_36 : vector<1000x128xf32>
    %get3A_38 = arith.constant 0 : index
    %get3A_39 = arith.constant 0 : index
    %get3A_40 = vector.load %arg5[%get3A_38, %get3A_39] : memref<1x128xf32, #tpu.memory_space<vmem>>, vector<1x128xf32>
    %add3A_41 = vector.broadcast %get3A_40 : vector<1x128xf32> to vector<1000x128xf32>
    %add3A_42 = arith.addf %add3A_37, %add3A_41 : vector<1000x128xf32>
    %reduce_sum3A = arith.constant dense<0.000000e+00> : vector<1000xf32>
    %reduce_sum3A_43 = vector.multi_reduction <add>, %add3A_42, %reduce_sum3A [1] : vector<1000x128xf32> to vector<1000xf32>
    %broadcast_in_dim3A = vector.shape_cast %reduce_sum3A_43 : vector<1000xf32> to vector<1000x1xf32>
    %div3A_44 = arith.constant 1.280000e+02 : f32
    %div3A_45 = vector.broadcast %div3A_44 : f32 to vector<1000x1xf32>
    %div3A_46 = arith.divf %broadcast_in_dim3A, %div3A_45 : vector<1000x1xf32>
    %sub3A = vector.broadcast %div3A_46 : vector<1000x1xf32> to vector<1000x128xf32>
    %sub3A_47 = arith.subf %add3A_42, %sub3A : vector<1000x128xf32>
    %mul3A_48 = arith.mulf %sub3A_47, %sub3A_47 : vector<1000x128xf32>
    %reduce_sum3A_49 = arith.constant dense<0.000000e+00> : vector<1000xf32>
    %reduce_sum3A_50 = vector.multi_reduction <add>, %mul3A_48, %reduce_sum3A_49 [1] : vector<1000x128xf32> to vector<1000xf32>
    %broadcast_in_dim3A_51 = vector.shape_cast %reduce_sum3A_50 : vector<1000xf32> to vector<1000x1xf32>
    %div3A_52 = arith.constant 1.280000e+02 : f32
    %div3A_53 = vector.broadcast %div3A_52 : f32 to vector<1000x1xf32>
    %div3A_54 = arith.divf %broadcast_in_dim3A_51, %div3A_53 : vector<1000x1xf32>
    %add3A_55 = arith.constant 9.99999974E-6 : f32
    %add3A_56 = vector.broadcast %add3A_55 : f32 to vector<1000x1xf32>
    %add3A_57 = arith.addf %div3A_54, %add3A_56 : vector<1000x1xf32>
    %rsqrt3A = math.rsqrt %add3A_57 : vector<1000x1xf32>
    %mul3A_58 = vector.broadcast %rsqrt3A : vector<1000x1xf32> to vector<1000x128xf32>
    %mul3A_59 = arith.mulf %sub3A_47, %mul3A_58 : vector<1000x128xf32>
    %get3A_60 = arith.constant 0 : index
    %get3A_61 = arith.constant 0 : index
    %get3A_62 = vector.load %arg7[%get3A_60, %get3A_61] : memref<1x128xf32, #tpu.memory_space<vmem>>, vector<1x128xf32>
    %mul3A_63 = vector.broadcast %get3A_62 : vector<1x128xf32> to vector<1000x128xf32>
    %mul3A_64 = arith.mulf %mul3A_59, %mul3A_63 : vector<1000x128xf32>
    %get3A_65 = arith.constant 0 : index
    %get3A_66 = arith.constant 0 : index
    %get3A_67 = vector.load %arg8[%get3A_65, %get3A_66] : memref<1x128xf32, #tpu.memory_space<vmem>>, vector<1x128xf32>
    %add3A_68 = vector.broadcast %get3A_67 : vector<1x128xf32> to vector<1000x128xf32>
    %add3A_69 = arith.addf %mul3A_64, %add3A_68 : vector<1000x128xf32>
    %max3A_70 = arith.constant 0.000000e+00 : f32
    %max3A_71 = vector.broadcast %max3A_70 : f32 to vector<1000x128xf32>
    %max3A_72 = arith.maximumf %add3A_69, %max3A_71 : vector<1000x128xf32>
    %swap3A = arith.constant 0 : index
    %swap3A_73 = arith.constant 0 : index
    %swap3A_74 = vector.load %arg9[%swap3A, %swap3A_73] : memref<1000x128xf32, #tpu.memory_space<vmem>>, vector<1000x128xf32>
    tpu.vector_store %arg9[%swap3A, %swap3A_73], %max3A_72 {strides = array<i32>} : memref<1000x128xf32, #tpu.memory_space<vmem>>, vector<1000x128xf32>,
    return
  }
  func.func @transform_0(%arg0: i32) -> (i32, i32, i32) {
    %c0_i32 = arith.constant 0 : i32
    %c0_i32_0 = arith.constant 0 : i32
    %c0_i32_1 = arith.constant 0 : i32
    return %c0_i32, %arg0, %c0_i32_0 : i32, i32, i32
  }
  func.func @transform_1(%arg0: i32) -> (i32, i32) {
    %c0_i32 = arith.constant 0 : i32
    %c0_i32_0 = arith.constant 0 : i32
    return %arg0, %c0_i32 : i32, i32
  }
  func.func @transform_2(%arg0: i32) -> (i32, i32, i32) {
    %c0_i32 = arith.constant 0 : i32
    %c0_i32_0 = arith.constant 0 : i32
    %c0_i32_1 = arith.constant 0 : i32
    return %c0_i32, %arg0, %c0_i32_0 : i32, i32, i32
  }
  func.func @transform_3(%arg0: i32) -> (i32, i32) {
    %c0_i32 = arith.constant 0 : i32
    %c0_i32_0 = arith.constant 0 : i32
    %c0_i32_1 = arith.constant 0 : i32
    return %c0_i32, %c0_i32_0 : i32, i32
  }
  func.func @transform_4(%arg0: i32) -> (i32, i32) {
    %c0_i32 = arith.constant 0 : i32
    %c0_i32_0 = arith.constant 0 : i32
    %c0_i32_1 = arith.constant 0 : i32
    return %c0_i32, %c0_i32_0 : i32, i32
  }
  func.func @transform_5(%arg0: i32) -> (i32, i32) {
    %c0_i32 = arith.constant 0 : i32
    %c0_i32_0 = arith.constant 0 : i32
    %c0_i32_1 = arith.constant 0 : i32
    return %c0_i32, %c0_i32_0 : i32, i32
  }
  func.func @transform_6(%arg0: i32) -> (i32, i32) {
    %c0_i32 = arith.constant 0 : i32
    %c0_i32_0 = arith.constant 0 : i32
    %c0_i32_1 = arith.constant 0 : i32
    return %c0_i32, %c0_i32_0 : i32, i32
  }
  func.func @transform_7(%arg0: i32) -> (i32, i32) {
    %c0_i32 = arith.constant 0 : i32
    %c0_i32_0 = arith.constant 0 : i32
    %c0_i32_1 = arith.constant 0 : i32
    return %c0_i32, %c0_i32_0 : i32, i32
  }
  func.func @transform_8(%arg0: i32) -> (i32, i32) {
    %c0_i32 = arith.constant 0 : i32
    %c0_i32_0 = arith.constant 0 : i32
    return %arg0, %c0_i32 : i32, i32
  }
}

module attributes {stable_mosaic.version = 14 : i64} {
  func.func @_final_body(%arg0: memref<10240x128xf32, #tpu.memory_space<vmem>>, %arg1: memref<80x128xi32, #tpu.memory_space<vmem>>, %arg2: memref<128x256xf32, #tpu.memory_space<vmem>>, %arg3: memref<1x128xf32, #tpu.memory_space<vmem>>, %arg4: memref<256x128xf32, #tpu.memory_space<vmem>>, %arg5: memref<1x256xf32, #tpu.memory_space<vmem>>, %arg6: memref<64x256xf32, #tpu.memory_space<vmem>>, %arg7: memref<64x256xf32, #tpu.memory_space<vmem>>) attributes {dimension_semantics = [], scalar_prefetch = 0 : i64, scratch_operands = 1 : i64, tpu.core_type = #tpu.core_type<tc>} {
    %get3A = arith.constant 0 : index
    %get3A_0 = arith.constant 0 : index
    %get3A_1 = vector.load %arg1[%get3A, %get3A_0] : memref<80x128xi32, #tpu.memory_space<vmem>>, vector<80x128xi32>
    %scan3A = arith.constant 0 : i32
    %scan3A_2 = arith.constant 64 : i32
    %scan3A_3 = arith.addi %scan3A, %scan3A_2 : i32
    %scan3A_4 = arith.constant 1 : i32
    scf.for %scan3A_36 = %scan3A to %scan3A_3 step %scan3A_4  : i32 {
      %lt3A = vector.broadcast %scan3A_36 : i32 to vector<80x128xi32>
      %lt3A_37 = arith.cmpi slt, %get3A_1, %lt3A : vector<80x128xi32>
      %jit3A = arith.constant 1 : i32
      %jit3A_38 = arith.constant 0 : i32
      %broadcast_in_dim3A_39 = vector.broadcast %jit3A : i32 to vector<80x128xi32>
      %broadcast_in_dim3A_40 = vector.broadcast %jit3A_38 : i32 to vector<80x128xi32>
      %select_n3A = arith.select %lt3A_37, %broadcast_in_dim3A_39, %broadcast_in_dim3A_40 : vector<80x128xi1>, vector<80x128xi32>
      %reduce_sum3A_41 = vector.shape_cast %select_n3A : vector<80x128xi32> to vector<1x80x128xi32>
      %reduce_sum3A_42 = arith.constant dense<0> : vector<1xi32>
      %reduce_sum3A_43 = vector.multi_reduction <add>, %reduce_sum3A_41, %reduce_sum3A_42 [1, 2] : vector<1x80x128xi32> to vector<1xi32>
      %reduce_sum3A_44 = vector.shape_cast %reduce_sum3A_43 : vector<1xi32> to vector<1x1x1xi32>
      %reduce_sum3A_45 = vector.extract %reduce_sum3A_44[0, 0, 0] : i32 from vector<1x1x1xi32>
      %le3A = vector.broadcast %scan3A_36 : i32 to vector<80x128xi32>
      %le3A_46 = arith.cmpi sle, %get3A_1, %le3A : vector<80x128xi32>
      %jit3A_47 = arith.constant 1 : i32
      %jit3A_48 = arith.constant 0 : i32
      %broadcast_in_dim3A_49 = vector.broadcast %jit3A_47 : i32 to vector<80x128xi32>
      %broadcast_in_dim3A_50 = vector.broadcast %jit3A_48 : i32 to vector<80x128xi32>
      %select_n3A_51 = arith.select %le3A_46, %broadcast_in_dim3A_49, %broadcast_in_dim3A_50 : vector<80x128xi1>, vector<80x128xi32>
      %reduce_sum3A_52 = vector.shape_cast %select_n3A_51 : vector<80x128xi32> to vector<1x80x128xi32>
      %reduce_sum3A_53 = arith.constant dense<0> : vector<1xi32>
      %reduce_sum3A_54 = vector.multi_reduction <add>, %reduce_sum3A_52, %reduce_sum3A_53 [1, 2] : vector<1x80x128xi32> to vector<1xi32>
      %reduce_sum3A_55 = vector.shape_cast %reduce_sum3A_54 : vector<1xi32> to vector<1x1x1xi32>
      %reduce_sum3A_56 = vector.extract %reduce_sum3A_55[0, 0, 0] : i32 from vector<1x1x1xi32>
      %jit3A_57 = arith.constant 32 : i32
      %div3A_58 = arith.divsi %reduce_sum3A_45, %jit3A_57 : i32
      %sign3A = arith.constant 0 : i32
      %sign3A_59 = arith.cmpi sgt, %reduce_sum3A_45, %sign3A : i32
      %sign3A_60 = arith.extui %sign3A_59 : i1 to i32
      %sign3A_61 = arith.constant 0 : i32
      %sign3A_62 = arith.cmpi slt, %reduce_sum3A_45, %sign3A_61 : i32
      %sign3A_63 = arith.extui %sign3A_62 : i1 to i32
      %sign3A_64 = arith.subi %sign3A_60, %sign3A_63 : i32
      %sign3A_65 = arith.constant 0 : i32
      %sign3A_66 = arith.cmpi sgt, %jit3A_57, %sign3A_65 : i32
      %sign3A_67 = arith.extui %sign3A_66 : i1 to i32
      %sign3A_68 = arith.constant 0 : i32
      %sign3A_69 = arith.cmpi slt, %jit3A_57, %sign3A_68 : i32
      %sign3A_70 = arith.extui %sign3A_69 : i1 to i32
      %sign3A_71 = arith.subi %sign3A_67, %sign3A_70 : i32
      %ne3A = arith.cmpi ne, %sign3A_64, %sign3A_71 : i32
      %rem3A = arith.remsi %reduce_sum3A_45, %jit3A_57 : i32
      %ne3A_72 = arith.constant 0 : i32
      %ne3A_73 = arith.cmpi ne, %rem3A, %ne3A_72 : i32
      %and3A = arith.andi %ne3A, %ne3A_73 : i1
      %sub3A = arith.constant 1 : i32
      %sub3A_74 = arith.subi %div3A_58, %sub3A : i32
      %select_n3A_75 = arith.select %and3A, %sub3A_74, %div3A_58 : i32
      %add3A_76 = arith.constant 32 : i32
      %add3A_77 = arith.addi %reduce_sum3A_56, %add3A_76 : i32
      %sub3A_78 = arith.constant 1 : i32
      %sub3A_79 = arith.subi %add3A_77, %sub3A_78 : i32
      %jit3A_80 = arith.constant 32 : i32
      %div3A_81 = arith.divsi %sub3A_79, %jit3A_80 : i32
      %sign3A_82 = arith.constant 0 : i32
      %sign3A_83 = arith.cmpi sgt, %sub3A_79, %sign3A_82 : i32
      %sign3A_84 = arith.extui %sign3A_83 : i1 to i32
      %sign3A_85 = arith.constant 0 : i32
      %sign3A_86 = arith.cmpi slt, %sub3A_79, %sign3A_85 : i32
      %sign3A_87 = arith.extui %sign3A_86 : i1 to i32
      %sign3A_88 = arith.subi %sign3A_84, %sign3A_87 : i32
      %sign3A_89 = arith.constant 0 : i32
      %sign3A_90 = arith.cmpi sgt, %jit3A_80, %sign3A_89 : i32
      %sign3A_91 = arith.extui %sign3A_90 : i1 to i32
      %sign3A_92 = arith.constant 0 : i32
      %sign3A_93 = arith.cmpi slt, %jit3A_80, %sign3A_92 : i32
      %sign3A_94 = arith.extui %sign3A_93 : i1 to i32
      %sign3A_95 = arith.subi %sign3A_91, %sign3A_94 : i32
      %ne3A_96 = arith.cmpi ne, %sign3A_88, %sign3A_95 : i32
      %rem3A_97 = arith.remsi %sub3A_79, %jit3A_80 : i32
      %ne3A_98 = arith.constant 0 : i32
      %ne3A_99 = arith.cmpi ne, %rem3A_97, %ne3A_98 : i32
      %and3A_100 = arith.andi %ne3A_96, %ne3A_99 : i1
      %sub3A_101 = arith.constant 1 : i32
      %sub3A_102 = arith.subi %div3A_81, %sub3A_101 : i32
      %select_n3A_103 = arith.select %and3A_100, %sub3A_102, %div3A_81 : i32
      %broadcast_in_dim3A_104 = arith.constant 0.000000e+00 : f32
      %broadcast_in_dim3A_105 = vector.broadcast %broadcast_in_dim3A_104 : f32 to vector<32x128xf32>
      %broadcast_in_dim3A_106 = arith.constant 0xFF800000 : f32
      %broadcast_in_dim3A_107 = vector.broadcast %broadcast_in_dim3A_106 : f32 to vector<32x128xf32>
      %while3A = arith.subi %select_n3A_103, %select_n3A_75 : i32
      %while3A_108 = arith.addi %select_n3A_75, %while3A : i32
      %while3A_109 = arith.constant 1 : i32
      %while3A_110 = arith.divsi %while3A, %while3A_109 : i32
      %while3A_111 = arith.muli %while3A_110, %while3A_109 : i32
      %while3A_112 = arith.addi %select_n3A_75, %while3A_111 : i32
      %while3A_113 = arith.constant 1 : i32
      %while3A_114:2 = scf.for %while3A_130 = %select_n3A_75 to %while3A_112 step %while3A_113 iter_args(%while3A_131 = %broadcast_in_dim3A_105, %while3A_132 = %broadcast_in_dim3A_107) -> (vector<32x128xf32>, vector<32x128xf32>)  : i32 {
        %mul3A_133 = arith.constant 32 : i32
        %mul3A_134 = arith.muli %while3A_130, %mul3A_133 : i32
        %get3A_135 = arith.index_cast %mul3A_134 : i32 to index
        %get3A_136 = arith.constant 0 : index
        %get3A_137 = vector.load %arg0[%get3A_135, %get3A_136] : memref<10240x128xf32, #tpu.memory_space<vmem>>, vector<32x128xf32>
        %mul3A_138 = arith.constant 32 : i32
        %mul3A_139 = arith.muli %while3A_130, %mul3A_138 : i32
        %iota3A = tpu.iota {dimensions = array<i32: 0>} : vector<32x1xi32>
        %add3A_140 = vector.broadcast %mul3A_139 : i32 to vector<32x1xi32>
        %add3A_141 = arith.addi %add3A_140, %iota3A : vector<32x1xi32>
        %ge3A = vector.broadcast %reduce_sum3A_45 : i32 to vector<32x1xi32>
        %ge3A_142 = arith.cmpi sge, %add3A_141, %ge3A : vector<32x1xi32>
        %lt3A_143 = vector.broadcast %reduce_sum3A_56 : i32 to vector<32x1xi32>
        %lt3A_144 = arith.cmpi slt, %add3A_141, %lt3A_143 : vector<32x1xi32>
        %and3A_145 = arith.andi %ge3A_142, %lt3A_144 : vector<32x1xi1>
        %jit3A_146 = arith.constant 0.000000e+00 : f32
        %broadcast_in_dim3A_147 = vector.shape_cast %and3A_145 : vector<32x1xi1> to vector<32x1xi1>
        %broadcast_in_dim3A_148 = vector.broadcast %broadcast_in_dim3A_147 : vector<32x1xi1> to vector<32x128xi1>
        %broadcast_in_dim3A_149 = vector.broadcast %jit3A_146 : f32 to vector<32x128xf32>
        %select_n3A_150 = arith.select %broadcast_in_dim3A_148, %get3A_137, %broadcast_in_dim3A_149 : vector<32x128xi1>, vector<32x128xf32>
        %add3A_151 = arith.addf %while3A_131, %select_n3A_150 : vector<32x128xf32>
        %jit3A_152 = arith.constant 0xFF800000 : f32
        %broadcast_in_dim3A_153 = vector.shape_cast %and3A_145 : vector<32x1xi1> to vector<32x1xi1>
        %broadcast_in_dim3A_154 = vector.broadcast %broadcast_in_dim3A_153 : vector<32x1xi1> to vector<32x128xi1>
        %broadcast_in_dim3A_155 = vector.broadcast %jit3A_152 : f32 to vector<32x128xf32>
        %select_n3A_156 = arith.select %broadcast_in_dim3A_154, %get3A_137, %broadcast_in_dim3A_155 : vector<32x128xi1>, vector<32x128xf32>
        %max3A_157 = arith.maximumf %while3A_132, %select_n3A_156 : vector<32x128xf32>
        scf.yield %add3A_151, %max3A_157 : vector<32x128xf32>, vector<32x128xf32>
      }
      %while3A_115 = arith.constant 1 : i32
      %while3A_116:2 = scf.for %while3A_130 = %while3A_112 to %while3A_108 step %while3A_115 iter_args(%while3A_131 = %while3A_114#0, %while3A_132 = %while3A_114#1) -> (vector<32x128xf32>, vector<32x128xf32>)  : i32 {
        %mul3A_133 = arith.constant 32 : i32
        %mul3A_134 = arith.muli %while3A_130, %mul3A_133 : i32
        %get3A_135 = arith.index_cast %mul3A_134 : i32 to index
        %get3A_136 = arith.constant 0 : index
        %get3A_137 = vector.load %arg0[%get3A_135, %get3A_136] : memref<10240x128xf32, #tpu.memory_space<vmem>>, vector<32x128xf32>
        %mul3A_138 = arith.constant 32 : i32
        %mul3A_139 = arith.muli %while3A_130, %mul3A_138 : i32
        %iota3A = tpu.iota {dimensions = array<i32: 0>} : vector<32x1xi32>
        %add3A_140 = vector.broadcast %mul3A_139 : i32 to vector<32x1xi32>
        %add3A_141 = arith.addi %add3A_140, %iota3A : vector<32x1xi32>
        %ge3A = vector.broadcast %reduce_sum3A_45 : i32 to vector<32x1xi32>
        %ge3A_142 = arith.cmpi sge, %add3A_141, %ge3A : vector<32x1xi32>
        %lt3A_143 = vector.broadcast %reduce_sum3A_56 : i32 to vector<32x1xi32>
        %lt3A_144 = arith.cmpi slt, %add3A_141, %lt3A_143 : vector<32x1xi32>
        %and3A_145 = arith.andi %ge3A_142, %lt3A_144 : vector<32x1xi1>
        %jit3A_146 = arith.constant 0.000000e+00 : f32
        %broadcast_in_dim3A_147 = vector.shape_cast %and3A_145 : vector<32x1xi1> to vector<32x1xi1>
        %broadcast_in_dim3A_148 = vector.broadcast %broadcast_in_dim3A_147 : vector<32x1xi1> to vector<32x128xi1>
        %broadcast_in_dim3A_149 = vector.broadcast %jit3A_146 : f32 to vector<32x128xf32>
        %select_n3A_150 = arith.select %broadcast_in_dim3A_148, %get3A_137, %broadcast_in_dim3A_149 : vector<32x128xi1>, vector<32x128xf32>
        %add3A_151 = arith.addf %while3A_131, %select_n3A_150 : vector<32x128xf32>
        %jit3A_152 = arith.constant 0xFF800000 : f32
        %broadcast_in_dim3A_153 = vector.shape_cast %and3A_145 : vector<32x1xi1> to vector<32x1xi1>
        %broadcast_in_dim3A_154 = vector.broadcast %broadcast_in_dim3A_153 : vector<32x1xi1> to vector<32x128xi1>
        %broadcast_in_dim3A_155 = vector.broadcast %jit3A_152 : f32 to vector<32x128xf32>
        %select_n3A_156 = arith.select %broadcast_in_dim3A_154, %get3A_137, %broadcast_in_dim3A_155 : vector<32x128xi1>, vector<32x128xf32>
        %max3A_157 = arith.maximumf %while3A_132, %select_n3A_156 : vector<32x128xf32>
        scf.yield %add3A_151, %max3A_157 : vector<32x128xf32>, vector<32x128xf32>
      }
      %sub3A_117 = arith.subi %reduce_sum3A_56, %reduce_sum3A_45 : i32
      %convert_element_type3A = arith.sitofp %sub3A_117 : i32 to f32
      %reduce_sum3A_118 = arith.constant dense<0.000000e+00> : vector<128xf32>
      %reduce_sum3A_119 = vector.multi_reduction <add>, %while3A_116#0, %reduce_sum3A_118 [0] : vector<32x128xf32> to vector<128xf32>
      %broadcast_in_dim3A_120 = vector.shape_cast %reduce_sum3A_119 : vector<128xf32> to vector<1x128xf32>
      %max3A_121 = arith.constant 1.000000e+00 : f32
      %max3A_122 = arith.maximumf %convert_element_type3A, %max3A_121 : f32
      %div3A_123 = vector.broadcast %max3A_122 : f32 to vector<1x128xf32>
      %div3A_124 = arith.divf %broadcast_in_dim3A_120, %div3A_123 : vector<1x128xf32>
      %reduce_max3A = arith.constant dense<0xFF800000> : vector<128xf32>
      %reduce_max3A_125 = vector.multi_reduction <maximumf>, %while3A_116#1, %reduce_max3A [0] : vector<32x128xf32> to vector<128xf32>
      %broadcast_in_dim3A_126 = vector.shape_cast %reduce_max3A_125 : vector<128xf32> to vector<1x128xf32>
      %concatenate3A = tpu.concatenate %div3A_124, %broadcast_in_dim3A_126 in 1 : vector<1x128xf32>, vector<1x128xf32> -> vector<1x256xf32>
      %swap3A_127 = arith.index_cast %scan3A_36 : i32 to index
      %swap3A_128 = arith.constant 0 : index
      %swap3A_129 = vector.load %arg7[%swap3A_127, %swap3A_128] : memref<64x256xf32, #tpu.memory_space<vmem>>, vector<1x256xf32>
      tpu.vector_store %arg7[%swap3A_127, %swap3A_128], %concatenate3A {strides = array<i32>} : memref<64x256xf32, #tpu.memory_space<vmem>>, vector<1x256xf32>,
    }
    %scan3A_5 = arith.constant 64 : i32
    %get3A_6 = arith.constant 0 : index
    %get3A_7 = arith.constant 0 : index
    %get3A_8 = vector.load %arg7[%get3A_6, %get3A_7] : memref<64x256xf32, #tpu.memory_space<vmem>>, vector<64x256xf32>
    %get3A_9 = arith.constant 0 : index
    %get3A_10 = arith.constant 0 : index
    %get3A_11 = vector.load %arg2[%get3A_9, %get3A_10] : memref<128x256xf32, #tpu.memory_space<vmem>>, vector<128x256xf32>
    %dot_general3A = arith.constant dense<0.000000e+00> : vector<64x128xf32>
    %dot_general3A_12 = tpu.matmul %get3A_8, %get3A_11, %dot_general3A {dimension_numbers = #tpu.dot_dimension_numbers<[1], [1], [0], [0], [0, 0, 1, 0], [], []>, transpose_lhs_hint = false} : vector<64x256xf32>, vector<128x256xf32>, vector<64x128xf32> -> vector<64x128xf32>
    %get3A_13 = arith.constant 0 : index
    %get3A_14 = arith.constant 0 : index
    %get3A_15 = vector.load %arg3[%get3A_13, %get3A_14] : memref<1x128xf32, #tpu.memory_space<vmem>>, vector<1x128xf32>
    %add3A = vector.broadcast %get3A_15 : vector<1x128xf32> to vector<64x128xf32>
    %add3A_16 = arith.addf %dot_general3A_12, %add3A : vector<64x128xf32>
    %max3A = arith.constant 0.000000e+00 : f32
    %max3A_17 = vector.broadcast %max3A : f32 to vector<64x128xf32>
    %max3A_18 = arith.maximumf %add3A_16, %max3A_17 : vector<64x128xf32>
    %get3A_19 = arith.constant 0 : index
    %get3A_20 = arith.constant 0 : index
    %get3A_21 = vector.load %arg4[%get3A_19, %get3A_20] : memref<256x128xf32, #tpu.memory_space<vmem>>, vector<256x128xf32>
    %dot_general3A_22 = arith.constant dense<0.000000e+00> : vector<64x256xf32>
    %dot_general3A_23 = tpu.matmul %max3A_18, %get3A_21, %dot_general3A_22 {dimension_numbers = #tpu.dot_dimension_numbers<[1], [1], [0], [0], [0, 0, 1, 0], [], []>, transpose_lhs_hint = false} : vector<64x128xf32>, vector<256x128xf32>, vector<64x256xf32> -> vector<64x256xf32>
    %get3A_24 = arith.constant 0 : index
    %get3A_25 = arith.constant 0 : index
    %get3A_26 = vector.load %arg5[%get3A_24, %get3A_25] : memref<1x256xf32, #tpu.memory_space<vmem>>, vector<1x256xf32>
    %add3A_27 = vector.broadcast %get3A_26 : vector<1x256xf32> to vector<64x256xf32>
    %add3A_28 = arith.addf %dot_general3A_23, %add3A_27 : vector<64x256xf32>
    %mul3A = arith.mulf %add3A_28, %add3A_28 : vector<64x256xf32>
    %reduce_sum3A = arith.constant dense<0.000000e+00> : vector<64xf32>
    %reduce_sum3A_29 = vector.multi_reduction <add>, %mul3A, %reduce_sum3A [1] : vector<64x256xf32> to vector<64xf32>
    %broadcast_in_dim3A = vector.shape_cast %reduce_sum3A_29 : vector<64xf32> to vector<64x1xf32>
    %sqrt3A = math.sqrt %broadcast_in_dim3A : vector<64x1xf32>
    %max3A_30 = arith.constant 9.99999996E-13 : f32
    %max3A_31 = vector.broadcast %max3A_30 : f32 to vector<64x1xf32>
    %max3A_32 = arith.maximumf %sqrt3A, %max3A_31 : vector<64x1xf32>
    %div3A = vector.broadcast %max3A_32 : vector<64x1xf32> to vector<64x256xf32>
    %div3A_33 = arith.divf %add3A_28, %div3A : vector<64x256xf32>
    %swap3A = arith.constant 0 : index
    %swap3A_34 = arith.constant 0 : index
    %swap3A_35 = vector.load %arg6[%swap3A, %swap3A_34] : memref<64x256xf32, #tpu.memory_space<vmem>>, vector<64x256xf32>
    tpu.vector_store %arg6[%swap3A, %swap3A_34], %div3A_33 {strides = array<i32>} : memref<64x256xf32, #tpu.memory_space<vmem>>, vector<64x256xf32>,
    return
  }
}

</mosaic_0001>

<sc_bundles>
// kernel: kernel.10.cloned.1.call-start
scs
__scs_entry_jumppad:
0x0: {  	(pc) =	sbr.rel $0x88, $3  }
0x1: {  	(tag) =	ssettag $0x0;
	lr =	simm.s32 $0x1  }
0x2: {  	[smem:$0x3F8B] =	sst lr;
	_ =	strace $0xD0000000  }
0x3: {  	_ = 	snop  }
0x4: {  	_ = 	snop  }
0x5: {  	_ = 	snop  }
0x6: {  	_ = 	snop  }
0x7: {  	_ = 	snop  }
__scs_overlays_trampoline_lowered:
0x8: {  	[smem:$0x3F9A] =	sst s0  }
0x9: {  	[smem:$0x3F9B] =	sst s1  }
0xa: {  	[smem:$0x3F9C] =	sst s2  }
0xb: {  	[smem:$0x3F9D] =	sst s3  }
0xc: {  	[smem:$0x3F9E] =	sst s4  }
0xd: {  	[smem:$0x3F9F] =	sst s5  }
0xe: {  	[smem:$0x3FA0] =	sst s6  }
0xf: {  	[smem:$0x3FA1] =	sst s7  }
0x10: {  	[smem:$0x3FA2] =	sst s8  }
0x11: {  	[smem:$0x3FA3] =	sst s9;
	s0 =	simm.s32 @!p0 $0x0  }
0x12: {  	s1 =	sld [smem:$0x3F89];
	s0 =	simm.s32 @p0 $0x1  }
0x13: {  	[smem:$0x3FA4] =	sst s0;
	s0 =	simm.s32 @!p1 $0x0  }
0x14: {  	s2 =	sld [smem:$0x3F88];
	s0 =	simm.s32 @p1 $0x1  }
0x15: {  	[smem:$0x3FA5] =	sst s0;
	s0 =	simm.s32 @!p2 $0x0  }
0x16: {  	s3 =	sld [smem:$0x3FDB];
	s0 =	simm.s32 @p2 $0x1  }
0x17: {  	s4 =	simm.s32 $0x1BF5;
	[smem:$0x3FA7] =	sst s0  }
0x18: {  	s0 =	sld [smem:$0x3F8A];
	_ =	swait.ge [sflag:s4], $0x0  }
0x19: {  	s7 =	sld [smem:$0x3F8B]  }
0x1a: {  	s8 =	sadd.s32 $0xFFFFE003, lr  }
0x1b: {  	s9 =	sadd.s32 $0xFFFFFEF7, lr;
	s5 =	simm.s32 $0xFFFFFFFF;
	p2 =	slt.u32 s8, $0xFFFFF086  }
0x1c: {  	p1 =	slt.u32 s9, $0xF7A;
	s5 =	simm.s32 @!p2 $0x0  }
0x1d: {  	s5 =	simm.s32 @p1 $0x1;
	p0 =	seq.s32 s7, s2  }
0x1e: {  	s7 =	smul.u32 @!p0 $0xF7A, s2;
	p2 =	seq.s32 @!p0 s5, $0x0  }
0x1f: {  	s9 =	smul.u32 $0xF7A, s1;
	s8 =	simm.s32 @!p0 $0x1BF5;
	p2 =	por !p2, p0  }
0x20: {  	[sflag:s8] =	ssyncset.s32 @!p0 $0xFFFFF086;
	s6 =	sadd.s32 @!p0 s3, s7;
	s7 =	simm.s32 @!p0 $0x108  }
0x21: {  	s3 =	sadd.s32 s3, s9;
	s6 =	sadd.s32 @!p0 $0x88, s6;
	s7 =	simm.s32 @p2 $0x1082  }
0x22: {  	[simem:s7], [sflag:s8] =	dma.local @!p0 [hbm:s6], $0xF7A  }
0x23: {  	s9 =	sor.u32 $0xD0000000, s2;
	s6 =	simm.s32 $0x108;
	_ =	swait.ge @!p0 [sflag:s8], $0x0  }
0x24: {  	s3 =	sadd.s32 $0x88, s3;
	s6 =	simm.s32 @!p1 $0x1082;
	[sflag:s4] =	ssyncset.s32 $0xFFFFF086  }
0x25: {  	[simem:s6], [sflag:s4] =	dma.local [hbm:s3], $0xF7A  }
0x26: {  	[smem:$0x3F8B] =	sst s1;
	(tag) =	ssettag s2;
	_ =	strace s9  }
0x27: {  	s1 =	sld [smem:$0x3F9B]  }
0x28: {  	s2 =	sld [smem:$0x3F9C]  }
0x29: {  	s4 =	sld [smem:$0x3F9E]  }
0x2a: {  	p0 =	seq.s32 s5, $0x0;
	s5 =	sld [smem:$0x3F9F]  }
0x2b: {  	s6 =	sld [smem:$0x3FA0]  }
0x2c: {  	s7 =	sld [smem:$0x3FA1]  }
0x2d: {  	s3 =	simm.s32 $0x108;
	s8 =	sld [smem:$0x3FA2]  }
0x2e: {  	s3 =	simm.s32 @!p0 $0x1082;
	s9 =	sld [smem:$0x3FA3]  }
0x2f: {  	lr =	sadd.s32 s0, s3;
	s0 =	sld [smem:$0x3F9A]  }
0x30: {  	s3 =	sld [smem:$0x3F9D]  }
0x31: {  	[smem:$0x3FA6] =	sst s10  }
0x32: {  	s10 =	sld [smem:$0x3FA4];
	_ =	sdelay $0x3  }
0x33: {  	p0 =	seq.s32 s10, $0x1;
	s10 =	sld [smem:$0x3FA6];
	_ =	sdelay $0x3  }
0x34: {  	[smem:$0x3FA6] =	sst s10  }
0x35: {  	s10 =	sld [smem:$0x3FA5];
	_ =	sdelay $0x3  }
0x36: {  	p1 =	seq.s32 s10, $0x1;
	s10 =	sld [smem:$0x3FA6];
	_ =	sdelay $0x3  }
0x37: {  	[smem:$0x3FA6] =	sst s10  }
0x38: {  	s10 =	sld [smem:$0x3FA7]  }
0x39: {  	_ = 	snop;
	(pc) =	sbr.ind lr, $3  }
0x3a: {  	_ = 	snop  }
0x3b: {  	_ = 	snop  }
0x3c: {  	p2 =	seq.s32 s10, $0x1;
	s10 =	sld [smem:$0x3FA6]  }
0x3d: {  	_ =	shalt  }
0x3e: {  	_ =	shalt  }
0x3f: {  	_ =	shalt  }
0x40: {  	_ =	shalt  }
0x41: {  	_ =	shalt  }
0x42: {  	_ =	shalt  }
0x43: {  	_ =	shalt  }
0x44: {  	_ =	shalt  }
0x45: {  	_ =	shalt  }
0x46: {  	_ =	shalt  }
0x47: {  	_ =	shalt  }
0x48: {  	_ =	shalt  }
0x49: {  	_ =	shalt  }
0x4a: {  	_ =	shalt  }
0x4b: {  	_ =	shalt  }
0x4c: {  	_ =	shalt  }
0x4d: {  	_ =	shalt  }
0x4e: {  	_ =	shalt  }
0x4f: {  	_ =	shalt  }
0x50: {  	_ =	shalt  }
0x51: {  	_ =	shalt  }
0x52: {  	_ =	shalt  }
0x53: {  	_ =	shalt  }
0x54: {  	_ =	shalt  }
0x55: {  	_ =	shalt  }
0x56: {  	_ =	shalt  }
0x57: {  	_ =	shalt  }
0x58: {  	_ =	shalt  }
0x59: {  	_ =	shalt  }
0x5a: {  	_ =	shalt  }
0x5b: {  	_ =	shalt  }
0x5c: {  	_ =	shalt  }
0x5d: {  	_ =	shalt  }
0x5e: {  	_ =	shalt  }
0x5f: {  	_ =	shalt  }
0x60: {  	_ =	shalt  }
0x61: {  	_ =	shalt  }
0x62: {  	_ =	shalt  }
0x63: {  	_ =	shalt  }
0x64: {  	_ =	shalt  }
0x65: {  	_ =	shalt  }
0x66: {  	_ =	shalt  }
0x67: {  	_ =	shalt  }
0x68: {  	_ =	shalt  }
0x69: {  	_ =	shalt  }
0x6a: {  	_ =	shalt  }
0x6b: {  	_ =	shalt  }
0x6c: {  	_ =	shalt  }
0x6d: {  	_ =	shalt  }
0x6e: {  	_ =	shalt  }
0x6f: {  	_ =	shalt  }
0x70: {  	_ =	shalt  }
0x71: {  	_ =	shalt  }
0x72: {  	_ =	shalt  }
0x73: {  	_ =	shalt  }
0x74: {  	_ =	shalt  }
0x75: {  	_ =	shalt  }
0x76: {  	_ =	shalt  }
0x77: {  	_ =	shalt  }
0x78: {  	_ =	shalt  }
0x79: {  	_ =	shalt  }
0x7a: {  	_ =	shalt  }
0x7b: {  	_ =	shalt  }
0x7c: {  	_ =	shalt  }
0x7d: {  	_ =	shalt  }
0x7e: {  	_ =	shalt  }
0x7f: {  	_ =	shalt  }
0x80: {  	_ =	shalt  }
0x81: {  	_ =	shalt  }
0x82: {  	_ =	shalt  }
0x83: {  	_ =	shalt  }
0x84: {  	_ =	shalt  }
0x85: {  	_ =	shalt  }
0x86: {  	_ =	shalt  }
0x87: {  	_ =	shalt  }
.Lfunc_end0:
.L_simem_size_0:
called_computation_lowered:
.L_overlay_start_0:
0x88: {  	s2 =	sld [smem:$0x3FD9]  }
0x89: {  	s3 =	sld [smem:$0x3FFE];
	_ =	sdelay $0x1  }
0x8a: {  	s1 =	srdreg.scid  }
0x8b: {  	s0 =	sand.u32 $0x1, s1  }
0x8c: {  	s17 =	sshll.u32 s0, $0xA;
	s2 =	sadd.s32 s3, s2  }
0x8d: {  	s2 =	sadd.s32 s2, s17  }
0x8e: {  	[smem:$0x3FB2] =	sst s2  }
0x8f: {  	_ = 	snop  }
0x90: {  	s2 =	sld [smem:$0x3FD0];
	(tm) =	ssettm $0x1  }
0x91: {  	s18 =	sld [smem:$0x3FFB];
	_ =	sdelay $0x3  }
0x92: {  	_ =	strace s18  }
0x93: {  	s3 =	sld [smem:$0x3FFC];
	_ =	sdelay $0x3  }
0x94: {  	_ =	strace s3  }
0x95: {  	s3 =	sld [smem:$0x3FFD];
	_ =	sdelay $0x3  }
0x96: {  	_ =	strace s3  }
0x97: {  	_ =	strace $0x8FFFFFFF  }
0x98: {  	s19 =	sld [smem:$0x3FDB];
	_ =	sdelay $0x1  }
0x99: {  	s4 =	simm.s32 $_scs_section_size  }
0x9a: {  	s5 =	simm.s32 $_size__tile_overlayer_lowered;
	s6 =	simm.s32 $_tile_overlayer_lowered  }
0x9b: {  	s22 =	simm.s32 $0x1BFF;
	s21 =	sshll.u32 s6, $0x1;
	s3 =	sadd.s32 s4, s19  }
0x9c: {  	s7 =	simm.s32 $0x0;
	s20 =	sshll.u32 s5, $0x1;
	s5 =	sadd.s32 s21, s3  }
0x9d: {  	[timem:s7], [sflag:s22] =	dma.local [hbm:s5], s20  }
0x9e: {  	_ =	swait.ge [sflag:s22], s20  }
0x9f: {  	s4 =	ssub.s32 $0x0, s20;
	[sflag:s22] =	ssyncset.done $0x0  }
0xa0: {  	[sflag:s22] =	ssyncadd.s32 s4;
	_ =	sdelay $0x1  }
0xa1: {  	s23 =	simm.s32 $0x1B8B  }
0xa2: {  	_ =	swait.ge [sflag:s23], $0x1  }
0xa3: {  	[sflag:s23] =	ssyncset.done $0x0  }
0xa4: {  	s25 =	simm.s32 $0x1B8E;
	s24 =	sld [smem:$0x3FFE];
	[sflag:s23] =	ssyncadd.s32 $0xFFFFFFFF  }
0xa5: {  	s26 =	simm.s32 $execute0_lowered;
	[smem:$0x3FD2] =	sst s25  }
0xa6: {  	s5 =	sshll.u32 s26, $0x1;
	_ =	strace $0x80000046;
	[dreg:$0x1] =	wrdreg $0xFFFFFFFF  }
0xa7: {  	s28 =	simm.s32 $_size_execute0_lowered;
	s3 =	sadd.s32 s3, s5;
	[dreg:$0x0] =	wrdreg $0x0  }
0xa8: {  	s5 =	sshll.u32 s28, $0x1;
	[dreg:$0x2] =	wrdreg s3  }
0xa9: {  	[dreg:$0x3] =	wrdreg s5  }
0xaa: {  	[dreg:$0x4] =	wrdreg $0xC0  }
0xab: {  	_ =	task [dreg:s7], $0x5FFFF  }
0xac: {  	[dreg:$0x1] =	wrdreg $0xFFFFFFFF  }
0xad: {  	[dreg:$0x0] =	wrdreg $0x60  }
0xae: {  	[dreg:$0x2] =	wrdreg s24  }
0xaf: {  	[dreg:$0x3] =	wrdreg s2  }
0xb0: {  	[dreg:$0x4] =	wrdreg $0x0  }
0xb1: {  	[dreg:$0x5] =	wrdreg $0x9  }
0xb2: {  	_ =	task.clear_ibuf [dreg:s7], $0x6FFFF;
	_ =	strace $0x90000046  }
0xb3: {  	s29 =	simm.s32 $0x9;
	_ =	strace $0x80000048  }
0xb4: {  	_ =	swait.ge [sflag:s29], $0x1  }
0xb5: {  	[sflag:s29] =	ssyncadd.s32 $0xFFFFFFFF  }
0xb6: {  	_ =	strace $0x90000048  }
0xb7: {  	_ =	sfence  }
0xb8: {  	s30 =	sld [smem:$0x0];
	_ =	sdelay $0x2  }
0xb9: {  	s31 =	sshll.u32 s1, $0xD;
	s1 =	sshrl.u32 s1, $0x2  }
0xba: {  	s3 =	sand.u32 $0x4000, s31;
	s1 =	sadd.s32 s1, s30  }
0xbb: {  	s0 =	sor.u32 s3, s0;
	s1 =	sshll.u32 s1, $0x11  }
0xbc: {  	s0 =	sor.u32 s1, s0  }
0xbd: {  	s0 =	sadd.s32 $0x8F2B, s0  }
0xbe: {  	[sflag:s0] =	ssyncadd.remote.s32 $0x1  }
0xbf: {  	_ =	sfence.sel $0xFFFF  }
0xc0: {  	[dreg:$0x0] =	wrdreg $0xFFFFFFFF;
	(pc) =	sbr.abs _section_cstart, $3  }
0xc1: {  	[dreg:$0x1] =	wrdreg $0xFFFFFFFF  }
0xc2: {  	_ =	task.clear_ibuf [dreg:s7], $0x2FFFF;
	_ =	strace $0x9FFFFFFF  }
0xc3: {  	(tm) =	ssettm $0x7FFFFFFF  }
tec
execute0_lowered:
.L_overlay_start_1:
0x0: {  	(tag) =	ssettag $0x1  }
0x1: {  	s6 =	rddreg [dreg:$0x0]  }
0x2: {  	s2 =	rddreg [dreg:$0x1]  }
0x3: {  	s3 =	rddreg [dreg:$0x2]  }
0x4: {  	s0 =	rddreg [dreg:$0x3]  }
0x5: {  	s1 =	stileid.u32;
	s5 =	srdreg.scid;
	s4 =	simm.s32 $0x0  }
0x6: {  	s13 =	simm.s32 $0x278;
	s14 =	simm.s32 $0x50;
	s15 =	simm.s32 $0x2F8  }
0x7: {  	s16 =	simm.s32 $0x378;
	s17 =	simm.s32 $0x3F8;
	s18 =	simm.s32 $0x478  }
0x8: {  	s19 =	simm.s32 $0x4F8;
	s20 =	simm.s32 $0x578;
	s21 =	simm.s32 $0x5F8  }
0x9: {  	s22 =	simm.s32 $0x0;
	s7 =	sand.u32 $0x1, s5;
	s8 =	smul.u32 $0x278, s1  }
0xa: {  	[smem:$0x7FF] =	sst s4;
	s9 =	sshll.u32 s1, $0xC;
	s5 =	smul.u32 $0x2780, s7  }
0xb: {  	s9 =	sadd.s32 s9, s6;
	s11 =	ssub.s32 $0x2, s7;
	s31 =	sshll.u32 s7, $0xB  }
0xc: {  	_ =	strace $0x80000047;
	s12 =	sshrl.u32 s11, $0x1;
	s9 =	sadd.s32 s31, s9  }
0xd: {  	s10 =	sadd.s32 s8, s5;
	s5 =	sadd.s32 $0x14600, s6;
	s11 =	ssub.s32 s11, s12  }
0xe: {  	s9 =	sadd.s32 $0x4600, s9;
	s12 =	simm.s32 $0x678;
	s10 =	sshrl.u32 s10, $0x3  }
0xf: {  	s10 =	sadd.s32 s10, s6;
	s6 =	sadd.s32 s8, s3;
	s8 =	smax.u32 s11, $0x1  }
0x10: {  	s11 =	simm.s32 $0x1;
	s7 =	sadd.s32 $0x14800, s10;
	s10 =	simm.s32 $0x6F8  }
.LBB2_1:
0x11: {  	[tilespmem:s10], [sflag:$0x1] =	stream.linear.gather [hbm4b:s2+s4], $0x280, $0x38;
	[tilespmem:$0x978] =	vst v63  }
0x12: {  	_ =	swait.ge [sflag:s11], $0x280  }
0x13: {  	[sflag:s11] =	ssyncset.done $0x0  }
0x14: {  	[sflag:s11] =	ssyncadd.s32 $0xFFFFFD80  }
0x15: {  	[spmem:s6] =	stream.linear.scatter [tilespmem:s10], [sflag:$0x1], $0x278, $0x38;
	[tilespmem:$0x978] =	vst v63  }
0x16: {  	_ =	swait.ge [sflag:s11], $0x278  }
0x17: {  	[sflag:s11] =	ssyncset.done $0x0  }
0x18: {  	[sflag:s11] =	ssyncadd.s32 $0xFFFFFD88  }
0x19: {  	[tilespmem:s12], [sflag:$0x1] =	stream.linear.gather [hbm4b:s5+s4], $0x80, $0x38;
	[tilespmem:$0x978] =	vst v63  }
0x1a: {  	_ =	swait.ge [sflag:s11], $0x80  }
0x1b: {  	[sflag:s11] =	ssyncset.done $0x0  }
0x1c: {  	[sflag:s11] =	ssyncadd.s32 $0xFFFFFF80  }
0x1d: {  	s23 =	sadd.s32 $0x0, s9;
	[bflag:$0x0] =	sbarrier.arrive $0xFFFF  }
0x1e: {  	[tilespmem:s13], [sflag:$0x1] =	stream.linear.gather [hbm4b:s23+s4], $0x400, $0x38;
	[tilespmem:$0x978] =	vst v63  }
0x1f: {  	_ =	swait.ge [sflag:s11], $0x400  }
0x20: {  	[sflag:s11] =	ssyncset.done $0x0  }
0x21: {  	[sflag:s11] =	ssyncadd.s32 $0xFFFFFC00  }
0x22: {  	[spmem:s3] =	stream.indirect.scatter.add.f32 [tilespmem:s12], [sflag:$0x1], $0x1, s13, s14, $0xb8;
	[tilespmem:$0x978] =	vst v63  }
0x23: {  	_ =	swait.ge [sflag:s11], $0x50  }
0x24: {  	[sflag:s11] =	ssyncset.done $0x0  }
0x25: {  	[sflag:s11] =	ssyncadd.s32 $0xFFFFFFB0  }
0x26: {  	[spmem:s3] =	stream.indirect.scatter.add.f32 [tilespmem:s12], [sflag:$0x1], $0x1, s15, s14, $0xb8;
	[tilespmem:$0x978] =	vst v63  }
0x27: {  	_ =	swait.ge [sflag:s11], $0x50  }
0x28: {  	[sflag:s11] =	ssyncset.done $0x0  }
0x29: {  	[sflag:s11] =	ssyncadd.s32 $0xFFFFFFB0  }
0x2a: {  	[spmem:s3] =	stream.indirect.scatter.add.f32 [tilespmem:s12], [sflag:$0x1], $0x1, s16, s14, $0xb8;
	[tilespmem:$0x978] =	vst v63  }
0x2b: {  	_ =	swait.ge [sflag:s11], $0x50  }
0x2c: {  	[sflag:s11] =	ssyncset.done $0x0  }
0x2d: {  	[sflag:s11] =	ssyncadd.s32 $0xFFFFFFB0  }
0x2e: {  	[spmem:s3] =	stream.indirect.scatter.add.f32 [tilespmem:s12], [sflag:$0x1], $0x1, s17, s14, $0xb8;
	[tilespmem:$0x978] =	vst v63  }
0x2f: {  	_ =	swait.ge [sflag:s11], $0x50  }
0x30: {  	[sflag:s11] =	ssyncset.done $0x0  }
0x31: {  	[sflag:s11] =	ssyncadd.s32 $0xFFFFFFB0  }
0x32: {  	[spmem:s3] =	stream.indirect.scatter.add.f32 [tilespmem:s12], [sflag:$0x1], $0x1, s18, s14, $0xb8;
	[tilespmem:$0x978] =	vst v63  }
0x33: {  	_ =	swait.ge [sflag:s11], $0x50  }
0x34: {  	[sflag:s11] =	ssyncset.done $0x0  }
0x35: {  	[sflag:s11] =	ssyncadd.s32 $0xFFFFFFB0  }
0x36: {  	[spmem:s3] =	stream.indirect.scatter.add.f32 [tilespmem:s12], [sflag:$0x1], $0x1, s19, s14, $0xb8;
	[tilespmem:$0x978] =	vst v63  }
0x37: {  	_ =	swait.ge [sflag:s11], $0x50  }
0x38: {  	[sflag:s11] =	ssyncset.done $0x0  }
0x39: {  	[sflag:s11] =	ssyncadd.s32 $0xFFFFFFB0  }
0x3a: {  	[spmem:s3] =	stream.indirect.scatter.add.f32 [tilespmem:s12], [sflag:$0x1], $0x1, s20, s14, $0xb8;
	[tilespmem:$0x978] =	vst v63  }
0x3b: {  	_ =	swait.ge [sflag:s11], $0x50  }
0x3c: {  	[sflag:s11] =	ssyncset.done $0x0  }
0x3d: {  	[sflag:s11] =	ssyncadd.s32 $0xFFFFFFB0  }
0x3e: {  	[spmem:s3] =	stream.indirect.scatter.add.f32 [tilespmem:s12], [sflag:$0x1], $0x1, s21, s14, $0xb8;
	[tilespmem:$0x978] =	vst v63  }
0x3f: {  	_ =	swait.ge [sflag:s11], $0x50  }
0x40: {  	s25 =	simm.s32 $0x100;
	s23 =	simm.s32 $0x80;
	[sflag:s11] =	ssyncset.done $0x0  }
.LBB2_2:
0x41: {  	s26 =	sadd.s32 s23, s9  }
0x42: {  	[sflag:s11] =	ssyncadd.s32 $0xFFFFFFB0;
	s23 =	smov.u32 s25;
	s24 =	sadd.s32 $0x80, s25  }
0x43: {  	[tilespmem:s13], [sflag:$0x1] =	stream.linear.gather [hbm4b:s26+s4], $0x400, $0x38;
	[tilespmem:$0x978] =	vst v63  }
0x44: {  	p0 =	sne.s32 s25, $0x780;
	_ =	swait.ge [sflag:s11], $0x400  }
0x45: {  	[sflag:s11] =	ssyncset.done $0x0  }
0x46: {  	[sflag:s11] =	ssyncadd.s32 $0xFFFFFC00  }
0x47: {  	[spmem:s3] =	stream.indirect.scatter.add.f32 [tilespmem:s12], [sflag:$0x1], $0x1, s13, s14, $0xb8;
	[tilespmem:$0x978] =	vst v63  }
0x48: {  	_ =	swait.ge [sflag:s11], $0x50  }
0x49: {  	[sflag:s11] =	ssyncset.done $0x0  }
0x4a: {  	[sflag:s11] =	ssyncadd.s32 $0xFFFFFFB0  }
0x4b: {  	[spmem:s3] =	stream.indirect.scatter.add.f32 [tilespmem:s12], [sflag:$0x1], $0x1, s15, s14, $0xb8;
	[tilespmem:$0x978] =	vst v63  }
0x4c: {  	_ =	swait.ge [sflag:s11], $0x50  }
0x4d: {  	[sflag:s11] =	ssyncset.done $0x0  }
0x4e: {  	[sflag:s11] =	ssyncadd.s32 $0xFFFFFFB0  }
0x4f: {  	[spmem:s3] =	stream.indirect.scatter.add.f32 [tilespmem:s12], [sflag:$0x1], $0x1, s16, s14, $0xb8;
	[tilespmem:$0x978] =	vst v63  }
0x50: {  	_ =	swait.ge [sflag:s11], $0x50  }
0x51: {  	[sflag:s11] =	ssyncset.done $0x0  }
0x52: {  	[sflag:s11] =	ssyncadd.s32 $0xFFFFFFB0  }
0x53: {  	[spmem:s3] =	stream.indirect.scatter.add.f32 [tilespmem:s12], [sflag:$0x1], $0x1, s17, s14, $0xb8;
	[tilespmem:$0x978] =	vst v63  }
0x54: {  	_ =	swait.ge [sflag:s11], $0x50  }
0x55: {  	[sflag:s11] =	ssyncset.done $0x0  }
0x56: {  	[sflag:s11] =	ssyncadd.s32 $0xFFFFFFB0  }
0x57: {  	[spmem:s3] =	stream.indirect.scatter.add.f32 [tilespmem:s12], [sflag:$0x1], $0x1, s18, s14, $0xb8;
	[tilespmem:$0x978] =	vst v63  }
0x58: {  	_ =	swait.ge [sflag:s11], $0x50  }
0x59: {  	[sflag:s11] =	ssyncset.done $0x0  }
0x5a: {  	[sflag:s11] =	ssyncadd.s32 $0xFFFFFFB0  }
0x5b: {  	[spmem:s3] =	stream.indirect.scatter.add.f32 [tilespmem:s12], [sflag:$0x1], $0x1, s19, s14, $0xb8;
	[tilespmem:$0x978] =	vst v63  }
0x5c: {  	_ =	swait.ge [sflag:s11], $0x50  }
0x5d: {  	[sflag:s11] =	ssyncset.done $0x0  }
0x5e: {  	[sflag:s11] =	ssyncadd.s32 $0xFFFFFFB0  }
0x5f: {  	[spmem:s3] =	stream.indirect.scatter.add.f32 [tilespmem:s12], [sflag:$0x1], $0x1, s20, s14, $0xb8;
	[tilespmem:$0x978] =	vst v63  }
0x60: {  	_ =	swait.ge [sflag:s11], $0x50  }
.Ltmp0:
0x61: {  	[sflag:s11] =	ssyncset.done $0x0;
	(pc) =	sbr.rel @p0 .LBB2_2-.Ltmp0, $4  }
0x62: {  	[sflag:s11] =	ssyncadd.s32 $0xFFFFFFB0  }
0x63: {  	[spmem:s3] =	stream.indirect.scatter.add.f32 [tilespmem:s12], [sflag:$0x1], $0x1, s21, s14, $0xb8;
	[tilespmem:$0x978] =	vst v63  }
0x64: {  	_ =	swait.ge [sflag:s11], $0x50  }
0x65: {  	s25 =	smov.u32 s24;
	[sflag:s11] =	ssyncset.done $0x0  }
0x66: {  	s23 =	sadd.s32 s23, s9;
	[sflag:s11] =	ssyncadd.s32 $0xFFFFFFB0  }
0x67: {  	[tilespmem:s13], [sflag:$0x1] =	stream.linear.gather [hbm4b:s23+s4], $0x400, $0x38;
	[tilespmem:$0x978] =	vst v63  }
0x68: {  	_ =	swait.ge [sflag:s11], $0x400  }
0x69: {  	[sflag:s11] =	ssyncset.done $0x0  }
0x6a: {  	[sflag:s11] =	ssyncadd.s32 $0xFFFFFC00  }
0x6b: {  	[spmem:s3] =	stream.indirect.scatter.add.f32 [tilespmem:s12], [sflag:$0x1], $0x1, s13, s14, $0xb8;
	[tilespmem:$0x978] =	vst v63  }
0x6c: {  	_ =	swait.ge [sflag:s11], $0x50  }
0x6d: {  	[sflag:s11] =	ssyncset.done $0x0  }
0x6e: {  	[sflag:s11] =	ssyncadd.s32 $0xFFFFFFB0  }
0x6f: {  	[spmem:s3] =	stream.indirect.scatter.add.f32 [tilespmem:s12], [sflag:$0x1], $0x1, s15, s14, $0xb8;
	[tilespmem:$0x978] =	vst v63  }
0x70: {  	_ =	swait.ge [sflag:s11], $0x50  }
0x71: {  	[sflag:s11] =	ssyncset.done $0x0  }
0x72: {  	[sflag:s11] =	ssyncadd.s32 $0xFFFFFFB0  }
0x73: {  	[spmem:s3] =	stream.indirect.scatter.add.f32 [tilespmem:s12], [sflag:$0x1], $0x1, s16, s14, $0xb8;
	[tilespmem:$0x978] =	vst v63  }
0x74: {  	_ =	swait.ge [sflag:s11], $0x50  }
0x75: {  	[sflag:s11] =	ssyncset.done $0x0  }
0x76: {  	[sflag:s11] =	ssyncadd.s32 $0xFFFFFFB0  }
0x77: {  	[spmem:s3] =	stream.indirect.scatter.add.f32 [tilespmem:s12], [sflag:$0x1], $0x1, s17, s14, $0xb8;
	[tilespmem:$0x978] =	vst v63  }
0x78: {  	_ =	swait.ge [sflag:s11], $0x50  }
0x79: {  	[sflag:s11] =	ssyncset.done $0x0  }
0x7a: {  	[sflag:s11] =	ssyncadd.s32 $0xFFFFFFB0  }
0x7b: {  	[spmem:s3] =	stream.indirect.scatter.add.f32 [tilespmem:s12], [sflag:$0x1], $0x1, s18, s14, $0xb8;
	[tilespmem:$0x978] =	vst v63  }
0x7c: {  	_ =	swait.ge [sflag:s11], $0x50  }
0x7d: {  	[sflag:s11] =	ssyncset.done $0x0  }
0x7e: {  	[sflag:s11] =	ssyncadd.s32 $0xFFFFFFB0  }
0x7f: {  	[spmem:s3] =	stream.indirect.scatter.add.f32 [tilespmem:s12], [sflag:$0x1], $0x1, s19, s14, $0xb8;
	[tilespmem:$0x978] =	vst v63  }
0x80: {  	_ =	swait.ge [sflag:s11], $0x50  }
0x81: {  	[sflag:s11] =	ssyncset.done $0x0  }
0x82: {  	[sflag:s11] =	ssyncadd.s32 $0xFFFFFFB0  }
0x83: {  	[spmem:s3] =	stream.indirect.scatter.add.f32 [tilespmem:s12], [sflag:$0x1], $0x1, s20, s14, $0xb8;
	[tilespmem:$0x978] =	vst v63  }
0x84: {  	_ =	swait.ge [sflag:s11], $0x50  }
0x85: {  	[sflag:s11] =	ssyncset.done $0x0  }
0x86: {  	[sflag:s11] =	ssyncadd.s32 $0xFFFFFFB0  }
0x87: {  	[spmem:s3] =	stream.indirect.scatter.add.f32 [tilespmem:s12], [sflag:$0x1], $0x1, s21, s14, $0xb8;
	[tilespmem:$0x978] =	vst v63  }
0x88: {  	_ =	swait.ge [sflag:s11], $0x50  }
0x89: {  	[sflag:s11] =	ssyncset.done $0x0  }
0x8a: {  	[sflag:s11] =	ssyncadd.s32 $0xFFFFFFB0  }
0x8b: {  	[bflag:$0x0] =	sbarrier.arrive $0xFFFF  }
0x8c: {  	[tilespmem:s10], [sflag:$0x1] =	stream.linear.gather [spmem:s6], $0x278, $0x38;
	[tilespmem:$0x978] =	vst v63  }
0x8d: {  	s22 =	sadd.s32 $0x1, s22;
	_ =	swait.ge [sflag:s11], $0x278  }
0x8e: {  	p0 =	sne.s32 s22, s8;
	[sflag:s11] =	ssyncset.done $0x0  }
.Ltmp1:
0x8f: {  	[sflag:s11] =	ssyncadd.s32 $0xFFFFFD88;
	(pc) =	sbr.rel @p0 .LBB2_1-.Ltmp1, $4  }
0x90: {  	[hbm4b:s7+s4] =	stream.linear.scatter [tilespmem:s10], [sflag:$0x1], $0x278, $0x38;
	[tilespmem:$0x978] =	vst v63  }
0x91: {  	_ =	swait.ge [sflag:s11], $0x278  }
0x92: {  	[sflag:s11] =	ssyncset.done $0x0  }
0x93: {  	[sflag:s11] =	ssyncadd.s32 $0xFFFFFD88  }
0x94: {  	_ =	sfence.sel $0x180000  }
0x95: {  	[bflag:$0x0] =	sbarrier.arrive $0xFFFF  }
0x96: {  	p0 =	sne.s32 s1, $0x0;
	_ =	strace $0x90000047  }
0x97: {  	s0 =	sadd.s32 @!p0 $0x100000, s0;
	[bflag:$0x2] =	sbarrier.arrive $0xFFFF  }
0x98: {  	[sflag:s0] =	ssyncadd.tile.s32 @!p0 $0x1;
	_ =	shalt  }
.Lfunc_end2:
_tile_overlayer_lowered:
.L_overlay_start_2:
0x99: {  	(tag) =	ssettag $0x2  }
0x9a: {  	s0 =	rddreg [dreg:$0x0];
	s2 =	stileid.u32  }
0x9b: {  	s1 =	rddreg [dreg:$0x1];
	p0 =	sne.s32 s2, $0x0  }
0x9c: {  	s3 =	rddreg [dreg:$0x2];
	[bflag:$0x3] =	sbarrier.arrive $0xFFFF;
	s2 =	simm.s32 @!p0 $0x1C01  }
0x9d: {  	[timem:s3], [sflag:s2] =	dma.local @!p0 [hbm:s0], s1  }
0x9e: {  	s0 =	simm.s32 @!p0 $0x1  }
0x9f: {  	_ =	swait.ge @!p0 [sflag:s0], s1  }
0xa0: {  	s1 =	ssub.s32 @!p0 $0x0, s1;
	[sflag:s0] =	ssyncset.done @!p0 $0x0  }
0xa1: {  	[sflag:s0] =	ssyncadd.s32 @!p0 s1  }
0xa2: {  	[bflag:$0x3] =	sbarrier.arrive $0xFFFF  }
0xa3: {  	_ =	shalt  }

// kernel: kernel.13.cloned.1.call-start
scs
__scs_entry_jumppad:
0x0: {  	(pc) =	sbr.rel $0x88, $3  }
0x1: {  	(tag) =	ssettag $0x0;
	lr =	simm.s32 $0x1  }
0x2: {  	[smem:$0x3F8B] =	sst lr;
	_ =	strace $0xD0000000  }
0x3: {  	_ = 	snop  }
0x4: {  	_ = 	snop  }
0x5: {  	_ = 	snop  }
0x6: {  	_ = 	snop  }
0x7: {  	_ = 	snop  }
__scs_overlays_trampoline_lowered:
0x8: {  	[smem:$0x3F9A] =	sst s0  }
0x9: {  	[smem:$0x3F9B] =	sst s1  }
0xa: {  	[smem:$0x3F9C] =	sst s2  }
0xb: {  	[smem:$0x3F9D] =	sst s3  }
0xc: {  	[smem:$0x3F9E] =	sst s4  }
0xd: {  	[smem:$0x3F9F] =	sst s5  }
0xe: {  	[smem:$0x3FA0] =	sst s6  }
0xf: {  	[smem:$0x3FA1] =	sst s7  }
0x10: {  	[smem:$0x3FA2] =	sst s8  }
0x11: {  	[smem:$0x3FA3] =	sst s9;
	s0 =	simm.s32 @!p0 $0x0  }
0x12: {  	s1 =	sld [smem:$0x3F89];
	s0 =	simm.s32 @p0 $0x1  }
0x13: {  	[smem:$0x3FA4] =	sst s0;
	s0 =	simm.s32 @!p1 $0x0  }
0x14: {  	s2 =	sld [smem:$0x3F88];
	s0 =	simm.s32 @p1 $0x1  }
0x15: {  	[smem:$0x3FA5] =	sst s0;
	s0 =	simm.s32 @!p2 $0x0  }
0x16: {  	s3 =	sld [smem:$0x3FDB];
	s0 =	simm.s32 @p2 $0x1  }
0x17: {  	s4 =	simm.s32 $0x1BF5;
	[smem:$0x3FA7] =	sst s0  }
0x18: {  	s0 =	sld [smem:$0x3F8A];
	_ =	swait.ge [sflag:s4], $0x0  }
0x19: {  	s7 =	sld [smem:$0x3F8B]  }
0x1a: {  	s8 =	sadd.s32 $0xFFFFE003, lr  }
0x1b: {  	s9 =	sadd.s32 $0xFFFFFEF7, lr;
	s5 =	simm.s32 $0xFFFFFFFF;
	p2 =	slt.u32 s8, $0xFFFFF086  }
0x1c: {  	p1 =	slt.u32 s9, $0xF7A;
	s5 =	simm.s32 @!p2 $0x0  }
0x1d: {  	s5 =	simm.s32 @p1 $0x1;
	p0 =	seq.s32 s7, s2  }
0x1e: {  	s7 =	smul.u32 @!p0 $0xF7A, s2;
	p2 =	seq.s32 @!p0 s5, $0x0  }
0x1f: {  	s9 =	smul.u32 $0xF7A, s1;
	s8 =	simm.s32 @!p0 $0x1BF5;
	p2 =	por !p2, p0  }
0x20: {  	[sflag:s8] =	ssyncset.s32 @!p0 $0xFFFFF086;
	s6 =	sadd.s32 @!p0 s3, s7;
	s7 =	simm.s32 @!p0 $0x108  }
0x21: {  	s3 =	sadd.s32 s3, s9;
	s6 =	sadd.s32 @!p0 $0x88, s6;
	s7 =	simm.s32 @p2 $0x1082  }
0x22: {  	[simem:s7], [sflag:s8] =	dma.local @!p0 [hbm:s6], $0xF7A  }
0x23: {  	s9 =	sor.u32 $0xD0000000, s2;
	s6 =	simm.s32 $0x108;
	_ =	swait.ge @!p0 [sflag:s8], $0x0  }
0x24: {  	s3 =	sadd.s32 $0x88, s3;
	s6 =	simm.s32 @!p1 $0x1082;
	[sflag:s4] =	ssyncset.s32 $0xFFFFF086  }
0x25: {  	[simem:s6], [sflag:s4] =	dma.local [hbm:s3], $0xF7A  }
0x26: {  	[smem:$0x3F8B] =	sst s1;
	(tag) =	ssettag s2;
	_ =	strace s9  }
0x27: {  	s1 =	sld [smem:$0x3F9B]  }
0x28: {  	s2 =	sld [smem:$0x3F9C]  }
0x29: {  	s4 =	sld [smem:$0x3F9E]  }
0x2a: {  	p0 =	seq.s32 s5, $0x0;
	s5 =	sld [smem:$0x3F9F]  }
0x2b: {  	s6 =	sld [smem:$0x3FA0]  }
0x2c: {  	s7 =	sld [smem:$0x3FA1]  }
0x2d: {  	s3 =	simm.s32 $0x108;
	s8 =	sld [smem:$0x3FA2]  }
0x2e: {  	s3 =	simm.s32 @!p0 $0x1082;
	s9 =	sld [smem:$0x3FA3]  }
0x2f: {  	lr =	sadd.s32 s0, s3;
	s0 =	sld [smem:$0x3F9A]  }
0x30: {  	s3 =	sld [smem:$0x3F9D]  }
0x31: {  	[smem:$0x3FA6] =	sst s10  }
0x32: {  	s10 =	sld [smem:$0x3FA4];
	_ =	sdelay $0x3  }
0x33: {  	p0 =	seq.s32 s10, $0x1;
	s10 =	sld [smem:$0x3FA6];
	_ =	sdelay $0x3  }
0x34: {  	[smem:$0x3FA6] =	sst s10  }
0x35: {  	s10 =	sld [smem:$0x3FA5];
	_ =	sdelay $0x3  }
0x36: {  	p1 =	seq.s32 s10, $0x1;
	s10 =	sld [smem:$0x3FA6];
	_ =	sdelay $0x3  }
0x37: {  	[smem:$0x3FA6] =	sst s10  }
0x38: {  	s10 =	sld [smem:$0x3FA7]  }
0x39: {  	_ = 	snop;
	(pc) =	sbr.ind lr, $3  }
0x3a: {  	_ = 	snop  }
0x3b: {  	_ = 	snop  }
0x3c: {  	p2 =	seq.s32 s10, $0x1;
	s10 =	sld [smem:$0x3FA6]  }
0x3d: {  	_ =	shalt  }
0x3e: {  	_ =	shalt  }
0x3f: {  	_ =	shalt  }
0x40: {  	_ =	shalt  }
0x41: {  	_ =	shalt  }
0x42: {  	_ =	shalt  }
0x43: {  	_ =	shalt  }
0x44: {  	_ =	shalt  }
0x45: {  	_ =	shalt  }
0x46: {  	_ =	shalt  }
0x47: {  	_ =	shalt  }
0x48: {  	_ =	shalt  }
0x49: {  	_ =	shalt  }
0x4a: {  	_ =	shalt  }
0x4b: {  	_ =	shalt  }
0x4c: {  	_ =	shalt  }
0x4d: {  	_ =	shalt  }
0x4e: {  	_ =	shalt  }
0x4f: {  	_ =	shalt  }
0x50: {  	_ =	shalt  }
0x51: {  	_ =	shalt  }
0x52: {  	_ =	shalt  }
0x53: {  	_ =	shalt  }
0x54: {  	_ =	shalt  }
0x55: {  	_ =	shalt  }
0x56: {  	_ =	shalt  }
0x57: {  	_ =	shalt  }
0x58: {  	_ =	shalt  }
0x59: {  	_ =	shalt  }
0x5a: {  	_ =	shalt  }
0x5b: {  	_ =	shalt  }
0x5c: {  	_ =	shalt  }
0x5d: {  	_ =	shalt  }
0x5e: {  	_ =	shalt  }
0x5f: {  	_ =	shalt  }
0x60: {  	_ =	shalt  }
0x61: {  	_ =	shalt  }
0x62: {  	_ =	shalt  }
0x63: {  	_ =	shalt  }
0x64: {  	_ =	shalt  }
0x65: {  	_ =	shalt  }
0x66: {  	_ =	shalt  }
0x67: {  	_ =	shalt  }
0x68: {  	_ =	shalt  }
0x69: {  	_ =	shalt  }
0x6a: {  	_ =	shalt  }
0x6b: {  	_ =	shalt  }
0x6c: {  	_ =	shalt  }
0x6d: {  	_ =	shalt  }
0x6e: {  	_ =	shalt  }
0x6f: {  	_ =	shalt  }
0x70: {  	_ =	shalt  }
0x71: {  	_ =	shalt  }
0x72: {  	_ =	shalt  }
0x73: {  	_ =	shalt  }
0x74: {  	_ =	shalt  }
0x75: {  	_ =	shalt  }
0x76: {  	_ =	shalt  }
0x77: {  	_ =	shalt  }
0x78: {  	_ =	shalt  }
0x79: {  	_ =	shalt  }
0x7a: {  	_ =	shalt  }
0x7b: {  	_ =	shalt  }
0x7c: {  	_ =	shalt  }
0x7d: {  	_ =	shalt  }
0x7e: {  	_ =	shalt  }
0x7f: {  	_ =	shalt  }
0x80: {  	_ =	shalt  }
0x81: {  	_ =	shalt  }
0x82: {  	_ =	shalt  }
0x83: {  	_ =	shalt  }
0x84: {  	_ =	shalt  }
0x85: {  	_ =	shalt  }
0x86: {  	_ =	shalt  }
0x87: {  	_ =	shalt  }
.Lfunc_end0:
.L_simem_size_0:
called_computation.1_lowered:
.L_overlay_start_0:
0x88: {  	s2 =	sld [smem:$0x3FD9]  }
0x89: {  	s3 =	sld [smem:$0x3FFE];
	_ =	sdelay $0x1  }
0x8a: {  	s1 =	srdreg.scid  }
0x8b: {  	s0 =	sand.u32 $0x1, s1  }
0x8c: {  	s17 =	sshll.u32 s0, $0xA;
	s2 =	sadd.s32 s3, s2  }
0x8d: {  	s2 =	sadd.s32 s2, s17  }
0x8e: {  	[smem:$0x3FB2] =	sst s2  }
0x8f: {  	_ = 	snop  }
0x90: {  	s18 =	sld [smem:$0x3FC9];
	(tm) =	ssettm $0x1  }
0x91: {  	s19 =	sld [smem:$0x3FFB];
	_ =	sdelay $0x3  }
0x92: {  	_ =	strace s19  }
0x93: {  	s2 =	sld [smem:$0x3FFC];
	_ =	sdelay $0x3  }
0x94: {  	_ =	strace s2  }
0x95: {  	s2 =	sld [smem:$0x3FFD];
	_ =	sdelay $0x3  }
0x96: {  	_ =	strace s2  }
0x97: {  	_ =	strace $0x8FFFFFFF  }
0x98: {  	s20 =	sld [smem:$0x3FDB];
	_ =	sdelay $0x1  }
0x99: {  	s4 =	simm.s32 $_scs_section_size  }
0x9a: {  	s5 =	simm.s32 $_size__tile_overlayer_lowered;
	s6 =	simm.s32 $_tile_overlayer_lowered  }
0x9b: {  	s7 =	simm.s32 $0x1BFF;
	s21 =	sshll.u32 s6, $0x1;
	s4 =	sadd.s32 s4, s20  }
0x9c: {  	s22 =	simm.s32 $0x0;
	s5 =	sshll.u32 s5, $0x1;
	s6 =	sadd.s32 s21, s4  }
0x9d: {  	[timem:s22], [sflag:s7] =	dma.local [hbm:s6], s5  }
0x9e: {  	_ =	swait.ge [sflag:s7], s5  }
0x9f: {  	s5 =	ssub.s32 $0x0, s5;
	[sflag:s7] =	ssyncset.done $0x0  }
0xa0: {  	[sflag:s7] =	ssyncadd.s32 s5;
	_ =	sdelay $0x1  }
0xa1: {  	s23 =	simm.s32 $0x1B8B  }
0xa2: {  	_ =	swait.ge [sflag:s23], $0x1  }
0xa3: {  	[sflag:s23] =	ssyncset.done $0x0  }
0xa4: {  	[sflag:s23] =	ssyncadd.s32 $0xFFFFFFFF  }
0xa5: {  	s5 =	sld [smem:$0x0]  }
0xa6: {  	s6 =	sand.u32 $0xFFFFFFFE, s1  }
0xa7: {  	p0 =	sne.s32 s1, s6  }
0xa8: {  	s6 =	sshll.u32 @p0 s6, $0xE  }
0xa9: {  	s6 =	sadd.s32 @p0 $0x11B8D, s6;
	s7 =	sshll.u32 @p0 s5, $0x11  }
0xaa: {  	s6 =	sor.u32 @p0 s7, s6  }
0xab: {  	[sflag:s6] =	ssyncadd.remote.s32 @p0 $0x1;
	_ =	sdelay $0x1  }
0xac: {  	s6 =	simm.s32 @p0 $0x1B8D  }
0xad: {  	_ =	swait.eq @p0 [sflag:s6], $0x1  }
0xae: {  	[sflag:s6] =	ssyncadd.s32 @p0 $0xFFFFFFFF  }
0xaf: {  	s7 =	sshll.u32 @!p0 s1, $0xE  }
0xb0: {  	s7 =	sor.u32 @!p0 $0x4000, s7;
	s6 =	simm.s32 @!p0 $0x1B8D  }
0xb1: {  	s5 =	sshll.u32 @!p0 s5, $0x11;
	s7 =	sadd.s32 @!p0 $0x11B8D, s7;
	_ =	swait.eq @!p0 [sflag:s6], $0x1  }
0xb2: {  	s5 =	sor.u32 @!p0 s5, s7;
	[sflag:s6] =	ssyncadd.s32 @!p0 $0xFFFFFFFF  }
0xb3: {  	s25 =	simm.s32 $0x1B8E;
	s24 =	sld [smem:$0x3FFE];
	[sflag:s5] =	ssyncadd.remote.s32 @!p0 $0x1  }
0xb4: {  	s26 =	simm.s32 $execute0_lowered;
	[smem:$0x3FD2] =	sst s25  }
0xb5: {  	s6 =	sshll.u32 s26, $0x1;
	_ =	strace $0x80000049;
	[dreg:$0x1] =	wrdreg $0xFFFFFFFF  }
0xb6: {  	s28 =	simm.s32 $_size_execute0_lowered;
	s4 =	sadd.s32 s4, s6;
	[dreg:$0x0] =	wrdreg $0x0  }
0xb7: {  	s6 =	sshll.u32 s28, $0x1;
	[dreg:$0x2] =	wrdreg s4  }
0xb8: {  	[dreg:$0x3] =	wrdreg s6  }
0xb9: {  	[dreg:$0x4] =	wrdreg $0xC0  }
0xba: {  	_ =	task [dreg:s22], $0x5FFFF  }
0xbb: {  	[dreg:$0x1] =	wrdreg $0xFFFFFFFF  }
0xbc: {  	[dreg:$0x0] =	wrdreg $0x60  }
0xbd: {  	[dreg:$0x2] =	wrdreg s18  }
0xbe: {  	[dreg:$0x3] =	wrdreg s24  }
0xbf: {  	[dreg:$0x4] =	wrdreg $0x0  }
0xc0: {  	[dreg:$0x5] =	wrdreg $0xA  }
0xc1: {  	_ =	task.clear_ibuf [dreg:s22], $0x6FFFF;
	_ =	strace $0x90000049  }
0xc2: {  	s29 =	simm.s32 $0xA;
	_ =	strace $0x8000004B  }
0xc3: {  	_ =	swait.ge [sflag:s29], $0x1  }
0xc4: {  	[sflag:s29] =	ssyncadd.s32 $0xFFFFFFFF  }
0xc5: {  	_ =	strace $0x9000004B  }
0xc6: {  	_ =	sfence  }
0xc7: {  	s30 =	sld [smem:$0x0];
	_ =	sdelay $0x2  }
0xc8: {  	s31 =	sshll.u32 s1, $0xD;
	s1 =	sshrl.u32 s1, $0x2  }
0xc9: {  	s4 =	sand.u32 $0x4000, s31;
	s1 =	sadd.s32 s1, s30  }
0xca: {  	s0 =	sor.u32 s4, s0;
	s1 =	sshll.u32 s1, $0x11  }
0xcb: {  	s0 =	sor.u32 s1, s0  }
0xcc: {  	s0 =	sadd.s32 $0x8F2B, s0  }
0xcd: {  	[sflag:s0] =	ssyncadd.remote.s32 $0x1  }
0xce: {  	_ =	sfence.sel $0xFFFF  }
0xcf: {  	[dreg:$0x0] =	wrdreg $0xFFFFFFFF;
	(pc) =	sbr.abs _section_cstart, $3  }
0xd0: {  	[dreg:$0x1] =	wrdreg $0xFFFFFFFF  }
0xd1: {  	_ =	task.clear_ibuf [dreg:s22], $0x2FFFF;
	_ =	strace $0x9FFFFFFF  }
0xd2: {  	(tm) =	ssettm $0x7FFFFFFF  }
0xd3: {  	_ =	shalt  }
tec
execute0_lowered:
.L_overlay_start_1:
0x0: {  	(tag) =	ssettag $0x1  }
0x1: {  	s1 =	rddreg [dreg:$0x0]  }
0x2: {  	s6 =	rddreg [dreg:$0x1]  }
0x3: {  	s2 =	rddreg [dreg:$0x2];
	s3 =	srdreg.scid  }
0x4: {  	s0 =	rddreg [dreg:$0x3];
	s4 =	simm.s32 $0x0;
	s30 =	simm.s32 $0x13C00  }
0x5: {  	s13 =	simm.s32 $0x13D00;
	s12 =	simm.s32 $0x50;
	s14 =	simm.s32 $0x13D80  }
0x6: {  	s15 =	simm.s32 $0x14080;
	s16 =	simm.s32 $0x14100;
	s17 =	simm.s32 $0x14180  }
0x7: {  	s18 =	simm.s32 $0x13E00;
	s19 =	simm.s32 $0x13E80;
	[smem:$0x7FF] =	sst s4  }
0x8: {  	s20 =	simm.s32 $0x13F00;
	_ =	strace $0x8000004A;
	[dreg:$0x6] =	wrdreg s30  }
0x9: {  	s7 =	sand.u32 $0x1, s3;
	s3 =	stileid.u32;
	[dreg:$0x7] =	wrdreg s13  }
0xa: {  	s31 =	simm.s32 $0x13F80;
	s8 =	smul.u32 $0x13C000, s7;
	[dreg:$0x8] =	wrdreg s14  }
0xb: {  	s21 =	simm.s32 $0x14280;
	s9 =	smul.u32 $0x13C00, s3;
	[dreg:$0x9] =	wrdreg s15  }
0xc: {  	s5 =	sshll.u32 s3, $0xC;
	s22 =	ssub.s32 $0x2, s7;
	[dreg:$0xa] =	wrdreg s16  }
0xd: {  	s11 =	smul.u32 $0x4F000, s3;
	s7 =	sshll.u32 s7, $0xB;
	[dreg:$0xb] =	wrdreg s17  }
0xe: {  	s26 =	sshll.u32 s3, $0x6;
	s13 =	simm.s32 $0x19400;
	[dreg:$0xc] =	wrdreg s18  }
0xf: {  	s14 =	simm.s32 $0x1BC00;
	s15 =	simm.s32 $0x1;
	[dreg:$0xd] =	wrdreg s19  }
0x10: {  	s16 =	simm.s32 $0x14400;
	s17 =	simm.s32 $0x16C00;
	[dreg:$0xe] =	wrdreg s20  }
0x11: {  	s18 =	simm.s32 $0x2;
	s19 =	simm.s32 $0x3;
	[dreg:$0xf] =	wrdreg s31  }
0x12: {  	s20 =	simm.s32 $0x14200;
	s10 =	sadd.s32 s5, s6;
	s23 =	sshrl.u32 s22, $0x1  }
0x13: {  	s5 =	sadd.s32 $0x25200, s6;
	s8 =	sadd.s32 s9, s8;
	s9 =	ssub.s32 s22, s23  }
0x14: {  	s24 =	sshrl.u32 s11, $0x2;
	s7 =	sadd.s32 s7, s10;
	s10 =	simm.s32 $0x4  }
0x15: {  	s11 =	simm.s32 $0x14000;
	s22 =	simm.s32 $0x14300;
	s23 =	simm.s32 $0x14380  }
0x16: {  	s8 =	sshrl.u32 s8, $0x3;
	s25 =	sadd.s32 s24, s2;
	s28 =	sadd.s32 $0x4600, s7  }
0x17: {  	s29 =	sadd.s32 $0x15200, s7;
	s24 =	simm.s32 $0x0;
	[dreg:$0x4] =	wrdreg s28  }
0x18: {  	s8 =	sadd.s32 s8, s6;
	s6 =	sor.u32 $0x1C04, s26;
	[dreg:$0x5] =	wrdreg s29  }
0x19: {  	s7 =	sadd.s32 $0x27A00, s8;
	s8 =	smax.u32 s9, $0x1;
	s9 =	sshrl.u32 s25, $0x3  }
.LBB2_1:
0x1a: {  	[spmem:s9], [sflag:s6] =	dma.local [hbm:s5], $0x2780  }
0x1b: {  	_ =	swait.ge [sflag:s10], $0x2780  }
0x1c: {  	[sflag:s10] =	ssyncset.done $0x0  }
0x1d: {  	[sflag:s10] =	ssyncadd.s32 $0xFFFFD880  }
0x1e: {  	[bflag:$0x0] =	sbarrier.arrive $0xFFFF  }
0x1f: {  	s25 =	rddreg [dreg:$0x5]  }
0x20: {  	s26 =	rddreg [dreg:$0x6];
	s25 =	sadd.s32 $0x0, s25  }
0x21: {  	[tilespmem:s26], [sflag:$0x4] =	stream.linear.gather [hbm4b:s25+s4], $0x400, $0x38;
	[tilespmem:$0x1E400] =	vst v63  }
0x22: {  	_ =	swait.ge [sflag:s10], $0x400  }
0x23: {  	s31 =	rddreg [dreg:$0x4];
	[sflag:s10] =	ssyncset.done $0x0  }
0x24: {  	[sflag:s10] =	ssyncadd.s32 $0xFFFFFC00;
	s25 =	sadd.s32 $0x0, s31  }
0x25: {  	[tilespmem:s11], [sflag:$0x4] =	stream.linear.gather [hbm4b:s25+s4], $0x400, $0x38;
	[tilespmem:$0x1E400] =	vst v63  }
0x26: {  	_ =	swait.ge [sflag:s10], $0x400  }
0x27: {  	p0 =	por $0x0, $0x0;
	[sflag:s10] =	ssyncset.done $0x0  }
0x28: {  	s25 =	simm.s32 @p0 $0x2;
	[sflag:s10] =	ssyncadd.s32 $0xFFFFFC00  }
0x29: {  	_ =	swait.ge @p0 [sflag:s25], $0x2800  }
0x2a: {  	[sflag:s25] =	ssyncset.done @p0 $0x0  }
0x2b: {  	[sflag:s25] =	ssyncadd.s32 @p0 $0xFFFFD800  }
0x2c: {  	_ =	swait.ge @p0 [sflag:s25], $0x2800  }
0x2d: {  	s28 =	simm.s32 @p0 $0x13C00;
	[sflag:s25] =	ssyncset.done @p0 $0x0  }
0x2e: {  	s26 =	simm.s32 @p0 $0x14400;
	[sflag:s25] =	ssyncadd.s32 @p0 $0xFFFFD800;
	s25 =	simm.s32 @p0 $0x50  }
0x2f: {  	[tilespmem:s26], [sflag:$0x1] =	stream.indirect.gather @p0 [hbm4b:s1+s25], $0x80, s28, s25, $0xb8;
	[tilespmem:$0x1E400] =	vst v63  }
0x30: {  	s29 =	simm.s32 @p0 $0x3;
	s26 =	simm.s32 @p0 $0x13C80;
	s28 =	simm.s32 @p0 $0x16C00  }
0x31: {  	[tilespmem:s28], [sflag:$0x1] =	stream.indirect.gather @p0 [hbm4b:s1+s25], $0x80, s26, s25, $0xb8;
	[tilespmem:$0x1E400] =	vst v63  }
0x32: {  	_ =	swait.ge @p0 [sflag:s29], $0x2800  }
0x33: {  	[sflag:s29] =	ssyncset.done @p0 $0x0  }
0x34: {  	[sflag:s29] =	ssyncadd.s32 @p0 $0xFFFFD800  }
0x35: {  	_ =	swait.ge @p0 [sflag:s29], $0x2800  }
0x36: {  	s25 =	simm.s32 @!p0 $0x14400;
	[sflag:s29] =	ssyncset.done @p0 $0x0  }
0x37: {  	s26 =	simm.s32 @!p0 $0x50;
	s28 =	simm.s32 @!p0 $0x13C00;
	[sflag:s29] =	ssyncadd.s32 @p0 $0xFFFFD800  }
0x38: {  	[tilespmem:s25], [sflag:$0x1] =	stream.indirect.gather @!p0 [hbm4b:s1+s26], $0x80, s28, s26, $0xb8;
	[tilespmem:$0x1E400] =	vst v63  }
0x39: {  	s25 =	simm.s32 @!p0 $0x13C80;
	s28 =	simm.s32 @!p0 $0x16C00  }
0x3a: {  	[tilespmem:s28], [sflag:$0x1] =	stream.indirect.gather @!p0 [hbm4b:s1+s26], $0x80, s25, s26, $0xb8;
	[tilespmem:$0x1E400] =	vst v63  }
0x3b: {  	s29 =	rddreg [dreg:$0x7]  }
0x3c: {  	[tilespmem:s13], [sflag:$0x1] =	stream.indirect.gather [hbm4b:s1+s12], $0x80, s29, s12, $0xb8;
	[tilespmem:$0x1E400] =	vst v63  }
0x3d: {  	s26 =	rddreg [dreg:$0x8]  }
0x3e: {  	[tilespmem:s14], [sflag:$0x1] =	stream.indirect.gather [hbm4b:s1+s12], $0x80, s26, s12, $0xb8;
	[tilespmem:$0x1E400] =	vst v63  }
0x3f: {  	_ =	swait.ge [sflag:s15], $0x2800  }
0x40: {  	[sflag:s15] =	ssyncset.done $0x0  }
0x41: {  	[sflag:s15] =	ssyncadd.s32 $0xFFFFD800  }
0x42: {  	[spmem:s2] =	stream.indirect.scatter.add.f32 [tilespmem:s16], [sflag:$0x2], $0x80, s11, s12, $0xb8;
	[tilespmem:$0x1E400] =	vst v63  }
0x43: {  	_ =	swait.ge [sflag:s15], $0x2800  }
0x44: {  	[sflag:s15] =	ssyncset.done $0x0  }
0x45: {  	s30 =	rddreg [dreg:$0x9];
	[sflag:s15] =	ssyncadd.s32 $0xFFFFD800  }
0x46: {  	[spmem:s2] =	stream.indirect.scatter.add.f32 [tilespmem:s17], [sflag:$0x2], $0x80, s30, s12, $0xb8;
	[tilespmem:$0x1E400] =	vst v63  }
0x47: {  	_ =	swait.ge [sflag:s15], $0x2800  }
0x48: {  	[sflag:s15] =	ssyncset.done $0x0  }
0x49: {  	s31 =	rddreg [dreg:$0xa];
	[sflag:s15] =	ssyncadd.s32 $0xFFFFD800  }
0x4a: {  	[spmem:s2] =	stream.indirect.scatter.add.f32 [tilespmem:s13], [sflag:$0x3], $0x80, s31, s12, $0xb8;
	[tilespmem:$0x1E400] =	vst v63  }
0x4b: {  	_ =	swait.ge [sflag:s15], $0x2800  }
0x4c: {  	[sflag:s15] =	ssyncset.done $0x0  }
0x4d: {  	s26 =	rddreg [dreg:$0xb];
	[sflag:s15] =	ssyncadd.s32 $0xFFFFD800  }
0x4e: {  	[spmem:s2] =	stream.indirect.scatter.add.f32 [tilespmem:s14], [sflag:$0x3], $0x80, s26, s12, $0xb8;
	[tilespmem:$0x1E400] =	vst v63  }
0x4f: {  	_ =	swait.ge [sflag:s18], $0x2800  }
0x50: {  	[sflag:s18] =	ssyncset.done $0x0  }
0x51: {  	[sflag:s18] =	ssyncadd.s32 $0xFFFFD800  }
0x52: {  	_ =	swait.ge [sflag:s18], $0x2800  }
0x53: {  	[sflag:s18] =	ssyncset.done $0x0  }
0x54: {  	s30 =	rddreg [dreg:$0xc];
	[sflag:s18] =	ssyncadd.s32 $0xFFFFD800  }
0x55: {  	[tilespmem:s16], [sflag:$0x1] =	stream.indirect.gather [hbm4b:s1+s12], $0x80, s30, s12, $0xb8;
	[tilespmem:$0x1E400] =	vst v63  }
0x56: {  	s31 =	rddreg [dreg:$0xd]  }
0x57: {  	[tilespmem:s17], [sflag:$0x1] =	stream.indirect.gather [hbm4b:s1+s12], $0x80, s31, s12, $0xb8;
	[tilespmem:$0x1E400] =	vst v63  }
0x58: {  	_ =	swait.ge [sflag:s19], $0x2800  }
0x59: {  	[sflag:s19] =	ssyncset.done $0x0  }
0x5a: {  	[sflag:s19] =	ssyncadd.s32 $0xFFFFD800  }
0x5b: {  	_ =	swait.ge [sflag:s19], $0x2800  }
0x5c: {  	[sflag:s19] =	ssyncset.done $0x0  }
0x5d: {  	s30 =	rddreg [dreg:$0xe];
	[sflag:s19] =	ssyncadd.s32 $0xFFFFD800  }
0x5e: {  	[tilespmem:s13], [sflag:$0x1] =	stream.indirect.gather [hbm4b:s1+s12], $0x80, s30, s12, $0xb8;
	[tilespmem:$0x1E400] =	vst v63  }
0x5f: {  	s31 =	rddreg [dreg:$0xf]  }
0x60: {  	[tilespmem:s14], [sflag:$0x1] =	stream.indirect.gather [hbm4b:s1+s12], $0x80, s31, s12, $0xb8;
	[tilespmem:$0x1E400] =	vst v63  }
0x61: {  	_ =	swait.ge [sflag:s15], $0x2800  }
0x62: {  	[sflag:s15] =	ssyncset.done $0x0  }
0x63: {  	[sflag:s15] =	ssyncadd.s32 $0xFFFFD800  }
0x64: {  	[spmem:s2] =	stream.indirect.scatter.add.f32 [tilespmem:s16], [sflag:$0x2], $0x80, s20, s12, $0xb8;
	[tilespmem:$0x1E400] =	vst v63  }
0x65: {  	_ =	swait.ge [sflag:s15], $0x2800  }
0x66: {  	[sflag:s15] =	ssyncset.done $0x0  }
0x67: {  	[sflag:s15] =	ssyncadd.s32 $0xFFFFD800  }
0x68: {  	[spmem:s2] =	stream.indirect.scatter.add.f32 [tilespmem:s17], [sflag:$0x2], $0x80, s21, s12, $0xb8;
	[tilespmem:$0x1E400] =	vst v63  }
0x69: {  	_ =	swait.ge [sflag:s15], $0x2800  }
0x6a: {  	[sflag:s15] =	ssyncset.done $0x0  }
0x6b: {  	[sflag:s15] =	ssyncadd.s32 $0xFFFFD800  }
0x6c: {  	[spmem:s2] =	stream.indirect.scatter.add.f32 [tilespmem:s13], [sflag:$0x3], $0x80, s22, s12, $0xb8;
	[tilespmem:$0x1E400] =	vst v63  }
0x6d: {  	_ =	swait.ge [sflag:s15], $0x2800  }
0x6e: {  	s25 =	simm.s32 $0x80;
	s28 =	rddreg [dreg:$0x5];
	[sflag:s15] =	ssyncset.done $0x0  }
0x6f: {  	s26 =	simm.s32 $0x100;
	s29 =	rddreg [dreg:$0x6];
	[sflag:s15] =	ssyncadd.s32 $0xFFFFD800  }
.LBB2_2:
0x70: {  	[spmem:s2] =	stream.indirect.scatter.add.f32 [tilespmem:s14], [sflag:$0x3], $0x80, s23, s12, $0xb8;
	[tilespmem:$0x1E400] =	vst v63  }
0x71: {  	s28 =	sadd.s32 s25, s28  }
0x72: {  	[tilespmem:s29], [sflag:$0x4] =	stream.linear.gather [hbm4b:s28+s4], $0x400, $0x38;
	[tilespmem:$0x1E400] =	vst v63  }
0x73: {  	_ =	swait.ge [sflag:s10], $0x400  }
0x74: {  	s28 =	rddreg [dreg:$0x4];
	[sflag:s10] =	ssyncset.done $0x0  }
0x75: {  	[sflag:s10] =	ssyncadd.s32 $0xFFFFFC00;
	s28 =	sadd.s32 s25, s28  }
0x76: {  	[tilespmem:s11], [sflag:$0x4] =	stream.linear.gather [hbm4b:s28+s4], $0x400, $0x38;
	[tilespmem:$0x1E400] =	vst v63  }
0x77: {  	_ =	swait.ge [sflag:s10], $0x400  }
0x78: {  	p1 =	sne.s32 s25, $0x0;
	[sflag:s10] =	ssyncset.done $0x0  }
0x79: {  	s28 =	simm.s32 @p1 $0x2;
	[sflag:s10] =	ssyncadd.s32 $0xFFFFFC00  }
0x7a: {  	_ =	swait.ge @p1 [sflag:s28], $0x2800  }
0x7b: {  	[sflag:s28] =	ssyncset.done @p1 $0x0  }
0x7c: {  	[sflag:s28] =	ssyncadd.s32 @p1 $0xFFFFD800  }
0x7d: {  	s30 =	smov.u32 s26;
	_ =	swait.ge @p1 [sflag:s28], $0x2800  }
0x7e: {  	s29 =	simm.s32 @p1 $0x14400;
	s25 =	smov.u32 s30;
	[sflag:s28] =	ssyncset.done @p1 $0x0  }
0x7f: {  	s30 =	simm.s32 @p1 $0x13C00;
	[sflag:s28] =	ssyncadd.s32 @p1 $0xFFFFD800;
	s28 =	simm.s32 @p1 $0x50  }
0x80: {  	[tilespmem:s29], [sflag:$0x1] =	stream.indirect.gather @p1 [hbm4b:s1+s28], $0x80, s30, s28, $0xb8;
	[tilespmem:$0x1E400] =	vst v63  }
0x81: {  	s31 =	simm.s32 @p1 $0x3;
	s29 =	simm.s32 @p1 $0x13C80;
	s30 =	simm.s32 @p1 $0x16C00  }
0x82: {  	[tilespmem:s30], [sflag:$0x1] =	stream.indirect.gather @p1 [hbm4b:s1+s28], $0x80, s29, s28, $0xb8;
	[tilespmem:$0x1E400] =	vst v63  }
0x83: {  	_ =	swait.ge @p1 [sflag:s31], $0x2800  }
0x84: {  	[sflag:s31] =	ssyncset.done @p1 $0x0  }
0x85: {  	[sflag:s31] =	ssyncadd.s32 @p1 $0xFFFFD800  }
0x86: {  	_ =	swait.ge @p1 [sflag:s31], $0x2800  }
0x87: {  	s28 =	simm.s32 @!p1 $0x14400;
	[sflag:s31] =	ssyncset.done @p1 $0x0  }
0x88: {  	s29 =	simm.s32 @!p1 $0x50;
	s30 =	simm.s32 @!p1 $0x13C00;
	[sflag:s31] =	ssyncadd.s32 @p1 $0xFFFFD800  }
0x89: {  	[tilespmem:s28], [sflag:$0x1] =	stream.indirect.gather @!p1 [hbm4b:s1+s29], $0x80, s30, s29, $0xb8;
	[tilespmem:$0x1E400] =	vst v63  }
0x8a: {  	s28 =	simm.s32 @!p1 $0x13C80;
	s30 =	simm.s32 @!p1 $0x16C00  }
0x8b: {  	[tilespmem:s30], [sflag:$0x1] =	stream.indirect.gather @!p1 [hbm4b:s1+s29], $0x80, s28, s29, $0xb8;
	[tilespmem:$0x1E400] =	vst v63  }
0x8c: {  	s31 =	rddreg [dreg:$0x7]  }
0x8d: {  	[tilespmem:s13], [sflag:$0x1] =	stream.indirect.gather [hbm4b:s1+s12], $0x80, s31, s12, $0xb8;
	[tilespmem:$0x1E400] =	vst v63  }
0x8e: {  	s28 =	rddreg [dreg:$0x8]  }
0x8f: {  	[tilespmem:s14], [sflag:$0x1] =	stream.indirect.gather [hbm4b:s1+s12], $0x80, s28, s12, $0xb8;
	[tilespmem:$0x1E400] =	vst v63  }
0x90: {  	_ =	swait.ge [sflag:s15], $0x2800  }
0x91: {  	[sflag:s15] =	ssyncset.done $0x0  }
0x92: {  	[sflag:s15] =	ssyncadd.s32 $0xFFFFD800  }
0x93: {  	[spmem:s2] =	stream.indirect.scatter.add.f32 [tilespmem:s16], [sflag:$0x2], $0x80, s11, s12, $0xb8;
	[tilespmem:$0x1E400] =	vst v63  }
0x94: {  	_ =	swait.ge [sflag:s15], $0x2800  }
0x95: {  	[sflag:s15] =	ssyncset.done $0x0  }
0x96: {  	s28 =	rddreg [dreg:$0x9];
	[sflag:s15] =	ssyncadd.s32 $0xFFFFD800  }
0x97: {  	[spmem:s2] =	stream.indirect.scatter.add.f32 [tilespmem:s17], [sflag:$0x2], $0x80, s28, s12, $0xb8;
	[tilespmem:$0x1E400] =	vst v63  }
0x98: {  	_ =	swait.ge [sflag:s15], $0x2800  }
0x99: {  	[sflag:s15] =	ssyncset.done $0x0  }
0x9a: {  	s28 =	rddreg [dreg:$0xa];
	[sflag:s15] =	ssyncadd.s32 $0xFFFFD800  }
0x9b: {  	[spmem:s2] =	stream.indirect.scatter.add.f32 [tilespmem:s13], [sflag:$0x3], $0x80, s28, s12, $0xb8;
	[tilespmem:$0x1E400] =	vst v63  }
0x9c: {  	_ =	swait.ge [sflag:s15], $0x2800  }
0x9d: {  	[sflag:s15] =	ssyncset.done $0x0  }
0x9e: {  	s28 =	rddreg [dreg:$0xb];
	[sflag:s15] =	ssyncadd.s32 $0xFFFFD800  }
0x9f: {  	[spmem:s2] =	stream.indirect.scatter.add.f32 [tilespmem:s14], [sflag:$0x3], $0x80, s28, s12, $0xb8;
	[tilespmem:$0x1E400] =	vst v63  }
0xa0: {  	_ =	swait.ge [sflag:s18], $0x2800  }
0xa1: {  	[sflag:s18] =	ssyncset.done $0x0  }
0xa2: {  	[sflag:s18] =	ssyncadd.s32 $0xFFFFD800  }
0xa3: {  	_ =	swait.ge [sflag:s18], $0x2800  }
0xa4: {  	[sflag:s18] =	ssyncset.done $0x0  }
0xa5: {  	s28 =	rddreg [dreg:$0xc];
	[sflag:s18] =	ssyncadd.s32 $0xFFFFD800  }
0xa6: {  	[tilespmem:s16], [sflag:$0x1] =	stream.indirect.gather [hbm4b:s1+s12], $0x80, s28, s12, $0xb8;
	[tilespmem:$0x1E400] =	vst v63  }
0xa7: {  	s29 =	rddreg [dreg:$0xd]  }
0xa8: {  	[tilespmem:s17], [sflag:$0x1] =	stream.indirect.gather [hbm4b:s1+s12], $0x80, s29, s12, $0xb8;
	[tilespmem:$0x1E400] =	vst v63  }
0xa9: {  	_ =	swait.ge [sflag:s19], $0x2800  }
0xaa: {  	[sflag:s19] =	ssyncset.done $0x0  }
0xab: {  	[sflag:s19] =	ssyncadd.s32 $0xFFFFD800  }
0xac: {  	_ =	swait.ge [sflag:s19], $0x2800  }
0xad: {  	[sflag:s19] =	ssyncset.done $0x0  }
0xae: {  	s28 =	rddreg [dreg:$0xe];
	[sflag:s19] =	ssyncadd.s32 $0xFFFFD800  }
0xaf: {  	[tilespmem:s13], [sflag:$0x1] =	stream.indirect.gather [hbm4b:s1+s12], $0x80, s28, s12, $0xb8;
	[tilespmem:$0x1E400] =	vst v63  }
0xb0: {  	s29 =	rddreg [dreg:$0xf]  }
0xb1: {  	[tilespmem:s14], [sflag:$0x1] =	stream.indirect.gather [hbm4b:s1+s12], $0x80, s29, s12, $0xb8;
	[tilespmem:$0x1E400] =	vst v63  }
0xb2: {  	_ =	swait.ge [sflag:s15], $0x2800  }
0xb3: {  	[sflag:s15] =	ssyncset.done $0x0  }
0xb4: {  	[sflag:s15] =	ssyncadd.s32 $0xFFFFD800  }
0xb5: {  	[spmem:s2] =	stream.indirect.scatter.add.f32 [tilespmem:s16], [sflag:$0x2], $0x80, s20, s12, $0xb8;
	[tilespmem:$0x1E400] =	vst v63  }
0xb6: {  	_ =	swait.ge [sflag:s15], $0x2800  }
0xb7: {  	[sflag:s15] =	ssyncset.done $0x0  }
0xb8: {  	[sflag:s15] =	ssyncadd.s32 $0xFFFFD800  }
0xb9: {  	[spmem:s2] =	stream.indirect.scatter.add.f32 [tilespmem:s17], [sflag:$0x2], $0x80, s21, s12, $0xb8;
	[tilespmem:$0x1E400] =	vst v63  }
0xba: {  	s26 =	sadd.s32 $0x80, s26;
	_ =	swait.ge [sflag:s15], $0x2800  }
0xbb: {  	p0 =	sne.s32 s26, $0x800;
	[sflag:s15] =	ssyncset.done $0x0  }
.Ltmp0:
0xbc: {  	[sflag:s15] =	ssyncadd.s32 $0xFFFFD800;
	(pc) =	sbr.rel @p0 .LBB2_2-.Ltmp0, $4  }
0xbd: {  	[spmem:s2] =	stream.indirect.scatter.add.f32 [tilespmem:s13], [sflag:$0x3], $0x80, s22, s12, $0xb8;
	[tilespmem:$0x1E400] =	vst v63  }
0xbe: {  	_ =	swait.ge [sflag:s15], $0x2800  }
0xbf: {  	s28 =	rddreg [dreg:$0x5];
	[sflag:s15] =	ssyncset.done $0x0  }
0xc0: {  	s29 =	rddreg [dreg:$0x6];
	[sflag:s15] =	ssyncadd.s32 $0xFFFFD800  }
0xc1: {  	[spmem:s2] =	stream.indirect.scatter.add.f32 [tilespmem:s14], [sflag:$0x3], $0x80, s23, s12, $0xb8;
	[tilespmem:$0x1E400] =	vst v63  }
0xc2: {  	s26 =	sadd.s32 s25, s28  }
0xc3: {  	[tilespmem:s29], [sflag:$0x4] =	stream.linear.gather [hbm4b:s26+s4], $0x400, $0x38;
	[tilespmem:$0x1E400] =	vst v63  }
0xc4: {  	_ =	swait.ge [sflag:s10], $0x400  }
0xc5: {  	s30 =	rddreg [dreg:$0x4];
	[sflag:s10] =	ssyncset.done $0x0  }
0xc6: {  	[sflag:s10] =	ssyncadd.s32 $0xFFFFFC00;
	s26 =	sadd.s32 s25, s30  }
0xc7: {  	[tilespmem:s11], [sflag:$0x4] =	stream.linear.gather [hbm4b:s26+s4], $0x400, $0x38;
	[tilespmem:$0x1E400] =	vst v63  }
0xc8: {  	_ =	swait.ge [sflag:s10], $0x400  }
0xc9: {  	p0 =	sne.s32 s25, $0x0;
	[sflag:s10] =	ssyncset.done $0x0  }
0xca: {  	s25 =	simm.s32 @p0 $0x2;
	[sflag:s10] =	ssyncadd.s32 $0xFFFFFC00  }
0xcb: {  	_ =	swait.ge @p0 [sflag:s25], $0x2800  }
0xcc: {  	[sflag:s25] =	ssyncset.done @p0 $0x0  }
0xcd: {  	[sflag:s25] =	ssyncadd.s32 @p0 $0xFFFFD800  }
0xce: {  	_ =	swait.ge @p0 [sflag:s25], $0x2800  }
0xcf: {  	s28 =	simm.s32 @p0 $0x13C00;
	[sflag:s25] =	ssyncset.done @p0 $0x0  }
0xd0: {  	s26 =	simm.s32 @p0 $0x14400;
	[sflag:s25] =	ssyncadd.s32 @p0 $0xFFFFD800;
	s25 =	simm.s32 @p0 $0x50  }
0xd1: {  	[tilespmem:s26], [sflag:$0x1] =	stream.indirect.gather @p0 [hbm4b:s1+s25], $0x80, s28, s25, $0xb8;
	[tilespmem:$0x1E400] =	vst v63  }
0xd2: {  	s29 =	simm.s32 @p0 $0x3;
	s26 =	simm.s32 @p0 $0x13C80;
	s28 =	simm.s32 @p0 $0x16C00  }
0xd3: {  	[tilespmem:s28], [sflag:$0x1] =	stream.indirect.gather @p0 [hbm4b:s1+s25], $0x80, s26, s25, $0xb8;
	[tilespmem:$0x1E400] =	vst v63  }
0xd4: {  	_ =	swait.ge @p0 [sflag:s29], $0x2800  }
0xd5: {  	[sflag:s29] =	ssyncset.done @p0 $0x0  }
0xd6: {  	[sflag:s29] =	ssyncadd.s32 @p0 $0xFFFFD800  }
0xd7: {  	_ =	swait.ge @p0 [sflag:s29], $0x2800  }
0xd8: {  	s25 =	simm.s32 @!p0 $0x14400;
	[sflag:s29] =	ssyncset.done @p0 $0x0  }
0xd9: {  	s26 =	simm.s32 @!p0 $0x50;
	s28 =	simm.s32 @!p0 $0x13C00;
	[sflag:s29] =	ssyncadd.s32 @p0 $0xFFFFD800  }
0xda: {  	[tilespmem:s25], [sflag:$0x1] =	stream.indirect.gather @!p0 [hbm4b:s1+s26], $0x80, s28, s26, $0xb8;
	[tilespmem:$0x1E400] =	vst v63  }
0xdb: {  	s25 =	simm.s32 @!p0 $0x13C80;
	s28 =	simm.s32 @!p0 $0x16C00  }
0xdc: {  	[tilespmem:s28], [sflag:$0x1] =	stream.indirect.gather @!p0 [hbm4b:s1+s26], $0x80, s25, s26, $0xb8;
	[tilespmem:$0x1E400] =	vst v63  }
0xdd: {  	s31 =	rddreg [dreg:$0x7]  }
0xde: {  	[tilespmem:s13], [sflag:$0x1] =	stream.indirect.gather [hbm4b:s1+s12], $0x80, s31, s12, $0xb8;
	[tilespmem:$0x1E400] =	vst v63  }
0xdf: {  	s28 =	rddreg [dreg:$0x8]  }
0xe0: {  	[tilespmem:s14], [sflag:$0x1] =	stream.indirect.gather [hbm4b:s1+s12], $0x80, s28, s12, $0xb8;
	[tilespmem:$0x1E400] =	vst v63  }
0xe1: {  	_ =	swait.ge [sflag:s15], $0x2800  }
0xe2: {  	[sflag:s15] =	ssyncset.done $0x0  }
0xe3: {  	[sflag:s15] =	ssyncadd.s32 $0xFFFFD800  }
0xe4: {  	[spmem:s2] =	stream.indirect.scatter.add.f32 [tilespmem:s16], [sflag:$0x2], $0x80, s11, s12, $0xb8;
	[tilespmem:$0x1E400] =	vst v63  }
0xe5: {  	_ =	swait.ge [sflag:s15], $0x2800  }
0xe6: {  	[sflag:s15] =	ssyncset.done $0x0  }
0xe7: {  	s30 =	rddreg [dreg:$0x9];
	[sflag:s15] =	ssyncadd.s32 $0xFFFFD800  }
0xe8: {  	[spmem:s2] =	stream.indirect.scatter.add.f32 [tilespmem:s17], [sflag:$0x2], $0x80, s30, s12, $0xb8;
	[tilespmem:$0x1E400] =	vst v63  }
0xe9: {  	_ =	swait.ge [sflag:s15], $0x2800  }
0xea: {  	[sflag:s15] =	ssyncset.done $0x0  }
0xeb: {  	s31 =	rddreg [dreg:$0xa];
	[sflag:s15] =	ssyncadd.s32 $0xFFFFD800  }
0xec: {  	[spmem:s2] =	stream.indirect.scatter.add.f32 [tilespmem:s13], [sflag:$0x3], $0x80, s31, s12, $0xb8;
	[tilespmem:$0x1E400] =	vst v63  }
0xed: {  	_ =	swait.ge [sflag:s15], $0x2800  }
0xee: {  	[sflag:s15] =	ssyncset.done $0x0  }
0xef: {  	s26 =	rddreg [dreg:$0xb];
	[sflag:s15] =	ssyncadd.s32 $0xFFFFD800  }
0xf0: {  	[spmem:s2] =	stream.indirect.scatter.add.f32 [tilespmem:s14], [sflag:$0x3], $0x80, s26, s12, $0xb8;
	[tilespmem:$0x1E400] =	vst v63  }
0xf1: {  	_ =	swait.ge [sflag:s18], $0x2800  }
0xf2: {  	[sflag:s18] =	ssyncset.done $0x0  }
0xf3: {  	[sflag:s18] =	ssyncadd.s32 $0xFFFFD800  }
0xf4: {  	_ =	swait.ge [sflag:s18], $0x2800  }
0xf5: {  	[sflag:s18] =	ssyncset.done $0x0  }
0xf6: {  	s28 =	rddreg [dreg:$0xc];
	[sflag:s18] =	ssyncadd.s32 $0xFFFFD800  }
0xf7: {  	[tilespmem:s16], [sflag:$0x1] =	stream.indirect.gather [hbm4b:s1+s12], $0x80, s28, s12, $0xb8;
	[tilespmem:$0x1E400] =	vst v63  }
0xf8: {  	s29 =	rddreg [dreg:$0xd]  }
0xf9: {  	[tilespmem:s17], [sflag:$0x1] =	stream.indirect.gather [hbm4b:s1+s12], $0x80, s29, s12, $0xb8;
	[tilespmem:$0x1E400] =	vst v63  }
0xfa: {  	_ =	swait.ge [sflag:s19], $0x2800  }
0xfb: {  	[sflag:s19] =	ssyncset.done $0x0  }
0xfc: {  	[sflag:s19] =	ssyncadd.s32 $0xFFFFD800  }
0xfd: {  	_ =	swait.ge [sflag:s19], $0x2800  }
0xfe: {  	[sflag:s19] =	ssyncset.done $0x0  }
0xff: {  	s30 =	rddreg [dreg:$0xe];
	[sflag:s19] =	ssyncadd.s32 $0xFFFFD800  }
0x100: {  	[tilespmem:s13], [sflag:$0x1] =	stream.indirect.gather [hbm4b:s1+s12], $0x80, s30, s12, $0xb8;
	[tilespmem:$0x1E400] =	vst v63  }
0x101: {  	s31 =	rddreg [dreg:$0xf]  }
0x102: {  	[tilespmem:s14], [sflag:$0x1] =	stream.indirect.gather [hbm4b:s1+s12], $0x80, s31, s12, $0xb8;
	[tilespmem:$0x1E400] =	vst v63  }
0x103: {  	_ =	swait.ge [sflag:s15], $0x2800  }
0x104: {  	[sflag:s15] =	ssyncset.done $0x0  }
0x105: {  	[sflag:s15] =	ssyncadd.s32 $0xFFFFD800  }
0x106: {  	[spmem:s2] =	stream.indirect.scatter.add.f32 [tilespmem:s16], [sflag:$0x2], $0x80, s20, s12, $0xb8;
	[tilespmem:$0x1E400] =	vst v63  }
0x107: {  	_ =	swait.ge [sflag:s15], $0x2800  }
0x108: {  	[sflag:s15] =	ssyncset.done $0x0  }
0x109: {  	[sflag:s15] =	ssyncadd.s32 $0xFFFFD800  }
0x10a: {  	[spmem:s2] =	stream.indirect.scatter.add.f32 [tilespmem:s17], [sflag:$0x2], $0x80, s21, s12, $0xb8;
	[tilespmem:$0x1E400] =	vst v63  }
0x10b: {  	_ =	swait.ge [sflag:s15], $0x2800  }
0x10c: {  	[sflag:s15] =	ssyncset.done $0x0  }
0x10d: {  	[sflag:s15] =	ssyncadd.s32 $0xFFFFD800  }
0x10e: {  	[spmem:s2] =	stream.indirect.scatter.add.f32 [tilespmem:s13], [sflag:$0x3], $0x80, s22, s12, $0xb8;
	[tilespmem:$0x1E400] =	vst v63  }
0x10f: {  	_ =	swait.ge [sflag:s15], $0x2800  }
0x110: {  	[sflag:s15] =	ssyncset.done $0x0  }
0x111: {  	[sflag:s15] =	ssyncadd.s32 $0xFFFFD800  }
0x112: {  	[spmem:s2] =	stream.indirect.scatter.add.f32 [tilespmem:s14], [sflag:$0x3], $0x80, s23, s12, $0xb8;
	[tilespmem:$0x1E400] =	vst v63  }
0x113: {  	_ =	swait.ge [sflag:s18], $0x2800  }
0x114: {  	[sflag:s18] =	ssyncset.done $0x0  }
0x115: {  	[sflag:s18] =	ssyncadd.s32 $0xFFFFD800  }
0x116: {  	_ =	swait.ge [sflag:s18], $0x2800  }
0x117: {  	[sflag:s18] =	ssyncset.done $0x0  }
0x118: {  	[sflag:s18] =	ssyncadd.s32 $0xFFFFD800  }
0x119: {  	_ =	swait.ge [sflag:s19], $0x2800  }
0x11a: {  	[sflag:s19] =	ssyncset.done $0x0  }
0x11b: {  	[sflag:s19] =	ssyncadd.s32 $0xFFFFD800  }
0x11c: {  	_ =	swait.ge [sflag:s19], $0x2800  }
0x11d: {  	s24 =	sadd.s32 $0x1, s24;
	[sflag:s19] =	ssyncset.done $0x0  }
0x11e: {  	p0 =	sne.s32 s24, s8;
	[sflag:s19] =	ssyncadd.s32 $0xFFFFD800  }
.Ltmp1:
0x11f: {  	[bflag:$0x0] =	sbarrier.arrive $0xFFFF;
	(pc) =	sbr.rel @p0 .LBB2_1-.Ltmp1, $4  }
0x120: {  	[hbm:s7], [sflag:s6] =	dma.local [spmem:s9], $0x2780  }
0x121: {  	_ =	swait.ge [sflag:s10], $0x2780  }
0x122: {  	[sflag:s10] =	ssyncset.done $0x0  }
0x123: {  	[sflag:s10] =	ssyncadd.s32 $0xFFFFD880  }
0x124: {  	_ =	sfence.sel $0x180000  }
0x125: {  	[bflag:$0x0] =	sbarrier.arrive $0xFFFF  }
0x126: {  	p0 =	sne.s32 s3, $0x0;
	_ =	strace $0x9000004A  }
0x127: {  	s0 =	sadd.s32 @!p0 $0x100000, s0;
	[bflag:$0x2] =	sbarrier.arrive $0xFFFF  }
0x128: {  	[sflag:s0] =	ssyncadd.tile.s32 @!p0 $0x1;
	_ =	shalt  }
.Lfunc_end2:
_tile_overlayer_lowered:
.L_overlay_start_2:
0x129: {  	(tag) =	ssettag $0x2  }
0x12a: {  	s0 =	rddreg [dreg:$0x0];
	s2 =	stileid.u32  }
0x12b: {  	s1 =	rddreg [dreg:$0x1];
	p0 =	sne.s32 s2, $0x0  }
0x12c: {  	s3 =	rddreg [dreg:$0x2];
	[bflag:$0x3] =	sbarrier.arrive $0xFFFF;
	s2 =	simm.s32 @!p0 $0x1C04  }
0x12d: {  	[timem:s3], [sflag:s2] =	dma.local @!p0 [hbm:s0], s1  }
0x12e: {  	s0 =	simm.s32 @!p0 $0x4  }
0x12f: {  	_ =	swait.ge @!p0 [sflag:s0], s1  }
0x130: {  	s1 =	ssub.s32 @!p0 $0x0, s1;
	[sflag:s0] =	ssyncset.done @!p0 $0x0  }
0x131: {  	[sflag:s0] =	ssyncadd.s32 @!p0 s1  }
0x132: {  	[bflag:$0x3] =	sbarrier.arrive $0xFFFF  }
0x133: {  	_ =	shalt  }

// kernel: kernel.16.cloned.1.call-start
scs
__scs_entry_jumppad:
0x0: {  	(pc) =	sbr.rel $0x88, $3  }
0x1: {  	(tag) =	ssettag $0x0;
	lr =	simm.s32 $0x1  }
0x2: {  	[smem:$0x3F8B] =	sst lr;
	_ =	strace $0xD0000000  }
0x3: {  	_ = 	snop  }
0x4: {  	_ = 	snop  }
0x5: {  	_ = 	snop  }
0x6: {  	_ = 	snop  }
0x7: {  	_ = 	snop  }
__scs_overlays_trampoline_lowered:
0x8: {  	[smem:$0x3F9A] =	sst s0  }
0x9: {  	[smem:$0x3F9B] =	sst s1  }
0xa: {  	[smem:$0x3F9C] =	sst s2  }
0xb: {  	[smem:$0x3F9D] =	sst s3  }
0xc: {  	[smem:$0x3F9E] =	sst s4  }
0xd: {  	[smem:$0x3F9F] =	sst s5  }
0xe: {  	[smem:$0x3FA0] =	sst s6  }
0xf: {  	[smem:$0x3FA1] =	sst s7  }
0x10: {  	[smem:$0x3FA2] =	sst s8  }
0x11: {  	[smem:$0x3FA3] =	sst s9;
	s0 =	simm.s32 @!p0 $0x0  }
0x12: {  	s1 =	sld [smem:$0x3F89];
	s0 =	simm.s32 @p0 $0x1  }
0x13: {  	[smem:$0x3FA4] =	sst s0;
	s0 =	simm.s32 @!p1 $0x0  }
0x14: {  	s2 =	sld [smem:$0x3F88];
	s0 =	simm.s32 @p1 $0x1  }
0x15: {  	[smem:$0x3FA5] =	sst s0;
	s0 =	simm.s32 @!p2 $0x0  }
0x16: {  	s3 =	sld [smem:$0x3FDB];
	s0 =	simm.s32 @p2 $0x1  }
0x17: {  	s4 =	simm.s32 $0x1BF5;
	[smem:$0x3FA7] =	sst s0  }
0x18: {  	s0 =	sld [smem:$0x3F8A];
	_ =	swait.ge [sflag:s4], $0x0  }
0x19: {  	s7 =	sld [smem:$0x3F8B]  }
0x1a: {  	s8 =	sadd.s32 $0xFFFFE003, lr  }
0x1b: {  	s9 =	sadd.s32 $0xFFFFFEF7, lr;
	s5 =	simm.s32 $0xFFFFFFFF;
	p2 =	slt.u32 s8, $0xFFFFF086  }
0x1c: {  	p1 =	slt.u32 s9, $0xF7A;
	s5 =	simm.s32 @!p2 $0x0  }
0x1d: {  	s5 =	simm.s32 @p1 $0x1;
	p0 =	seq.s32 s7, s2  }
0x1e: {  	s7 =	smul.u32 @!p0 $0xF7A, s2;
	p2 =	seq.s32 @!p0 s5, $0x0  }
0x1f: {  	s9 =	smul.u32 $0xF7A, s1;
	s8 =	simm.s32 @!p0 $0x1BF5;
	p2 =	por !p2, p0  }
0x20: {  	[sflag:s8] =	ssyncset.s32 @!p0 $0xFFFFF086;
	s6 =	sadd.s32 @!p0 s3, s7;
	s7 =	simm.s32 @!p0 $0x108  }
0x21: {  	s3 =	sadd.s32 s3, s9;
	s6 =	sadd.s32 @!p0 $0x88, s6;
	s7 =	simm.s32 @p2 $0x1082  }
0x22: {  	[simem:s7], [sflag:s8] =	dma.local @!p0 [hbm:s6], $0xF7A  }
0x23: {  	s9 =	sor.u32 $0xD0000000, s2;
	s6 =	simm.s32 $0x108;
	_ =	swait.ge @!p0 [sflag:s8], $0x0  }
0x24: {  	s3 =	sadd.s32 $0x88, s3;
	s6 =	simm.s32 @!p1 $0x1082;
	[sflag:s4] =	ssyncset.s32 $0xFFFFF086  }
0x25: {  	[simem:s6], [sflag:s4] =	dma.local [hbm:s3], $0xF7A  }
0x26: {  	[smem:$0x3F8B] =	sst s1;
	(tag) =	ssettag s2;
	_ =	strace s9  }
0x27: {  	s1 =	sld [smem:$0x3F9B]  }
0x28: {  	s2 =	sld [smem:$0x3F9C]  }
0x29: {  	s4 =	sld [smem:$0x3F9E]  }
0x2a: {  	p0 =	seq.s32 s5, $0x0;
	s5 =	sld [smem:$0x3F9F]  }
0x2b: {  	s6 =	sld [smem:$0x3FA0]  }
0x2c: {  	s7 =	sld [smem:$0x3FA1]  }
0x2d: {  	s3 =	simm.s32 $0x108;
	s8 =	sld [smem:$0x3FA2]  }
0x2e: {  	s3 =	simm.s32 @!p0 $0x1082;
	s9 =	sld [smem:$0x3FA3]  }
0x2f: {  	lr =	sadd.s32 s0, s3;
	s0 =	sld [smem:$0x3F9A]  }
0x30: {  	s3 =	sld [smem:$0x3F9D]  }
0x31: {  	[smem:$0x3FA6] =	sst s10  }
0x32: {  	s10 =	sld [smem:$0x3FA4];
	_ =	sdelay $0x3  }
0x33: {  	p0 =	seq.s32 s10, $0x1;
	s10 =	sld [smem:$0x3FA6];
	_ =	sdelay $0x3  }
0x34: {  	[smem:$0x3FA6] =	sst s10  }
0x35: {  	s10 =	sld [smem:$0x3FA5];
	_ =	sdelay $0x3  }
0x36: {  	p1 =	seq.s32 s10, $0x1;
	s10 =	sld [smem:$0x3FA6];
	_ =	sdelay $0x3  }
0x37: {  	[smem:$0x3FA6] =	sst s10  }
0x38: {  	s10 =	sld [smem:$0x3FA7]  }
0x39: {  	_ = 	snop;
	(pc) =	sbr.ind lr, $3  }
0x3a: {  	_ = 	snop  }
0x3b: {  	_ = 	snop  }
0x3c: {  	p2 =	seq.s32 s10, $0x1;
	s10 =	sld [smem:$0x3FA6]  }
0x3d: {  	_ =	shalt  }
0x3e: {  	_ =	shalt  }
0x3f: {  	_ =	shalt  }
0x40: {  	_ =	shalt  }
0x41: {  	_ =	shalt  }
0x42: {  	_ =	shalt  }
0x43: {  	_ =	shalt  }
0x44: {  	_ =	shalt  }
0x45: {  	_ =	shalt  }
0x46: {  	_ =	shalt  }
0x47: {  	_ =	shalt  }
0x48: {  	_ =	shalt  }
0x49: {  	_ =	shalt  }
0x4a: {  	_ =	shalt  }
0x4b: {  	_ =	shalt  }
0x4c: {  	_ =	shalt  }
0x4d: {  	_ =	shalt  }
0x4e: {  	_ =	shalt  }
0x4f: {  	_ =	shalt  }
0x50: {  	_ =	shalt  }
0x51: {  	_ =	shalt  }
0x52: {  	_ =	shalt  }
0x53: {  	_ =	shalt  }
0x54: {  	_ =	shalt  }
0x55: {  	_ =	shalt  }
0x56: {  	_ =	shalt  }
0x57: {  	_ =	shalt  }
0x58: {  	_ =	shalt  }
0x59: {  	_ =	shalt  }
0x5a: {  	_ =	shalt  }
0x5b: {  	_ =	shalt  }
0x5c: {  	_ =	shalt  }
0x5d: {  	_ =	shalt  }
0x5e: {  	_ =	shalt  }
0x5f: {  	_ =	shalt  }
0x60: {  	_ =	shalt  }
0x61: {  	_ =	shalt  }
0x62: {  	_ =	shalt  }
0x63: {  	_ =	shalt  }
0x64: {  	_ =	shalt  }
0x65: {  	_ =	shalt  }
0x66: {  	_ =	shalt  }
0x67: {  	_ =	shalt  }
0x68: {  	_ =	shalt  }
0x69: {  	_ =	shalt  }
0x6a: {  	_ =	shalt  }
0x6b: {  	_ =	shalt  }
0x6c: {  	_ =	shalt  }
0x6d: {  	_ =	shalt  }
0x6e: {  	_ =	shalt  }
0x6f: {  	_ =	shalt  }
0x70: {  	_ =	shalt  }
0x71: {  	_ =	shalt  }
0x72: {  	_ =	shalt  }
0x73: {  	_ =	shalt  }
0x74: {  	_ =	shalt  }
0x75: {  	_ =	shalt  }
0x76: {  	_ =	shalt  }
0x77: {  	_ =	shalt  }
0x78: {  	_ =	shalt  }
0x79: {  	_ =	shalt  }
0x7a: {  	_ =	shalt  }
0x7b: {  	_ =	shalt  }
0x7c: {  	_ =	shalt  }
0x7d: {  	_ =	shalt  }
0x7e: {  	_ =	shalt  }
0x7f: {  	_ =	shalt  }
0x80: {  	_ =	shalt  }
0x81: {  	_ =	shalt  }
0x82: {  	_ =	shalt  }
0x83: {  	_ =	shalt  }
0x84: {  	_ =	shalt  }
0x85: {  	_ =	shalt  }
0x86: {  	_ =	shalt  }
0x87: {  	_ =	shalt  }
.Lfunc_end0:
.L_simem_size_0:
called_computation.2_lowered:
.L_overlay_start_0:
0x88: {  	s2 =	sld [smem:$0x3FD9]  }
0x89: {  	s3 =	sld [smem:$0x3FFE];
	_ =	sdelay $0x1  }
0x8a: {  	s1 =	srdreg.scid  }
0x8b: {  	s0 =	sand.u32 $0x1, s1  }
0x8c: {  	s16 =	sshll.u32 s0, $0xA;
	s2 =	sadd.s32 s3, s2  }
0x8d: {  	s2 =	sadd.s32 s2, s16  }
0x8e: {  	[smem:$0x3FB2] =	sst s2  }
0x8f: {  	_ = 	snop  }
0x90: {  	(tm) =	ssettm $0x1  }
0x91: {  	s17 =	sld [smem:$0x3FFB];
	_ =	sdelay $0x3  }
0x92: {  	_ =	strace s17  }
0x93: {  	s2 =	sld [smem:$0x3FFC];
	_ =	sdelay $0x3  }
0x94: {  	_ =	strace s2  }
0x95: {  	s2 =	sld [smem:$0x3FFD];
	_ =	sdelay $0x3  }
0x96: {  	_ =	strace s2  }
0x97: {  	_ =	strace $0x8FFFFFFF  }
0x98: {  	s18 =	sld [smem:$0x3FDB];
	_ =	sdelay $0x1  }
0x99: {  	s19 =	simm.s32 $_scs_section_size  }
0x9a: {  	s4 =	simm.s32 $_size__tile_overlayer_lowered;
	s5 =	simm.s32 $_tile_overlayer_lowered  }
0x9b: {  	s22 =	simm.s32 $0x1BFF;
	s21 =	sshll.u32 s5, $0x1;
	s2 =	sadd.s32 s19, s18  }
0x9c: {  	s6 =	simm.s32 $0x0;
	s20 =	sshll.u32 s4, $0x1;
	s4 =	sadd.s32 s21, s2  }
0x9d: {  	[timem:s6], [sflag:s22] =	dma.local [hbm:s4], s20  }
0x9e: {  	_ =	swait.ge [sflag:s22], s20  }
0x9f: {  	s3 =	ssub.s32 $0x0, s20;
	[sflag:s22] =	ssyncset.done $0x0  }
0xa0: {  	[sflag:s22] =	ssyncadd.s32 s3;
	_ =	sdelay $0x1  }
0xa1: {  	s23 =	simm.s32 $0x1B8B  }
0xa2: {  	_ =	swait.ge [sflag:s23], $0x1  }
0xa3: {  	[sflag:s23] =	ssyncset.done $0x0  }
0xa4: {  	s25 =	simm.s32 $0x1B8E;
	s24 =	sld [smem:$0x3FFE];
	[sflag:s23] =	ssyncadd.s32 $0xFFFFFFFF  }
0xa5: {  	s26 =	simm.s32 $execute0_lowered;
	[smem:$0x3FD2] =	sst s25  }
0xa6: {  	s4 =	sshll.u32 s26, $0x1;
	_ =	strace $0x8000004C;
	[dreg:$0x1] =	wrdreg $0xFFFFFFFF  }
0xa7: {  	s28 =	simm.s32 $_size_execute0_lowered;
	s2 =	sadd.s32 s2, s4;
	[dreg:$0x0] =	wrdreg $0x0  }
0xa8: {  	s4 =	sshll.u32 s28, $0x1;
	[dreg:$0x2] =	wrdreg s2  }
0xa9: {  	[dreg:$0x3] =	wrdreg s4  }
0xaa: {  	[dreg:$0x4] =	wrdreg $0xC0  }
0xab: {  	_ =	task [dreg:s6], $0x5FFFF  }
0xac: {  	[dreg:$0x1] =	wrdreg $0xFFFFFFFF  }
0xad: {  	[dreg:$0x0] =	wrdreg $0x60  }
0xae: {  	[dreg:$0x2] =	wrdreg s24  }
0xaf: {  	[dreg:$0x3] =	wrdreg $0x0  }
0xb0: {  	[dreg:$0x4] =	wrdreg $0x9  }
0xb1: {  	_ =	task.clear_ibuf [dreg:s6], $0x5FFFF;
	_ =	strace $0x9000004C  }
0xb2: {  	s29 =	simm.s32 $0x9;
	_ =	strace $0x8000004E  }
0xb3: {  	_ =	swait.ge [sflag:s29], $0x1  }
0xb4: {  	[sflag:s29] =	ssyncadd.s32 $0xFFFFFFFF  }
0xb5: {  	_ =	strace $0x9000004E  }
0xb6: {  	_ =	sfence  }
0xb7: {  	s30 =	sld [smem:$0x0];
	_ =	sdelay $0x2  }
0xb8: {  	s31 =	sshll.u32 s1, $0xD;
	s1 =	sshrl.u32 s1, $0x2  }
0xb9: {  	s3 =	sand.u32 $0x4000, s31;
	s1 =	sadd.s32 s1, s30  }
0xba: {  	s0 =	sor.u32 s3, s0;
	s1 =	sshll.u32 s1, $0x11  }
0xbb: {  	s0 =	sor.u32 s1, s0  }
0xbc: {  	s0 =	sadd.s32 $0x8F2B, s0  }
0xbd: {  	[sflag:s0] =	ssyncadd.remote.s32 $0x1  }
0xbe: {  	_ =	sfence.sel $0xFFFF  }
0xbf: {  	[dreg:$0x0] =	wrdreg $0xFFFFFFFF;
	(pc) =	sbr.abs _section_cstart, $3  }
0xc0: {  	[dreg:$0x1] =	wrdreg $0xFFFFFFFF  }
0xc1: {  	_ =	task.clear_ibuf [dreg:s6], $0x2FFFF;
	_ =	strace $0x9FFFFFFF  }
0xc2: {  	(tm) =	ssettm $0x7FFFFFFF  }
0xc3: {  	_ =	shalt  }
tec
execute0_lowered:
.L_overlay_start_1:
0x0: {  	(tag) =	ssettag $0x1  }
0x1: {  	s6 =	rddreg [dreg:$0x0]  }
0x2: {  	s1 =	rddreg [dreg:$0x1]  }
0x3: {  	s2 =	srdreg.scid;
	s0 =	rddreg [dreg:$0x2]  }
0x4: {  	s3 =	simm.s32 $0x0;
	s30 =	simm.s32 $0x13C00;
	s13 =	simm.s32 $0x13D00  }
0x5: {  	s12 =	simm.s32 $0x50;
	s14 =	simm.s32 $0x13D80;
	s15 =	simm.s32 $0x14080  }
0x6: {  	s16 =	simm.s32 $0x14100;
	s17 =	simm.s32 $0x14180;
	s18 =	simm.s32 $0x13E00  }
0x7: {  	s19 =	simm.s32 $0x13E80;
	s20 =	simm.s32 $0x13F00;
	[smem:$0x7FF] =	sst s3  }
0x8: {  	s31 =	simm.s32 $0x13F80;
	_ =	strace $0x8000004D;
	[dreg:$0x5] =	wrdreg s30  }
0x9: {  	s7 =	sand.u32 $0x1, s2;
	s2 =	stileid.u32;
	[dreg:$0x6] =	wrdreg s13  }
0xa: {  	s21 =	simm.s32 $0x14280;
	s8 =	smul.u32 $0x13C000, s7;
	[dreg:$0x7] =	wrdreg s14  }
0xb: {  	s4 =	sadd.s32 $0x27A00, s6;
	s9 =	smul.u32 $0x13C00, s2;
	[dreg:$0x8] =	wrdreg s15  }
0xc: {  	s5 =	sshll.u32 s2, $0xC;
	s22 =	ssub.s32 $0x2, s7;
	[dreg:$0x9] =	wrdreg s16  }
0xd: {  	s11 =	smul.u32 $0x4F000, s2;
	s7 =	sshll.u32 s7, $0xB;
	[dreg:$0xa] =	wrdreg s17  }
0xe: {  	s26 =	sshll.u32 s2, $0x6;
	s13 =	simm.s32 $0x19400;
	[dreg:$0xb] =	wrdreg s18  }
0xf: {  	s14 =	simm.s32 $0x1BC00;
	s15 =	simm.s32 $0x1;
	[dreg:$0xc] =	wrdreg s19  }
0x10: {  	s16 =	simm.s32 $0x14400;
	s17 =	simm.s32 $0x16C00;
	[dreg:$0xd] =	wrdreg s20  }
0x11: {  	s18 =	simm.s32 $0x2;
	s19 =	simm.s32 $0x3;
	[dreg:$0xe] =	wrdreg s31  }
0x12: {  	s20 =	simm.s32 $0x14200;
	s10 =	sadd.s32 s5, s6;
	s23 =	sshrl.u32 s22, $0x1  }
0x13: {  	s5 =	sadd.s32 $0x25200, s6;
	s8 =	sadd.s32 s9, s8;
	s9 =	ssub.s32 s22, s23  }
0x14: {  	s24 =	sshrl.u32 s11, $0x2;
	s7 =	sadd.s32 s7, s10;
	s10 =	simm.s32 $0x4  }
0x15: {  	s11 =	simm.s32 $0x14000;
	s22 =	simm.s32 $0x14300;
	s23 =	simm.s32 $0x14380  }
0x16: {  	s8 =	sshrl.u32 s8, $0x3;
	s25 =	sadd.s32 s24, s1;
	s28 =	sadd.s32 $0x4600, s7  }
0x17: {  	s29 =	sadd.s32 $0x15200, s7;
	s24 =	simm.s32 $0x0;
	[dreg:$0x3] =	wrdreg s28  }
0x18: {  	s8 =	sadd.s32 s8, s6;
	s6 =	sor.u32 $0x1C04, s26;
	[dreg:$0x4] =	wrdreg s29  }
0x19: {  	s7 =	sadd.s32 $0xC5A00, s8;
	s8 =	smax.u32 s9, $0x1;
	s9 =	sshrl.u32 s25, $0x3  }
.LBB2_1:
0x1a: {  	[spmem:s9], [sflag:s6] =	dma.local [hbm:s5], $0x2780  }
0x1b: {  	_ =	swait.ge [sflag:s10], $0x2780  }
0x1c: {  	[sflag:s10] =	ssyncset.done $0x0  }
0x1d: {  	[sflag:s10] =	ssyncadd.s32 $0xFFFFD880  }
0x1e: {  	[bflag:$0x0] =	sbarrier.arrive $0xFFFF  }
0x1f: {  	s25 =	rddreg [dreg:$0x4]  }
0x20: {  	s26 =	rddreg [dreg:$0x5];
	s25 =	sadd.s32 $0x0, s25  }
0x21: {  	[tilespmem:s26], [sflag:$0x4] =	stream.linear.gather [hbm4b:s25+s3], $0x400, $0x38;
	[tilespmem:$0x1E400] =	vst v63  }
0x22: {  	_ =	swait.ge [sflag:s10], $0x400  }
0x23: {  	s31 =	rddreg [dreg:$0x3];
	[sflag:s10] =	ssyncset.done $0x0  }
0x24: {  	[sflag:s10] =	ssyncadd.s32 $0xFFFFFC00;
	s25 =	sadd.s32 $0x0, s31  }
0x25: {  	[tilespmem:s11], [sflag:$0x4] =	stream.linear.gather [hbm4b:s25+s3], $0x400, $0x38;
	[tilespmem:$0x1E400] =	vst v63  }
0x26: {  	_ =	swait.ge [sflag:s10], $0x400  }
0x27: {  	p0 =	por $0x0, $0x0;
	[sflag:s10] =	ssyncset.done $0x0  }
0x28: {  	s25 =	simm.s32 @p0 $0x2;
	[sflag:s10] =	ssyncadd.s32 $0xFFFFFC00  }
0x29: {  	_ =	swait.ge @p0 [sflag:s25], $0x2800  }
0x2a: {  	[sflag:s25] =	ssyncset.done @p0 $0x0  }
0x2b: {  	[sflag:s25] =	ssyncadd.s32 @p0 $0xFFFFD800  }
0x2c: {  	_ =	swait.ge @p0 [sflag:s25], $0x2800  }
0x2d: {  	s28 =	simm.s32 @p0 $0x13C00;
	[sflag:s25] =	ssyncset.done @p0 $0x0  }
0x2e: {  	s26 =	simm.s32 @p0 $0x14400;
	[sflag:s25] =	ssyncadd.s32 @p0 $0xFFFFD800;
	s25 =	simm.s32 @p0 $0x50  }
0x2f: {  	[tilespmem:s26], [sflag:$0x1] =	stream.indirect.gather @p0 [hbm4b:s4+s25], $0x80, s28, s25, $0xb8;
	[tilespmem:$0x1E400] =	vst v63  }
0x30: {  	s29 =	simm.s32 @p0 $0x3;
	s26 =	simm.s32 @p0 $0x13C80;
	s28 =	simm.s32 @p0 $0x16C00  }
0x31: {  	[tilespmem:s28], [sflag:$0x1] =	stream.indirect.gather @p0 [hbm4b:s4+s25], $0x80, s26, s25, $0xb8;
	[tilespmem:$0x1E400] =	vst v63  }
0x32: {  	_ =	swait.ge @p0 [sflag:s29], $0x2800  }
0x33: {  	[sflag:s29] =	ssyncset.done @p0 $0x0  }
0x34: {  	[sflag:s29] =	ssyncadd.s32 @p0 $0xFFFFD800  }
0x35: {  	_ =	swait.ge @p0 [sflag:s29], $0x2800  }
0x36: {  	s25 =	simm.s32 @!p0 $0x14400;
	[sflag:s29] =	ssyncset.done @p0 $0x0  }
0x37: {  	s26 =	simm.s32 @!p0 $0x50;
	s28 =	simm.s32 @!p0 $0x13C00;
	[sflag:s29] =	ssyncadd.s32 @p0 $0xFFFFD800  }
0x38: {  	[tilespmem:s25], [sflag:$0x1] =	stream.indirect.gather @!p0 [hbm4b:s4+s26], $0x80, s28, s26, $0xb8;
	[tilespmem:$0x1E400] =	vst v63  }
0x39: {  	s25 =	simm.s32 @!p0 $0x13C80;
	s28 =	simm.s32 @!p0 $0x16C00  }
0x3a: {  	[tilespmem:s28], [sflag:$0x1] =	stream.indirect.gather @!p0 [hbm4b:s4+s26], $0x80, s25, s26, $0xb8;
	[tilespmem:$0x1E400] =	vst v63  }
0x3b: {  	s29 =	rddreg [dreg:$0x6]  }
0x3c: {  	[tilespmem:s13], [sflag:$0x1] =	stream.indirect.gather [hbm4b:s4+s12], $0x80, s29, s12, $0xb8;
	[tilespmem:$0x1E400] =	vst v63  }
0x3d: {  	s26 =	rddreg [dreg:$0x7]  }
0x3e: {  	[tilespmem:s14], [sflag:$0x1] =	stream.indirect.gather [hbm4b:s4+s12], $0x80, s26, s12, $0xb8;
	[tilespmem:$0x1E400] =	vst v63  }
0x3f: {  	_ =	swait.ge [sflag:s15], $0x2800  }
0x40: {  	[sflag:s15] =	ssyncset.done $0x0  }
0x41: {  	[sflag:s15] =	ssyncadd.s32 $0xFFFFD800  }
0x42: {  	[spmem:s1] =	stream.indirect.scatter.add.f32 [tilespmem:s16], [sflag:$0x2], $0x80, s11, s12, $0xb8;
	[tilespmem:$0x1E400] =	vst v63  }
0x43: {  	_ =	swait.ge [sflag:s15], $0x2800  }
0x44: {  	[sflag:s15] =	ssyncset.done $0x0  }
0x45: {  	s30 =	rddreg [dreg:$0x8];
	[sflag:s15] =	ssyncadd.s32 $0xFFFFD800  }
0x46: {  	[spmem:s1] =	stream.indirect.scatter.add.f32 [tilespmem:s17], [sflag:$0x2], $0x80, s30, s12, $0xb8;
	[tilespmem:$0x1E400] =	vst v63  }
0x47: {  	_ =	swait.ge [sflag:s15], $0x2800  }
0x48: {  	[sflag:s15] =	ssyncset.done $0x0  }
0x49: {  	s31 =	rddreg [dreg:$0x9];
	[sflag:s15] =	ssyncadd.s32 $0xFFFFD800  }
0x4a: {  	[spmem:s1] =	stream.indirect.scatter.add.f32 [tilespmem:s13], [sflag:$0x3], $0x80, s31, s12, $0xb8;
	[tilespmem:$0x1E400] =	vst v63  }
0x4b: {  	_ =	swait.ge [sflag:s15], $0x2800  }
0x4c: {  	[sflag:s15] =	ssyncset.done $0x0  }
0x4d: {  	s26 =	rddreg [dreg:$0xa];
	[sflag:s15] =	ssyncadd.s32 $0xFFFFD800  }
0x4e: {  	[spmem:s1] =	stream.indirect.scatter.add.f32 [tilespmem:s14], [sflag:$0x3], $0x80, s26, s12, $0xb8;
	[tilespmem:$0x1E400] =	vst v63  }
0x4f: {  	_ =	swait.ge [sflag:s18], $0x2800  }
0x50: {  	[sflag:s18] =	ssyncset.done $0x0  }
0x51: {  	[sflag:s18] =	ssyncadd.s32 $0xFFFFD800  }
0x52: {  	_ =	swait.ge [sflag:s18], $0x2800  }
0x53: {  	[sflag:s18] =	ssyncset.done $0x0  }
0x54: {  	s30 =	rddreg [dreg:$0xb];
	[sflag:s18] =	ssyncadd.s32 $0xFFFFD800  }
0x55: {  	[tilespmem:s16], [sflag:$0x1] =	stream.indirect.gather [hbm4b:s4+s12], $0x80, s30, s12, $0xb8;
	[tilespmem:$0x1E400] =	vst v63  }
0x56: {  	s31 =	rddreg [dreg:$0xc]  }
0x57: {  	[tilespmem:s17], [sflag:$0x1] =	stream.indirect.gather [hbm4b:s4+s12], $0x80, s31, s12, $0xb8;
	[tilespmem:$0x1E400] =	vst v63  }
0x58: {  	_ =	swait.ge [sflag:s19], $0x2800  }
0x59: {  	[sflag:s19] =	ssyncset.done $0x0  }
0x5a: {  	[sflag:s19] =	ssyncadd.s32 $0xFFFFD800  }
0x5b: {  	_ =	swait.ge [sflag:s19], $0x2800  }
0x5c: {  	[sflag:s19] =	ssyncset.done $0x0  }
0x5d: {  	s30 =	rddreg [dreg:$0xd];
	[sflag:s19] =	ssyncadd.s32 $0xFFFFD800  }
0x5e: {  	[tilespmem:s13], [sflag:$0x1] =	stream.indirect.gather [hbm4b:s4+s12], $0x80, s30, s12, $0xb8;
	[tilespmem:$0x1E400] =	vst v63  }
0x5f: {  	s31 =	rddreg [dreg:$0xe]  }
0x60: {  	[tilespmem:s14], [sflag:$0x1] =	stream.indirect.gather [hbm4b:s4+s12], $0x80, s31, s12, $0xb8;
	[tilespmem:$0x1E400] =	vst v63  }
0x61: {  	_ =	swait.ge [sflag:s15], $0x2800  }
0x62: {  	[sflag:s15] =	ssyncset.done $0x0  }
0x63: {  	[sflag:s15] =	ssyncadd.s32 $0xFFFFD800  }
0x64: {  	[spmem:s1] =	stream.indirect.scatter.add.f32 [tilespmem:s16], [sflag:$0x2], $0x80, s20, s12, $0xb8;
	[tilespmem:$0x1E400] =	vst v63  }
0x65: {  	_ =	swait.ge [sflag:s15], $0x2800  }
0x66: {  	[sflag:s15] =	ssyncset.done $0x0  }
0x67: {  	[sflag:s15] =	ssyncadd.s32 $0xFFFFD800  }
0x68: {  	[spmem:s1] =	stream.indirect.scatter.add.f32 [tilespmem:s17], [sflag:$0x2], $0x80, s21, s12, $0xb8;
	[tilespmem:$0x1E400] =	vst v63  }
0x69: {  	_ =	swait.ge [sflag:s15], $0x2800  }
0x6a: {  	[sflag:s15] =	ssyncset.done $0x0  }
0x6b: {  	[sflag:s15] =	ssyncadd.s32 $0xFFFFD800  }
0x6c: {  	[spmem:s1] =	stream.indirect.scatter.add.f32 [tilespmem:s13], [sflag:$0x3], $0x80, s22, s12, $0xb8;
	[tilespmem:$0x1E400] =	vst v63  }
0x6d: {  	_ =	swait.ge [sflag:s15], $0x2800  }
0x6e: {  	s25 =	simm.s32 $0x80;
	s28 =	rddreg [dreg:$0x4];
	[sflag:s15] =	ssyncset.done $0x0  }
0x6f: {  	s26 =	simm.s32 $0x100;
	s29 =	rddreg [dreg:$0x5];
	[sflag:s15] =	ssyncadd.s32 $0xFFFFD800  }
.LBB2_2:
0x70: {  	[spmem:s1] =	stream.indirect.scatter.add.f32 [tilespmem:s14], [sflag:$0x3], $0x80, s23, s12, $0xb8;
	[tilespmem:$0x1E400] =	vst v63  }
0x71: {  	s28 =	sadd.s32 s25, s28  }
0x72: {  	[tilespmem:s29], [sflag:$0x4] =	stream.linear.gather [hbm4b:s28+s3], $0x400, $0x38;
	[tilespmem:$0x1E400] =	vst v63  }
0x73: {  	_ =	swait.ge [sflag:s10], $0x400  }
0x74: {  	s28 =	rddreg [dreg:$0x3];
	[sflag:s10] =	ssyncset.done $0x0  }
0x75: {  	[sflag:s10] =	ssyncadd.s32 $0xFFFFFC00;
	s28 =	sadd.s32 s25, s28  }
0x76: {  	[tilespmem:s11], [sflag:$0x4] =	stream.linear.gather [hbm4b:s28+s3], $0x400, $0x38;
	[tilespmem:$0x1E400] =	vst v63  }
0x77: {  	_ =	swait.ge [sflag:s10], $0x400  }
0x78: {  	p1 =	sne.s32 s25, $0x0;
	[sflag:s10] =	ssyncset.done $0x0  }
0x79: {  	s28 =	simm.s32 @p1 $0x2;
	[sflag:s10] =	ssyncadd.s32 $0xFFFFFC00  }
0x7a: {  	_ =	swait.ge @p1 [sflag:s28], $0x2800  }
0x7b: {  	[sflag:s28] =	ssyncset.done @p1 $0x0  }
0x7c: {  	[sflag:s28] =	ssyncadd.s32 @p1 $0xFFFFD800  }
0x7d: {  	s30 =	smov.u32 s26;
	_ =	swait.ge @p1 [sflag:s28], $0x2800  }
0x7e: {  	s29 =	simm.s32 @p1 $0x14400;
	s25 =	smov.u32 s30;
	[sflag:s28] =	ssyncset.done @p1 $0x0  }
0x7f: {  	s30 =	simm.s32 @p1 $0x13C00;
	[sflag:s28] =	ssyncadd.s32 @p1 $0xFFFFD800;
	s28 =	simm.s32 @p1 $0x50  }
0x80: {  	[tilespmem:s29], [sflag:$0x1] =	stream.indirect.gather @p1 [hbm4b:s4+s28], $0x80, s30, s28, $0xb8;
	[tilespmem:$0x1E400] =	vst v63  }
0x81: {  	s31 =	simm.s32 @p1 $0x3;
	s29 =	simm.s32 @p1 $0x13C80;
	s30 =	simm.s32 @p1 $0x16C00  }
0x82: {  	[tilespmem:s30], [sflag:$0x1] =	stream.indirect.gather @p1 [hbm4b:s4+s28], $0x80, s29, s28, $0xb8;
	[tilespmem:$0x1E400] =	vst v63  }
0x83: {  	_ =	swait.ge @p1 [sflag:s31], $0x2800  }
0x84: {  	[sflag:s31] =	ssyncset.done @p1 $0x0  }
0x85: {  	[sflag:s31] =	ssyncadd.s32 @p1 $0xFFFFD800  }
0x86: {  	_ =	swait.ge @p1 [sflag:s31], $0x2800  }
0x87: {  	s28 =	simm.s32 @!p1 $0x14400;
	[sflag:s31] =	ssyncset.done @p1 $0x0  }
0x88: {  	s29 =	simm.s32 @!p1 $0x50;
	s30 =	simm.s32 @!p1 $0x13C00;
	[sflag:s31] =	ssyncadd.s32 @p1 $0xFFFFD800  }
0x89: {  	[tilespmem:s28], [sflag:$0x1] =	stream.indirect.gather @!p1 [hbm4b:s4+s29], $0x80, s30, s29, $0xb8;
	[tilespmem:$0x1E400] =	vst v63  }
0x8a: {  	s28 =	simm.s32 @!p1 $0x13C80;
	s30 =	simm.s32 @!p1 $0x16C00  }
0x8b: {  	[tilespmem:s30], [sflag:$0x1] =	stream.indirect.gather @!p1 [hbm4b:s4+s29], $0x80, s28, s29, $0xb8;
	[tilespmem:$0x1E400] =	vst v63  }
0x8c: {  	s31 =	rddreg [dreg:$0x6]  }
0x8d: {  	[tilespmem:s13], [sflag:$0x1] =	stream.indirect.gather [hbm4b:s4+s12], $0x80, s31, s12, $0xb8;
	[tilespmem:$0x1E400] =	vst v63  }
0x8e: {  	s28 =	rddreg [dreg:$0x7]  }
0x8f: {  	[tilespmem:s14], [sflag:$0x1] =	stream.indirect.gather [hbm4b:s4+s12], $0x80, s28, s12, $0xb8;
	[tilespmem:$0x1E400] =	vst v63  }
0x90: {  	_ =	swait.ge [sflag:s15], $0x2800  }
0x91: {  	[sflag:s15] =	ssyncset.done $0x0  }
0x92: {  	[sflag:s15] =	ssyncadd.s32 $0xFFFFD800  }
0x93: {  	[spmem:s1] =	stream.indirect.scatter.add.f32 [tilespmem:s16], [sflag:$0x2], $0x80, s11, s12, $0xb8;
	[tilespmem:$0x1E400] =	vst v63  }
0x94: {  	_ =	swait.ge [sflag:s15], $0x2800  }
0x95: {  	[sflag:s15] =	ssyncset.done $0x0  }
0x96: {  	s28 =	rddreg [dreg:$0x8];
	[sflag:s15] =	ssyncadd.s32 $0xFFFFD800  }
0x97: {  	[spmem:s1] =	stream.indirect.scatter.add.f32 [tilespmem:s17], [sflag:$0x2], $0x80, s28, s12, $0xb8;
	[tilespmem:$0x1E400] =	vst v63  }
0x98: {  	_ =	swait.ge [sflag:s15], $0x2800  }
0x99: {  	[sflag:s15] =	ssyncset.done $0x0  }
0x9a: {  	s28 =	rddreg [dreg:$0x9];
	[sflag:s15] =	ssyncadd.s32 $0xFFFFD800  }
0x9b: {  	[spmem:s1] =	stream.indirect.scatter.add.f32 [tilespmem:s13], [sflag:$0x3], $0x80, s28, s12, $0xb8;
	[tilespmem:$0x1E400] =	vst v63  }
0x9c: {  	_ =	swait.ge [sflag:s15], $0x2800  }
0x9d: {  	[sflag:s15] =	ssyncset.done $0x0  }
0x9e: {  	s28 =	rddreg [dreg:$0xa];
	[sflag:s15] =	ssyncadd.s32 $0xFFFFD800  }
0x9f: {  	[spmem:s1] =	stream.indirect.scatter.add.f32 [tilespmem:s14], [sflag:$0x3], $0x80, s28, s12, $0xb8;
	[tilespmem:$0x1E400] =	vst v63  }
0xa0: {  	_ =	swait.ge [sflag:s18], $0x2800  }
0xa1: {  	[sflag:s18] =	ssyncset.done $0x0  }
0xa2: {  	[sflag:s18] =	ssyncadd.s32 $0xFFFFD800  }
0xa3: {  	_ =	swait.ge [sflag:s18], $0x2800  }
0xa4: {  	[sflag:s18] =	ssyncset.done $0x0  }
0xa5: {  	s28 =	rddreg [dreg:$0xb];
	[sflag:s18] =	ssyncadd.s32 $0xFFFFD800  }
0xa6: {  	[tilespmem:s16], [sflag:$0x1] =	stream.indirect.gather [hbm4b:s4+s12], $0x80, s28, s12, $0xb8;
	[tilespmem:$0x1E400] =	vst v63  }
0xa7: {  	s29 =	rddreg [dreg:$0xc]  }
0xa8: {  	[tilespmem:s17], [sflag:$0x1] =	stream.indirect.gather [hbm4b:s4+s12], $0x80, s29, s12, $0xb8;
	[tilespmem:$0x1E400] =	vst v63  }
0xa9: {  	_ =	swait.ge [sflag:s19], $0x2800  }
0xaa: {  	[sflag:s19] =	ssyncset.done $0x0  }
0xab: {  	[sflag:s19] =	ssyncadd.s32 $0xFFFFD800  }
0xac: {  	_ =	swait.ge [sflag:s19], $0x2800  }
0xad: {  	[sflag:s19] =	ssyncset.done $0x0  }
0xae: {  	s28 =	rddreg [dreg:$0xd];
	[sflag:s19] =	ssyncadd.s32 $0xFFFFD800  }
0xaf: {  	[tilespmem:s13], [sflag:$0x1] =	stream.indirect.gather [hbm4b:s4+s12], $0x80, s28, s12, $0xb8;
	[tilespmem:$0x1E400] =	vst v63  }
0xb0: {  	s29 =	rddreg [dreg:$0xe]  }
0xb1: {  	[tilespmem:s14], [sflag:$0x1] =	stream.indirect.gather [hbm4b:s4+s12], $0x80, s29, s12, $0xb8;
	[tilespmem:$0x1E400] =	vst v63  }
0xb2: {  	_ =	swait.ge [sflag:s15], $0x2800  }
0xb3: {  	[sflag:s15] =	ssyncset.done $0x0  }
0xb4: {  	[sflag:s15] =	ssyncadd.s32 $0xFFFFD800  }
0xb5: {  	[spmem:s1] =	stream.indirect.scatter.add.f32 [tilespmem:s16], [sflag:$0x2], $0x80, s20, s12, $0xb8;
	[tilespmem:$0x1E400] =	vst v63  }
0xb6: {  	_ =	swait.ge [sflag:s15], $0x2800  }
0xb7: {  	[sflag:s15] =	ssyncset.done $0x0  }
0xb8: {  	[sflag:s15] =	ssyncadd.s32 $0xFFFFD800  }
0xb9: {  	[spmem:s1] =	stream.indirect.scatter.add.f32 [tilespmem:s17], [sflag:$0x2], $0x80, s21, s12, $0xb8;
	[tilespmem:$0x1E400] =	vst v63  }
0xba: {  	s26 =	sadd.s32 $0x80, s26;
	_ =	swait.ge [sflag:s15], $0x2800  }
0xbb: {  	p0 =	sne.s32 s26, $0x800;
	[sflag:s15] =	ssyncset.done $0x0  }
.Ltmp0:
0xbc: {  	[sflag:s15] =	ssyncadd.s32 $0xFFFFD800;
	(pc) =	sbr.rel @p0 .LBB2_2-.Ltmp0, $4  }
0xbd: {  	[spmem:s1] =	stream.indirect.scatter.add.f32 [tilespmem:s13], [sflag:$0x3], $0x80, s22, s12, $0xb8;
	[tilespmem:$0x1E400] =	vst v63  }
0xbe: {  	_ =	swait.ge [sflag:s15], $0x2800  }
0xbf: {  	s28 =	rddreg [dreg:$0x4];
	[sflag:s15] =	ssyncset.done $0x0  }
0xc0: {  	s29 =	rddreg [dreg:$0x5];
	[sflag:s15] =	ssyncadd.s32 $0xFFFFD800  }
0xc1: {  	[spmem:s1] =	stream.indirect.scatter.add.f32 [tilespmem:s14], [sflag:$0x3], $0x80, s23, s12, $0xb8;
	[tilespmem:$0x1E400] =	vst v63  }
0xc2: {  	s26 =	sadd.s32 s25, s28  }
0xc3: {  	[tilespmem:s29], [sflag:$0x4] =	stream.linear.gather [hbm4b:s26+s3], $0x400, $0x38;
	[tilespmem:$0x1E400] =	vst v63  }
0xc4: {  	_ =	swait.ge [sflag:s10], $0x400  }
0xc5: {  	s30 =	rddreg [dreg:$0x3];
	[sflag:s10] =	ssyncset.done $0x0  }
0xc6: {  	[sflag:s10] =	ssyncadd.s32 $0xFFFFFC00;
	s26 =	sadd.s32 s25, s30  }
0xc7: {  	[tilespmem:s11], [sflag:$0x4] =	stream.linear.gather [hbm4b:s26+s3], $0x400, $0x38;
	[tilespmem:$0x1E400] =	vst v63  }
0xc8: {  	_ =	swait.ge [sflag:s10], $0x400  }
0xc9: {  	p0 =	sne.s32 s25, $0x0;
	[sflag:s10] =	ssyncset.done $0x0  }
0xca: {  	s25 =	simm.s32 @p0 $0x2;
	[sflag:s10] =	ssyncadd.s32 $0xFFFFFC00  }
0xcb: {  	_ =	swait.ge @p0 [sflag:s25], $0x2800  }
0xcc: {  	[sflag:s25] =	ssyncset.done @p0 $0x0  }
0xcd: {  	[sflag:s25] =	ssyncadd.s32 @p0 $0xFFFFD800  }
0xce: {  	_ =	swait.ge @p0 [sflag:s25], $0x2800  }
0xcf: {  	s28 =	simm.s32 @p0 $0x13C00;
	[sflag:s25] =	ssyncset.done @p0 $0x0  }
0xd0: {  	s26 =	simm.s32 @p0 $0x14400;
	[sflag:s25] =	ssyncadd.s32 @p0 $0xFFFFD800;
	s25 =	simm.s32 @p0 $0x50  }
0xd1: {  	[tilespmem:s26], [sflag:$0x1] =	stream.indirect.gather @p0 [hbm4b:s4+s25], $0x80, s28, s25, $0xb8;
	[tilespmem:$0x1E400] =	vst v63  }
0xd2: {  	s29 =	simm.s32 @p0 $0x3;
	s26 =	simm.s32 @p0 $0x13C80;
	s28 =	simm.s32 @p0 $0x16C00  }
0xd3: {  	[tilespmem:s28], [sflag:$0x1] =	stream.indirect.gather @p0 [hbm4b:s4+s25], $0x80, s26, s25, $0xb8;
	[tilespmem:$0x1E400] =	vst v63  }
0xd4: {  	_ =	swait.ge @p0 [sflag:s29], $0x2800  }
0xd5: {  	[sflag:s29] =	ssyncset.done @p0 $0x0  }
0xd6: {  	[sflag:s29] =	ssyncadd.s32 @p0 $0xFFFFD800  }
0xd7: {  	_ =	swait.ge @p0 [sflag:s29], $0x2800  }
0xd8: {  	s25 =	simm.s32 @!p0 $0x14400;
	[sflag:s29] =	ssyncset.done @p0 $0x0  }
0xd9: {  	s26 =	simm.s32 @!p0 $0x50;
	s28 =	simm.s32 @!p0 $0x13C00;
	[sflag:s29] =	ssyncadd.s32 @p0 $0xFFFFD800  }
0xda: {  	[tilespmem:s25], [sflag:$0x1] =	stream.indirect.gather @!p0 [hbm4b:s4+s26], $0x80, s28, s26, $0xb8;
	[tilespmem:$0x1E400] =	vst v63  }
0xdb: {  	s25 =	simm.s32 @!p0 $0x13C80;
	s28 =	simm.s32 @!p0 $0x16C00  }
0xdc: {  	[tilespmem:s28], [sflag:$0x1] =	stream.indirect.gather @!p0 [hbm4b:s4+s26], $0x80, s25, s26, $0xb8;
	[tilespmem:$0x1E400] =	vst v63  }
0xdd: {  	s31 =	rddreg [dreg:$0x6]  }
0xde: {  	[tilespmem:s13], [sflag:$0x1] =	stream.indirect.gather [hbm4b:s4+s12], $0x80, s31, s12, $0xb8;
	[tilespmem:$0x1E400] =	vst v63  }
0xdf: {  	s28 =	rddreg [dreg:$0x7]  }
0xe0: {  	[tilespmem:s14], [sflag:$0x1] =	stream.indirect.gather [hbm4b:s4+s12], $0x80, s28, s12, $0xb8;
	[tilespmem:$0x1E400] =	vst v63  }
0xe1: {  	_ =	swait.ge [sflag:s15], $0x2800  }
0xe2: {  	[sflag:s15] =	ssyncset.done $0x0  }
0xe3: {  	[sflag:s15] =	ssyncadd.s32 $0xFFFFD800  }
0xe4: {  	[spmem:s1] =	stream.indirect.scatter.add.f32 [tilespmem:s16], [sflag:$0x2], $0x80, s11, s12, $0xb8;
	[tilespmem:$0x1E400] =	vst v63  }
0xe5: {  	_ =	swait.ge [sflag:s15], $0x2800  }
0xe6: {  	[sflag:s15] =	ssyncset.done $0x0  }
0xe7: {  	s30 =	rddreg [dreg:$0x8];
	[sflag:s15] =	ssyncadd.s32 $0xFFFFD800  }
0xe8: {  	[spmem:s1] =	stream.indirect.scatter.add.f32 [tilespmem:s17], [sflag:$0x2], $0x80, s30, s12, $0xb8;
	[tilespmem:$0x1E400] =	vst v63  }
0xe9: {  	_ =	swait.ge [sflag:s15], $0x2800  }
0xea: {  	[sflag:s15] =	ssyncset.done $0x0  }
0xeb: {  	s31 =	rddreg [dreg:$0x9];
	[sflag:s15] =	ssyncadd.s32 $0xFFFFD800  }
0xec: {  	[spmem:s1] =	stream.indirect.scatter.add.f32 [tilespmem:s13], [sflag:$0x3], $0x80, s31, s12, $0xb8;
	[tilespmem:$0x1E400] =	vst v63  }
0xed: {  	_ =	swait.ge [sflag:s15], $0x2800  }
0xee: {  	[sflag:s15] =	ssyncset.done $0x0  }
0xef: {  	s26 =	rddreg [dreg:$0xa];
	[sflag:s15] =	ssyncadd.s32 $0xFFFFD800  }
0xf0: {  	[spmem:s1] =	stream.indirect.scatter.add.f32 [tilespmem:s14], [sflag:$0x3], $0x80, s26, s12, $0xb8;
	[tilespmem:$0x1E400] =	vst v63  }
0xf1: {  	_ =	swait.ge [sflag:s18], $0x2800  }
0xf2: {  	[sflag:s18] =	ssyncset.done $0x0  }
0xf3: {  	[sflag:s18] =	ssyncadd.s32 $0xFFFFD800  }
0xf4: {  	_ =	swait.ge [sflag:s18], $0x2800  }
0xf5: {  	[sflag:s18] =	ssyncset.done $0x0  }
0xf6: {  	s28 =	rddreg [dreg:$0xb];
	[sflag:s18] =	ssyncadd.s32 $0xFFFFD800  }
0xf7: {  	[tilespmem:s16], [sflag:$0x1] =	stream.indirect.gather [hbm4b:s4+s12], $0x80, s28, s12, $0xb8;
	[tilespmem:$0x1E400] =	vst v63  }
0xf8: {  	s29 =	rddreg [dreg:$0xc]  }
0xf9: {  	[tilespmem:s17], [sflag:$0x1] =	stream.indirect.gather [hbm4b:s4+s12], $0x80, s29, s12, $0xb8;
	[tilespmem:$0x1E400] =	vst v63  }
0xfa: {  	_ =	swait.ge [sflag:s19], $0x2800  }
0xfb: {  	[sflag:s19] =	ssyncset.done $0x0  }
0xfc: {  	[sflag:s19] =	ssyncadd.s32 $0xFFFFD800  }
0xfd: {  	_ =	swait.ge [sflag:s19], $0x2800  }
0xfe: {  	[sflag:s19] =	ssyncset.done $0x0  }
0xff: {  	s30 =	rddreg [dreg:$0xd];
	[sflag:s19] =	ssyncadd.s32 $0xFFFFD800  }
0x100: {  	[tilespmem:s13], [sflag:$0x1] =	stream.indirect.gather [hbm4b:s4+s12], $0x80, s30, s12, $0xb8;
	[tilespmem:$0x1E400] =	vst v63  }
0x101: {  	s31 =	rddreg [dreg:$0xe]  }
0x102: {  	[tilespmem:s14], [sflag:$0x1] =	stream.indirect.gather [hbm4b:s4+s12], $0x80, s31, s12, $0xb8;
	[tilespmem:$0x1E400] =	vst v63  }
0x103: {  	_ =	swait.ge [sflag:s15], $0x2800  }
0x104: {  	[sflag:s15] =	ssyncset.done $0x0  }
0x105: {  	[sflag:s15] =	ssyncadd.s32 $0xFFFFD800  }
0x106: {  	[spmem:s1] =	stream.indirect.scatter.add.f32 [tilespmem:s16], [sflag:$0x2], $0x80, s20, s12, $0xb8;
	[tilespmem:$0x1E400] =	vst v63  }
0x107: {  	_ =	swait.ge [sflag:s15], $0x2800  }
0x108: {  	[sflag:s15] =	ssyncset.done $0x0  }
0x109: {  	[sflag:s15] =	ssyncadd.s32 $0xFFFFD800  }
0x10a: {  	[spmem:s1] =	stream.indirect.scatter.add.f32 [tilespmem:s17], [sflag:$0x2], $0x80, s21, s12, $0xb8;
	[tilespmem:$0x1E400] =	vst v63  }
0x10b: {  	_ =	swait.ge [sflag:s15], $0x2800  }
0x10c: {  	[sflag:s15] =	ssyncset.done $0x0  }
0x10d: {  	[sflag:s15] =	ssyncadd.s32 $0xFFFFD800  }
0x10e: {  	[spmem:s1] =	stream.indirect.scatter.add.f32 [tilespmem:s13], [sflag:$0x3], $0x80, s22, s12, $0xb8;
	[tilespmem:$0x1E400] =	vst v63  }
0x10f: {  	_ =	swait.ge [sflag:s15], $0x2800  }
0x110: {  	[sflag:s15] =	ssyncset.done $0x0  }
0x111: {  	[sflag:s15] =	ssyncadd.s32 $0xFFFFD800  }
0x112: {  	[spmem:s1] =	stream.indirect.scatter.add.f32 [tilespmem:s14], [sflag:$0x3], $0x80, s23, s12, $0xb8;
	[tilespmem:$0x1E400] =	vst v63  }
0x113: {  	_ =	swait.ge [sflag:s18], $0x2800  }
0x114: {  	[sflag:s18] =	ssyncset.done $0x0  }
0x115: {  	[sflag:s18] =	ssyncadd.s32 $0xFFFFD800  }
0x116: {  	_ =	swait.ge [sflag:s18], $0x2800  }
0x117: {  	[sflag:s18] =	ssyncset.done $0x0  }
0x118: {  	[sflag:s18] =	ssyncadd.s32 $0xFFFFD800  }
0x119: {  	_ =	swait.ge [sflag:s19], $0x2800  }
0x11a: {  	[sflag:s19] =	ssyncset.done $0x0  }
0x11b: {  	[sflag:s19] =	ssyncadd.s32 $0xFFFFD800  }
0x11c: {  	_ =	swait.ge [sflag:s19], $0x2800  }
0x11d: {  	s24 =	sadd.s32 $0x1, s24;
	[sflag:s19] =	ssyncset.done $0x0  }
0x11e: {  	p0 =	sne.s32 s24, s8;
	[sflag:s19] =	ssyncadd.s32 $0xFFFFD800  }
.Ltmp1:
0x11f: {  	[bflag:$0x0] =	sbarrier.arrive $0xFFFF;
	(pc) =	sbr.rel @p0 .LBB2_1-.Ltmp1, $4  }
0x120: {  	[hbm:s7], [sflag:s6] =	dma.local [spmem:s9], $0x2780  }
0x121: {  	_ =	swait.ge [sflag:s10], $0x2780  }
0x122: {  	[sflag:s10] =	ssyncset.done $0x0  }
0x123: {  	[sflag:s10] =	ssyncadd.s32 $0xFFFFD880  }
0x124: {  	_ =	sfence.sel $0x180000  }
0x125: {  	[bflag:$0x0] =	sbarrier.arrive $0xFFFF  }
0x126: {  	p0 =	sne.s32 s2, $0x0;
	_ =	strace $0x9000004D  }
0x127: {  	s0 =	sadd.s32 @!p0 $0x100000, s0;
	[bflag:$0x2] =	sbarrier.arrive $0xFFFF  }
0x128: {  	[sflag:s0] =	ssyncadd.tile.s32 @!p0 $0x1;
	_ =	shalt  }
.Lfunc_end2:
_tile_overlayer_lowered:
.L_overlay_start_2:
0x129: {  	(tag) =	ssettag $0x2  }
0x12a: {  	s0 =	rddreg [dreg:$0x0];
	s2 =	stileid.u32  }
0x12b: {  	s1 =	rddreg [dreg:$0x1];
	p0 =	sne.s32 s2, $0x0  }
0x12c: {  	s3 =	rddreg [dreg:$0x2];
	[bflag:$0x3] =	sbarrier.arrive $0xFFFF;
	s2 =	simm.s32 @!p0 $0x1C04  }
0x12d: {  	[timem:s3], [sflag:s2] =	dma.local @!p0 [hbm:s0], s1  }
0x12e: {  	s0 =	simm.s32 @!p0 $0x4  }
0x12f: {  	_ =	swait.ge @!p0 [sflag:s0], s1  }
0x130: {  	s1 =	ssub.s32 @!p0 $0x0, s1;
	[sflag:s0] =	ssyncset.done @!p0 $0x0  }
0x131: {  	[sflag:s0] =	ssyncadd.s32 @!p0 s1  }
0x132: {  	[bflag:$0x3] =	sbarrier.arrive $0xFFFF  }
0x133: {  	_ =	shalt  }

// kernel: kernel.19.cloned.1.call-start
scs
__scs_entry_jumppad:
0x0: {  	(pc) =	sbr.rel $0x88, $3  }
0x1: {  	(tag) =	ssettag $0x0;
	lr =	simm.s32 $0x1  }
0x2: {  	[smem:$0x3F8B] =	sst lr;
	_ =	strace $0xD0000000  }
0x3: {  	_ = 	snop  }
0x4: {  	_ = 	snop  }
0x5: {  	_ = 	snop  }
0x6: {  	_ = 	snop  }
0x7: {  	_ = 	snop  }
__scs_overlays_trampoline_lowered:
0x8: {  	[smem:$0x3F9A] =	sst s0  }
0x9: {  	[smem:$0x3F9B] =	sst s1  }
0xa: {  	[smem:$0x3F9C] =	sst s2  }
0xb: {  	[smem:$0x3F9D] =	sst s3  }
0xc: {  	[smem:$0x3F9E] =	sst s4  }
0xd: {  	[smem:$0x3F9F] =	sst s5  }
0xe: {  	[smem:$0x3FA0] =	sst s6  }
0xf: {  	[smem:$0x3FA1] =	sst s7  }
0x10: {  	[smem:$0x3FA2] =	sst s8  }
0x11: {  	[smem:$0x3FA3] =	sst s9;
	s0 =	simm.s32 @!p0 $0x0  }
0x12: {  	s1 =	sld [smem:$0x3F89];
	s0 =	simm.s32 @p0 $0x1  }
0x13: {  	[smem:$0x3FA4] =	sst s0;
	s0 =	simm.s32 @!p1 $0x0  }
0x14: {  	s2 =	sld [smem:$0x3F88];
	s0 =	simm.s32 @p1 $0x1  }
0x15: {  	[smem:$0x3FA5] =	sst s0;
	s0 =	simm.s32 @!p2 $0x0  }
0x16: {  	s3 =	sld [smem:$0x3FDB];
	s0 =	simm.s32 @p2 $0x1  }
0x17: {  	s4 =	simm.s32 $0x1BF5;
	[smem:$0x3FA7] =	sst s0  }
0x18: {  	s0 =	sld [smem:$0x3F8A];
	_ =	swait.ge [sflag:s4], $0x0  }
0x19: {  	s7 =	sld [smem:$0x3F8B]  }
0x1a: {  	s8 =	sadd.s32 $0xFFFFE003, lr  }
0x1b: {  	s9 =	sadd.s32 $0xFFFFFEF7, lr;
	s5 =	simm.s32 $0xFFFFFFFF;
	p2 =	slt.u32 s8, $0xFFFFF086  }
0x1c: {  	p1 =	slt.u32 s9, $0xF7A;
	s5 =	simm.s32 @!p2 $0x0  }
0x1d: {  	s5 =	simm.s32 @p1 $0x1;
	p0 =	seq.s32 s7, s2  }
0x1e: {  	s7 =	smul.u32 @!p0 $0xF7A, s2;
	p2 =	seq.s32 @!p0 s5, $0x0  }
0x1f: {  	s9 =	smul.u32 $0xF7A, s1;
	s8 =	simm.s32 @!p0 $0x1BF5;
	p2 =	por !p2, p0  }
0x20: {  	[sflag:s8] =	ssyncset.s32 @!p0 $0xFFFFF086;
	s6 =	sadd.s32 @!p0 s3, s7;
	s7 =	simm.s32 @!p0 $0x108  }
0x21: {  	s3 =	sadd.s32 s3, s9;
	s6 =	sadd.s32 @!p0 $0x88, s6;
	s7 =	simm.s32 @p2 $0x1082  }
0x22: {  	[simem:s7], [sflag:s8] =	dma.local @!p0 [hbm:s6], $0xF7A  }
0x23: {  	s9 =	sor.u32 $0xD0000000, s2;
	s6 =	simm.s32 $0x108;
	_ =	swait.ge @!p0 [sflag:s8], $0x0  }
0x24: {  	s3 =	sadd.s32 $0x88, s3;
	s6 =	simm.s32 @!p1 $0x1082;
	[sflag:s4] =	ssyncset.s32 $0xFFFFF086  }
0x25: {  	[simem:s6], [sflag:s4] =	dma.local [hbm:s3], $0xF7A  }
0x26: {  	[smem:$0x3F8B] =	sst s1;
	(tag) =	ssettag s2;
	_ =	strace s9  }
0x27: {  	s1 =	sld [smem:$0x3F9B]  }
0x28: {  	s2 =	sld [smem:$0x3F9C]  }
0x29: {  	s4 =	sld [smem:$0x3F9E]  }
0x2a: {  	p0 =	seq.s32 s5, $0x0;
	s5 =	sld [smem:$0x3F9F]  }
0x2b: {  	s6 =	sld [smem:$0x3FA0]  }
0x2c: {  	s7 =	sld [smem:$0x3FA1]  }
0x2d: {  	s3 =	simm.s32 $0x108;
	s8 =	sld [smem:$0x3FA2]  }
0x2e: {  	s3 =	simm.s32 @!p0 $0x1082;
	s9 =	sld [smem:$0x3FA3]  }
0x2f: {  	lr =	sadd.s32 s0, s3;
	s0 =	sld [smem:$0x3F9A]  }
0x30: {  	s3 =	sld [smem:$0x3F9D]  }
0x31: {  	[smem:$0x3FA6] =	sst s10  }
0x32: {  	s10 =	sld [smem:$0x3FA4];
	_ =	sdelay $0x3  }
0x33: {  	p0 =	seq.s32 s10, $0x1;
	s10 =	sld [smem:$0x3FA6];
	_ =	sdelay $0x3  }
0x34: {  	[smem:$0x3FA6] =	sst s10  }
0x35: {  	s10 =	sld [smem:$0x3FA5];
	_ =	sdelay $0x3  }
0x36: {  	p1 =	seq.s32 s10, $0x1;
	s10 =	sld [smem:$0x3FA6];
	_ =	sdelay $0x3  }
0x37: {  	[smem:$0x3FA6] =	sst s10  }
0x38: {  	s10 =	sld [smem:$0x3FA7]  }
0x39: {  	_ = 	snop;
	(pc) =	sbr.ind lr, $3  }
0x3a: {  	_ = 	snop  }
0x3b: {  	_ = 	snop  }
0x3c: {  	p2 =	seq.s32 s10, $0x1;
	s10 =	sld [smem:$0x3FA6]  }
0x3d: {  	_ =	shalt  }
0x3e: {  	_ =	shalt  }
0x3f: {  	_ =	shalt  }
0x40: {  	_ =	shalt  }
0x41: {  	_ =	shalt  }
0x42: {  	_ =	shalt  }
0x43: {  	_ =	shalt  }
0x44: {  	_ =	shalt  }
0x45: {  	_ =	shalt  }
0x46: {  	_ =	shalt  }
0x47: {  	_ =	shalt  }
0x48: {  	_ =	shalt  }
0x49: {  	_ =	shalt  }
0x4a: {  	_ =	shalt  }
0x4b: {  	_ =	shalt  }
0x4c: {  	_ =	shalt  }
0x4d: {  	_ =	shalt  }
0x4e: {  	_ =	shalt  }
0x4f: {  	_ =	shalt  }
0x50: {  	_ =	shalt  }
0x51: {  	_ =	shalt  }
0x52: {  	_ =	shalt  }
0x53: {  	_ =	shalt  }
0x54: {  	_ =	shalt  }
0x55: {  	_ =	shalt  }
0x56: {  	_ =	shalt  }
0x57: {  	_ =	shalt  }
0x58: {  	_ =	shalt  }
0x59: {  	_ =	shalt  }
0x5a: {  	_ =	shalt  }
0x5b: {  	_ =	shalt  }
0x5c: {  	_ =	shalt  }
0x5d: {  	_ =	shalt  }
0x5e: {  	_ =	shalt  }
0x5f: {  	_ =	shalt  }
0x60: {  	_ =	shalt  }
0x61: {  	_ =	shalt  }
0x62: {  	_ =	shalt  }
0x63: {  	_ =	shalt  }
0x64: {  	_ =	shalt  }
0x65: {  	_ =	shalt  }
0x66: {  	_ =	shalt  }
0x67: {  	_ =	shalt  }
0x68: {  	_ =	shalt  }
0x69: {  	_ =	shalt  }
0x6a: {  	_ =	shalt  }
0x6b: {  	_ =	shalt  }
0x6c: {  	_ =	shalt  }
0x6d: {  	_ =	shalt  }
0x6e: {  	_ =	shalt  }
0x6f: {  	_ =	shalt  }
0x70: {  	_ =	shalt  }
0x71: {  	_ =	shalt  }
0x72: {  	_ =	shalt  }
0x73: {  	_ =	shalt  }
0x74: {  	_ =	shalt  }
0x75: {  	_ =	shalt  }
0x76: {  	_ =	shalt  }
0x77: {  	_ =	shalt  }
0x78: {  	_ =	shalt  }
0x79: {  	_ =	shalt  }
0x7a: {  	_ =	shalt  }
0x7b: {  	_ =	shalt  }
0x7c: {  	_ =	shalt  }
0x7d: {  	_ =	shalt  }
0x7e: {  	_ =	shalt  }
0x7f: {  	_ =	shalt  }
0x80: {  	_ =	shalt  }
0x81: {  	_ =	shalt  }
0x82: {  	_ =	shalt  }
0x83: {  	_ =	shalt  }
0x84: {  	_ =	shalt  }
0x85: {  	_ =	shalt  }
0x86: {  	_ =	shalt  }
0x87: {  	_ =	shalt  }
.Lfunc_end0:
.L_simem_size_0:
called_computation.3_lowered:
.L_overlay_start_0:
0x88: {  	s2 =	sld [smem:$0x3FD9]  }
0x89: {  	s3 =	sld [smem:$0x3FFE];
	_ =	sdelay $0x1  }
0x8a: {  	s1 =	srdreg.scid  }
0x8b: {  	s0 =	sand.u32 $0x1, s1  }
0x8c: {  	s16 =	sshll.u32 s0, $0xA;
	s2 =	sadd.s32 s3, s2  }
0x8d: {  	s2 =	sadd.s32 s2, s16  }
0x8e: {  	[smem:$0x3FB2] =	sst s2  }
0x8f: {  	_ = 	snop  }
0x90: {  	(tm) =	ssettm $0x1  }
0x91: {  	s17 =	sld [smem:$0x3FFB];
	_ =	sdelay $0x3  }
0x92: {  	_ =	strace s17  }
0x93: {  	s2 =	sld [smem:$0x3FFC];
	_ =	sdelay $0x3  }
0x94: {  	_ =	strace s2  }
0x95: {  	s2 =	sld [smem:$0x3FFD];
	_ =	sdelay $0x3  }
0x96: {  	_ =	strace s2  }
0x97: {  	_ =	strace $0x8FFFFFFF  }
0x98: {  	s18 =	sld [smem:$0x3FDB];
	_ =	sdelay $0x1  }
0x99: {  	s19 =	simm.s32 $_scs_section_size  }
0x9a: {  	s4 =	simm.s32 $_size__tile_overlayer_lowered;
	s5 =	simm.s32 $_tile_overlayer_lowered  }
0x9b: {  	s22 =	simm.s32 $0x1BFF;
	s21 =	sshll.u32 s5, $0x1;
	s2 =	sadd.s32 s19, s18  }
0x9c: {  	s6 =	simm.s32 $0x0;
	s20 =	sshll.u32 s4, $0x1;
	s4 =	sadd.s32 s21, s2  }
0x9d: {  	[timem:s6], [sflag:s22] =	dma.local [hbm:s4], s20  }
0x9e: {  	_ =	swait.ge [sflag:s22], s20  }
0x9f: {  	s3 =	ssub.s32 $0x0, s20;
	[sflag:s22] =	ssyncset.done $0x0  }
0xa0: {  	[sflag:s22] =	ssyncadd.s32 s3;
	_ =	sdelay $0x1  }
0xa1: {  	s23 =	simm.s32 $0x1B8B  }
0xa2: {  	_ =	swait.ge [sflag:s23], $0x1  }
0xa3: {  	[sflag:s23] =	ssyncset.done $0x0  }
0xa4: {  	s25 =	simm.s32 $0x1B8E;
	s24 =	sld [smem:$0x3FFE];
	[sflag:s23] =	ssyncadd.s32 $0xFFFFFFFF  }
0xa5: {  	s26 =	simm.s32 $execute0_lowered;
	[smem:$0x3FD2] =	sst s25  }
0xa6: {  	s4 =	sshll.u32 s26, $0x1;
	_ =	strace $0x8000004F;
	[dreg:$0x1] =	wrdreg $0xFFFFFFFF  }
0xa7: {  	s28 =	simm.s32 $_size_execute0_lowered;
	s2 =	sadd.s32 s2, s4;
	[dreg:$0x0] =	wrdreg $0x0  }
0xa8: {  	s4 =	sshll.u32 s28, $0x1;
	[dreg:$0x2] =	wrdreg s2  }
0xa9: {  	[dreg:$0x3] =	wrdreg s4  }
0xaa: {  	[dreg:$0x4] =	wrdreg $0xC0  }
0xab: {  	_ =	task [dreg:s6], $0x5FFFF  }
0xac: {  	[dreg:$0x1] =	wrdreg $0xFFFFFFFF  }
0xad: {  	[dreg:$0x0] =	wrdreg $0x60  }
0xae: {  	[dreg:$0x2] =	wrdreg s24  }
0xaf: {  	[dreg:$0x3] =	wrdreg $0x0  }
0xb0: {  	[dreg:$0x4] =	wrdreg $0x9  }
0xb1: {  	_ =	task.clear_ibuf [dreg:s6], $0x5FFFF;
	_ =	strace $0x9000004F  }
0xb2: {  	s29 =	simm.s32 $0x9;
	_ =	strace $0x80000051  }
0xb3: {  	_ =	swait.ge [sflag:s29], $0x1  }
0xb4: {  	[sflag:s29] =	ssyncadd.s32 $0xFFFFFFFF  }
0xb5: {  	_ =	strace $0x90000051  }
0xb6: {  	_ =	sfence  }
0xb7: {  	s30 =	sld [smem:$0x0];
	_ =	sdelay $0x2  }
0xb8: {  	s31 =	sshll.u32 s1, $0xD;
	s1 =	sshrl.u32 s1, $0x2  }
0xb9: {  	s3 =	sand.u32 $0x4000, s31;
	s1 =	sadd.s32 s1, s30  }
0xba: {  	s0 =	sor.u32 s3, s0;
	s1 =	sshll.u32 s1, $0x11  }
0xbb: {  	s0 =	sor.u32 s1, s0  }
0xbc: {  	s0 =	sadd.s32 $0x8F2B, s0  }
0xbd: {  	[sflag:s0] =	ssyncadd.remote.s32 $0x1  }
0xbe: {  	_ =	sfence.sel $0xFFFF  }
0xbf: {  	[dreg:$0x0] =	wrdreg $0xFFFFFFFF;
	(pc) =	sbr.abs _section_cstart, $3  }
0xc0: {  	[dreg:$0x1] =	wrdreg $0xFFFFFFFF  }
0xc1: {  	_ =	task.clear_ibuf [dreg:s6], $0x2FFFF;
	_ =	strace $0x9FFFFFFF  }
0xc2: {  	(tm) =	ssettm $0x7FFFFFFF  }
0xc3: {  	_ =	shalt  }
tec
execute0_lowered:
.L_overlay_start_1:
0x0: {  	(tag) =	ssettag $0x1  }
0x1: {  	s6 =	rddreg [dreg:$0x0]  }
0x2: {  	s1 =	rddreg [dreg:$0x1]  }
0x3: {  	s2 =	srdreg.scid;
	s0 =	rddreg [dreg:$0x2]  }
0x4: {  	s3 =	simm.s32 $0x0;
	s30 =	simm.s32 $0x13C00;
	s13 =	simm.s32 $0x13D00  }
0x5: {  	s12 =	simm.s32 $0x50;
	s14 =	simm.s32 $0x13D80;
	s15 =	simm.s32 $0x14080  }
0x6: {  	s16 =	simm.s32 $0x14100;
	s17 =	simm.s32 $0x14180;
	s18 =	simm.s32 $0x13E00  }
0x7: {  	s19 =	simm.s32 $0x13E80;
	s20 =	simm.s32 $0x13F00;
	[smem:$0x7FF] =	sst s3  }
0x8: {  	s31 =	simm.s32 $0x13F80;
	_ =	strace $0x80000050;
	[dreg:$0x5] =	wrdreg s30  }
0x9: {  	s7 =	sand.u32 $0x1, s2;
	s2 =	stileid.u32;
	[dreg:$0x6] =	wrdreg s13  }
0xa: {  	s21 =	simm.s32 $0x14280;
	s8 =	smul.u32 $0x13C000, s7;
	[dreg:$0x7] =	wrdreg s14  }
0xb: {  	s4 =	sadd.s32 $0x27A00, s6;
	s9 =	smul.u32 $0x13C00, s2;
	[dreg:$0x8] =	wrdreg s15  }
0xc: {  	s5 =	sshll.u32 s2, $0xC;
	s22 =	ssub.s32 $0x2, s7;
	[dreg:$0x9] =	wrdreg s16  }
0xd: {  	s11 =	smul.u32 $0x4F000, s2;
	s7 =	sshll.u32 s7, $0xB;
	[dreg:$0xa] =	wrdreg s17  }
0xe: {  	s26 =	sshll.u32 s2, $0x6;
	s13 =	simm.s32 $0x19400;
	[dreg:$0xb] =	wrdreg s18  }
0xf: {  	s14 =	simm.s32 $0x1BC00;
	s15 =	simm.s32 $0x1;
	[dreg:$0xc] =	wrdreg s19  }
0x10: {  	s16 =	simm.s32 $0x14400;
	s17 =	simm.s32 $0x16C00;
	[dreg:$0xd] =	wrdreg s20  }
0x11: {  	s18 =	simm.s32 $0x2;
	s19 =	simm.s32 $0x3;
	[dreg:$0xe] =	wrdreg s31  }
0x12: {  	s20 =	simm.s32 $0x14200;
	s10 =	sadd.s32 s5, s6;
	s23 =	sshrl.u32 s22, $0x1  }
0x13: {  	s5 =	sadd.s32 $0x25200, s6;
	s8 =	sadd.s32 s9, s8;
	s9 =	ssub.s32 s22, s23  }
0x14: {  	s24 =	sshrl.u32 s11, $0x2;
	s7 =	sadd.s32 s7, s10;
	s10 =	simm.s32 $0x4  }
0x15: {  	s11 =	simm.s32 $0x14000;
	s22 =	simm.s32 $0x14300;
	s23 =	simm.s32 $0x14380  }
0x16: {  	s8 =	sshrl.u32 s8, $0x3;
	s25 =	sadd.s32 s24, s1;
	s28 =	sadd.s32 $0x4600, s7  }
0x17: {  	s29 =	sadd.s32 $0x15200, s7;
	s24 =	simm.s32 $0x0;
	[dreg:$0x3] =	wrdreg s28  }
0x18: {  	s8 =	sadd.s32 s8, s6;
	s6 =	sor.u32 $0x1C04, s26;
	[dreg:$0x4] =	wrdreg s29  }
0x19: {  	s7 =	sadd.s32 $0xC5A00, s8;
	s8 =	smax.u32 s9, $0x1;
	s9 =	sshrl.u32 s25, $0x3  }
.LBB2_1:
0x1a: {  	[spmem:s9], [sflag:s6] =	dma.local [hbm:s5], $0x2780  }
0x1b: {  	_ =	swait.ge [sflag:s10], $0x2780  }
0x1c: {  	[sflag:s10] =	ssyncset.done $0x0  }
0x1d: {  	[sflag:s10] =	ssyncadd.s32 $0xFFFFD880  }
0x1e: {  	[bflag:$0x0] =	sbarrier.arrive $0xFFFF  }
0x1f: {  	s25 =	rddreg [dreg:$0x4]  }
0x20: {  	s26 =	rddreg [dreg:$0x5];
	s25 =	sadd.s32 $0x0, s25  }
0x21: {  	[tilespmem:s26], [sflag:$0x4] =	stream.linear.gather [hbm4b:s25+s3], $0x400, $0x38;
	[tilespmem:$0x1E400] =	vst v63  }
0x22: {  	_ =	swait.ge [sflag:s10], $0x400  }
0x23: {  	s31 =	rddreg [dreg:$0x3];
	[sflag:s10] =	ssyncset.done $0x0  }
0x24: {  	[sflag:s10] =	ssyncadd.s32 $0xFFFFFC00;
	s25 =	sadd.s32 $0x0, s31  }
0x25: {  	[tilespmem:s11], [sflag:$0x4] =	stream.linear.gather [hbm4b:s25+s3], $0x400, $0x38;
	[tilespmem:$0x1E400] =	vst v63  }
0x26: {  	_ =	swait.ge [sflag:s10], $0x400  }
0x27: {  	p0 =	por $0x0, $0x0;
	[sflag:s10] =	ssyncset.done $0x0  }
0x28: {  	s25 =	simm.s32 @p0 $0x2;
	[sflag:s10] =	ssyncadd.s32 $0xFFFFFC00  }
0x29: {  	_ =	swait.ge @p0 [sflag:s25], $0x2800  }
0x2a: {  	[sflag:s25] =	ssyncset.done @p0 $0x0  }
0x2b: {  	[sflag:s25] =	ssyncadd.s32 @p0 $0xFFFFD800  }
0x2c: {  	_ =	swait.ge @p0 [sflag:s25], $0x2800  }
0x2d: {  	s28 =	simm.s32 @p0 $0x13C00;
	[sflag:s25] =	ssyncset.done @p0 $0x0  }
0x2e: {  	s26 =	simm.s32 @p0 $0x14400;
	[sflag:s25] =	ssyncadd.s32 @p0 $0xFFFFD800;
	s25 =	simm.s32 @p0 $0x50  }
0x2f: {  	[tilespmem:s26], [sflag:$0x1] =	stream.indirect.gather @p0 [hbm4b:s4+s25], $0x80, s28, s25, $0xb8;
	[tilespmem:$0x1E400] =	vst v63  }
0x30: {  	s29 =	simm.s32 @p0 $0x3;
	s26 =	simm.s32 @p0 $0x13C80;
	s28 =	simm.s32 @p0 $0x16C00  }
0x31: {  	[tilespmem:s28], [sflag:$0x1] =	stream.indirect.gather @p0 [hbm4b:s4+s25], $0x80, s26, s25, $0xb8;
	[tilespmem:$0x1E400] =	vst v63  }
0x32: {  	_ =	swait.ge @p0 [sflag:s29], $0x2800  }
0x33: {  	[sflag:s29] =	ssyncset.done @p0 $0x0  }
0x34: {  	[sflag:s29] =	ssyncadd.s32 @p0 $0xFFFFD800  }
0x35: {  	_ =	swait.ge @p0 [sflag:s29], $0x2800  }
0x36: {  	s25 =	simm.s32 @!p0 $0x14400;
	[sflag:s29] =	ssyncset.done @p0 $0x0  }
0x37: {  	s26 =	simm.s32 @!p0 $0x50;
	s28 =	simm.s32 @!p0 $0x13C00;
	[sflag:s29] =	ssyncadd.s32 @p0 $0xFFFFD800  }
0x38: {  	[tilespmem:s25], [sflag:$0x1] =	stream.indirect.gather @!p0 [hbm4b:s4+s26], $0x80, s28, s26, $0xb8;
	[tilespmem:$0x1E400] =	vst v63  }
0x39: {  	s25 =	simm.s32 @!p0 $0x13C80;
	s28 =	simm.s32 @!p0 $0x16C00  }
0x3a: {  	[tilespmem:s28], [sflag:$0x1] =	stream.indirect.gather @!p0 [hbm4b:s4+s26], $0x80, s25, s26, $0xb8;
	[tilespmem:$0x1E400] =	vst v63  }
0x3b: {  	s29 =	rddreg [dreg:$0x6]  }
0x3c: {  	[tilespmem:s13], [sflag:$0x1] =	stream.indirect.gather [hbm4b:s4+s12], $0x80, s29, s12, $0xb8;
	[tilespmem:$0x1E400] =	vst v63  }
0x3d: {  	s26 =	rddreg [dreg:$0x7]  }
0x3e: {  	[tilespmem:s14], [sflag:$0x1] =	stream.indirect.gather [hbm4b:s4+s12], $0x80, s26, s12, $0xb8;
	[tilespmem:$0x1E400] =	vst v63  }
0x3f: {  	_ =	swait.ge [sflag:s15], $0x2800  }
0x40: {  	[sflag:s15] =	ssyncset.done $0x0  }
0x41: {  	[sflag:s15] =	ssyncadd.s32 $0xFFFFD800  }
0x42: {  	[spmem:s1] =	stream.indirect.scatter.add.f32 [tilespmem:s16], [sflag:$0x2], $0x80, s11, s12, $0xb8;
	[tilespmem:$0x1E400] =	vst v63  }
0x43: {  	_ =	swait.ge [sflag:s15], $0x2800  }
0x44: {  	[sflag:s15] =	ssyncset.done $0x0  }
0x45: {  	s30 =	rddreg [dreg:$0x8];
	[sflag:s15] =	ssyncadd.s32 $0xFFFFD800  }
0x46: {  	[spmem:s1] =	stream.indirect.scatter.add.f32 [tilespmem:s17], [sflag:$0x2], $0x80, s30, s12, $0xb8;
	[tilespmem:$0x1E400] =	vst v63  }
0x47: {  	_ =	swait.ge [sflag:s15], $0x2800  }
0x48: {  	[sflag:s15] =	ssyncset.done $0x0  }
0x49: {  	s31 =	rddreg [dreg:$0x9];
	[sflag:s15] =	ssyncadd.s32 $0xFFFFD800  }
0x4a: {  	[spmem:s1] =	stream.indirect.scatter.add.f32 [tilespmem:s13], [sflag:$0x3], $0x80, s31, s12, $0xb8;
	[tilespmem:$0x1E400] =	vst v63  }
0x4b: {  	_ =	swait.ge [sflag:s15], $0x2800  }
0x4c: {  	[sflag:s15] =	ssyncset.done $0x0  }
0x4d: {  	s26 =	rddreg [dreg:$0xa];
	[sflag:s15] =	ssyncadd.s32 $0xFFFFD800  }
0x4e: {  	[spmem:s1] =	stream.indirect.scatter.add.f32 [tilespmem:s14], [sflag:$0x3], $0x80, s26, s12, $0xb8;
	[tilespmem:$0x1E400] =	vst v63  }
0x4f: {  	_ =	swait.ge [sflag:s18], $0x2800  }
0x50: {  	[sflag:s18] =	ssyncset.done $0x0  }
0x51: {  	[sflag:s18] =	ssyncadd.s32 $0xFFFFD800  }
0x52: {  	_ =	swait.ge [sflag:s18], $0x2800  }
0x53: {  	[sflag:s18] =	ssyncset.done $0x0  }
0x54: {  	s30 =	rddreg [dreg:$0xb];
	[sflag:s18] =	ssyncadd.s32 $0xFFFFD800  }
0x55: {  	[tilespmem:s16], [sflag:$0x1] =	stream.indirect.gather [hbm4b:s4+s12], $0x80, s30, s12, $0xb8;
	[tilespmem:$0x1E400] =	vst v63  }
0x56: {  	s31 =	rddreg [dreg:$0xc]  }
0x57: {  	[tilespmem:s17], [sflag:$0x1] =	stream.indirect.gather [hbm4b:s4+s12], $0x80, s31, s12, $0xb8;
	[tilespmem:$0x1E400] =	vst v63  }
0x58: {  	_ =	swait.ge [sflag:s19], $0x2800  }
0x59: {  	[sflag:s19] =	ssyncset.done $0x0  }
0x5a: {  	[sflag:s19] =	ssyncadd.s32 $0xFFFFD800  }
0x5b: {  	_ =	swait.ge [sflag:s19], $0x2800  }
0x5c: {  	[sflag:s19] =	ssyncset.done $0x0  }
0x5d: {  	s30 =	rddreg [dreg:$0xd];
	[sflag:s19] =	ssyncadd.s32 $0xFFFFD800  }
0x5e: {  	[tilespmem:s13], [sflag:$0x1] =	stream.indirect.gather [hbm4b:s4+s12], $0x80, s30, s12, $0xb8;
	[tilespmem:$0x1E400] =	vst v63  }
0x5f: {  	s31 =	rddreg [dreg:$0xe]  }
0x60: {  	[tilespmem:s14], [sflag:$0x1] =	stream.indirect.gather [hbm4b:s4+s12], $0x80, s31, s12, $0xb8;
	[tilespmem:$0x1E400] =	vst v63  }
0x61: {  	_ =	swait.ge [sflag:s15], $0x2800  }
0x62: {  	[sflag:s15] =	ssyncset.done $0x0  }
0x63: {  	[sflag:s15] =	ssyncadd.s32 $0xFFFFD800  }
0x64: {  	[spmem:s1] =	stream.indirect.scatter.add.f32 [tilespmem:s16], [sflag:$0x2], $0x80, s20, s12, $0xb8;
	[tilespmem:$0x1E400] =	vst v63  }
0x65: {  	_ =	swait.ge [sflag:s15], $0x2800  }
0x66: {  	[sflag:s15] =	ssyncset.done $0x0  }
0x67: {  	[sflag:s15] =	ssyncadd.s32 $0xFFFFD800  }
0x68: {  	[spmem:s1] =	stream.indirect.scatter.add.f32 [tilespmem:s17], [sflag:$0x2], $0x80, s21, s12, $0xb8;
	[tilespmem:$0x1E400] =	vst v63  }
0x69: {  	_ =	swait.ge [sflag:s15], $0x2800  }
0x6a: {  	[sflag:s15] =	ssyncset.done $0x0  }
0x6b: {  	[sflag:s15] =	ssyncadd.s32 $0xFFFFD800  }
0x6c: {  	[spmem:s1] =	stream.indirect.scatter.add.f32 [tilespmem:s13], [sflag:$0x3], $0x80, s22, s12, $0xb8;
	[tilespmem:$0x1E400] =	vst v63  }
0x6d: {  	_ =	swait.ge [sflag:s15], $0x2800  }
0x6e: {  	s25 =	simm.s32 $0x80;
	s28 =	rddreg [dreg:$0x4];
	[sflag:s15] =	ssyncset.done $0x0  }
0x6f: {  	s26 =	simm.s32 $0x100;
	s29 =	rddreg [dreg:$0x5];
	[sflag:s15] =	ssyncadd.s32 $0xFFFFD800  }
.LBB2_2:
0x70: {  	[spmem:s1] =	stream.indirect.scatter.add.f32 [tilespmem:s14], [sflag:$0x3], $0x80, s23, s12, $0xb8;
	[tilespmem:$0x1E400] =	vst v63  }
0x71: {  	s28 =	sadd.s32 s25, s28  }
0x72: {  	[tilespmem:s29], [sflag:$0x4] =	stream.linear.gather [hbm4b:s28+s3], $0x400, $0x38;
	[tilespmem:$0x1E400] =	vst v63  }
0x73: {  	_ =	swait.ge [sflag:s10], $0x400  }
0x74: {  	s28 =	rddreg [dreg:$0x3];
	[sflag:s10] =	ssyncset.done $0x0  }
0x75: {  	[sflag:s10] =	ssyncadd.s32 $0xFFFFFC00;
	s28 =	sadd.s32 s25, s28  }
0x76: {  	[tilespmem:s11], [sflag:$0x4] =	stream.linear.gather [hbm4b:s28+s3], $0x400, $0x38;
	[tilespmem:$0x1E400] =	vst v63  }
0x77: {  	_ =	swait.ge [sflag:s10], $0x400  }
0x78: {  	p1 =	sne.s32 s25, $0x0;
	[sflag:s10] =	ssyncset.done $0x0  }
0x79: {  	s28 =	simm.s32 @p1 $0x2;
	[sflag:s10] =	ssyncadd.s32 $0xFFFFFC00  }
0x7a: {  	_ =	swait.ge @p1 [sflag:s28], $0x2800  }
0x7b: {  	[sflag:s28] =	ssyncset.done @p1 $0x0  }
0x7c: {  	[sflag:s28] =	ssyncadd.s32 @p1 $0xFFFFD800  }
0x7d: {  	s30 =	smov.u32 s26;
	_ =	swait.ge @p1 [sflag:s28], $0x2800  }
0x7e: {  	s29 =	simm.s32 @p1 $0x14400;
	s25 =	smov.u32 s30;
	[sflag:s28] =	ssyncset.done @p1 $0x0  }
0x7f: {  	s30 =	simm.s32 @p1 $0x13C00;
	[sflag:s28] =	ssyncadd.s32 @p1 $0xFFFFD800;
	s28 =	simm.s32 @p1 $0x50  }
0x80: {  	[tilespmem:s29], [sflag:$0x1] =	stream.indirect.gather @p1 [hbm4b:s4+s28], $0x80, s30, s28, $0xb8;
	[tilespmem:$0x1E400] =	vst v63  }
0x81: {  	s31 =	simm.s32 @p1 $0x3;
	s29 =	simm.s32 @p1 $0x13C80;
	s30 =	simm.s32 @p1 $0x16C00  }
0x82: {  	[tilespmem:s30], [sflag:$0x1] =	stream.indirect.gather @p1 [hbm4b:s4+s28], $0x80, s29, s28, $0xb8;
	[tilespmem:$0x1E400] =	vst v63  }
0x83: {  	_ =	swait.ge @p1 [sflag:s31], $0x2800  }
0x84: {  	[sflag:s31] =	ssyncset.done @p1 $0x0  }
0x85: {  	[sflag:s31] =	ssyncadd.s32 @p1 $0xFFFFD800  }
0x86: {  	_ =	swait.ge @p1 [sflag:s31], $0x2800  }
0x87: {  	s28 =	simm.s32 @!p1 $0x14400;
	[sflag:s31] =	ssyncset.done @p1 $0x0  }
0x88: {  	s29 =	simm.s32 @!p1 $0x50;
	s30 =	simm.s32 @!p1 $0x13C00;
	[sflag:s31] =	ssyncadd.s32 @p1 $0xFFFFD800  }
0x89: {  	[tilespmem:s28], [sflag:$0x1] =	stream.indirect.gather @!p1 [hbm4b:s4+s29], $0x80, s30, s29, $0xb8;
	[tilespmem:$0x1E400] =	vst v63  }
0x8a: {  	s28 =	simm.s32 @!p1 $0x13C80;
	s30 =	simm.s32 @!p1 $0x16C00  }
0x8b: {  	[tilespmem:s30], [sflag:$0x1] =	stream.indirect.gather @!p1 [hbm4b:s4+s29], $0x80, s28, s29, $0xb8;
	[tilespmem:$0x1E400] =	vst v63  }
0x8c: {  	s31 =	rddreg [dreg:$0x6]  }
0x8d: {  	[tilespmem:s13], [sflag:$0x1] =	stream.indirect.gather [hbm4b:s4+s12], $0x80, s31, s12, $0xb8;
	[tilespmem:$0x1E400] =	vst v63  }
0x8e: {  	s28 =	rddreg [dreg:$0x7]  }
0x8f: {  	[tilespmem:s14], [sflag:$0x1] =	stream.indirect.gather [hbm4b:s4+s12], $0x80, s28, s12, $0xb8;
	[tilespmem:$0x1E400] =	vst v63  }
0x90: {  	_ =	swait.ge [sflag:s15], $0x2800  }
0x91: {  	[sflag:s15] =	ssyncset.done $0x0  }
0x92: {  	[sflag:s15] =	ssyncadd.s32 $0xFFFFD800  }
0x93: {  	[spmem:s1] =	stream.indirect.scatter.add.f32 [tilespmem:s16], [sflag:$0x2], $0x80, s11, s12, $0xb8;
	[tilespmem:$0x1E400] =	vst v63  }
0x94: {  	_ =	swait.ge [sflag:s15], $0x2800  }
0x95: {  	[sflag:s15] =	ssyncset.done $0x0  }
0x96: {  	s28 =	rddreg [dreg:$0x8];
	[sflag:s15] =	ssyncadd.s32 $0xFFFFD800  }
0x97: {  	[spmem:s1] =	stream.indirect.scatter.add.f32 [tilespmem:s17], [sflag:$0x2], $0x80, s28, s12, $0xb8;
	[tilespmem:$0x1E400] =	vst v63  }
0x98: {  	_ =	swait.ge [sflag:s15], $0x2800  }
0x99: {  	[sflag:s15] =	ssyncset.done $0x0  }
0x9a: {  	s28 =	rddreg [dreg:$0x9];
	[sflag:s15] =	ssyncadd.s32 $0xFFFFD800  }
0x9b: {  	[spmem:s1] =	stream.indirect.scatter.add.f32 [tilespmem:s13], [sflag:$0x3], $0x80, s28, s12, $0xb8;
	[tilespmem:$0x1E400] =	vst v63  }
0x9c: {  	_ =	swait.ge [sflag:s15], $0x2800  }
0x9d: {  	[sflag:s15] =	ssyncset.done $0x0  }
0x9e: {  	s28 =	rddreg [dreg:$0xa];
	[sflag:s15] =	ssyncadd.s32 $0xFFFFD800  }
0x9f: {  	[spmem:s1] =	stream.indirect.scatter.add.f32 [tilespmem:s14], [sflag:$0x3], $0x80, s28, s12, $0xb8;
	[tilespmem:$0x1E400] =	vst v63  }
0xa0: {  	_ =	swait.ge [sflag:s18], $0x2800  }
0xa1: {  	[sflag:s18] =	ssyncset.done $0x0  }
0xa2: {  	[sflag:s18] =	ssyncadd.s32 $0xFFFFD800  }
0xa3: {  	_ =	swait.ge [sflag:s18], $0x2800  }
0xa4: {  	[sflag:s18] =	ssyncset.done $0x0  }
0xa5: {  	s28 =	rddreg [dreg:$0xb];
	[sflag:s18] =	ssyncadd.s32 $0xFFFFD800  }
0xa6: {  	[tilespmem:s16], [sflag:$0x1] =	stream.indirect.gather [hbm4b:s4+s12], $0x80, s28, s12, $0xb8;
	[tilespmem:$0x1E400] =	vst v63  }
0xa7: {  	s29 =	rddreg [dreg:$0xc]  }
0xa8: {  	[tilespmem:s17], [sflag:$0x1] =	stream.indirect.gather [hbm4b:s4+s12], $0x80, s29, s12, $0xb8;
	[tilespmem:$0x1E400] =	vst v63  }
0xa9: {  	_ =	swait.ge [sflag:s19], $0x2800  }
0xaa: {  	[sflag:s19] =	ssyncset.done $0x0  }
0xab: {  	[sflag:s19] =	ssyncadd.s32 $0xFFFFD800  }
0xac: {  	_ =	swait.ge [sflag:s19], $0x2800  }
0xad: {  	[sflag:s19] =	ssyncset.done $0x0  }
0xae: {  	s28 =	rddreg [dreg:$0xd];
	[sflag:s19] =	ssyncadd.s32 $0xFFFFD800  }
0xaf: {  	[tilespmem:s13], [sflag:$0x1] =	stream.indirect.gather [hbm4b:s4+s12], $0x80, s28, s12, $0xb8;
	[tilespmem:$0x1E400] =	vst v63  }
0xb0: {  	s29 =	rddreg [dreg:$0xe]  }
0xb1: {  	[tilespmem:s14], [sflag:$0x1] =	stream.indirect.gather [hbm4b:s4+s12], $0x80, s29, s12, $0xb8;
	[tilespmem:$0x1E400] =	vst v63  }
0xb2: {  	_ =	swait.ge [sflag:s15], $0x2800  }
0xb3: {  	[sflag:s15] =	ssyncset.done $0x0  }
0xb4: {  	[sflag:s15] =	ssyncadd.s32 $0xFFFFD800  }
0xb5: {  	[spmem:s1] =	stream.indirect.scatter.add.f32 [tilespmem:s16], [sflag:$0x2], $0x80, s20, s12, $0xb8;
	[tilespmem:$0x1E400] =	vst v63  }
0xb6: {  	_ =	swait.ge [sflag:s15], $0x2800  }
0xb7: {  	[sflag:s15] =	ssyncset.done $0x0  }
0xb8: {  	[sflag:s15] =	ssyncadd.s32 $0xFFFFD800  }
0xb9: {  	[spmem:s1] =	stream.indirect.scatter.add.f32 [tilespmem:s17], [sflag:$0x2], $0x80, s21, s12, $0xb8;
	[tilespmem:$0x1E400] =	vst v63  }
0xba: {  	s26 =	sadd.s32 $0x80, s26;
	_ =	swait.ge [sflag:s15], $0x2800  }
0xbb: {  	p0 =	sne.s32 s26, $0x800;
	[sflag:s15] =	ssyncset.done $0x0  }
.Ltmp0:
0xbc: {  	[sflag:s15] =	ssyncadd.s32 $0xFFFFD800;
	(pc) =	sbr.rel @p0 .LBB2_2-.Ltmp0, $4  }
0xbd: {  	[spmem:s1] =	stream.indirect.scatter.add.f32 [tilespmem:s13], [sflag:$0x3], $0x80, s22, s12, $0xb8;
	[tilespmem:$0x1E400] =	vst v63  }
0xbe: {  	_ =	swait.ge [sflag:s15], $0x2800  }
0xbf: {  	s28 =	rddreg [dreg:$0x4];
	[sflag:s15] =	ssyncset.done $0x0  }
0xc0: {  	s29 =	rddreg [dreg:$0x5];
	[sflag:s15] =	ssyncadd.s32 $0xFFFFD800  }
0xc1: {  	[spmem:s1] =	stream.indirect.scatter.add.f32 [tilespmem:s14], [sflag:$0x3], $0x80, s23, s12, $0xb8;
	[tilespmem:$0x1E400] =	vst v63  }
0xc2: {  	s26 =	sadd.s32 s25, s28  }
0xc3: {  	[tilespmem:s29], [sflag:$0x4] =	stream.linear.gather [hbm4b:s26+s3], $0x400, $0x38;
	[tilespmem:$0x1E400] =	vst v63  }
0xc4: {  	_ =	swait.ge [sflag:s10], $0x400  }
0xc5: {  	s30 =	rddreg [dreg:$0x3];
	[sflag:s10] =	ssyncset.done $0x0  }
0xc6: {  	[sflag:s10] =	ssyncadd.s32 $0xFFFFFC00;
	s26 =	sadd.s32 s25, s30  }
0xc7: {  	[tilespmem:s11], [sflag:$0x4] =	stream.linear.gather [hbm4b:s26+s3], $0x400, $0x38;
	[tilespmem:$0x1E400] =	vst v63  }
0xc8: {  	_ =	swait.ge [sflag:s10], $0x400  }
0xc9: {  	p0 =	sne.s32 s25, $0x0;
	[sflag:s10] =	ssyncset.done $0x0  }
0xca: {  	s25 =	simm.s32 @p0 $0x2;
	[sflag:s10] =	ssyncadd.s32 $0xFFFFFC00  }
0xcb: {  	_ =	swait.ge @p0 [sflag:s25], $0x2800  }
0xcc: {  	[sflag:s25] =	ssyncset.done @p0 $0x0  }
0xcd: {  	[sflag:s25] =	ssyncadd.s32 @p0 $0xFFFFD800  }
0xce: {  	_ =	swait.ge @p0 [sflag:s25], $0x2800  }
0xcf: {  	s28 =	simm.s32 @p0 $0x13C00;
	[sflag:s25] =	ssyncset.done @p0 $0x0  }
0xd0: {  	s26 =	simm.s32 @p0 $0x14400;
	[sflag:s25] =	ssyncadd.s32 @p0 $0xFFFFD800;
	s25 =	simm.s32 @p0 $0x50  }
0xd1: {  	[tilespmem:s26], [sflag:$0x1] =	stream.indirect.gather @p0 [hbm4b:s4+s25], $0x80, s28, s25, $0xb8;
	[tilespmem:$0x1E400] =	vst v63  }
0xd2: {  	s29 =	simm.s32 @p0 $0x3;
	s26 =	simm.s32 @p0 $0x13C80;
	s28 =	simm.s32 @p0 $0x16C00  }
0xd3: {  	[tilespmem:s28], [sflag:$0x1] =	stream.indirect.gather @p0 [hbm4b:s4+s25], $0x80, s26, s25, $0xb8;
	[tilespmem:$0x1E400] =	vst v63  }
0xd4: {  	_ =	swait.ge @p0 [sflag:s29], $0x2800  }
0xd5: {  	[sflag:s29] =	ssyncset.done @p0 $0x0  }
0xd6: {  	[sflag:s29] =	ssyncadd.s32 @p0 $0xFFFFD800  }
0xd7: {  	_ =	swait.ge @p0 [sflag:s29], $0x2800  }
0xd8: {  	s25 =	simm.s32 @!p0 $0x14400;
	[sflag:s29] =	ssyncset.done @p0 $0x0  }
0xd9: {  	s26 =	simm.s32 @!p0 $0x50;
	s28 =	simm.s32 @!p0 $0x13C00;
	[sflag:s29] =	ssyncadd.s32 @p0 $0xFFFFD800  }
0xda: {  	[tilespmem:s25], [sflag:$0x1] =	stream.indirect.gather @!p0 [hbm4b:s4+s26], $0x80, s28, s26, $0xb8;
	[tilespmem:$0x1E400] =	vst v63  }
0xdb: {  	s25 =	simm.s32 @!p0 $0x13C80;
	s28 =	simm.s32 @!p0 $0x16C00  }
0xdc: {  	[tilespmem:s28], [sflag:$0x1] =	stream.indirect.gather @!p0 [hbm4b:s4+s26], $0x80, s25, s26, $0xb8;
	[tilespmem:$0x1E400] =	vst v63  }
0xdd: {  	s31 =	rddreg [dreg:$0x6]  }
0xde: {  	[tilespmem:s13], [sflag:$0x1] =	stream.indirect.gather [hbm4b:s4+s12], $0x80, s31, s12, $0xb8;
	[tilespmem:$0x1E400] =	vst v63  }
0xdf: {  	s28 =	rddreg [dreg:$0x7]  }
0xe0: {  	[tilespmem:s14], [sflag:$0x1] =	stream.indirect.gather [hbm4b:s4+s12], $0x80, s28, s12, $0xb8;
	[tilespmem:$0x1E400] =	vst v63  }
0xe1: {  	_ =	swait.ge [sflag:s15], $0x2800  }
0xe2: {  	[sflag:s15] =	ssyncset.done $0x0  }
0xe3: {  	[sflag:s15] =	ssyncadd.s32 $0xFFFFD800  }
0xe4: {  	[spmem:s1] =	stream.indirect.scatter.add.f32 [tilespmem:s16], [sflag:$0x2], $0x80, s11, s12, $0xb8;
	[tilespmem:$0x1E400] =	vst v63  }
0xe5: {  	_ =	swait.ge [sflag:s15], $0x2800  }
0xe6: {  	[sflag:s15] =	ssyncset.done $0x0  }
0xe7: {  	s30 =	rddreg [dreg:$0x8];
	[sflag:s15] =	ssyncadd.s32 $0xFFFFD800  }
0xe8: {  	[spmem:s1] =	stream.indirect.scatter.add.f32 [tilespmem:s17], [sflag:$0x2], $0x80, s30, s12, $0xb8;
	[tilespmem:$0x1E400] =	vst v63  }
0xe9: {  	_ =	swait.ge [sflag:s15], $0x2800  }
0xea: {  	[sflag:s15] =	ssyncset.done $0x0  }
0xeb: {  	s31 =	rddreg [dreg:$0x9];
	[sflag:s15] =	ssyncadd.s32 $0xFFFFD800  }
0xec: {  	[spmem:s1] =	stream.indirect.scatter.add.f32 [tilespmem:s13], [sflag:$0x3], $0x80, s31, s12, $0xb8;
	[tilespmem:$0x1E400] =	vst v63  }
0xed: {  	_ =	swait.ge [sflag:s15], $0x2800  }
0xee: {  	[sflag:s15] =	ssyncset.done $0x0  }
0xef: {  	s26 =	rddreg [dreg:$0xa];
	[sflag:s15] =	ssyncadd.s32 $0xFFFFD800  }
0xf0: {  	[spmem:s1] =	stream.indirect.scatter.add.f32 [tilespmem:s14], [sflag:$0x3], $0x80, s26, s12, $0xb8;
	[tilespmem:$0x1E400] =	vst v63  }
0xf1: {  	_ =	swait.ge [sflag:s18], $0x2800  }
0xf2: {  	[sflag:s18] =	ssyncset.done $0x0  }
0xf3: {  	[sflag:s18] =	ssyncadd.s32 $0xFFFFD800  }
0xf4: {  	_ =	swait.ge [sflag:s18], $0x2800  }
0xf5: {  	[sflag:s18] =	ssyncset.done $0x0  }
0xf6: {  	s28 =	rddreg [dreg:$0xb];
	[sflag:s18] =	ssyncadd.s32 $0xFFFFD800  }
0xf7: {  	[tilespmem:s16], [sflag:$0x1] =	stream.indirect.gather [hbm4b:s4+s12], $0x80, s28, s12, $0xb8;
	[tilespmem:$0x1E400] =	vst v63  }
0xf8: {  	s29 =	rddreg [dreg:$0xc]  }
0xf9: {  	[tilespmem:s17], [sflag:$0x1] =	stream.indirect.gather [hbm4b:s4+s12], $0x80, s29, s12, $0xb8;
	[tilespmem:$0x1E400] =	vst v63  }
0xfa: {  	_ =	swait.ge [sflag:s19], $0x2800  }
0xfb: {  	[sflag:s19] =	ssyncset.done $0x0  }
0xfc: {  	[sflag:s19] =	ssyncadd.s32 $0xFFFFD800  }
0xfd: {  	_ =	swait.ge [sflag:s19], $0x2800  }
0xfe: {  	[sflag:s19] =	ssyncset.done $0x0  }
0xff: {  	s30 =	rddreg [dreg:$0xd];
	[sflag:s19] =	ssyncadd.s32 $0xFFFFD800  }
0x100: {  	[tilespmem:s13], [sflag:$0x1] =	stream.indirect.gather [hbm4b:s4+s12], $0x80, s30, s12, $0xb8;
	[tilespmem:$0x1E400] =	vst v63  }
0x101: {  	s31 =	rddreg [dreg:$0xe]  }
0x102: {  	[tilespmem:s14], [sflag:$0x1] =	stream.indirect.gather [hbm4b:s4+s12], $0x80, s31, s12, $0xb8;
	[tilespmem:$0x1E400] =	vst v63  }
0x103: {  	_ =	swait.ge [sflag:s15], $0x2800  }
0x104: {  	[sflag:s15] =	ssyncset.done $0x0  }
0x105: {  	[sflag:s15] =	ssyncadd.s32 $0xFFFFD800  }
0x106: {  	[spmem:s1] =	stream.indirect.scatter.add.f32 [tilespmem:s16], [sflag:$0x2], $0x80, s20, s12, $0xb8;
	[tilespmem:$0x1E400] =	vst v63  }
0x107: {  	_ =	swait.ge [sflag:s15], $0x2800  }
0x108: {  	[sflag:s15] =	ssyncset.done $0x0  }
0x109: {  	[sflag:s15] =	ssyncadd.s32 $0xFFFFD800  }
0x10a: {  	[spmem:s1] =	stream.indirect.scatter.add.f32 [tilespmem:s17], [sflag:$0x2], $0x80, s21, s12, $0xb8;
	[tilespmem:$0x1E400] =	vst v63  }
0x10b: {  	_ =	swait.ge [sflag:s15], $0x2800  }
0x10c: {  	[sflag:s15] =	ssyncset.done $0x0  }
0x10d: {  	[sflag:s15] =	ssyncadd.s32 $0xFFFFD800  }
0x10e: {  	[spmem:s1] =	stream.indirect.scatter.add.f32 [tilespmem:s13], [sflag:$0x3], $0x80, s22, s12, $0xb8;
	[tilespmem:$0x1E400] =	vst v63  }
0x10f: {  	_ =	swait.ge [sflag:s15], $0x2800  }
0x110: {  	[sflag:s15] =	ssyncset.done $0x0  }
0x111: {  	[sflag:s15] =	ssyncadd.s32 $0xFFFFD800  }
0x112: {  	[spmem:s1] =	stream.indirect.scatter.add.f32 [tilespmem:s14], [sflag:$0x3], $0x80, s23, s12, $0xb8;
	[tilespmem:$0x1E400] =	vst v63  }
0x113: {  	_ =	swait.ge [sflag:s18], $0x2800  }
0x114: {  	[sflag:s18] =	ssyncset.done $0x0  }
0x115: {  	[sflag:s18] =	ssyncadd.s32 $0xFFFFD800  }
0x116: {  	_ =	swait.ge [sflag:s18], $0x2800  }
0x117: {  	[sflag:s18] =	ssyncset.done $0x0  }
0x118: {  	[sflag:s18] =	ssyncadd.s32 $0xFFFFD800  }
0x119: {  	_ =	swait.ge [sflag:s19], $0x2800  }
0x11a: {  	[sflag:s19] =	ssyncset.done $0x0  }
0x11b: {  	[sflag:s19] =	ssyncadd.s32 $0xFFFFD800  }
0x11c: {  	_ =	swait.ge [sflag:s19], $0x2800  }
0x11d: {  	s24 =	sadd.s32 $0x1, s24;
	[sflag:s19] =	ssyncset.done $0x0  }
0x11e: {  	p0 =	sne.s32 s24, s8;
	[sflag:s19] =	ssyncadd.s32 $0xFFFFD800  }
.Ltmp1:
0x11f: {  	[bflag:$0x0] =	sbarrier.arrive $0xFFFF;
	(pc) =	sbr.rel @p0 .LBB2_1-.Ltmp1, $4  }
0x120: {  	[hbm:s7], [sflag:s6] =	dma.local [spmem:s9], $0x2780  }
0x121: {  	_ =	swait.ge [sflag:s10], $0x2780  }
0x122: {  	[sflag:s10] =	ssyncset.done $0x0  }
0x123: {  	[sflag:s10] =	ssyncadd.s32 $0xFFFFD880  }
0x124: {  	_ =	sfence.sel $0x180000  }
0x125: {  	[bflag:$0x0] =	sbarrier.arrive $0xFFFF  }
0x126: {  	p0 =	sne.s32 s2, $0x0;
	_ =	strace $0x90000050  }
0x127: {  	s0 =	sadd.s32 @!p0 $0x100000, s0;
	[bflag:$0x2] =	sbarrier.arrive $0xFFFF  }
0x128: {  	[sflag:s0] =	ssyncadd.tile.s32 @!p0 $0x1;
	_ =	shalt  }
.Lfunc_end2:
_tile_overlayer_lowered:
.L_overlay_start_2:
0x129: {  	(tag) =	ssettag $0x2  }
0x12a: {  	s0 =	rddreg [dreg:$0x0];
	s2 =	stileid.u32  }
0x12b: {  	s1 =	rddreg [dreg:$0x1];
	p0 =	sne.s32 s2, $0x0  }
0x12c: {  	s3 =	rddreg [dreg:$0x2];
	[bflag:$0x3] =	sbarrier.arrive $0xFFFF;
	s2 =	simm.s32 @!p0 $0x1C04  }
0x12d: {  	[timem:s3], [sflag:s2] =	dma.local @!p0 [hbm:s0], s1  }
0x12e: {  	s0 =	simm.s32 @!p0 $0x4  }
0x12f: {  	_ =	swait.ge @!p0 [sflag:s0], s1  }
0x130: {  	s1 =	ssub.s32 @!p0 $0x0, s1;
	[sflag:s0] =	ssyncset.done @!p0 $0x0  }
0x131: {  	[sflag:s0] =	ssyncadd.s32 @!p0 s1  }
0x132: {  	[bflag:$0x3] =	sbarrier.arrive $0xFFFF  }
0x133: {  	_ =	shalt  }

</sc_bundles>
